<compile_context>
chip_gen: v7x
topology: tpu7x:2x2x1
jax: 0.10.2.dev20260603
libtpu: 0.0.44.dev20260713+nightly
codegen_flags: <defaults>
</compile_context>

<pallas_src>
import functools

import jax
import jax.numpy as jnp
from jax import lax
from jax.experimental import pallas as pl
from jax.experimental.pallas import tpu as pltpu
from jax.experimental.pallas import tpu_sc as plsc

NW = 32
CHUNK = 128
K = 4
LN_EPS = 1e-12


def _make_sc_gather(n_tok, W):
    n_per_w = n_tok // NW
    n_chunks = n_per_w // CHUNK
    mesh = plsc.VectorSubcoreMesh(core_axis_name="c", subcore_axis_name="s")

    @functools.partial(
        pl.kernel,
        out_type=jax.ShapeDtypeStruct((n_tok, W), jnp.float32),
        mesh=mesh,
        scratch_types=[
            pltpu.VMEM((n_per_w,), jnp.int32),
            pltpu.VMEM((CHUNK, W), jnp.float32),
            pltpu.SemaphoreType.DMA,
        ],
    )
    def gather(ids_hbm, we_hbm, out_hbm, idx_v, rows_v, sem):
        wid = lax.axis_index("s") * 2 + lax.axis_index("c")
        tok0 = wid * n_per_w
        pltpu.sync_copy(ids_hbm.at[pl.ds(tok0, n_per_w)], idx_v)

        for i in range(n_chunks):
            pltpu.async_copy(
                we_hbm.at[idx_v.at[pl.ds(i * CHUNK, CHUNK)]],
                rows_v, sem).wait()
            pltpu.sync_copy(rows_v,
                            out_hbm.at[pl.ds(tok0 + i * CHUNK, CHUNK)])

    return gather


def _make_tc_addln(BS, S, H, seq0, n_seq, alias_in):
    T = S
    W = H // 2

    def body(out_alias_ref, tt_ref, rows_ref, pe_ref, te_ref, gb_ref,
             out_ref):
        del out_alias_ref
        ttf = tt_ref[...].astype(jnp.float32)[:, None]
        te0 = te_ref[0][None, :]
        dte = (te_ref[1] - te_ref[0])[None, :]
        u = jax.lax.bitcast_convert_type(rows_ref[...], jnp.uint32)
        lo = jax.lax.bitcast_convert_type(u << 16, jnp.float32)
        hi = jax.lax.bitcast_convert_type(u & jnp.uint32(0xFFFF0000),
                                          jnp.float32)
        we = jnp.concatenate([lo, hi], axis=1)
        emb = we + pe_ref[...] + te0 + ttf * dte
        mean = jnp.mean(emb, axis=-1, keepdims=True)
        cen = emb - mean
        var = jnp.mean(cen * cen, axis=-1, keepdims=True)
        out_ref[...] = (cen * jax.lax.rsqrt(var + LN_EPS) * gb_ref[0][None, :]
                        + gb_ref[1][None, :])

    return pl.pallas_call(
        body,
        grid=(n_seq,),
        in_specs=[
            pl.BlockSpec(memory_space=pl.ANY),
            pl.BlockSpec((T,), lambda b: (b,)),
            pl.BlockSpec((T, W), lambda b: (b, 0)),
            pl.BlockSpec((S, H), lambda b: (0, 0)),
            pl.BlockSpec((2, H), lambda b: (0, 0)),
            pl.BlockSpec((2, H), lambda b: (0, 0)),
        ],
        out_specs=pl.BlockSpec((T, H), lambda b: (seq0 + b, 0)),
        out_shape=jax.ShapeDtypeStruct((BS, H), jnp.float32),
        input_output_aliases={0: 0} if alias_in else {},
    )


def kernel(input_ids, token_type_ids, word_embeddings, position_embeddings,
           token_type_embeddings, ln_gamma, ln_beta):
    B, S = input_ids.shape
    H = word_embeddings.shape[1]
    BS = B * S
    ids = input_ids.reshape(-1).astype(jnp.int32)
    tts = token_type_ids.reshape(-1).astype(jnp.int32)
    gb = jnp.stack([ln_gamma, ln_beta])
    Hh = H // 2
    w16 = jax.lax.bitcast_convert_type(
        word_embeddings.astype(jnp.bfloat16), jnp.uint16).astype(jnp.uint32)
    we_packed = jax.lax.bitcast_convert_type(
        w16[:, :Hh] | (w16[:, Hh:] << 16), jnp.float32)

    n_tok = BS // K
    n_seq = B // K
    gather_pk = _make_sc_gather(n_tok, Hh)

    rows = [gather_pk(lax.dynamic_slice_in_dim(ids, k * n_tok, n_tok),
                      we_packed) for k in range(K)]

    out = jnp.zeros((0,))
    for k in range(K):
        tts_k = lax.dynamic_slice_in_dim(tts, k * n_tok, n_tok)
        tc = _make_tc_addln(BS, S, H, k * n_seq, n_seq, alias_in=(k > 0))
        if k == 0:
            dummy = jnp.zeros((8, 128), jnp.float32)
            out = tc(dummy, tts_k, rows[k], position_embeddings,
                     token_type_embeddings, gb)
        else:
            out = tc(out, tts_k, rows[k], position_embeddings,
                     token_type_embeddings, gb)
    return out.reshape(B, S, H)

# --- scband reference (transcript-rebuilt; emitter-appended) ---
"""Pipeline reference for scband-bert-embedding-6476810682545 (READ-ONLY COPY).

The authoritative reference and input builder live on the scoring server;
editing this copy changes nothing except your own understanding.
"""

import jax, jax.numpy as jnp
import numpy as np

VOCAB = 21128
HIDDEN = 768
MAX_POS = 512
TYPE_VOCAB = 2
B, S = 128, 512
LN_EPS = 1e-12

def setup_inputs(seed: int = 0) -> dict:
    key = jax.random.key(seed)
    k1, k2, k3, k4, k5, k6, k7 = jax.random.split(key, 7)
    input_ids = jax.random.randint(k1, (B, S), 0, VOCAB, dtype=jnp.int64 if jax.config.jax_enable_x64 else jnp.int32)
    token_type_ids = jax.random.randint(k2, (B, S), 0, TYPE_VOCAB, dtype=jnp.int64 if jax.config.jax_enable_x64 else jnp.int32)
    word_embeddings = jax.random.normal(k3, (VOCAB, HIDDEN), dtype=jnp.float32) * 0.02
    position_embeddings = jax.random.normal(k4, (MAX_POS, HIDDEN), dtype=jnp.float32) * 0.02
    token_type_embeddings = jax.random.normal(k5, (TYPE_VOCAB, HIDDEN), dtype=jnp.float32) * 0.02
    ln_gamma = jnp.ones((HIDDEN,), dtype=jnp.float32) + jax.random.normal(k6, (HIDDEN,), dtype=jnp.float32) * 0.01
    ln_beta = jax.random.normal(k7, (HIDDEN,), dtype=jnp.float32) * 0.01
    return {
        'input_ids': input_ids,
        'token_type_ids': token_type_ids,
        'word_embeddings': word_embeddings,
        'position_embeddings': position_embeddings,
        'token_type_embeddings': token_type_embeddings,
        'ln_gamma': ln_gamma,
        'ln_beta': ln_beta,
    }

def reference(input_ids, token_type_ids, word_embeddings, position_embeddings, token_type_embeddings, ln_gamma, ln_beta):
    # BERT embeddings: word + position + token_type, then LayerNorm (dropout is no-op in eval)
    seq_len = input_ids.shape[1]
    position_ids = jnp.arange(seq_len)[None, :]  # [1, S]
    we = jnp.take(word_embeddings, input_ids, axis=0)            # [B, S, H]
    pe = jnp.take(position_embeddings, position_ids, axis=0)     # [1, S, H]
    te = jnp.take(token_type_embeddings, token_type_ids, axis=0) # [B, S, H]
    emb = we + pe + te
    mean = jnp.mean(emb, axis=-1, keepdims=True)
    var = jnp.mean(jnp.square(emb - mean), axis=-1, keepdims=True)
    normed = (emb - mean) / jnp.sqrt(var + LN_EPS)
    out = normed * ln_gamma + ln_beta
    return out

if __name__ == "__main__":
    import jax
    _d = setup_inputs()
    print(jax.jit(kernel)(*tuple(_d.values())))

</pallas_src>

<mosaic_0001>
#map = affine_map<(d0, d1) -> (0)>
#map1 = affine_map<(d0, d1) -> (0, 0)>
module attributes {stable_mosaic.version = 14 : i64} {
  func.func @gather(%arg0: i32, %arg1: i32, %arg2: memref<16384xi32, #tpu.memory_space<hbm>>, %arg3: memref<21128x384xf32, #tpu.memory_space<hbm>>, %arg4: memref<16384x384xf32, #tpu.memory_space<hbm>>, %arg5: memref<512xi32, #tpu.memory_space<vmem>>, %arg6: memref<128x384xf32, #tpu.memory_space<vmem>>, %arg7: memref<!tpu.dma_semaphore, #tpu.memory_space<semaphore_mem>>) attributes {dimension_semantics = [#tpu.dimension_semantics<core_parallel>, #tpu.dimension_semantics<subcore_parallel>], iteration_bounds = array<i64: 2, 16>, scalar_prefetch = 0 : i64, scratch_operands = 3 : i64, tpu.core_type = #tpu.core_type<sc_vector_subcore>, window_params = [{transform_indices = #map}, {transform_indices = #map1}, {transform_indices = #map1}]} {
    %mul3A = arith.constant 2 : i32
    %mul3A_0 = arith.muli %arg1, %mul3A : i32
    %add3A = arith.addi %mul3A_0, %arg0 : i32
    %mul3A_1 = arith.constant 512 : i32
    %mul3A_2 = arith.muli %add3A, %mul3A_1 : i32
    "tpu.region"() ({
      %run_scoped3A = tpu.sem_alloc : memref<!tpu.dma_semaphore, #tpu.memory_space<semaphore_mem>>
      %dma_start3A_49 = tpu.memref_slice %arg2[%mul3A_2] : memref<16384xi32, #tpu.memory_space<hbm>> -> memref<512xi32, #tpu.memory_space<hbm>>
      %dma_start3A_50 = tpu.memref_slice %arg2[%mul3A_2] : memref<16384xi32, #tpu.memory_space<hbm>> -> memref<512xi32, #tpu.memory_space<hbm>>
      tpu.enqueue_dma source(%dma_start3A_50 : memref<512xi32, #tpu.memory_space<hbm>>) target(%arg5 : memref<512xi32, #tpu.memory_space<vmem>>) target_semaphore(%run_scoped3A : memref<!tpu.dma_semaphore, #tpu.memory_space<semaphore_mem>>)
      %dma_wait3A_51 = tpu.memref_slice %arg2[%mul3A_2] : memref<16384xi32, #tpu.memory_space<hbm>> -> memref<512xi32, #tpu.memory_space<hbm>>
      %dma_wait3A_52 = tpu.memref_slice %arg2[%mul3A_2] : memref<16384xi32, #tpu.memory_space<hbm>> -> memref<512xi32, #tpu.memory_space<hbm>>
      tpu.wait_dma2 semaphore(%run_scoped3A : memref<!tpu.dma_semaphore, #tpu.memory_space<semaphore_mem>>) src(%dma_wait3A_52 : memref<512xi32, #tpu.memory_space<hbm>>) dst(%arg5 : memref<512xi32, #tpu.memory_space<vmem>>)
      tpu.yield
    }) : () -> ()
    %dma_start3A = arith.constant 0 : i32
    %dma_start3A_3 = tpu.memref_slice %arg5[%dma_start3A] : memref<512xi32, #tpu.memory_space<vmem>> -> memref<128xi32, #tpu.memory_space<vmem>>
    %dma_start3A_4 = arith.constant 0 : i32
    %dma_start3A_5 = arith.constant 0 : i32
    %dma_start3A_6 = tpu.memref_slice %arg3[%dma_start3A_4, %dma_start3A_5] : memref<21128x384xf32, #tpu.memory_space<hbm>> -> memref<21128x384xf32, #tpu.memory_space<hbm>>
    tpu.enqueue_indirect_dma source(%dma_start3A_6 : memref<21128x384xf32, #tpu.memory_space<hbm>>) target(%arg6 : memref<128x384xf32, #tpu.memory_space<vmem>>) offsets(%dma_start3A_3 : memref<128xi32, #tpu.memory_space<vmem>>) semaphore(%arg7 : memref<!tpu.dma_semaphore, #tpu.memory_space<semaphore_mem>>)
    %dma_wait3A = arith.constant 0 : i32
    %dma_wait3A_7 = tpu.memref_slice %arg5[%dma_wait3A] : memref<512xi32, #tpu.memory_space<vmem>> -> memref<128xi32, #tpu.memory_space<vmem>>
    %dma_wait3A_8 = arith.constant 0 : i32
    %dma_wait3A_9 = arith.constant 0 : i32
    %dma_wait3A_10 = tpu.memref_slice %arg3[%dma_wait3A_8, %dma_wait3A_9] : memref<21128x384xf32, #tpu.memory_space<hbm>> -> memref<21128x384xf32, #tpu.memory_space<hbm>>
    tpu.wait_indirect_dma semaphore(%arg7 : memref<!tpu.dma_semaphore, #tpu.memory_space<semaphore_mem>>) src(%dma_wait3A_10 : memref<21128x384xf32, #tpu.memory_space<hbm>>) dst(%arg6 : memref<128x384xf32, #tpu.memory_space<vmem>>)
    %add3A_11 = arith.constant 0 : i32
    %add3A_12 = arith.addi %mul3A_2, %add3A_11 : i32
    "tpu.region"() ({
      %run_scoped3A = tpu.sem_alloc : memref<!tpu.dma_semaphore, #tpu.memory_space<semaphore_mem>>
      %dma_start3A_49 = arith.constant 0 : i32
      %dma_start3A_50 = tpu.memref_slice %arg4[%add3A_12, %dma_start3A_49] : memref<16384x384xf32, #tpu.memory_space<hbm>> -> memref<128x384xf32, #tpu.memory_space<hbm>>
      %dma_start3A_51 = arith.constant 0 : i32
      %dma_start3A_52 = tpu.memref_slice %arg4[%add3A_12, %dma_start3A_51] : memref<16384x384xf32, #tpu.memory_space<hbm>> -> memref<128x384xf32, #tpu.memory_space<hbm>>
      tpu.enqueue_dma source(%arg6 : memref<128x384xf32, #tpu.memory_space<vmem>>) target(%dma_start3A_52 : memref<128x384xf32, #tpu.memory_space<hbm>>) target_semaphore(%run_scoped3A : memref<!tpu.dma_semaphore, #tpu.memory_space<semaphore_mem>>)
      %dma_wait3A_53 = arith.constant 0 : i32
      %dma_wait3A_54 = tpu.memref_slice %arg4[%add3A_12, %dma_wait3A_53] : memref<16384x384xf32, #tpu.memory_space<hbm>> -> memref<128x384xf32, #tpu.memory_space<hbm>>
      %dma_wait3A_55 = arith.constant 0 : i32
      %dma_wait3A_56 = tpu.memref_slice %arg4[%add3A_12, %dma_wait3A_55] : memref<16384x384xf32, #tpu.memory_space<hbm>> -> memref<128x384xf32, #tpu.memory_space<hbm>>
      tpu.wait_dma2 semaphore(%run_scoped3A : memref<!tpu.dma_semaphore, #tpu.memory_space<semaphore_mem>>) src(%arg6 : memref<128x384xf32, #tpu.memory_space<vmem>>) dst(%dma_wait3A_56 : memref<128x384xf32, #tpu.memory_space<hbm>>)
      tpu.yield
    }) : () -> ()
    %dma_start3A_13 = arith.constant 128 : i32
    %dma_start3A_14 = tpu.memref_slice %arg5[%dma_start3A_13] : memref<512xi32, #tpu.memory_space<vmem>> -> memref<128xi32, #tpu.memory_space<vmem>>
    %dma_start3A_15 = arith.constant 0 : i32
    %dma_start3A_16 = arith.constant 0 : i32
    %dma_start3A_17 = tpu.memref_slice %arg3[%dma_start3A_15, %dma_start3A_16] : memref<21128x384xf32, #tpu.memory_space<hbm>> -> memref<21128x384xf32, #tpu.memory_space<hbm>>
    tpu.enqueue_indirect_dma source(%dma_start3A_17 : memref<21128x384xf32, #tpu.memory_space<hbm>>) target(%arg6 : memref<128x384xf32, #tpu.memory_space<vmem>>) offsets(%dma_start3A_14 : memref<128xi32, #tpu.memory_space<vmem>>) semaphore(%arg7 : memref<!tpu.dma_semaphore, #tpu.memory_space<semaphore_mem>>)
    %dma_wait3A_18 = arith.constant 128 : i32
    %dma_wait3A_19 = tpu.memref_slice %arg5[%dma_wait3A_18] : memref<512xi32, #tpu.memory_space<vmem>> -> memref<128xi32, #tpu.memory_space<vmem>>
    %dma_wait3A_20 = arith.constant 0 : i32
    %dma_wait3A_21 = arith.constant 0 : i32
    %dma_wait3A_22 = tpu.memref_slice %arg3[%dma_wait3A_20, %dma_wait3A_21] : memref<21128x384xf32, #tpu.memory_space<hbm>> -> memref<21128x384xf32, #tpu.memory_space<hbm>>
    tpu.wait_indirect_dma semaphore(%arg7 : memref<!tpu.dma_semaphore, #tpu.memory_space<semaphore_mem>>) src(%dma_wait3A_22 : memref<21128x384xf32, #tpu.memory_space<hbm>>) dst(%arg6 : memref<128x384xf32, #tpu.memory_space<vmem>>)
    %add3A_23 = arith.constant 128 : i32
    %add3A_24 = arith.addi %mul3A_2, %add3A_23 : i32
    "tpu.region"() ({
      %run_scoped3A = tpu.sem_alloc : memref<!tpu.dma_semaphore, #tpu.memory_space<semaphore_mem>>
      %dma_start3A_49 = arith.constant 0 : i32
      %dma_start3A_50 = tpu.memref_slice %arg4[%add3A_24, %dma_start3A_49] : memref<16384x384xf32, #tpu.memory_space<hbm>> -> memref<128x384xf32, #tpu.memory_space<hbm>>
      %dma_start3A_51 = arith.constant 0 : i32
      %dma_start3A_52 = tpu.memref_slice %arg4[%add3A_24, %dma_start3A_51] : memref<16384x384xf32, #tpu.memory_space<hbm>> -> memref<128x384xf32, #tpu.memory_space<hbm>>
      tpu.enqueue_dma source(%arg6 : memref<128x384xf32, #tpu.memory_space<vmem>>) target(%dma_start3A_52 : memref<128x384xf32, #tpu.memory_space<hbm>>) target_semaphore(%run_scoped3A : memref<!tpu.dma_semaphore, #tpu.memory_space<semaphore_mem>>)
      %dma_wait3A_53 = arith.constant 0 : i32
      %dma_wait3A_54 = tpu.memref_slice %arg4[%add3A_24, %dma_wait3A_53] : memref<16384x384xf32, #tpu.memory_space<hbm>> -> memref<128x384xf32, #tpu.memory_space<hbm>>
      %dma_wait3A_55 = arith.constant 0 : i32
      %dma_wait3A_56 = tpu.memref_slice %arg4[%add3A_24, %dma_wait3A_55] : memref<16384x384xf32, #tpu.memory_space<hbm>> -> memref<128x384xf32, #tpu.memory_space<hbm>>
      tpu.wait_dma2 semaphore(%run_scoped3A : memref<!tpu.dma_semaphore, #tpu.memory_space<semaphore_mem>>) src(%arg6 : memref<128x384xf32, #tpu.memory_space<vmem>>) dst(%dma_wait3A_56 : memref<128x384xf32, #tpu.memory_space<hbm>>)
      tpu.yield
    }) : () -> ()
    %dma_start3A_25 = arith.constant 256 : i32
    %dma_start3A_26 = tpu.memref_slice %arg5[%dma_start3A_25] : memref<512xi32, #tpu.memory_space<vmem>> -> memref<128xi32, #tpu.memory_space<vmem>>
    %dma_start3A_27 = arith.constant 0 : i32
    %dma_start3A_28 = arith.constant 0 : i32
    %dma_start3A_29 = tpu.memref_slice %arg3[%dma_start3A_27, %dma_start3A_28] : memref<21128x384xf32, #tpu.memory_space<hbm>> -> memref<21128x384xf32, #tpu.memory_space<hbm>>
    tpu.enqueue_indirect_dma source(%dma_start3A_29 : memref<21128x384xf32, #tpu.memory_space<hbm>>) target(%arg6 : memref<128x384xf32, #tpu.memory_space<vmem>>) offsets(%dma_start3A_26 : memref<128xi32, #tpu.memory_space<vmem>>) semaphore(%arg7 : memref<!tpu.dma_semaphore, #tpu.memory_space<semaphore_mem>>)
    %dma_wait3A_30 = arith.constant 256 : i32
    %dma_wait3A_31 = tpu.memref_slice %arg5[%dma_wait3A_30] : memref<512xi32, #tpu.memory_space<vmem>> -> memref<128xi32, #tpu.memory_space<vmem>>
    %dma_wait3A_32 = arith.constant 0 : i32
    %dma_wait3A_33 = arith.constant 0 : i32
    %dma_wait3A_34 = tpu.memref_slice %arg3[%dma_wait3A_32, %dma_wait3A_33] : memref<21128x384xf32, #tpu.memory_space<hbm>> -> memref<21128x384xf32, #tpu.memory_space<hbm>>
    tpu.wait_indirect_dma semaphore(%arg7 : memref<!tpu.dma_semaphore, #tpu.memory_space<semaphore_mem>>) src(%dma_wait3A_34 : memref<21128x384xf32, #tpu.memory_space<hbm>>) dst(%arg6 : memref<128x384xf32, #tpu.memory_space<vmem>>)
    %add3A_35 = arith.constant 256 : i32
    %add3A_36 = arith.addi %mul3A_2, %add3A_35 : i32
    "tpu.region"() ({
      %run_scoped3A = tpu.sem_alloc : memref<!tpu.dma_semaphore, #tpu.memory_space<semaphore_mem>>
      %dma_start3A_49 = arith.constant 0 : i32
      %dma_start3A_50 = tpu.memref_slice %arg4[%add3A_36, %dma_start3A_49] : memref<16384x384xf32, #tpu.memory_space<hbm>> -> memref<128x384xf32, #tpu.memory_space<hbm>>
      %dma_start3A_51 = arith.constant 0 : i32
      %dma_start3A_52 = tpu.memref_slice %arg4[%add3A_36, %dma_start3A_51] : memref<16384x384xf32, #tpu.memory_space<hbm>> -> memref<128x384xf32, #tpu.memory_space<hbm>>
      tpu.enqueue_dma source(%arg6 : memref<128x384xf32, #tpu.memory_space<vmem>>) target(%dma_start3A_52 : memref<128x384xf32, #tpu.memory_space<hbm>>) target_semaphore(%run_scoped3A : memref<!tpu.dma_semaphore, #tpu.memory_space<semaphore_mem>>)
      %dma_wait3A_53 = arith.constant 0 : i32
      %dma_wait3A_54 = tpu.memref_slice %arg4[%add3A_36, %dma_wait3A_53] : memref<16384x384xf32, #tpu.memory_space<hbm>> -> memref<128x384xf32, #tpu.memory_space<hbm>>
      %dma_wait3A_55 = arith.constant 0 : i32
      %dma_wait3A_56 = tpu.memref_slice %arg4[%add3A_36, %dma_wait3A_55] : memref<16384x384xf32, #tpu.memory_space<hbm>> -> memref<128x384xf32, #tpu.memory_space<hbm>>
      tpu.wait_dma2 semaphore(%run_scoped3A : memref<!tpu.dma_semaphore, #tpu.memory_space<semaphore_mem>>) src(%arg6 : memref<128x384xf32, #tpu.memory_space<vmem>>) dst(%dma_wait3A_56 : memref<128x384xf32, #tpu.memory_space<hbm>>)
      tpu.yield
    }) : () -> ()
    %dma_start3A_37 = arith.constant 384 : i32
    %dma_start3A_38 = tpu.memref_slice %arg5[%dma_start3A_37] : memref<512xi32, #tpu.memory_space<vmem>> -> memref<128xi32, #tpu.memory_space<vmem>>
    %dma_start3A_39 = arith.constant 0 : i32
    %dma_start3A_40 = arith.constant 0 : i32
    %dma_start3A_41 = tpu.memref_slice %arg3[%dma_start3A_39, %dma_start3A_40] : memref<21128x384xf32, #tpu.memory_space<hbm>> -> memref<21128x384xf32, #tpu.memory_space<hbm>>
    tpu.enqueue_indirect_dma source(%dma_start3A_41 : memref<21128x384xf32, #tpu.memory_space<hbm>>) target(%arg6 : memref<128x384xf32, #tpu.memory_space<vmem>>) offsets(%dma_start3A_38 : memref<128xi32, #tpu.memory_space<vmem>>) semaphore(%arg7 : memref<!tpu.dma_semaphore, #tpu.memory_space<semaphore_mem>>)
    %dma_wait3A_42 = arith.constant 384 : i32
    %dma_wait3A_43 = tpu.memref_slice %arg5[%dma_wait3A_42] : memref<512xi32, #tpu.memory_space<vmem>> -> memref<128xi32, #tpu.memory_space<vmem>>
    %dma_wait3A_44 = arith.constant 0 : i32
    %dma_wait3A_45 = arith.constant 0 : i32
    %dma_wait3A_46 = tpu.memref_slice %arg3[%dma_wait3A_44, %dma_wait3A_45] : memref<21128x384xf32, #tpu.memory_space<hbm>> -> memref<21128x384xf32, #tpu.memory_space<hbm>>
    tpu.wait_indirect_dma semaphore(%arg7 : memref<!tpu.dma_semaphore, #tpu.memory_space<semaphore_mem>>) src(%dma_wait3A_46 : memref<21128x384xf32, #tpu.memory_space<hbm>>) dst(%arg6 : memref<128x384xf32, #tpu.memory_space<vmem>>)
    %add3A_47 = arith.constant 384 : i32
    %add3A_48 = arith.addi %mul3A_2, %add3A_47 : i32
    "tpu.region"() ({
      %run_scoped3A = tpu.sem_alloc : memref<!tpu.dma_semaphore, #tpu.memory_space<semaphore_mem>>
      %dma_start3A_49 = arith.constant 0 : i32
      %dma_start3A_50 = tpu.memref_slice %arg4[%add3A_48, %dma_start3A_49] : memref<16384x384xf32, #tpu.memory_space<hbm>> -> memref<128x384xf32, #tpu.memory_space<hbm>>
      %dma_start3A_51 = arith.constant 0 : i32
      %dma_start3A_52 = tpu.memref_slice %arg4[%add3A_48, %dma_start3A_51] : memref<16384x384xf32, #tpu.memory_space<hbm>> -> memref<128x384xf32, #tpu.memory_space<hbm>>
      tpu.enqueue_dma source(%arg6 : memref<128x384xf32, #tpu.memory_space<vmem>>) target(%dma_start3A_52 : memref<128x384xf32, #tpu.memory_space<hbm>>) target_semaphore(%run_scoped3A : memref<!tpu.dma_semaphore, #tpu.memory_space<semaphore_mem>>)
      %dma_wait3A_53 = arith.constant 0 : i32
      %dma_wait3A_54 = tpu.memref_slice %arg4[%add3A_48, %dma_wait3A_53] : memref<16384x384xf32, #tpu.memory_space<hbm>> -> memref<128x384xf32, #tpu.memory_space<hbm>>
      %dma_wait3A_55 = arith.constant 0 : i32
      %dma_wait3A_56 = tpu.memref_slice %arg4[%add3A_48, %dma_wait3A_55] : memref<16384x384xf32, #tpu.memory_space<hbm>> -> memref<128x384xf32, #tpu.memory_space<hbm>>
      tpu.wait_dma2 semaphore(%run_scoped3A : memref<!tpu.dma_semaphore, #tpu.memory_space<semaphore_mem>>) src(%arg6 : memref<128x384xf32, #tpu.memory_space<vmem>>) dst(%dma_wait3A_56 : memref<128x384xf32, #tpu.memory_space<hbm>>)
      tpu.yield
    }) : () -> ()
    return
  }
}

#map = affine_map<(d0, d1) -> (0)>
#map1 = affine_map<(d0, d1) -> (0, 0)>
module attributes {stable_mosaic.version = 14 : i64} {
  func.func @gather(%arg0: i32, %arg1: i32, %arg2: memref<16384xi32, #tpu.memory_space<hbm>>, %arg3: memref<21128x384xf32, #tpu.memory_space<hbm>>, %arg4: memref<16384x384xf32, #tpu.memory_space<hbm>>, %arg5: memref<512xi32, #tpu.memory_space<vmem>>, %arg6: memref<128x384xf32, #tpu.memory_space<vmem>>, %arg7: memref<!tpu.dma_semaphore, #tpu.memory_space<semaphore_mem>>) attributes {dimension_semantics = [#tpu.dimension_semantics<core_parallel>, #tpu.dimension_semantics<subcore_parallel>], iteration_bounds = array<i64: 2, 16>, scalar_prefetch = 0 : i64, scratch_operands = 3 : i64, tpu.core_type = #tpu.core_type<sc_vector_subcore>, window_params = [{transform_indices = #map}, {transform_indices = #map1}, {transform_indices = #map1}]} {
    %mul3A = arith.constant 2 : i32
    %mul3A_0 = arith.muli %arg1, %mul3A : i32
    %add3A = arith.addi %mul3A_0, %arg0 : i32
    %mul3A_1 = arith.constant 512 : i32
    %mul3A_2 = arith.muli %add3A, %mul3A_1 : i32
    "tpu.region"() ({
      %run_scoped3A = tpu.sem_alloc : memref<!tpu.dma_semaphore, #tpu.memory_space<semaphore_mem>>
      %dma_start3A_49 = tpu.memref_slice %arg2[%mul3A_2] : memref<16384xi32, #tpu.memory_space<hbm>> -> memref<512xi32, #tpu.memory_space<hbm>>
      %dma_start3A_50 = tpu.memref_slice %arg2[%mul3A_2] : memref<16384xi32, #tpu.memory_space<hbm>> -> memref<512xi32, #tpu.memory_space<hbm>>
      tpu.enqueue_dma source(%dma_start3A_50 : memref<512xi32, #tpu.memory_space<hbm>>) target(%arg5 : memref<512xi32, #tpu.memory_space<vmem>>) target_semaphore(%run_scoped3A : memref<!tpu.dma_semaphore, #tpu.memory_space<semaphore_mem>>)
      %dma_wait3A_51 = tpu.memref_slice %arg2[%mul3A_2] : memref<16384xi32, #tpu.memory_space<hbm>> -> memref<512xi32, #tpu.memory_space<hbm>>
      %dma_wait3A_52 = tpu.memref_slice %arg2[%mul3A_2] : memref<16384xi32, #tpu.memory_space<hbm>> -> memref<512xi32, #tpu.memory_space<hbm>>
      tpu.wait_dma2 semaphore(%run_scoped3A : memref<!tpu.dma_semaphore, #tpu.memory_space<semaphore_mem>>) src(%dma_wait3A_52 : memref<512xi32, #tpu.memory_space<hbm>>) dst(%arg5 : memref<512xi32, #tpu.memory_space<vmem>>)
      tpu.yield
    }) : () -> ()
    %dma_start3A = arith.constant 0 : i32
    %dma_start3A_3 = tpu.memref_slice %arg5[%dma_start3A] : memref<512xi32, #tpu.memory_space<vmem>> -> memref<128xi32, #tpu.memory_space<vmem>>
    %dma_start3A_4 = arith.constant 0 : i32
    %dma_start3A_5 = arith.constant 0 : i32
    %dma_start3A_6 = tpu.memref_slice %arg3[%dma_start3A_4, %dma_start3A_5] : memref<21128x384xf32, #tpu.memory_space<hbm>> -> memref<21128x384xf32, #tpu.memory_space<hbm>>
    tpu.enqueue_indirect_dma source(%dma_start3A_6 : memref<21128x384xf32, #tpu.memory_space<hbm>>) target(%arg6 : memref<128x384xf32, #tpu.memory_space<vmem>>) offsets(%dma_start3A_3 : memref<128xi32, #tpu.memory_space<vmem>>) semaphore(%arg7 : memref<!tpu.dma_semaphore, #tpu.memory_space<semaphore_mem>>)
    %dma_wait3A = arith.constant 0 : i32
    %dma_wait3A_7 = tpu.memref_slice %arg5[%dma_wait3A] : memref<512xi32, #tpu.memory_space<vmem>> -> memref<128xi32, #tpu.memory_space<vmem>>
    %dma_wait3A_8 = arith.constant 0 : i32
    %dma_wait3A_9 = arith.constant 0 : i32
    %dma_wait3A_10 = tpu.memref_slice %arg3[%dma_wait3A_8, %dma_wait3A_9] : memref<21128x384xf32, #tpu.memory_space<hbm>> -> memref<21128x384xf32, #tpu.memory_space<hbm>>
    tpu.wait_indirect_dma semaphore(%arg7 : memref<!tpu.dma_semaphore, #tpu.memory_space<semaphore_mem>>) src(%dma_wait3A_10 : memref<21128x384xf32, #tpu.memory_space<hbm>>) dst(%arg6 : memref<128x384xf32, #tpu.memory_space<vmem>>)
    %add3A_11 = arith.constant 0 : i32
    %add3A_12 = arith.addi %mul3A_2, %add3A_11 : i32
    "tpu.region"() ({
      %run_scoped3A = tpu.sem_alloc : memref<!tpu.dma_semaphore, #tpu.memory_space<semaphore_mem>>
      %dma_start3A_49 = arith.constant 0 : i32
      %dma_start3A_50 = tpu.memref_slice %arg4[%add3A_12, %dma_start3A_49] : memref<16384x384xf32, #tpu.memory_space<hbm>> -> memref<128x384xf32, #tpu.memory_space<hbm>>
      %dma_start3A_51 = arith.constant 0 : i32
      %dma_start3A_52 = tpu.memref_slice %arg4[%add3A_12, %dma_start3A_51] : memref<16384x384xf32, #tpu.memory_space<hbm>> -> memref<128x384xf32, #tpu.memory_space<hbm>>
      tpu.enqueue_dma source(%arg6 : memref<128x384xf32, #tpu.memory_space<vmem>>) target(%dma_start3A_52 : memref<128x384xf32, #tpu.memory_space<hbm>>) target_semaphore(%run_scoped3A : memref<!tpu.dma_semaphore, #tpu.memory_space<semaphore_mem>>)
      %dma_wait3A_53 = arith.constant 0 : i32
      %dma_wait3A_54 = tpu.memref_slice %arg4[%add3A_12, %dma_wait3A_53] : memref<16384x384xf32, #tpu.memory_space<hbm>> -> memref<128x384xf32, #tpu.memory_space<hbm>>
      %dma_wait3A_55 = arith.constant 0 : i32
      %dma_wait3A_56 = tpu.memref_slice %arg4[%add3A_12, %dma_wait3A_55] : memref<16384x384xf32, #tpu.memory_space<hbm>> -> memref<128x384xf32, #tpu.memory_space<hbm>>
      tpu.wait_dma2 semaphore(%run_scoped3A : memref<!tpu.dma_semaphore, #tpu.memory_space<semaphore_mem>>) src(%arg6 : memref<128x384xf32, #tpu.memory_space<vmem>>) dst(%dma_wait3A_56 : memref<128x384xf32, #tpu.memory_space<hbm>>)
      tpu.yield
    }) : () -> ()
    %dma_start3A_13 = arith.constant 128 : i32
    %dma_start3A_14 = tpu.memref_slice %arg5[%dma_start3A_13] : memref<512xi32, #tpu.memory_space<vmem>> -> memref<128xi32, #tpu.memory_space<vmem>>
    %dma_start3A_15 = arith.constant 0 : i32
    %dma_start3A_16 = arith.constant 0 : i32
    %dma_start3A_17 = tpu.memref_slice %arg3[%dma_start3A_15, %dma_start3A_16] : memref<21128x384xf32, #tpu.memory_space<hbm>> -> memref<21128x384xf32, #tpu.memory_space<hbm>>
    tpu.enqueue_indirect_dma source(%dma_start3A_17 : memref<21128x384xf32, #tpu.memory_space<hbm>>) target(%arg6 : memref<128x384xf32, #tpu.memory_space<vmem>>) offsets(%dma_start3A_14 : memref<128xi32, #tpu.memory_space<vmem>>) semaphore(%arg7 : memref<!tpu.dma_semaphore, #tpu.memory_space<semaphore_mem>>)
    %dma_wait3A_18 = arith.constant 128 : i32
    %dma_wait3A_19 = tpu.memref_slice %arg5[%dma_wait3A_18] : memref<512xi32, #tpu.memory_space<vmem>> -> memref<128xi32, #tpu.memory_space<vmem>>
    %dma_wait3A_20 = arith.constant 0 : i32
    %dma_wait3A_21 = arith.constant 0 : i32
    %dma_wait3A_22 = tpu.memref_slice %arg3[%dma_wait3A_20, %dma_wait3A_21] : memref<21128x384xf32, #tpu.memory_space<hbm>> -> memref<21128x384xf32, #tpu.memory_space<hbm>>
    tpu.wait_indirect_dma semaphore(%arg7 : memref<!tpu.dma_semaphore, #tpu.memory_space<semaphore_mem>>) src(%dma_wait3A_22 : memref<21128x384xf32, #tpu.memory_space<hbm>>) dst(%arg6 : memref<128x384xf32, #tpu.memory_space<vmem>>)
    %add3A_23 = arith.constant 128 : i32
    %add3A_24 = arith.addi %mul3A_2, %add3A_23 : i32
    "tpu.region"() ({
      %run_scoped3A = tpu.sem_alloc : memref<!tpu.dma_semaphore, #tpu.memory_space<semaphore_mem>>
      %dma_start3A_49 = arith.constant 0 : i32
      %dma_start3A_50 = tpu.memref_slice %arg4[%add3A_24, %dma_start3A_49] : memref<16384x384xf32, #tpu.memory_space<hbm>> -> memref<128x384xf32, #tpu.memory_space<hbm>>
      %dma_start3A_51 = arith.constant 0 : i32
      %dma_start3A_52 = tpu.memref_slice %arg4[%add3A_24, %dma_start3A_51] : memref<16384x384xf32, #tpu.memory_space<hbm>> -> memref<128x384xf32, #tpu.memory_space<hbm>>
      tpu.enqueue_dma source(%arg6 : memref<128x384xf32, #tpu.memory_space<vmem>>) target(%dma_start3A_52 : memref<128x384xf32, #tpu.memory_space<hbm>>) target_semaphore(%run_scoped3A : memref<!tpu.dma_semaphore, #tpu.memory_space<semaphore_mem>>)
      %dma_wait3A_53 = arith.constant 0 : i32
      %dma_wait3A_54 = tpu.memref_slice %arg4[%add3A_24, %dma_wait3A_53] : memref<16384x384xf32, #tpu.memory_space<hbm>> -> memref<128x384xf32, #tpu.memory_space<hbm>>
      %dma_wait3A_55 = arith.constant 0 : i32
      %dma_wait3A_56 = tpu.memref_slice %arg4[%add3A_24, %dma_wait3A_55] : memref<16384x384xf32, #tpu.memory_space<hbm>> -> memref<128x384xf32, #tpu.memory_space<hbm>>
      tpu.wait_dma2 semaphore(%run_scoped3A : memref<!tpu.dma_semaphore, #tpu.memory_space<semaphore_mem>>) src(%arg6 : memref<128x384xf32, #tpu.memory_space<vmem>>) dst(%dma_wait3A_56 : memref<128x384xf32, #tpu.memory_space<hbm>>)
      tpu.yield
    }) : () -> ()
    %dma_start3A_25 = arith.constant 256 : i32
    %dma_start3A_26 = tpu.memref_slice %arg5[%dma_start3A_25] : memref<512xi32, #tpu.memory_space<vmem>> -> memref<128xi32, #tpu.memory_space<vmem>>
    %dma_start3A_27 = arith.constant 0 : i32
    %dma_start3A_28 = arith.constant 0 : i32
    %dma_start3A_29 = tpu.memref_slice %arg3[%dma_start3A_27, %dma_start3A_28] : memref<21128x384xf32, #tpu.memory_space<hbm>> -> memref<21128x384xf32, #tpu.memory_space<hbm>>
    tpu.enqueue_indirect_dma source(%dma_start3A_29 : memref<21128x384xf32, #tpu.memory_space<hbm>>) target(%arg6 : memref<128x384xf32, #tpu.memory_space<vmem>>) offsets(%dma_start3A_26 : memref<128xi32, #tpu.memory_space<vmem>>) semaphore(%arg7 : memref<!tpu.dma_semaphore, #tpu.memory_space<semaphore_mem>>)
    %dma_wait3A_30 = arith.constant 256 : i32
    %dma_wait3A_31 = tpu.memref_slice %arg5[%dma_wait3A_30] : memref<512xi32, #tpu.memory_space<vmem>> -> memref<128xi32, #tpu.memory_space<vmem>>
    %dma_wait3A_32 = arith.constant 0 : i32
    %dma_wait3A_33 = arith.constant 0 : i32
    %dma_wait3A_34 = tpu.memref_slice %arg3[%dma_wait3A_32, %dma_wait3A_33] : memref<21128x384xf32, #tpu.memory_space<hbm>> -> memref<21128x384xf32, #tpu.memory_space<hbm>>
    tpu.wait_indirect_dma semaphore(%arg7 : memref<!tpu.dma_semaphore, #tpu.memory_space<semaphore_mem>>) src(%dma_wait3A_34 : memref<21128x384xf32, #tpu.memory_space<hbm>>) dst(%arg6 : memref<128x384xf32, #tpu.memory_space<vmem>>)
    %add3A_35 = arith.constant 256 : i32
    %add3A_36 = arith.addi %mul3A_2, %add3A_35 : i32
    "tpu.region"() ({
      %run_scoped3A = tpu.sem_alloc : memref<!tpu.dma_semaphore, #tpu.memory_space<semaphore_mem>>
      %dma_start3A_49 = arith.constant 0 : i32
      %dma_start3A_50 = tpu.memref_slice %arg4[%add3A_36, %dma_start3A_49] : memref<16384x384xf32, #tpu.memory_space<hbm>> -> memref<128x384xf32, #tpu.memory_space<hbm>>
      %dma_start3A_51 = arith.constant 0 : i32
      %dma_start3A_52 = tpu.memref_slice %arg4[%add3A_36, %dma_start3A_51] : memref<16384x384xf32, #tpu.memory_space<hbm>> -> memref<128x384xf32, #tpu.memory_space<hbm>>
      tpu.enqueue_dma source(%arg6 : memref<128x384xf32, #tpu.memory_space<vmem>>) target(%dma_start3A_52 : memref<128x384xf32, #tpu.memory_space<hbm>>) target_semaphore(%run_scoped3A : memref<!tpu.dma_semaphore, #tpu.memory_space<semaphore_mem>>)
      %dma_wait3A_53 = arith.constant 0 : i32
      %dma_wait3A_54 = tpu.memref_slice %arg4[%add3A_36, %dma_wait3A_53] : memref<16384x384xf32, #tpu.memory_space<hbm>> -> memref<128x384xf32, #tpu.memory_space<hbm>>
      %dma_wait3A_55 = arith.constant 0 : i32
      %dma_wait3A_56 = tpu.memref_slice %arg4[%add3A_36, %dma_wait3A_55] : memref<16384x384xf32, #tpu.memory_space<hbm>> -> memref<128x384xf32, #tpu.memory_space<hbm>>
      tpu.wait_dma2 semaphore(%run_scoped3A : memref<!tpu.dma_semaphore, #tpu.memory_space<semaphore_mem>>) src(%arg6 : memref<128x384xf32, #tpu.memory_space<vmem>>) dst(%dma_wait3A_56 : memref<128x384xf32, #tpu.memory_space<hbm>>)
      tpu.yield
    }) : () -> ()
    %dma_start3A_37 = arith.constant 384 : i32
    %dma_start3A_38 = tpu.memref_slice %arg5[%dma_start3A_37] : memref<512xi32, #tpu.memory_space<vmem>> -> memref<128xi32, #tpu.memory_space<vmem>>
    %dma_start3A_39 = arith.constant 0 : i32
    %dma_start3A_40 = arith.constant 0 : i32
    %dma_start3A_41 = tpu.memref_slice %arg3[%dma_start3A_39, %dma_start3A_40] : memref<21128x384xf32, #tpu.memory_space<hbm>> -> memref<21128x384xf32, #tpu.memory_space<hbm>>
    tpu.enqueue_indirect_dma source(%dma_start3A_41 : memref<21128x384xf32, #tpu.memory_space<hbm>>) target(%arg6 : memref<128x384xf32, #tpu.memory_space<vmem>>) offsets(%dma_start3A_38 : memref<128xi32, #tpu.memory_space<vmem>>) semaphore(%arg7 : memref<!tpu.dma_semaphore, #tpu.memory_space<semaphore_mem>>)
    %dma_wait3A_42 = arith.constant 384 : i32
    %dma_wait3A_43 = tpu.memref_slice %arg5[%dma_wait3A_42] : memref<512xi32, #tpu.memory_space<vmem>> -> memref<128xi32, #tpu.memory_space<vmem>>
    %dma_wait3A_44 = arith.constant 0 : i32
    %dma_wait3A_45 = arith.constant 0 : i32
    %dma_wait3A_46 = tpu.memref_slice %arg3[%dma_wait3A_44, %dma_wait3A_45] : memref<21128x384xf32, #tpu.memory_space<hbm>> -> memref<21128x384xf32, #tpu.memory_space<hbm>>
    tpu.wait_indirect_dma semaphore(%arg7 : memref<!tpu.dma_semaphore, #tpu.memory_space<semaphore_mem>>) src(%dma_wait3A_46 : memref<21128x384xf32, #tpu.memory_space<hbm>>) dst(%arg6 : memref<128x384xf32, #tpu.memory_space<vmem>>)
    %add3A_47 = arith.constant 384 : i32
    %add3A_48 = arith.addi %mul3A_2, %add3A_47 : i32
    "tpu.region"() ({
      %run_scoped3A = tpu.sem_alloc : memref<!tpu.dma_semaphore, #tpu.memory_space<semaphore_mem>>
      %dma_start3A_49 = arith.constant 0 : i32
      %dma_start3A_50 = tpu.memref_slice %arg4[%add3A_48, %dma_start3A_49] : memref<16384x384xf32, #tpu.memory_space<hbm>> -> memref<128x384xf32, #tpu.memory_space<hbm>>
      %dma_start3A_51 = arith.constant 0 : i32
      %dma_start3A_52 = tpu.memref_slice %arg4[%add3A_48, %dma_start3A_51] : memref<16384x384xf32, #tpu.memory_space<hbm>> -> memref<128x384xf32, #tpu.memory_space<hbm>>
      tpu.enqueue_dma source(%arg6 : memref<128x384xf32, #tpu.memory_space<vmem>>) target(%dma_start3A_52 : memref<128x384xf32, #tpu.memory_space<hbm>>) target_semaphore(%run_scoped3A : memref<!tpu.dma_semaphore, #tpu.memory_space<semaphore_mem>>)
      %dma_wait3A_53 = arith.constant 0 : i32
      %dma_wait3A_54 = tpu.memref_slice %arg4[%add3A_48, %dma_wait3A_53] : memref<16384x384xf32, #tpu.memory_space<hbm>> -> memref<128x384xf32, #tpu.memory_space<hbm>>
      %dma_wait3A_55 = arith.constant 0 : i32
      %dma_wait3A_56 = tpu.memref_slice %arg4[%add3A_48, %dma_wait3A_55] : memref<16384x384xf32, #tpu.memory_space<hbm>> -> memref<128x384xf32, #tpu.memory_space<hbm>>
      tpu.wait_dma2 semaphore(%run_scoped3A : memref<!tpu.dma_semaphore, #tpu.memory_space<semaphore_mem>>) src(%arg6 : memref<128x384xf32, #tpu.memory_space<vmem>>) dst(%dma_wait3A_56 : memref<128x384xf32, #tpu.memory_space<hbm>>)
      tpu.yield
    }) : () -> ()
    return
  }
}

#map = affine_map<(d0, d1) -> (0)>
#map1 = affine_map<(d0, d1) -> (0, 0)>
module attributes {stable_mosaic.version = 14 : i64} {
  func.func @gather(%arg0: i32, %arg1: i32, %arg2: memref<16384xi32, #tpu.memory_space<hbm>>, %arg3: memref<21128x384xf32, #tpu.memory_space<hbm>>, %arg4: memref<16384x384xf32, #tpu.memory_space<hbm>>, %arg5: memref<512xi32, #tpu.memory_space<vmem>>, %arg6: memref<128x384xf32, #tpu.memory_space<vmem>>, %arg7: memref<!tpu.dma_semaphore, #tpu.memory_space<semaphore_mem>>) attributes {dimension_semantics = [#tpu.dimension_semantics<core_parallel>, #tpu.dimension_semantics<subcore_parallel>], iteration_bounds = array<i64: 2, 16>, scalar_prefetch = 0 : i64, scratch_operands = 3 : i64, tpu.core_type = #tpu.core_type<sc_vector_subcore>, window_params = [{transform_indices = #map}, {transform_indices = #map1}, {transform_indices = #map1}]} {
    %mul3A = arith.constant 2 : i32
    %mul3A_0 = arith.muli %arg1, %mul3A : i32
    %add3A = arith.addi %mul3A_0, %arg0 : i32
    %mul3A_1 = arith.constant 512 : i32
    %mul3A_2 = arith.muli %add3A, %mul3A_1 : i32
    "tpu.region"() ({
      %run_scoped3A = tpu.sem_alloc : memref<!tpu.dma_semaphore, #tpu.memory_space<semaphore_mem>>
      %dma_start3A_49 = tpu.memref_slice %arg2[%mul3A_2] : memref<16384xi32, #tpu.memory_space<hbm>> -> memref<512xi32, #tpu.memory_space<hbm>>
      %dma_start3A_50 = tpu.memref_slice %arg2[%mul3A_2] : memref<16384xi32, #tpu.memory_space<hbm>> -> memref<512xi32, #tpu.memory_space<hbm>>
      tpu.enqueue_dma source(%dma_start3A_50 : memref<512xi32, #tpu.memory_space<hbm>>) target(%arg5 : memref<512xi32, #tpu.memory_space<vmem>>) target_semaphore(%run_scoped3A : memref<!tpu.dma_semaphore, #tpu.memory_space<semaphore_mem>>)
      %dma_wait3A_51 = tpu.memref_slice %arg2[%mul3A_2] : memref<16384xi32, #tpu.memory_space<hbm>> -> memref<512xi32, #tpu.memory_space<hbm>>
      %dma_wait3A_52 = tpu.memref_slice %arg2[%mul3A_2] : memref<16384xi32, #tpu.memory_space<hbm>> -> memref<512xi32, #tpu.memory_space<hbm>>
      tpu.wait_dma2 semaphore(%run_scoped3A : memref<!tpu.dma_semaphore, #tpu.memory_space<semaphore_mem>>) src(%dma_wait3A_52 : memref<512xi32, #tpu.memory_space<hbm>>) dst(%arg5 : memref<512xi32, #tpu.memory_space<vmem>>)
      tpu.yield
    }) : () -> ()
    %dma_start3A = arith.constant 0 : i32
    %dma_start3A_3 = tpu.memref_slice %arg5[%dma_start3A] : memref<512xi32, #tpu.memory_space<vmem>> -> memref<128xi32, #tpu.memory_space<vmem>>
    %dma_start3A_4 = arith.constant 0 : i32
    %dma_start3A_5 = arith.constant 0 : i32
    %dma_start3A_6 = tpu.memref_slice %arg3[%dma_start3A_4, %dma_start3A_5] : memref<21128x384xf32, #tpu.memory_space<hbm>> -> memref<21128x384xf32, #tpu.memory_space<hbm>>
    tpu.enqueue_indirect_dma source(%dma_start3A_6 : memref<21128x384xf32, #tpu.memory_space<hbm>>) target(%arg6 : memref<128x384xf32, #tpu.memory_space<vmem>>) offsets(%dma_start3A_3 : memref<128xi32, #tpu.memory_space<vmem>>) semaphore(%arg7 : memref<!tpu.dma_semaphore, #tpu.memory_space<semaphore_mem>>)
    %dma_wait3A = arith.constant 0 : i32
    %dma_wait3A_7 = tpu.memref_slice %arg5[%dma_wait3A] : memref<512xi32, #tpu.memory_space<vmem>> -> memref<128xi32, #tpu.memory_space<vmem>>
    %dma_wait3A_8 = arith.constant 0 : i32
    %dma_wait3A_9 = arith.constant 0 : i32
    %dma_wait3A_10 = tpu.memref_slice %arg3[%dma_wait3A_8, %dma_wait3A_9] : memref<21128x384xf32, #tpu.memory_space<hbm>> -> memref<21128x384xf32, #tpu.memory_space<hbm>>
    tpu.wait_indirect_dma semaphore(%arg7 : memref<!tpu.dma_semaphore, #tpu.memory_space<semaphore_mem>>) src(%dma_wait3A_10 : memref<21128x384xf32, #tpu.memory_space<hbm>>) dst(%arg6 : memref<128x384xf32, #tpu.memory_space<vmem>>)
    %add3A_11 = arith.constant 0 : i32
    %add3A_12 = arith.addi %mul3A_2, %add3A_11 : i32
    "tpu.region"() ({
      %run_scoped3A = tpu.sem_alloc : memref<!tpu.dma_semaphore, #tpu.memory_space<semaphore_mem>>
      %dma_start3A_49 = arith.constant 0 : i32
      %dma_start3A_50 = tpu.memref_slice %arg4[%add3A_12, %dma_start3A_49] : memref<16384x384xf32, #tpu.memory_space<hbm>> -> memref<128x384xf32, #tpu.memory_space<hbm>>
      %dma_start3A_51 = arith.constant 0 : i32
      %dma_start3A_52 = tpu.memref_slice %arg4[%add3A_12, %dma_start3A_51] : memref<16384x384xf32, #tpu.memory_space<hbm>> -> memref<128x384xf32, #tpu.memory_space<hbm>>
      tpu.enqueue_dma source(%arg6 : memref<128x384xf32, #tpu.memory_space<vmem>>) target(%dma_start3A_52 : memref<128x384xf32, #tpu.memory_space<hbm>>) target_semaphore(%run_scoped3A : memref<!tpu.dma_semaphore, #tpu.memory_space<semaphore_mem>>)
      %dma_wait3A_53 = arith.constant 0 : i32
      %dma_wait3A_54 = tpu.memref_slice %arg4[%add3A_12, %dma_wait3A_53] : memref<16384x384xf32, #tpu.memory_space<hbm>> -> memref<128x384xf32, #tpu.memory_space<hbm>>
      %dma_wait3A_55 = arith.constant 0 : i32
      %dma_wait3A_56 = tpu.memref_slice %arg4[%add3A_12, %dma_wait3A_55] : memref<16384x384xf32, #tpu.memory_space<hbm>> -> memref<128x384xf32, #tpu.memory_space<hbm>>
      tpu.wait_dma2 semaphore(%run_scoped3A : memref<!tpu.dma_semaphore, #tpu.memory_space<semaphore_mem>>) src(%arg6 : memref<128x384xf32, #tpu.memory_space<vmem>>) dst(%dma_wait3A_56 : memref<128x384xf32, #tpu.memory_space<hbm>>)
      tpu.yield
    }) : () -> ()
    %dma_start3A_13 = arith.constant 128 : i32
    %dma_start3A_14 = tpu.memref_slice %arg5[%dma_start3A_13] : memref<512xi32, #tpu.memory_space<vmem>> -> memref<128xi32, #tpu.memory_space<vmem>>
    %dma_start3A_15 = arith.constant 0 : i32
    %dma_start3A_16 = arith.constant 0 : i32
    %dma_start3A_17 = tpu.memref_slice %arg3[%dma_start3A_15, %dma_start3A_16] : memref<21128x384xf32, #tpu.memory_space<hbm>> -> memref<21128x384xf32, #tpu.memory_space<hbm>>
    tpu.enqueue_indirect_dma source(%dma_start3A_17 : memref<21128x384xf32, #tpu.memory_space<hbm>>) target(%arg6 : memref<128x384xf32, #tpu.memory_space<vmem>>) offsets(%dma_start3A_14 : memref<128xi32, #tpu.memory_space<vmem>>) semaphore(%arg7 : memref<!tpu.dma_semaphore, #tpu.memory_space<semaphore_mem>>)
    %dma_wait3A_18 = arith.constant 128 : i32
    %dma_wait3A_19 = tpu.memref_slice %arg5[%dma_wait3A_18] : memref<512xi32, #tpu.memory_space<vmem>> -> memref<128xi32, #tpu.memory_space<vmem>>
    %dma_wait3A_20 = arith.constant 0 : i32
    %dma_wait3A_21 = arith.constant 0 : i32
    %dma_wait3A_22 = tpu.memref_slice %arg3[%dma_wait3A_20, %dma_wait3A_21] : memref<21128x384xf32, #tpu.memory_space<hbm>> -> memref<21128x384xf32, #tpu.memory_space<hbm>>
    tpu.wait_indirect_dma semaphore(%arg7 : memref<!tpu.dma_semaphore, #tpu.memory_space<semaphore_mem>>) src(%dma_wait3A_22 : memref<21128x384xf32, #tpu.memory_space<hbm>>) dst(%arg6 : memref<128x384xf32, #tpu.memory_space<vmem>>)
    %add3A_23 = arith.constant 128 : i32
    %add3A_24 = arith.addi %mul3A_2, %add3A_23 : i32
    "tpu.region"() ({
      %run_scoped3A = tpu.sem_alloc : memref<!tpu.dma_semaphore, #tpu.memory_space<semaphore_mem>>
      %dma_start3A_49 = arith.constant 0 : i32
      %dma_start3A_50 = tpu.memref_slice %arg4[%add3A_24, %dma_start3A_49] : memref<16384x384xf32, #tpu.memory_space<hbm>> -> memref<128x384xf32, #tpu.memory_space<hbm>>
      %dma_start3A_51 = arith.constant 0 : i32
      %dma_start3A_52 = tpu.memref_slice %arg4[%add3A_24, %dma_start3A_51] : memref<16384x384xf32, #tpu.memory_space<hbm>> -> memref<128x384xf32, #tpu.memory_space<hbm>>
      tpu.enqueue_dma source(%arg6 : memref<128x384xf32, #tpu.memory_space<vmem>>) target(%dma_start3A_52 : memref<128x384xf32, #tpu.memory_space<hbm>>) target_semaphore(%run_scoped3A : memref<!tpu.dma_semaphore, #tpu.memory_space<semaphore_mem>>)
      %dma_wait3A_53 = arith.constant 0 : i32
      %dma_wait3A_54 = tpu.memref_slice %arg4[%add3A_24, %dma_wait3A_53] : memref<16384x384xf32, #tpu.memory_space<hbm>> -> memref<128x384xf32, #tpu.memory_space<hbm>>
      %dma_wait3A_55 = arith.constant 0 : i32
      %dma_wait3A_56 = tpu.memref_slice %arg4[%add3A_24, %dma_wait3A_55] : memref<16384x384xf32, #tpu.memory_space<hbm>> -> memref<128x384xf32, #tpu.memory_space<hbm>>
      tpu.wait_dma2 semaphore(%run_scoped3A : memref<!tpu.dma_semaphore, #tpu.memory_space<semaphore_mem>>) src(%arg6 : memref<128x384xf32, #tpu.memory_space<vmem>>) dst(%dma_wait3A_56 : memref<128x384xf32, #tpu.memory_space<hbm>>)
      tpu.yield
    }) : () -> ()
    %dma_start3A_25 = arith.constant 256 : i32
    %dma_start3A_26 = tpu.memref_slice %arg5[%dma_start3A_25] : memref<512xi32, #tpu.memory_space<vmem>> -> memref<128xi32, #tpu.memory_space<vmem>>
    %dma_start3A_27 = arith.constant 0 : i32
    %dma_start3A_28 = arith.constant 0 : i32
    %dma_start3A_29 = tpu.memref_slice %arg3[%dma_start3A_27, %dma_start3A_28] : memref<21128x384xf32, #tpu.memory_space<hbm>> -> memref<21128x384xf32, #tpu.memory_space<hbm>>
    tpu.enqueue_indirect_dma source(%dma_start3A_29 : memref<21128x384xf32, #tpu.memory_space<hbm>>) target(%arg6 : memref<128x384xf32, #tpu.memory_space<vmem>>) offsets(%dma_start3A_26 : memref<128xi32, #tpu.memory_space<vmem>>) semaphore(%arg7 : memref<!tpu.dma_semaphore, #tpu.memory_space<semaphore_mem>>)
    %dma_wait3A_30 = arith.constant 256 : i32
    %dma_wait3A_31 = tpu.memref_slice %arg5[%dma_wait3A_30] : memref<512xi32, #tpu.memory_space<vmem>> -> memref<128xi32, #tpu.memory_space<vmem>>
    %dma_wait3A_32 = arith.constant 0 : i32
    %dma_wait3A_33 = arith.constant 0 : i32
    %dma_wait3A_34 = tpu.memref_slice %arg3[%dma_wait3A_32, %dma_wait3A_33] : memref<21128x384xf32, #tpu.memory_space<hbm>> -> memref<21128x384xf32, #tpu.memory_space<hbm>>
    tpu.wait_indirect_dma semaphore(%arg7 : memref<!tpu.dma_semaphore, #tpu.memory_space<semaphore_mem>>) src(%dma_wait3A_34 : memref<21128x384xf32, #tpu.memory_space<hbm>>) dst(%arg6 : memref<128x384xf32, #tpu.memory_space<vmem>>)
    %add3A_35 = arith.constant 256 : i32
    %add3A_36 = arith.addi %mul3A_2, %add3A_35 : i32
    "tpu.region"() ({
      %run_scoped3A = tpu.sem_alloc : memref<!tpu.dma_semaphore, #tpu.memory_space<semaphore_mem>>
      %dma_start3A_49 = arith.constant 0 : i32
      %dma_start3A_50 = tpu.memref_slice %arg4[%add3A_36, %dma_start3A_49] : memref<16384x384xf32, #tpu.memory_space<hbm>> -> memref<128x384xf32, #tpu.memory_space<hbm>>
      %dma_start3A_51 = arith.constant 0 : i32
      %dma_start3A_52 = tpu.memref_slice %arg4[%add3A_36, %dma_start3A_51] : memref<16384x384xf32, #tpu.memory_space<hbm>> -> memref<128x384xf32, #tpu.memory_space<hbm>>
      tpu.enqueue_dma source(%arg6 : memref<128x384xf32, #tpu.memory_space<vmem>>) target(%dma_start3A_52 : memref<128x384xf32, #tpu.memory_space<hbm>>) target_semaphore(%run_scoped3A : memref<!tpu.dma_semaphore, #tpu.memory_space<semaphore_mem>>)
      %dma_wait3A_53 = arith.constant 0 : i32
      %dma_wait3A_54 = tpu.memref_slice %arg4[%add3A_36, %dma_wait3A_53] : memref<16384x384xf32, #tpu.memory_space<hbm>> -> memref<128x384xf32, #tpu.memory_space<hbm>>
      %dma_wait3A_55 = arith.constant 0 : i32
      %dma_wait3A_56 = tpu.memref_slice %arg4[%add3A_36, %dma_wait3A_55] : memref<16384x384xf32, #tpu.memory_space<hbm>> -> memref<128x384xf32, #tpu.memory_space<hbm>>
      tpu.wait_dma2 semaphore(%run_scoped3A : memref<!tpu.dma_semaphore, #tpu.memory_space<semaphore_mem>>) src(%arg6 : memref<128x384xf32, #tpu.memory_space<vmem>>) dst(%dma_wait3A_56 : memref<128x384xf32, #tpu.memory_space<hbm>>)
      tpu.yield
    }) : () -> ()
    %dma_start3A_37 = arith.constant 384 : i32
    %dma_start3A_38 = tpu.memref_slice %arg5[%dma_start3A_37] : memref<512xi32, #tpu.memory_space<vmem>> -> memref<128xi32, #tpu.memory_space<vmem>>
    %dma_start3A_39 = arith.constant 0 : i32
    %dma_start3A_40 = arith.constant 0 : i32
    %dma_start3A_41 = tpu.memref_slice %arg3[%dma_start3A_39, %dma_start3A_40] : memref<21128x384xf32, #tpu.memory_space<hbm>> -> memref<21128x384xf32, #tpu.memory_space<hbm>>
    tpu.enqueue_indirect_dma source(%dma_start3A_41 : memref<21128x384xf32, #tpu.memory_space<hbm>>) target(%arg6 : memref<128x384xf32, #tpu.memory_space<vmem>>) offsets(%dma_start3A_38 : memref<128xi32, #tpu.memory_space<vmem>>) semaphore(%arg7 : memref<!tpu.dma_semaphore, #tpu.memory_space<semaphore_mem>>)
    %dma_wait3A_42 = arith.constant 384 : i32
    %dma_wait3A_43 = tpu.memref_slice %arg5[%dma_wait3A_42] : memref<512xi32, #tpu.memory_space<vmem>> -> memref<128xi32, #tpu.memory_space<vmem>>
    %dma_wait3A_44 = arith.constant 0 : i32
    %dma_wait3A_45 = arith.constant 0 : i32
    %dma_wait3A_46 = tpu.memref_slice %arg3[%dma_wait3A_44, %dma_wait3A_45] : memref<21128x384xf32, #tpu.memory_space<hbm>> -> memref<21128x384xf32, #tpu.memory_space<hbm>>
    tpu.wait_indirect_dma semaphore(%arg7 : memref<!tpu.dma_semaphore, #tpu.memory_space<semaphore_mem>>) src(%dma_wait3A_46 : memref<21128x384xf32, #tpu.memory_space<hbm>>) dst(%arg6 : memref<128x384xf32, #tpu.memory_space<vmem>>)
    %add3A_47 = arith.constant 384 : i32
    %add3A_48 = arith.addi %mul3A_2, %add3A_47 : i32
    "tpu.region"() ({
      %run_scoped3A = tpu.sem_alloc : memref<!tpu.dma_semaphore, #tpu.memory_space<semaphore_mem>>
      %dma_start3A_49 = arith.constant 0 : i32
      %dma_start3A_50 = tpu.memref_slice %arg4[%add3A_48, %dma_start3A_49] : memref<16384x384xf32, #tpu.memory_space<hbm>> -> memref<128x384xf32, #tpu.memory_space<hbm>>
      %dma_start3A_51 = arith.constant 0 : i32
      %dma_start3A_52 = tpu.memref_slice %arg4[%add3A_48, %dma_start3A_51] : memref<16384x384xf32, #tpu.memory_space<hbm>> -> memref<128x384xf32, #tpu.memory_space<hbm>>
      tpu.enqueue_dma source(%arg6 : memref<128x384xf32, #tpu.memory_space<vmem>>) target(%dma_start3A_52 : memref<128x384xf32, #tpu.memory_space<hbm>>) target_semaphore(%run_scoped3A : memref<!tpu.dma_semaphore, #tpu.memory_space<semaphore_mem>>)
      %dma_wait3A_53 = arith.constant 0 : i32
      %dma_wait3A_54 = tpu.memref_slice %arg4[%add3A_48, %dma_wait3A_53] : memref<16384x384xf32, #tpu.memory_space<hbm>> -> memref<128x384xf32, #tpu.memory_space<hbm>>
      %dma_wait3A_55 = arith.constant 0 : i32
      %dma_wait3A_56 = tpu.memref_slice %arg4[%add3A_48, %dma_wait3A_55] : memref<16384x384xf32, #tpu.memory_space<hbm>> -> memref<128x384xf32, #tpu.memory_space<hbm>>
      tpu.wait_dma2 semaphore(%run_scoped3A : memref<!tpu.dma_semaphore, #tpu.memory_space<semaphore_mem>>) src(%arg6 : memref<128x384xf32, #tpu.memory_space<vmem>>) dst(%dma_wait3A_56 : memref<128x384xf32, #tpu.memory_space<hbm>>)
      tpu.yield
    }) : () -> ()
    return
  }
}

#map = affine_map<(d0, d1) -> (0)>
#map1 = affine_map<(d0, d1) -> (0, 0)>
module attributes {stable_mosaic.version = 14 : i64} {
  func.func @gather(%arg0: i32, %arg1: i32, %arg2: memref<16384xi32, #tpu.memory_space<hbm>>, %arg3: memref<21128x384xf32, #tpu.memory_space<hbm>>, %arg4: memref<16384x384xf32, #tpu.memory_space<hbm>>, %arg5: memref<512xi32, #tpu.memory_space<vmem>>, %arg6: memref<128x384xf32, #tpu.memory_space<vmem>>, %arg7: memref<!tpu.dma_semaphore, #tpu.memory_space<semaphore_mem>>) attributes {dimension_semantics = [#tpu.dimension_semantics<core_parallel>, #tpu.dimension_semantics<subcore_parallel>], iteration_bounds = array<i64: 2, 16>, scalar_prefetch = 0 : i64, scratch_operands = 3 : i64, tpu.core_type = #tpu.core_type<sc_vector_subcore>, window_params = [{transform_indices = #map}, {transform_indices = #map1}, {transform_indices = #map1}]} {
    %mul3A = arith.constant 2 : i32
    %mul3A_0 = arith.muli %arg1, %mul3A : i32
    %add3A = arith.addi %mul3A_0, %arg0 : i32
    %mul3A_1 = arith.constant 512 : i32
    %mul3A_2 = arith.muli %add3A, %mul3A_1 : i32
    "tpu.region"() ({
      %run_scoped3A = tpu.sem_alloc : memref<!tpu.dma_semaphore, #tpu.memory_space<semaphore_mem>>
      %dma_start3A_49 = tpu.memref_slice %arg2[%mul3A_2] : memref<16384xi32, #tpu.memory_space<hbm>> -> memref<512xi32, #tpu.memory_space<hbm>>
      %dma_start3A_50 = tpu.memref_slice %arg2[%mul3A_2] : memref<16384xi32, #tpu.memory_space<hbm>> -> memref<512xi32, #tpu.memory_space<hbm>>
      tpu.enqueue_dma source(%dma_start3A_50 : memref<512xi32, #tpu.memory_space<hbm>>) target(%arg5 : memref<512xi32, #tpu.memory_space<vmem>>) target_semaphore(%run_scoped3A : memref<!tpu.dma_semaphore, #tpu.memory_space<semaphore_mem>>)
      %dma_wait3A_51 = tpu.memref_slice %arg2[%mul3A_2] : memref<16384xi32, #tpu.memory_space<hbm>> -> memref<512xi32, #tpu.memory_space<hbm>>
      %dma_wait3A_52 = tpu.memref_slice %arg2[%mul3A_2] : memref<16384xi32, #tpu.memory_space<hbm>> -> memref<512xi32, #tpu.memory_space<hbm>>
      tpu.wait_dma2 semaphore(%run_scoped3A : memref<!tpu.dma_semaphore, #tpu.memory_space<semaphore_mem>>) src(%dma_wait3A_52 : memref<512xi32, #tpu.memory_space<hbm>>) dst(%arg5 : memref<512xi32, #tpu.memory_space<vmem>>)
      tpu.yield
    }) : () -> ()
    %dma_start3A = arith.constant 0 : i32
    %dma_start3A_3 = tpu.memref_slice %arg5[%dma_start3A] : memref<512xi32, #tpu.memory_space<vmem>> -> memref<128xi32, #tpu.memory_space<vmem>>
    %dma_start3A_4 = arith.constant 0 : i32
    %dma_start3A_5 = arith.constant 0 : i32
    %dma_start3A_6 = tpu.memref_slice %arg3[%dma_start3A_4, %dma_start3A_5] : memref<21128x384xf32, #tpu.memory_space<hbm>> -> memref<21128x384xf32, #tpu.memory_space<hbm>>
    tpu.enqueue_indirect_dma source(%dma_start3A_6 : memref<21128x384xf32, #tpu.memory_space<hbm>>) target(%arg6 : memref<128x384xf32, #tpu.memory_space<vmem>>) offsets(%dma_start3A_3 : memref<128xi32, #tpu.memory_space<vmem>>) semaphore(%arg7 : memref<!tpu.dma_semaphore, #tpu.memory_space<semaphore_mem>>)
    %dma_wait3A = arith.constant 0 : i32
    %dma_wait3A_7 = tpu.memref_slice %arg5[%dma_wait3A] : memref<512xi32, #tpu.memory_space<vmem>> -> memref<128xi32, #tpu.memory_space<vmem>>
    %dma_wait3A_8 = arith.constant 0 : i32
    %dma_wait3A_9 = arith.constant 0 : i32
    %dma_wait3A_10 = tpu.memref_slice %arg3[%dma_wait3A_8, %dma_wait3A_9] : memref<21128x384xf32, #tpu.memory_space<hbm>> -> memref<21128x384xf32, #tpu.memory_space<hbm>>
    tpu.wait_indirect_dma semaphore(%arg7 : memref<!tpu.dma_semaphore, #tpu.memory_space<semaphore_mem>>) src(%dma_wait3A_10 : memref<21128x384xf32, #tpu.memory_space<hbm>>) dst(%arg6 : memref<128x384xf32, #tpu.memory_space<vmem>>)
    %add3A_11 = arith.constant 0 : i32
    %add3A_12 = arith.addi %mul3A_2, %add3A_11 : i32
    "tpu.region"() ({
      %run_scoped3A = tpu.sem_alloc : memref<!tpu.dma_semaphore, #tpu.memory_space<semaphore_mem>>
      %dma_start3A_49 = arith.constant 0 : i32
      %dma_start3A_50 = tpu.memref_slice %arg4[%add3A_12, %dma_start3A_49] : memref<16384x384xf32, #tpu.memory_space<hbm>> -> memref<128x384xf32, #tpu.memory_space<hbm>>
      %dma_start3A_51 = arith.constant 0 : i32
      %dma_start3A_52 = tpu.memref_slice %arg4[%add3A_12, %dma_start3A_51] : memref<16384x384xf32, #tpu.memory_space<hbm>> -> memref<128x384xf32, #tpu.memory_space<hbm>>
      tpu.enqueue_dma source(%arg6 : memref<128x384xf32, #tpu.memory_space<vmem>>) target(%dma_start3A_52 : memref<128x384xf32, #tpu.memory_space<hbm>>) target_semaphore(%run_scoped3A : memref<!tpu.dma_semaphore, #tpu.memory_space<semaphore_mem>>)
      %dma_wait3A_53 = arith.constant 0 : i32
      %dma_wait3A_54 = tpu.memref_slice %arg4[%add3A_12, %dma_wait3A_53] : memref<16384x384xf32, #tpu.memory_space<hbm>> -> memref<128x384xf32, #tpu.memory_space<hbm>>
      %dma_wait3A_55 = arith.constant 0 : i32
      %dma_wait3A_56 = tpu.memref_slice %arg4[%add3A_12, %dma_wait3A_55] : memref<16384x384xf32, #tpu.memory_space<hbm>> -> memref<128x384xf32, #tpu.memory_space<hbm>>
      tpu.wait_dma2 semaphore(%run_scoped3A : memref<!tpu.dma_semaphore, #tpu.memory_space<semaphore_mem>>) src(%arg6 : memref<128x384xf32, #tpu.memory_space<vmem>>) dst(%dma_wait3A_56 : memref<128x384xf32, #tpu.memory_space<hbm>>)
      tpu.yield
    }) : () -> ()
    %dma_start3A_13 = arith.constant 128 : i32
    %dma_start3A_14 = tpu.memref_slice %arg5[%dma_start3A_13] : memref<512xi32, #tpu.memory_space<vmem>> -> memref<128xi32, #tpu.memory_space<vmem>>
    %dma_start3A_15 = arith.constant 0 : i32
    %dma_start3A_16 = arith.constant 0 : i32
    %dma_start3A_17 = tpu.memref_slice %arg3[%dma_start3A_15, %dma_start3A_16] : memref<21128x384xf32, #tpu.memory_space<hbm>> -> memref<21128x384xf32, #tpu.memory_space<hbm>>
    tpu.enqueue_indirect_dma source(%dma_start3A_17 : memref<21128x384xf32, #tpu.memory_space<hbm>>) target(%arg6 : memref<128x384xf32, #tpu.memory_space<vmem>>) offsets(%dma_start3A_14 : memref<128xi32, #tpu.memory_space<vmem>>) semaphore(%arg7 : memref<!tpu.dma_semaphore, #tpu.memory_space<semaphore_mem>>)
    %dma_wait3A_18 = arith.constant 128 : i32
    %dma_wait3A_19 = tpu.memref_slice %arg5[%dma_wait3A_18] : memref<512xi32, #tpu.memory_space<vmem>> -> memref<128xi32, #tpu.memory_space<vmem>>
    %dma_wait3A_20 = arith.constant 0 : i32
    %dma_wait3A_21 = arith.constant 0 : i32
    %dma_wait3A_22 = tpu.memref_slice %arg3[%dma_wait3A_20, %dma_wait3A_21] : memref<21128x384xf32, #tpu.memory_space<hbm>> -> memref<21128x384xf32, #tpu.memory_space<hbm>>
    tpu.wait_indirect_dma semaphore(%arg7 : memref<!tpu.dma_semaphore, #tpu.memory_space<semaphore_mem>>) src(%dma_wait3A_22 : memref<21128x384xf32, #tpu.memory_space<hbm>>) dst(%arg6 : memref<128x384xf32, #tpu.memory_space<vmem>>)
    %add3A_23 = arith.constant 128 : i32
    %add3A_24 = arith.addi %mul3A_2, %add3A_23 : i32
    "tpu.region"() ({
      %run_scoped3A = tpu.sem_alloc : memref<!tpu.dma_semaphore, #tpu.memory_space<semaphore_mem>>
      %dma_start3A_49 = arith.constant 0 : i32
      %dma_start3A_50 = tpu.memref_slice %arg4[%add3A_24, %dma_start3A_49] : memref<16384x384xf32, #tpu.memory_space<hbm>> -> memref<128x384xf32, #tpu.memory_space<hbm>>
      %dma_start3A_51 = arith.constant 0 : i32
      %dma_start3A_52 = tpu.memref_slice %arg4[%add3A_24, %dma_start3A_51] : memref<16384x384xf32, #tpu.memory_space<hbm>> -> memref<128x384xf32, #tpu.memory_space<hbm>>
      tpu.enqueue_dma source(%arg6 : memref<128x384xf32, #tpu.memory_space<vmem>>) target(%dma_start3A_52 : memref<128x384xf32, #tpu.memory_space<hbm>>) target_semaphore(%run_scoped3A : memref<!tpu.dma_semaphore, #tpu.memory_space<semaphore_mem>>)
      %dma_wait3A_53 = arith.constant 0 : i32
      %dma_wait3A_54 = tpu.memref_slice %arg4[%add3A_24, %dma_wait3A_53] : memref<16384x384xf32, #tpu.memory_space<hbm>> -> memref<128x384xf32, #tpu.memory_space<hbm>>
      %dma_wait3A_55 = arith.constant 0 : i32
      %dma_wait3A_56 = tpu.memref_slice %arg4[%add3A_24, %dma_wait3A_55] : memref<16384x384xf32, #tpu.memory_space<hbm>> -> memref<128x384xf32, #tpu.memory_space<hbm>>
      tpu.wait_dma2 semaphore(%run_scoped3A : memref<!tpu.dma_semaphore, #tpu.memory_space<semaphore_mem>>) src(%arg6 : memref<128x384xf32, #tpu.memory_space<vmem>>) dst(%dma_wait3A_56 : memref<128x384xf32, #tpu.memory_space<hbm>>)
      tpu.yield
    }) : () -> ()
    %dma_start3A_25 = arith.constant 256 : i32
    %dma_start3A_26 = tpu.memref_slice %arg5[%dma_start3A_25] : memref<512xi32, #tpu.memory_space<vmem>> -> memref<128xi32, #tpu.memory_space<vmem>>
    %dma_start3A_27 = arith.constant 0 : i32
    %dma_start3A_28 = arith.constant 0 : i32
    %dma_start3A_29 = tpu.memref_slice %arg3[%dma_start3A_27, %dma_start3A_28] : memref<21128x384xf32, #tpu.memory_space<hbm>> -> memref<21128x384xf32, #tpu.memory_space<hbm>>
    tpu.enqueue_indirect_dma source(%dma_start3A_29 : memref<21128x384xf32, #tpu.memory_space<hbm>>) target(%arg6 : memref<128x384xf32, #tpu.memory_space<vmem>>) offsets(%dma_start3A_26 : memref<128xi32, #tpu.memory_space<vmem>>) semaphore(%arg7 : memref<!tpu.dma_semaphore, #tpu.memory_space<semaphore_mem>>)
    %dma_wait3A_30 = arith.constant 256 : i32
    %dma_wait3A_31 = tpu.memref_slice %arg5[%dma_wait3A_30] : memref<512xi32, #tpu.memory_space<vmem>> -> memref<128xi32, #tpu.memory_space<vmem>>
    %dma_wait3A_32 = arith.constant 0 : i32
    %dma_wait3A_33 = arith.constant 0 : i32
    %dma_wait3A_34 = tpu.memref_slice %arg3[%dma_wait3A_32, %dma_wait3A_33] : memref<21128x384xf32, #tpu.memory_space<hbm>> -> memref<21128x384xf32, #tpu.memory_space<hbm>>
    tpu.wait_indirect_dma semaphore(%arg7 : memref<!tpu.dma_semaphore, #tpu.memory_space<semaphore_mem>>) src(%dma_wait3A_34 : memref<21128x384xf32, #tpu.memory_space<hbm>>) dst(%arg6 : memref<128x384xf32, #tpu.memory_space<vmem>>)
    %add3A_35 = arith.constant 256 : i32
    %add3A_36 = arith.addi %mul3A_2, %add3A_35 : i32
    "tpu.region"() ({
      %run_scoped3A = tpu.sem_alloc : memref<!tpu.dma_semaphore, #tpu.memory_space<semaphore_mem>>
      %dma_start3A_49 = arith.constant 0 : i32
      %dma_start3A_50 = tpu.memref_slice %arg4[%add3A_36, %dma_start3A_49] : memref<16384x384xf32, #tpu.memory_space<hbm>> -> memref<128x384xf32, #tpu.memory_space<hbm>>
      %dma_start3A_51 = arith.constant 0 : i32
      %dma_start3A_52 = tpu.memref_slice %arg4[%add3A_36, %dma_start3A_51] : memref<16384x384xf32, #tpu.memory_space<hbm>> -> memref<128x384xf32, #tpu.memory_space<hbm>>
      tpu.enqueue_dma source(%arg6 : memref<128x384xf32, #tpu.memory_space<vmem>>) target(%dma_start3A_52 : memref<128x384xf32, #tpu.memory_space<hbm>>) target_semaphore(%run_scoped3A : memref<!tpu.dma_semaphore, #tpu.memory_space<semaphore_mem>>)
      %dma_wait3A_53 = arith.constant 0 : i32
      %dma_wait3A_54 = tpu.memref_slice %arg4[%add3A_36, %dma_wait3A_53] : memref<16384x384xf32, #tpu.memory_space<hbm>> -> memref<128x384xf32, #tpu.memory_space<hbm>>
      %dma_wait3A_55 = arith.constant 0 : i32
      %dma_wait3A_56 = tpu.memref_slice %arg4[%add3A_36, %dma_wait3A_55] : memref<16384x384xf32, #tpu.memory_space<hbm>> -> memref<128x384xf32, #tpu.memory_space<hbm>>
      tpu.wait_dma2 semaphore(%run_scoped3A : memref<!tpu.dma_semaphore, #tpu.memory_space<semaphore_mem>>) src(%arg6 : memref<128x384xf32, #tpu.memory_space<vmem>>) dst(%dma_wait3A_56 : memref<128x384xf32, #tpu.memory_space<hbm>>)
      tpu.yield
    }) : () -> ()
    %dma_start3A_37 = arith.constant 384 : i32
    %dma_start3A_38 = tpu.memref_slice %arg5[%dma_start3A_37] : memref<512xi32, #tpu.memory_space<vmem>> -> memref<128xi32, #tpu.memory_space<vmem>>
    %dma_start3A_39 = arith.constant 0 : i32
    %dma_start3A_40 = arith.constant 0 : i32
    %dma_start3A_41 = tpu.memref_slice %arg3[%dma_start3A_39, %dma_start3A_40] : memref<21128x384xf32, #tpu.memory_space<hbm>> -> memref<21128x384xf32, #tpu.memory_space<hbm>>
    tpu.enqueue_indirect_dma source(%dma_start3A_41 : memref<21128x384xf32, #tpu.memory_space<hbm>>) target(%arg6 : memref<128x384xf32, #tpu.memory_space<vmem>>) offsets(%dma_start3A_38 : memref<128xi32, #tpu.memory_space<vmem>>) semaphore(%arg7 : memref<!tpu.dma_semaphore, #tpu.memory_space<semaphore_mem>>)
    %dma_wait3A_42 = arith.constant 384 : i32
    %dma_wait3A_43 = tpu.memref_slice %arg5[%dma_wait3A_42] : memref<512xi32, #tpu.memory_space<vmem>> -> memref<128xi32, #tpu.memory_space<vmem>>
    %dma_wait3A_44 = arith.constant 0 : i32
    %dma_wait3A_45 = arith.constant 0 : i32
    %dma_wait3A_46 = tpu.memref_slice %arg3[%dma_wait3A_44, %dma_wait3A_45] : memref<21128x384xf32, #tpu.memory_space<hbm>> -> memref<21128x384xf32, #tpu.memory_space<hbm>>
    tpu.wait_indirect_dma semaphore(%arg7 : memref<!tpu.dma_semaphore, #tpu.memory_space<semaphore_mem>>) src(%dma_wait3A_46 : memref<21128x384xf32, #tpu.memory_space<hbm>>) dst(%arg6 : memref<128x384xf32, #tpu.memory_space<vmem>>)
    %add3A_47 = arith.constant 384 : i32
    %add3A_48 = arith.addi %mul3A_2, %add3A_47 : i32
    "tpu.region"() ({
      %run_scoped3A = tpu.sem_alloc : memref<!tpu.dma_semaphore, #tpu.memory_space<semaphore_mem>>
      %dma_start3A_49 = arith.constant 0 : i32
      %dma_start3A_50 = tpu.memref_slice %arg4[%add3A_48, %dma_start3A_49] : memref<16384x384xf32, #tpu.memory_space<hbm>> -> memref<128x384xf32, #tpu.memory_space<hbm>>
      %dma_start3A_51 = arith.constant 0 : i32
      %dma_start3A_52 = tpu.memref_slice %arg4[%add3A_48, %dma_start3A_51] : memref<16384x384xf32, #tpu.memory_space<hbm>> -> memref<128x384xf32, #tpu.memory_space<hbm>>
      tpu.enqueue_dma source(%arg6 : memref<128x384xf32, #tpu.memory_space<vmem>>) target(%dma_start3A_52 : memref<128x384xf32, #tpu.memory_space<hbm>>) target_semaphore(%run_scoped3A : memref<!tpu.dma_semaphore, #tpu.memory_space<semaphore_mem>>)
      %dma_wait3A_53 = arith.constant 0 : i32
      %dma_wait3A_54 = tpu.memref_slice %arg4[%add3A_48, %dma_wait3A_53] : memref<16384x384xf32, #tpu.memory_space<hbm>> -> memref<128x384xf32, #tpu.memory_space<hbm>>
      %dma_wait3A_55 = arith.constant 0 : i32
      %dma_wait3A_56 = tpu.memref_slice %arg4[%add3A_48, %dma_wait3A_55] : memref<16384x384xf32, #tpu.memory_space<hbm>> -> memref<128x384xf32, #tpu.memory_space<hbm>>
      tpu.wait_dma2 semaphore(%run_scoped3A : memref<!tpu.dma_semaphore, #tpu.memory_space<semaphore_mem>>) src(%arg6 : memref<128x384xf32, #tpu.memory_space<vmem>>) dst(%dma_wait3A_56 : memref<128x384xf32, #tpu.memory_space<hbm>>)
      tpu.yield
    }) : () -> ()
    return
  }
}

module attributes {stable_mosaic.version = 14 : i64} {
  func.func @body(%arg0: i32, %arg1: memref<8x128xf32, #tpu.memory_space<any>>, %arg2: memref<512xi32, #tpu.memory_space<vmem>>, %arg3: memref<512x384xf32, #tpu.memory_space<vmem>>, %arg4: memref<512x768xf32, #tpu.memory_space<vmem>>, %arg5: memref<2x768xf32, #tpu.memory_space<vmem>>, %arg6: memref<2x768xf32, #tpu.memory_space<vmem>>, %arg7: memref<512x768xf32, #tpu.memory_space<vmem>>) attributes {dimension_semantics = [#tpu.dimension_semantics<arbitrary>], iteration_bounds = array<i64: 32>, scalar_prefetch = 0 : i64, scratch_operands = 0 : i64, tpu.core_type = #tpu.core_type<tc>, window_params = [{}, {transform_indices = @transform_1, window_bounds = array<i64: 512>}, {transform_indices = @transform_2, window_bounds = array<i64: 512, 384>}, {pipeline_mode = #tpu.pipeline_mode<synchronous>, transform_indices = @transform_3, window_bounds = array<i64: 512, 768>}, {pipeline_mode = #tpu.pipeline_mode<synchronous>, transform_indices = @transform_4, window_bounds = array<i64: 2, 768>}, {pipeline_mode = #tpu.pipeline_mode<synchronous>, transform_indices = @transform_5, window_bounds = array<i64: 2, 768>}, {transform_indices = @transform_6, window_bounds = array<i64: 512, 768>}]} {
    %get3A = arith.constant 0 : index
    %get3A_0 = vector.load %arg2[%get3A] : memref<512xi32, #tpu.memory_space<vmem>>, vector<512xi32>
    %convert_element_type3A = arith.sitofp %get3A_0 : vector<512xi32> to vector<512xf32>
    %broadcast_in_dim3A = vector.shape_cast %convert_element_type3A : vector<512xf32> to vector<512x1xf32>
    %get3A_1 = arith.constant 0 : index
    %get3A_2 = arith.constant 0 : index
    %get3A_3 = vector.load %arg5[%get3A_1, %get3A_2] : memref<2x768xf32, #tpu.memory_space<vmem>>, vector<1x768xf32>
    %get3A_4 = vector.shape_cast %get3A_3 : vector<1x768xf32> to vector<768xf32>
    %broadcast_in_dim3A_5 = vector.shape_cast %get3A_4 : vector<768xf32> to vector<1x768xf32>
    %get3A_6 = arith.constant 1 : index
    %get3A_7 = arith.constant 0 : index
    %get3A_8 = vector.load %arg5[%get3A_6, %get3A_7] : memref<2x768xf32, #tpu.memory_space<vmem>>, vector<1x768xf32>
    %get3A_9 = vector.shape_cast %get3A_8 : vector<1x768xf32> to vector<768xf32>
    %get3A_10 = arith.constant 0 : index
    %get3A_11 = arith.constant 0 : index
    %get3A_12 = vector.load %arg5[%get3A_10, %get3A_11] : memref<2x768xf32, #tpu.memory_space<vmem>>, vector<1x768xf32>
    %get3A_13 = vector.shape_cast %get3A_12 : vector<1x768xf32> to vector<768xf32>
    %sub3A = arith.subf %get3A_9, %get3A_13 : vector<768xf32>
    %broadcast_in_dim3A_14 = vector.shape_cast %sub3A : vector<768xf32> to vector<1x768xf32>
    %get3A_15 = arith.constant 0 : index
    %get3A_16 = arith.constant 0 : index
    %get3A_17 = vector.load %arg3[%get3A_15, %get3A_16] : memref<512x384xf32, #tpu.memory_space<vmem>>, vector<512x384xf32>
    %bitcast_convert_type3A = tpu.bitcast %get3A_17 : vector<512x384xf32> -> vector<512x384xi32>
    %shift_left3A = arith.constant 16 : i32
    %shift_left3A_18 = vector.broadcast %shift_left3A : i32 to vector<512x384xi32>
    %shift_left3A_19 = arith.shli %bitcast_convert_type3A, %shift_left3A_18 : vector<512x384xi32>
    %bitcast_convert_type3A_20 = tpu.bitcast %shift_left3A_19 : vector<512x384xi32> -> vector<512x384xf32>
    %and3A = arith.constant -65536 : i32
    %and3A_21 = vector.broadcast %and3A : i32 to vector<512x384xi32>
    %and3A_22 = arith.andi %bitcast_convert_type3A, %and3A_21 : vector<512x384xi32>
    %bitcast_convert_type3A_23 = tpu.bitcast %and3A_22 : vector<512x384xi32> -> vector<512x384xf32>
    %concatenate3A = tpu.concatenate %bitcast_convert_type3A_20, %bitcast_convert_type3A_23 in 1 : vector<512x384xf32>, vector<512x384xf32> -> vector<512x768xf32>
    %get3A_24 = arith.constant 0 : index
    %get3A_25 = arith.constant 0 : index
    %get3A_26 = vector.load %arg4[%get3A_24, %get3A_25] : memref<512x768xf32, #tpu.memory_space<vmem>>, vector<512x768xf32>
    %add3A = arith.addf %concatenate3A, %get3A_26 : vector<512x768xf32>
    %add3A_27 = vector.broadcast %broadcast_in_dim3A_5 : vector<1x768xf32> to vector<512x768xf32>
    %add3A_28 = arith.addf %add3A, %add3A_27 : vector<512x768xf32>
    %mul3A = vector.broadcast %broadcast_in_dim3A : vector<512x1xf32> to vector<512x768xf32>
    %mul3A_29 = vector.broadcast %broadcast_in_dim3A_14 : vector<1x768xf32> to vector<512x768xf32>
    %mul3A_30 = arith.mulf %mul3A, %mul3A_29 : vector<512x768xf32>
    %add3A_31 = arith.addf %add3A_28, %mul3A_30 : vector<512x768xf32>
    %reduce_sum3A = arith.constant dense<0.000000e+00> : vector<512xf32>
    %reduce_sum3A_32 = vector.multi_reduction <add>, %add3A_31, %reduce_sum3A [1] : vector<512x768xf32> to vector<512xf32>
    %broadcast_in_dim3A_33 = vector.shape_cast %reduce_sum3A_32 : vector<512xf32> to vector<512x1xf32>
    %div3A = arith.constant 7.680000e+02 : f32
    %div3A_34 = vector.broadcast %div3A : f32 to vector<512x1xf32>
    %div3A_35 = arith.divf %broadcast_in_dim3A_33, %div3A_34 : vector<512x1xf32>
    %sub3A_36 = vector.broadcast %div3A_35 : vector<512x1xf32> to vector<512x768xf32>
    %sub3A_37 = arith.subf %add3A_31, %sub3A_36 : vector<512x768xf32>
    %mul3A_38 = arith.mulf %sub3A_37, %sub3A_37 : vector<512x768xf32>
    %reduce_sum3A_39 = arith.constant dense<0.000000e+00> : vector<512xf32>
    %reduce_sum3A_40 = vector.multi_reduction <add>, %mul3A_38, %reduce_sum3A_39 [1] : vector<512x768xf32> to vector<512xf32>
    %broadcast_in_dim3A_41 = vector.shape_cast %reduce_sum3A_40 : vector<512xf32> to vector<512x1xf32>
    %div3A_42 = arith.constant 7.680000e+02 : f32
    %div3A_43 = vector.broadcast %div3A_42 : f32 to vector<512x1xf32>
    %div3A_44 = arith.divf %broadcast_in_dim3A_41, %div3A_43 : vector<512x1xf32>
    %add3A_45 = arith.constant 9.99999996E-13 : f32
    %add3A_46 = vector.broadcast %add3A_45 : f32 to vector<512x1xf32>
    %add3A_47 = arith.addf %div3A_44, %add3A_46 : vector<512x1xf32>
    %rsqrt3A = math.rsqrt %add3A_47 : vector<512x1xf32>
    %mul3A_48 = vector.broadcast %rsqrt3A : vector<512x1xf32> to vector<512x768xf32>
    %mul3A_49 = arith.mulf %sub3A_37, %mul3A_48 : vector<512x768xf32>
    %get3A_50 = arith.constant 0 : index
    %get3A_51 = arith.constant 0 : index
    %get3A_52 = vector.load %arg6[%get3A_50, %get3A_51] : memref<2x768xf32, #tpu.memory_space<vmem>>, vector<1x768xf32>
    %get3A_53 = vector.shape_cast %get3A_52 : vector<1x768xf32> to vector<768xf32>
    %broadcast_in_dim3A_54 = vector.shape_cast %get3A_53 : vector<768xf32> to vector<1x768xf32>
    %mul3A_55 = vector.broadcast %broadcast_in_dim3A_54 : vector<1x768xf32> to vector<512x768xf32>
    %mul3A_56 = arith.mulf %mul3A_49, %mul3A_55 : vector<512x768xf32>
    %get3A_57 = arith.constant 1 : index
    %get3A_58 = arith.constant 0 : index
    %get3A_59 = vector.load %arg6[%get3A_57, %get3A_58] : memref<2x768xf32, #tpu.memory_space<vmem>>, vector<1x768xf32>
    %get3A_60 = vector.shape_cast %get3A_59 : vector<1x768xf32> to vector<768xf32>
    %broadcast_in_dim3A_61 = vector.shape_cast %get3A_60 : vector<768xf32> to vector<1x768xf32>
    %add3A_62 = vector.broadcast %broadcast_in_dim3A_61 : vector<1x768xf32> to vector<512x768xf32>
    %add3A_63 = arith.addf %mul3A_56, %add3A_62 : vector<512x768xf32>
    %swap3A = arith.constant 0 : index
    %swap3A_64 = arith.constant 0 : index
    %swap3A_65 = vector.load %arg7[%swap3A, %swap3A_64] : memref<512x768xf32, #tpu.memory_space<vmem>>, vector<512x768xf32>
    tpu.vector_store %arg7[%swap3A, %swap3A_64], %add3A_63 {strides = array<i32>} : memref<512x768xf32, #tpu.memory_space<vmem>>, vector<512x768xf32>,
    return
  }
  func.func @transform_1(%arg0: i32) -> i32 {
    %c0_i32 = arith.constant 0 : i32
    return %arg0 : i32
  }
  func.func @transform_2(%arg0: i32) -> (i32, i32) {
    %c0_i32 = arith.constant 0 : i32
    %c0_i32_0 = arith.constant 0 : i32
    return %arg0, %c0_i32 : i32, i32
  }
  func.func @transform_3(%arg0: i32) -> (i32, i32) {
    %c0_i32 = arith.constant 0 : i32
    %c0_i32_0 = arith.constant 0 : i32
    %c0_i32_1 = arith.constant 0 : i32
    return %c0_i32, %c0_i32_0 : i32, i32
  }
  func.func @transform_4(%arg0: i32) -> (i32, i32) {
    %c0_i32 = arith.constant 0 : i32
    %c0_i32_0 = arith.constant 0 : i32
    %c0_i32_1 = arith.constant 0 : i32
    return %c0_i32, %c0_i32_0 : i32, i32
  }
  func.func @transform_5(%arg0: i32) -> (i32, i32) {
    %c0_i32 = arith.constant 0 : i32
    %c0_i32_0 = arith.constant 0 : i32
    %c0_i32_1 = arith.constant 0 : i32
    return %c0_i32, %c0_i32_0 : i32, i32
  }
  func.func @transform_6(%arg0: i32) -> (i32, i32) {
    %add3A = arith.constant 0 : i32
    %add3A_0 = arith.addi %add3A, %arg0 : i32
    %c0_i32 = arith.constant 0 : i32
    %c0_i32_1 = arith.constant 0 : i32
    return %add3A_0, %c0_i32 : i32, i32
  }
}

module attributes {stable_mosaic.version = 14 : i64} {
  func.func @body(%arg0: i32, %arg1: memref<65536x768xf32, #tpu.memory_space<any>>, %arg2: memref<512xi32, #tpu.memory_space<vmem>>, %arg3: memref<512x384xf32, #tpu.memory_space<vmem>>, %arg4: memref<512x768xf32, #tpu.memory_space<vmem>>, %arg5: memref<2x768xf32, #tpu.memory_space<vmem>>, %arg6: memref<2x768xf32, #tpu.memory_space<vmem>>, %arg7: memref<512x768xf32, #tpu.memory_space<vmem>>) attributes {dimension_semantics = [#tpu.dimension_semantics<arbitrary>], iteration_bounds = array<i64: 32>, scalar_prefetch = 0 : i64, scratch_operands = 0 : i64, tpu.core_type = #tpu.core_type<tc>, window_params = [{}, {transform_indices = @transform_1, window_bounds = array<i64: 512>}, {transform_indices = @transform_2, window_bounds = array<i64: 512, 384>}, {pipeline_mode = #tpu.pipeline_mode<synchronous>, transform_indices = @transform_3, window_bounds = array<i64: 512, 768>}, {pipeline_mode = #tpu.pipeline_mode<synchronous>, transform_indices = @transform_4, window_bounds = array<i64: 2, 768>}, {pipeline_mode = #tpu.pipeline_mode<synchronous>, transform_indices = @transform_5, window_bounds = array<i64: 2, 768>}, {transform_indices = @transform_6, window_bounds = array<i64: 512, 768>}]} {
    %get3A = arith.constant 0 : index
    %get3A_0 = vector.load %arg2[%get3A] : memref<512xi32, #tpu.memory_space<vmem>>, vector<512xi32>
    %convert_element_type3A = arith.sitofp %get3A_0 : vector<512xi32> to vector<512xf32>
    %broadcast_in_dim3A = vector.shape_cast %convert_element_type3A : vector<512xf32> to vector<512x1xf32>
    %get3A_1 = arith.constant 0 : index
    %get3A_2 = arith.constant 0 : index
    %get3A_3 = vector.load %arg5[%get3A_1, %get3A_2] : memref<2x768xf32, #tpu.memory_space<vmem>>, vector<1x768xf32>
    %get3A_4 = vector.shape_cast %get3A_3 : vector<1x768xf32> to vector<768xf32>
    %broadcast_in_dim3A_5 = vector.shape_cast %get3A_4 : vector<768xf32> to vector<1x768xf32>
    %get3A_6 = arith.constant 1 : index
    %get3A_7 = arith.constant 0 : index
    %get3A_8 = vector.load %arg5[%get3A_6, %get3A_7] : memref<2x768xf32, #tpu.memory_space<vmem>>, vector<1x768xf32>
    %get3A_9 = vector.shape_cast %get3A_8 : vector<1x768xf32> to vector<768xf32>
    %get3A_10 = arith.constant 0 : index
    %get3A_11 = arith.constant 0 : index
    %get3A_12 = vector.load %arg5[%get3A_10, %get3A_11] : memref<2x768xf32, #tpu.memory_space<vmem>>, vector<1x768xf32>
    %get3A_13 = vector.shape_cast %get3A_12 : vector<1x768xf32> to vector<768xf32>
    %sub3A = arith.subf %get3A_9, %get3A_13 : vector<768xf32>
    %broadcast_in_dim3A_14 = vector.shape_cast %sub3A : vector<768xf32> to vector<1x768xf32>
    %get3A_15 = arith.constant 0 : index
    %get3A_16 = arith.constant 0 : index
    %get3A_17 = vector.load %arg3[%get3A_15, %get3A_16] : memref<512x384xf32, #tpu.memory_space<vmem>>, vector<512x384xf32>
    %bitcast_convert_type3A = tpu.bitcast %get3A_17 : vector<512x384xf32> -> vector<512x384xi32>
    %shift_left3A = arith.constant 16 : i32
    %shift_left3A_18 = vector.broadcast %shift_left3A : i32 to vector<512x384xi32>
    %shift_left3A_19 = arith.shli %bitcast_convert_type3A, %shift_left3A_18 : vector<512x384xi32>
    %bitcast_convert_type3A_20 = tpu.bitcast %shift_left3A_19 : vector<512x384xi32> -> vector<512x384xf32>
    %and3A = arith.constant -65536 : i32
    %and3A_21 = vector.broadcast %and3A : i32 to vector<512x384xi32>
    %and3A_22 = arith.andi %bitcast_convert_type3A, %and3A_21 : vector<512x384xi32>
    %bitcast_convert_type3A_23 = tpu.bitcast %and3A_22 : vector<512x384xi32> -> vector<512x384xf32>
    %concatenate3A = tpu.concatenate %bitcast_convert_type3A_20, %bitcast_convert_type3A_23 in 1 : vector<512x384xf32>, vector<512x384xf32> -> vector<512x768xf32>
    %get3A_24 = arith.constant 0 : index
    %get3A_25 = arith.constant 0 : index
    %get3A_26 = vector.load %arg4[%get3A_24, %get3A_25] : memref<512x768xf32, #tpu.memory_space<vmem>>, vector<512x768xf32>
    %add3A = arith.addf %concatenate3A, %get3A_26 : vector<512x768xf32>
    %add3A_27 = vector.broadcast %broadcast_in_dim3A_5 : vector<1x768xf32> to vector<512x768xf32>
    %add3A_28 = arith.addf %add3A, %add3A_27 : vector<512x768xf32>
    %mul3A = vector.broadcast %broadcast_in_dim3A : vector<512x1xf32> to vector<512x768xf32>
    %mul3A_29 = vector.broadcast %broadcast_in_dim3A_14 : vector<1x768xf32> to vector<512x768xf32>
    %mul3A_30 = arith.mulf %mul3A, %mul3A_29 : vector<512x768xf32>
    %add3A_31 = arith.addf %add3A_28, %mul3A_30 : vector<512x768xf32>
    %reduce_sum3A = arith.constant dense<0.000000e+00> : vector<512xf32>
    %reduce_sum3A_32 = vector.multi_reduction <add>, %add3A_31, %reduce_sum3A [1] : vector<512x768xf32> to vector<512xf32>
    %broadcast_in_dim3A_33 = vector.shape_cast %reduce_sum3A_32 : vector<512xf32> to vector<512x1xf32>
    %div3A = arith.constant 7.680000e+02 : f32
    %div3A_34 = vector.broadcast %div3A : f32 to vector<512x1xf32>
    %div3A_35 = arith.divf %broadcast_in_dim3A_33, %div3A_34 : vector<512x1xf32>
    %sub3A_36 = vector.broadcast %div3A_35 : vector<512x1xf32> to vector<512x768xf32>
    %sub3A_37 = arith.subf %add3A_31, %sub3A_36 : vector<512x768xf32>
    %mul3A_38 = arith.mulf %sub3A_37, %sub3A_37 : vector<512x768xf32>
    %reduce_sum3A_39 = arith.constant dense<0.000000e+00> : vector<512xf32>
    %reduce_sum3A_40 = vector.multi_reduction <add>, %mul3A_38, %reduce_sum3A_39 [1] : vector<512x768xf32> to vector<512xf32>
    %broadcast_in_dim3A_41 = vector.shape_cast %reduce_sum3A_40 : vector<512xf32> to vector<512x1xf32>
    %div3A_42 = arith.constant 7.680000e+02 : f32
    %div3A_43 = vector.broadcast %div3A_42 : f32 to vector<512x1xf32>
    %div3A_44 = arith.divf %broadcast_in_dim3A_41, %div3A_43 : vector<512x1xf32>
    %add3A_45 = arith.constant 9.99999996E-13 : f32
    %add3A_46 = vector.broadcast %add3A_45 : f32 to vector<512x1xf32>
    %add3A_47 = arith.addf %div3A_44, %add3A_46 : vector<512x1xf32>
    %rsqrt3A = math.rsqrt %add3A_47 : vector<512x1xf32>
    %mul3A_48 = vector.broadcast %rsqrt3A : vector<512x1xf32> to vector<512x768xf32>
    %mul3A_49 = arith.mulf %sub3A_37, %mul3A_48 : vector<512x768xf32>
    %get3A_50 = arith.constant 0 : index
    %get3A_51 = arith.constant 0 : index
    %get3A_52 = vector.load %arg6[%get3A_50, %get3A_51] : memref<2x768xf32, #tpu.memory_space<vmem>>, vector<1x768xf32>
    %get3A_53 = vector.shape_cast %get3A_52 : vector<1x768xf32> to vector<768xf32>
    %broadcast_in_dim3A_54 = vector.shape_cast %get3A_53 : vector<768xf32> to vector<1x768xf32>
    %mul3A_55 = vector.broadcast %broadcast_in_dim3A_54 : vector<1x768xf32> to vector<512x768xf32>
    %mul3A_56 = arith.mulf %mul3A_49, %mul3A_55 : vector<512x768xf32>
    %get3A_57 = arith.constant 1 : index
    %get3A_58 = arith.constant 0 : index
    %get3A_59 = vector.load %arg6[%get3A_57, %get3A_58] : memref<2x768xf32, #tpu.memory_space<vmem>>, vector<1x768xf32>
    %get3A_60 = vector.shape_cast %get3A_59 : vector<1x768xf32> to vector<768xf32>
    %broadcast_in_dim3A_61 = vector.shape_cast %get3A_60 : vector<768xf32> to vector<1x768xf32>
    %add3A_62 = vector.broadcast %broadcast_in_dim3A_61 : vector<1x768xf32> to vector<512x768xf32>
    %add3A_63 = arith.addf %mul3A_56, %add3A_62 : vector<512x768xf32>
    %swap3A = arith.constant 0 : index
    %swap3A_64 = arith.constant 0 : index
    %swap3A_65 = vector.load %arg7[%swap3A, %swap3A_64] : memref<512x768xf32, #tpu.memory_space<vmem>>, vector<512x768xf32>
    tpu.vector_store %arg7[%swap3A, %swap3A_64], %add3A_63 {strides = array<i32>} : memref<512x768xf32, #tpu.memory_space<vmem>>, vector<512x768xf32>,
    return
  }
  func.func @transform_1(%arg0: i32) -> i32 {
    %c0_i32 = arith.constant 0 : i32
    return %arg0 : i32
  }
  func.func @transform_2(%arg0: i32) -> (i32, i32) {
    %c0_i32 = arith.constant 0 : i32
    %c0_i32_0 = arith.constant 0 : i32
    return %arg0, %c0_i32 : i32, i32
  }
  func.func @transform_3(%arg0: i32) -> (i32, i32) {
    %c0_i32 = arith.constant 0 : i32
    %c0_i32_0 = arith.constant 0 : i32
    %c0_i32_1 = arith.constant 0 : i32
    return %c0_i32, %c0_i32_0 : i32, i32
  }
  func.func @transform_4(%arg0: i32) -> (i32, i32) {
    %c0_i32 = arith.constant 0 : i32
    %c0_i32_0 = arith.constant 0 : i32
    %c0_i32_1 = arith.constant 0 : i32
    return %c0_i32, %c0_i32_0 : i32, i32
  }
  func.func @transform_5(%arg0: i32) -> (i32, i32) {
    %c0_i32 = arith.constant 0 : i32
    %c0_i32_0 = arith.constant 0 : i32
    %c0_i32_1 = arith.constant 0 : i32
    return %c0_i32, %c0_i32_0 : i32, i32
  }
  func.func @transform_6(%arg0: i32) -> (i32, i32) {
    %add3A = arith.constant 32 : i32
    %add3A_0 = arith.addi %add3A, %arg0 : i32
    %c0_i32 = arith.constant 0 : i32
    %c0_i32_1 = arith.constant 0 : i32
    return %add3A_0, %c0_i32 : i32, i32
  }
}

module attributes {stable_mosaic.version = 14 : i64} {
  func.func @body(%arg0: i32, %arg1: memref<65536x768xf32, #tpu.memory_space<any>>, %arg2: memref<512xi32, #tpu.memory_space<vmem>>, %arg3: memref<512x384xf32, #tpu.memory_space<vmem>>, %arg4: memref<512x768xf32, #tpu.memory_space<vmem>>, %arg5: memref<2x768xf32, #tpu.memory_space<vmem>>, %arg6: memref<2x768xf32, #tpu.memory_space<vmem>>, %arg7: memref<512x768xf32, #tpu.memory_space<vmem>>) attributes {dimension_semantics = [#tpu.dimension_semantics<arbitrary>], iteration_bounds = array<i64: 32>, scalar_prefetch = 0 : i64, scratch_operands = 0 : i64, tpu.core_type = #tpu.core_type<tc>, window_params = [{}, {transform_indices = @transform_1, window_bounds = array<i64: 512>}, {transform_indices = @transform_2, window_bounds = array<i64: 512, 384>}, {pipeline_mode = #tpu.pipeline_mode<synchronous>, transform_indices = @transform_3, window_bounds = array<i64: 512, 768>}, {pipeline_mode = #tpu.pipeline_mode<synchronous>, transform_indices = @transform_4, window_bounds = array<i64: 2, 768>}, {pipeline_mode = #tpu.pipeline_mode<synchronous>, transform_indices = @transform_5, window_bounds = array<i64: 2, 768>}, {transform_indices = @transform_6, window_bounds = array<i64: 512, 768>}]} {
    %get3A = arith.constant 0 : index
    %get3A_0 = vector.load %arg2[%get3A] : memref<512xi32, #tpu.memory_space<vmem>>, vector<512xi32>
    %convert_element_type3A = arith.sitofp %get3A_0 : vector<512xi32> to vector<512xf32>
    %broadcast_in_dim3A = vector.shape_cast %convert_element_type3A : vector<512xf32> to vector<512x1xf32>
    %get3A_1 = arith.constant 0 : index
    %get3A_2 = arith.constant 0 : index
    %get3A_3 = vector.load %arg5[%get3A_1, %get3A_2] : memref<2x768xf32, #tpu.memory_space<vmem>>, vector<1x768xf32>
    %get3A_4 = vector.shape_cast %get3A_3 : vector<1x768xf32> to vector<768xf32>
    %broadcast_in_dim3A_5 = vector.shape_cast %get3A_4 : vector<768xf32> to vector<1x768xf32>
    %get3A_6 = arith.constant 1 : index
    %get3A_7 = arith.constant 0 : index
    %get3A_8 = vector.load %arg5[%get3A_6, %get3A_7] : memref<2x768xf32, #tpu.memory_space<vmem>>, vector<1x768xf32>
    %get3A_9 = vector.shape_cast %get3A_8 : vector<1x768xf32> to vector<768xf32>
    %get3A_10 = arith.constant 0 : index
    %get3A_11 = arith.constant 0 : index
    %get3A_12 = vector.load %arg5[%get3A_10, %get3A_11] : memref<2x768xf32, #tpu.memory_space<vmem>>, vector<1x768xf32>
    %get3A_13 = vector.shape_cast %get3A_12 : vector<1x768xf32> to vector<768xf32>
    %sub3A = arith.subf %get3A_9, %get3A_13 : vector<768xf32>
    %broadcast_in_dim3A_14 = vector.shape_cast %sub3A : vector<768xf32> to vector<1x768xf32>
    %get3A_15 = arith.constant 0 : index
    %get3A_16 = arith.constant 0 : index
    %get3A_17 = vector.load %arg3[%get3A_15, %get3A_16] : memref<512x384xf32, #tpu.memory_space<vmem>>, vector<512x384xf32>
    %bitcast_convert_type3A = tpu.bitcast %get3A_17 : vector<512x384xf32> -> vector<512x384xi32>
    %shift_left3A = arith.constant 16 : i32
    %shift_left3A_18 = vector.broadcast %shift_left3A : i32 to vector<512x384xi32>
    %shift_left3A_19 = arith.shli %bitcast_convert_type3A, %shift_left3A_18 : vector<512x384xi32>
    %bitcast_convert_type3A_20 = tpu.bitcast %shift_left3A_19 : vector<512x384xi32> -> vector<512x384xf32>
    %and3A = arith.constant -65536 : i32
    %and3A_21 = vector.broadcast %and3A : i32 to vector<512x384xi32>
    %and3A_22 = arith.andi %bitcast_convert_type3A, %and3A_21 : vector<512x384xi32>
    %bitcast_convert_type3A_23 = tpu.bitcast %and3A_22 : vector<512x384xi32> -> vector<512x384xf32>
    %concatenate3A = tpu.concatenate %bitcast_convert_type3A_20, %bitcast_convert_type3A_23 in 1 : vector<512x384xf32>, vector<512x384xf32> -> vector<512x768xf32>
    %get3A_24 = arith.constant 0 : index
    %get3A_25 = arith.constant 0 : index
    %get3A_26 = vector.load %arg4[%get3A_24, %get3A_25] : memref<512x768xf32, #tpu.memory_space<vmem>>, vector<512x768xf32>
    %add3A = arith.addf %concatenate3A, %get3A_26 : vector<512x768xf32>
    %add3A_27 = vector.broadcast %broadcast_in_dim3A_5 : vector<1x768xf32> to vector<512x768xf32>
    %add3A_28 = arith.addf %add3A, %add3A_27 : vector<512x768xf32>
    %mul3A = vector.broadcast %broadcast_in_dim3A : vector<512x1xf32> to vector<512x768xf32>
    %mul3A_29 = vector.broadcast %broadcast_in_dim3A_14 : vector<1x768xf32> to vector<512x768xf32>
    %mul3A_30 = arith.mulf %mul3A, %mul3A_29 : vector<512x768xf32>
    %add3A_31 = arith.addf %add3A_28, %mul3A_30 : vector<512x768xf32>
    %reduce_sum3A = arith.constant dense<0.000000e+00> : vector<512xf32>
    %reduce_sum3A_32 = vector.multi_reduction <add>, %add3A_31, %reduce_sum3A [1] : vector<512x768xf32> to vector<512xf32>
    %broadcast_in_dim3A_33 = vector.shape_cast %reduce_sum3A_32 : vector<512xf32> to vector<512x1xf32>
    %div3A = arith.constant 7.680000e+02 : f32
    %div3A_34 = vector.broadcast %div3A : f32 to vector<512x1xf32>
    %div3A_35 = arith.divf %broadcast_in_dim3A_33, %div3A_34 : vector<512x1xf32>
    %sub3A_36 = vector.broadcast %div3A_35 : vector<512x1xf32> to vector<512x768xf32>
    %sub3A_37 = arith.subf %add3A_31, %sub3A_36 : vector<512x768xf32>
    %mul3A_38 = arith.mulf %sub3A_37, %sub3A_37 : vector<512x768xf32>
    %reduce_sum3A_39 = arith.constant dense<0.000000e+00> : vector<512xf32>
    %reduce_sum3A_40 = vector.multi_reduction <add>, %mul3A_38, %reduce_sum3A_39 [1] : vector<512x768xf32> to vector<512xf32>
    %broadcast_in_dim3A_41 = vector.shape_cast %reduce_sum3A_40 : vector<512xf32> to vector<512x1xf32>
    %div3A_42 = arith.constant 7.680000e+02 : f32
    %div3A_43 = vector.broadcast %div3A_42 : f32 to vector<512x1xf32>
    %div3A_44 = arith.divf %broadcast_in_dim3A_41, %div3A_43 : vector<512x1xf32>
    %add3A_45 = arith.constant 9.99999996E-13 : f32
    %add3A_46 = vector.broadcast %add3A_45 : f32 to vector<512x1xf32>
    %add3A_47 = arith.addf %div3A_44, %add3A_46 : vector<512x1xf32>
    %rsqrt3A = math.rsqrt %add3A_47 : vector<512x1xf32>
    %mul3A_48 = vector.broadcast %rsqrt3A : vector<512x1xf32> to vector<512x768xf32>
    %mul3A_49 = arith.mulf %sub3A_37, %mul3A_48 : vector<512x768xf32>
    %get3A_50 = arith.constant 0 : index
    %get3A_51 = arith.constant 0 : index
    %get3A_52 = vector.load %arg6[%get3A_50, %get3A_51] : memref<2x768xf32, #tpu.memory_space<vmem>>, vector<1x768xf32>
    %get3A_53 = vector.shape_cast %get3A_52 : vector<1x768xf32> to vector<768xf32>
    %broadcast_in_dim3A_54 = vector.shape_cast %get3A_53 : vector<768xf32> to vector<1x768xf32>
    %mul3A_55 = vector.broadcast %broadcast_in_dim3A_54 : vector<1x768xf32> to vector<512x768xf32>
    %mul3A_56 = arith.mulf %mul3A_49, %mul3A_55 : vector<512x768xf32>
    %get3A_57 = arith.constant 1 : index
    %get3A_58 = arith.constant 0 : index
    %get3A_59 = vector.load %arg6[%get3A_57, %get3A_58] : memref<2x768xf32, #tpu.memory_space<vmem>>, vector<1x768xf32>
    %get3A_60 = vector.shape_cast %get3A_59 : vector<1x768xf32> to vector<768xf32>
    %broadcast_in_dim3A_61 = vector.shape_cast %get3A_60 : vector<768xf32> to vector<1x768xf32>
    %add3A_62 = vector.broadcast %broadcast_in_dim3A_61 : vector<1x768xf32> to vector<512x768xf32>
    %add3A_63 = arith.addf %mul3A_56, %add3A_62 : vector<512x768xf32>
    %swap3A = arith.constant 0 : index
    %swap3A_64 = arith.constant 0 : index
    %swap3A_65 = vector.load %arg7[%swap3A, %swap3A_64] : memref<512x768xf32, #tpu.memory_space<vmem>>, vector<512x768xf32>
    tpu.vector_store %arg7[%swap3A, %swap3A_64], %add3A_63 {strides = array<i32>} : memref<512x768xf32, #tpu.memory_space<vmem>>, vector<512x768xf32>,
    return
  }
  func.func @transform_1(%arg0: i32) -> i32 {
    %c0_i32 = arith.constant 0 : i32
    return %arg0 : i32
  }
  func.func @transform_2(%arg0: i32) -> (i32, i32) {
    %c0_i32 = arith.constant 0 : i32
    %c0_i32_0 = arith.constant 0 : i32
    return %arg0, %c0_i32 : i32, i32
  }
  func.func @transform_3(%arg0: i32) -> (i32, i32) {
    %c0_i32 = arith.constant 0 : i32
    %c0_i32_0 = arith.constant 0 : i32
    %c0_i32_1 = arith.constant 0 : i32
    return %c0_i32, %c0_i32_0 : i32, i32
  }
  func.func @transform_4(%arg0: i32) -> (i32, i32) {
    %c0_i32 = arith.constant 0 : i32
    %c0_i32_0 = arith.constant 0 : i32
    %c0_i32_1 = arith.constant 0 : i32
    return %c0_i32, %c0_i32_0 : i32, i32
  }
  func.func @transform_5(%arg0: i32) -> (i32, i32) {
    %c0_i32 = arith.constant 0 : i32
    %c0_i32_0 = arith.constant 0 : i32
    %c0_i32_1 = arith.constant 0 : i32
    return %c0_i32, %c0_i32_0 : i32, i32
  }
  func.func @transform_6(%arg0: i32) -> (i32, i32) {
    %add3A = arith.constant 64 : i32
    %add3A_0 = arith.addi %add3A, %arg0 : i32
    %c0_i32 = arith.constant 0 : i32
    %c0_i32_1 = arith.constant 0 : i32
    return %add3A_0, %c0_i32 : i32, i32
  }
}

module attributes {stable_mosaic.version = 14 : i64} {
  func.func @body(%arg0: i32, %arg1: memref<65536x768xf32, #tpu.memory_space<any>>, %arg2: memref<512xi32, #tpu.memory_space<vmem>>, %arg3: memref<512x384xf32, #tpu.memory_space<vmem>>, %arg4: memref<512x768xf32, #tpu.memory_space<vmem>>, %arg5: memref<2x768xf32, #tpu.memory_space<vmem>>, %arg6: memref<2x768xf32, #tpu.memory_space<vmem>>, %arg7: memref<512x768xf32, #tpu.memory_space<vmem>>) attributes {dimension_semantics = [#tpu.dimension_semantics<arbitrary>], iteration_bounds = array<i64: 32>, scalar_prefetch = 0 : i64, scratch_operands = 0 : i64, tpu.core_type = #tpu.core_type<tc>, window_params = [{}, {transform_indices = @transform_1, window_bounds = array<i64: 512>}, {transform_indices = @transform_2, window_bounds = array<i64: 512, 384>}, {pipeline_mode = #tpu.pipeline_mode<synchronous>, transform_indices = @transform_3, window_bounds = array<i64: 512, 768>}, {pipeline_mode = #tpu.pipeline_mode<synchronous>, transform_indices = @transform_4, window_bounds = array<i64: 2, 768>}, {pipeline_mode = #tpu.pipeline_mode<synchronous>, transform_indices = @transform_5, window_bounds = array<i64: 2, 768>}, {transform_indices = @transform_6, window_bounds = array<i64: 512, 768>}]} {
    %get3A = arith.constant 0 : index
    %get3A_0 = vector.load %arg2[%get3A] : memref<512xi32, #tpu.memory_space<vmem>>, vector<512xi32>
    %convert_element_type3A = arith.sitofp %get3A_0 : vector<512xi32> to vector<512xf32>
    %broadcast_in_dim3A = vector.shape_cast %convert_element_type3A : vector<512xf32> to vector<512x1xf32>
    %get3A_1 = arith.constant 0 : index
    %get3A_2 = arith.constant 0 : index
    %get3A_3 = vector.load %arg5[%get3A_1, %get3A_2] : memref<2x768xf32, #tpu.memory_space<vmem>>, vector<1x768xf32>
    %get3A_4 = vector.shape_cast %get3A_3 : vector<1x768xf32> to vector<768xf32>
    %broadcast_in_dim3A_5 = vector.shape_cast %get3A_4 : vector<768xf32> to vector<1x768xf32>
    %get3A_6 = arith.constant 1 : index
    %get3A_7 = arith.constant 0 : index
    %get3A_8 = vector.load %arg5[%get3A_6, %get3A_7] : memref<2x768xf32, #tpu.memory_space<vmem>>, vector<1x768xf32>
    %get3A_9 = vector.shape_cast %get3A_8 : vector<1x768xf32> to vector<768xf32>
    %get3A_10 = arith.constant 0 : index
    %get3A_11 = arith.constant 0 : index
    %get3A_12 = vector.load %arg5[%get3A_10, %get3A_11] : memref<2x768xf32, #tpu.memory_space<vmem>>, vector<1x768xf32>
    %get3A_13 = vector.shape_cast %get3A_12 : vector<1x768xf32> to vector<768xf32>
    %sub3A = arith.subf %get3A_9, %get3A_13 : vector<768xf32>
    %broadcast_in_dim3A_14 = vector.shape_cast %sub3A : vector<768xf32> to vector<1x768xf32>
    %get3A_15 = arith.constant 0 : index
    %get3A_16 = arith.constant 0 : index
    %get3A_17 = vector.load %arg3[%get3A_15, %get3A_16] : memref<512x384xf32, #tpu.memory_space<vmem>>, vector<512x384xf32>
    %bitcast_convert_type3A = tpu.bitcast %get3A_17 : vector<512x384xf32> -> vector<512x384xi32>
    %shift_left3A = arith.constant 16 : i32
    %shift_left3A_18 = vector.broadcast %shift_left3A : i32 to vector<512x384xi32>
    %shift_left3A_19 = arith.shli %bitcast_convert_type3A, %shift_left3A_18 : vector<512x384xi32>
    %bitcast_convert_type3A_20 = tpu.bitcast %shift_left3A_19 : vector<512x384xi32> -> vector<512x384xf32>
    %and3A = arith.constant -65536 : i32
    %and3A_21 = vector.broadcast %and3A : i32 to vector<512x384xi32>
    %and3A_22 = arith.andi %bitcast_convert_type3A, %and3A_21 : vector<512x384xi32>
    %bitcast_convert_type3A_23 = tpu.bitcast %and3A_22 : vector<512x384xi32> -> vector<512x384xf32>
    %concatenate3A = tpu.concatenate %bitcast_convert_type3A_20, %bitcast_convert_type3A_23 in 1 : vector<512x384xf32>, vector<512x384xf32> -> vector<512x768xf32>
    %get3A_24 = arith.constant 0 : index
    %get3A_25 = arith.constant 0 : index
    %get3A_26 = vector.load %arg4[%get3A_24, %get3A_25] : memref<512x768xf32, #tpu.memory_space<vmem>>, vector<512x768xf32>
    %add3A = arith.addf %concatenate3A, %get3A_26 : vector<512x768xf32>
    %add3A_27 = vector.broadcast %broadcast_in_dim3A_5 : vector<1x768xf32> to vector<512x768xf32>
    %add3A_28 = arith.addf %add3A, %add3A_27 : vector<512x768xf32>
    %mul3A = vector.broadcast %broadcast_in_dim3A : vector<512x1xf32> to vector<512x768xf32>
    %mul3A_29 = vector.broadcast %broadcast_in_dim3A_14 : vector<1x768xf32> to vector<512x768xf32>
    %mul3A_30 = arith.mulf %mul3A, %mul3A_29 : vector<512x768xf32>
    %add3A_31 = arith.addf %add3A_28, %mul3A_30 : vector<512x768xf32>
    %reduce_sum3A = arith.constant dense<0.000000e+00> : vector<512xf32>
    %reduce_sum3A_32 = vector.multi_reduction <add>, %add3A_31, %reduce_sum3A [1] : vector<512x768xf32> to vector<512xf32>
    %broadcast_in_dim3A_33 = vector.shape_cast %reduce_sum3A_32 : vector<512xf32> to vector<512x1xf32>
    %div3A = arith.constant 7.680000e+02 : f32
    %div3A_34 = vector.broadcast %div3A : f32 to vector<512x1xf32>
    %div3A_35 = arith.divf %broadcast_in_dim3A_33, %div3A_34 : vector<512x1xf32>
    %sub3A_36 = vector.broadcast %div3A_35 : vector<512x1xf32> to vector<512x768xf32>
    %sub3A_37 = arith.subf %add3A_31, %sub3A_36 : vector<512x768xf32>
    %mul3A_38 = arith.mulf %sub3A_37, %sub3A_37 : vector<512x768xf32>
    %reduce_sum3A_39 = arith.constant dense<0.000000e+00> : vector<512xf32>
    %reduce_sum3A_40 = vector.multi_reduction <add>, %mul3A_38, %reduce_sum3A_39 [1] : vector<512x768xf32> to vector<512xf32>
    %broadcast_in_dim3A_41 = vector.shape_cast %reduce_sum3A_40 : vector<512xf32> to vector<512x1xf32>
    %div3A_42 = arith.constant 7.680000e+02 : f32
    %div3A_43 = vector.broadcast %div3A_42 : f32 to vector<512x1xf32>
    %div3A_44 = arith.divf %broadcast_in_dim3A_41, %div3A_43 : vector<512x1xf32>
    %add3A_45 = arith.constant 9.99999996E-13 : f32
    %add3A_46 = vector.broadcast %add3A_45 : f32 to vector<512x1xf32>
    %add3A_47 = arith.addf %div3A_44, %add3A_46 : vector<512x1xf32>
    %rsqrt3A = math.rsqrt %add3A_47 : vector<512x1xf32>
    %mul3A_48 = vector.broadcast %rsqrt3A : vector<512x1xf32> to vector<512x768xf32>
    %mul3A_49 = arith.mulf %sub3A_37, %mul3A_48 : vector<512x768xf32>
    %get3A_50 = arith.constant 0 : index
    %get3A_51 = arith.constant 0 : index
    %get3A_52 = vector.load %arg6[%get3A_50, %get3A_51] : memref<2x768xf32, #tpu.memory_space<vmem>>, vector<1x768xf32>
    %get3A_53 = vector.shape_cast %get3A_52 : vector<1x768xf32> to vector<768xf32>
    %broadcast_in_dim3A_54 = vector.shape_cast %get3A_53 : vector<768xf32> to vector<1x768xf32>
    %mul3A_55 = vector.broadcast %broadcast_in_dim3A_54 : vector<1x768xf32> to vector<512x768xf32>
    %mul3A_56 = arith.mulf %mul3A_49, %mul3A_55 : vector<512x768xf32>
    %get3A_57 = arith.constant 1 : index
    %get3A_58 = arith.constant 0 : index
    %get3A_59 = vector.load %arg6[%get3A_57, %get3A_58] : memref<2x768xf32, #tpu.memory_space<vmem>>, vector<1x768xf32>
    %get3A_60 = vector.shape_cast %get3A_59 : vector<1x768xf32> to vector<768xf32>
    %broadcast_in_dim3A_61 = vector.shape_cast %get3A_60 : vector<768xf32> to vector<1x768xf32>
    %add3A_62 = vector.broadcast %broadcast_in_dim3A_61 : vector<1x768xf32> to vector<512x768xf32>
    %add3A_63 = arith.addf %mul3A_56, %add3A_62 : vector<512x768xf32>
    %swap3A = arith.constant 0 : index
    %swap3A_64 = arith.constant 0 : index
    %swap3A_65 = vector.load %arg7[%swap3A, %swap3A_64] : memref<512x768xf32, #tpu.memory_space<vmem>>, vector<512x768xf32>
    tpu.vector_store %arg7[%swap3A, %swap3A_64], %add3A_63 {strides = array<i32>} : memref<512x768xf32, #tpu.memory_space<vmem>>, vector<512x768xf32>,
    return
  }
  func.func @transform_1(%arg0: i32) -> i32 {
    %c0_i32 = arith.constant 0 : i32
    return %arg0 : i32
  }
  func.func @transform_2(%arg0: i32) -> (i32, i32) {
    %c0_i32 = arith.constant 0 : i32
    %c0_i32_0 = arith.constant 0 : i32
    return %arg0, %c0_i32 : i32, i32
  }
  func.func @transform_3(%arg0: i32) -> (i32, i32) {
    %c0_i32 = arith.constant 0 : i32
    %c0_i32_0 = arith.constant 0 : i32
    %c0_i32_1 = arith.constant 0 : i32
    return %c0_i32, %c0_i32_0 : i32, i32
  }
  func.func @transform_4(%arg0: i32) -> (i32, i32) {
    %c0_i32 = arith.constant 0 : i32
    %c0_i32_0 = arith.constant 0 : i32
    %c0_i32_1 = arith.constant 0 : i32
    return %c0_i32, %c0_i32_0 : i32, i32
  }
  func.func @transform_5(%arg0: i32) -> (i32, i32) {
    %c0_i32 = arith.constant 0 : i32
    %c0_i32_0 = arith.constant 0 : i32
    %c0_i32_1 = arith.constant 0 : i32
    return %c0_i32, %c0_i32_0 : i32, i32
  }
  func.func @transform_6(%arg0: i32) -> (i32, i32) {
    %add3A = arith.constant 96 : i32
    %add3A_0 = arith.addi %add3A, %arg0 : i32
    %c0_i32 = arith.constant 0 : i32
    %c0_i32_1 = arith.constant 0 : i32
    return %add3A_0, %c0_i32 : i32, i32
  }
}

</mosaic_0001>

<sc_bundles>
// kernel: kernel.10.cloned.1.call-start
scs
__scs_entry_jumppad:
0x0: {  	(pc) =	sbr.rel $0x88, $3  }
0x1: {  	(tag) =	ssettag $0x0;
	lr =	simm.s32 $0x1  }
0x2: {  	[smem:$0x3F9A] =	sst lr;
	_ =	strace $0xD0000000  }
0x3: {  	_ = 	snop  }
0x4: {  	_ = 	snop  }
0x5: {  	_ = 	snop  }
0x6: {  	_ = 	snop  }
0x7: {  	_ = 	snop  }
__scs_overlays_trampoline_lowered:
0x8: {  	[smem:$0x3FA9] =	sst s0  }
0x9: {  	[smem:$0x3FAA] =	sst s1  }
0xa: {  	[smem:$0x3FAB] =	sst s2  }
0xb: {  	[smem:$0x3FAC] =	sst s3  }
0xc: {  	[smem:$0x3FAD] =	sst s4  }
0xd: {  	[smem:$0x3FAE] =	sst s5  }
0xe: {  	[smem:$0x3FAF] =	sst s6  }
0xf: {  	[smem:$0x3FB0] =	sst s7  }
0x10: {  	[smem:$0x3FB1] =	sst s8  }
0x11: {  	[smem:$0x3FB2] =	sst s9;
	s0 =	simm.s32 @!p0 $0x0  }
0x12: {  	s1 =	sld [smem:$0x3F98];
	s0 =	simm.s32 @p0 $0x1  }
0x13: {  	[smem:$0x3FB3] =	sst s0;
	s0 =	simm.s32 @!p1 $0x0  }
0x14: {  	s2 =	sld [smem:$0x3F97];
	s0 =	simm.s32 @p1 $0x1  }
0x15: {  	[smem:$0x3FB4] =	sst s0;
	s0 =	simm.s32 @!p2 $0x0  }
0x16: {  	s3 =	sld [smem:$0x3FDB];
	s0 =	simm.s32 @p2 $0x1  }
0x17: {  	s4 =	simm.s32 $0x1BF5;
	[smem:$0x3FB6] =	sst s0  }
0x18: {  	s0 =	sld [smem:$0x3F99];
	_ =	swait.ge [sflag:s4], $0x0  }
0x19: {  	s7 =	sld [smem:$0x3F9A]  }
0x1a: {  	s8 =	sadd.s32 $0xFFFFE003, lr  }
0x1b: {  	s9 =	sadd.s32 $0xFFFFFEF7, lr;
	s5 =	simm.s32 $0xFFFFFFFF;
	p2 =	slt.u32 s8, $0xFFFFF086  }
0x1c: {  	p1 =	slt.u32 s9, $0xF7A;
	s5 =	simm.s32 @!p2 $0x0  }
0x1d: {  	s5 =	simm.s32 @p1 $0x1;
	p0 =	seq.s32 s7, s2  }
0x1e: {  	s7 =	smul.u32 @!p0 $0xF7A, s2;
	p2 =	seq.s32 @!p0 s5, $0x0  }
0x1f: {  	s9 =	smul.u32 $0xF7A, s1;
	s8 =	simm.s32 @!p0 $0x1BF5;
	p2 =	por !p2, p0  }
0x20: {  	[sflag:s8] =	ssyncset.s32 @!p0 $0xFFFFF086;
	s6 =	sadd.s32 @!p0 s3, s7;
	s7 =	simm.s32 @!p0 $0x108  }
0x21: {  	s3 =	sadd.s32 s3, s9;
	s6 =	sadd.s32 @!p0 $0x88, s6;
	s7 =	simm.s32 @p2 $0x1082  }
0x22: {  	[simem:s7], [sflag:s8] =	dma.local @!p0 [hbm:s6], $0xF7A  }
0x23: {  	s9 =	sor.u32 $0xD0000000, s2;
	s6 =	simm.s32 $0x108;
	_ =	swait.ge @!p0 [sflag:s8], $0x0  }
0x24: {  	s3 =	sadd.s32 $0x88, s3;
	s6 =	simm.s32 @!p1 $0x1082;
	[sflag:s4] =	ssyncset.s32 $0xFFFFF086  }
0x25: {  	[simem:s6], [sflag:s4] =	dma.local [hbm:s3], $0xF7A  }
0x26: {  	[smem:$0x3F9A] =	sst s1;
	(tag) =	ssettag s2;
	_ =	strace s9  }
0x27: {  	s1 =	sld [smem:$0x3FAA]  }
0x28: {  	s2 =	sld [smem:$0x3FAB]  }
0x29: {  	s4 =	sld [smem:$0x3FAD]  }
0x2a: {  	p0 =	seq.s32 s5, $0x0;
	s5 =	sld [smem:$0x3FAE]  }
0x2b: {  	s6 =	sld [smem:$0x3FAF]  }
0x2c: {  	s7 =	sld [smem:$0x3FB0]  }
0x2d: {  	s3 =	simm.s32 $0x108;
	s8 =	sld [smem:$0x3FB1]  }
0x2e: {  	s3 =	simm.s32 @!p0 $0x1082;
	s9 =	sld [smem:$0x3FB2]  }
0x2f: {  	lr =	sadd.s32 s0, s3;
	s0 =	sld [smem:$0x3FA9]  }
0x30: {  	s3 =	sld [smem:$0x3FAC]  }
0x31: {  	[smem:$0x3FB5] =	sst s10  }
0x32: {  	s10 =	sld [smem:$0x3FB3];
	_ =	sdelay $0x3  }
0x33: {  	p0 =	seq.s32 s10, $0x1;
	s10 =	sld [smem:$0x3FB5];
	_ =	sdelay $0x3  }
0x34: {  	[smem:$0x3FB5] =	sst s10  }
0x35: {  	s10 =	sld [smem:$0x3FB4];
	_ =	sdelay $0x3  }
0x36: {  	p1 =	seq.s32 s10, $0x1;
	s10 =	sld [smem:$0x3FB5];
	_ =	sdelay $0x3  }
0x37: {  	[smem:$0x3FB5] =	sst s10  }
0x38: {  	s10 =	sld [smem:$0x3FB6]  }
0x39: {  	_ = 	snop;
	(pc) =	sbr.ind lr, $3  }
0x3a: {  	_ = 	snop  }
0x3b: {  	_ = 	snop  }
0x3c: {  	p2 =	seq.s32 s10, $0x1;
	s10 =	sld [smem:$0x3FB5]  }
0x3d: {  	_ =	shalt  }
0x3e: {  	_ =	shalt  }
0x3f: {  	_ =	shalt  }
0x40: {  	_ =	shalt  }
0x41: {  	_ =	shalt  }
0x42: {  	_ =	shalt  }
0x43: {  	_ =	shalt  }
0x44: {  	_ =	shalt  }
0x45: {  	_ =	shalt  }
0x46: {  	_ =	shalt  }
0x47: {  	_ =	shalt  }
0x48: {  	_ =	shalt  }
0x49: {  	_ =	shalt  }
0x4a: {  	_ =	shalt  }
0x4b: {  	_ =	shalt  }
0x4c: {  	_ =	shalt  }
0x4d: {  	_ =	shalt  }
0x4e: {  	_ =	shalt  }
0x4f: {  	_ =	shalt  }
0x50: {  	_ =	shalt  }
0x51: {  	_ =	shalt  }
0x52: {  	_ =	shalt  }
0x53: {  	_ =	shalt  }
0x54: {  	_ =	shalt  }
0x55: {  	_ =	shalt  }
0x56: {  	_ =	shalt  }
0x57: {  	_ =	shalt  }
0x58: {  	_ =	shalt  }
0x59: {  	_ =	shalt  }
0x5a: {  	_ =	shalt  }
0x5b: {  	_ =	shalt  }
0x5c: {  	_ =	shalt  }
0x5d: {  	_ =	shalt  }
0x5e: {  	_ =	shalt  }
0x5f: {  	_ =	shalt  }
0x60: {  	_ =	shalt  }
0x61: {  	_ =	shalt  }
0x62: {  	_ =	shalt  }
0x63: {  	_ =	shalt  }
0x64: {  	_ =	shalt  }
0x65: {  	_ =	shalt  }
0x66: {  	_ =	shalt  }
0x67: {  	_ =	shalt  }
0x68: {  	_ =	shalt  }
0x69: {  	_ =	shalt  }
0x6a: {  	_ =	shalt  }
0x6b: {  	_ =	shalt  }
0x6c: {  	_ =	shalt  }
0x6d: {  	_ =	shalt  }
0x6e: {  	_ =	shalt  }
0x6f: {  	_ =	shalt  }
0x70: {  	_ =	shalt  }
0x71: {  	_ =	shalt  }
0x72: {  	_ =	shalt  }
0x73: {  	_ =	shalt  }
0x74: {  	_ =	shalt  }
0x75: {  	_ =	shalt  }
0x76: {  	_ =	shalt  }
0x77: {  	_ =	shalt  }
0x78: {  	_ =	shalt  }
0x79: {  	_ =	shalt  }
0x7a: {  	_ =	shalt  }
0x7b: {  	_ =	shalt  }
0x7c: {  	_ =	shalt  }
0x7d: {  	_ =	shalt  }
0x7e: {  	_ =	shalt  }
0x7f: {  	_ =	shalt  }
0x80: {  	_ =	shalt  }
0x81: {  	_ =	shalt  }
0x82: {  	_ =	shalt  }
0x83: {  	_ =	shalt  }
0x84: {  	_ =	shalt  }
0x85: {  	_ =	shalt  }
0x86: {  	_ =	shalt  }
0x87: {  	_ =	shalt  }
.Lfunc_end0:
.L_simem_size_0:
called_computation_lowered:
.L_overlay_start_0:
0x88: {  	s2 =	sld [smem:$0x3FD9]  }
0x89: {  	s3 =	sld [smem:$0x3FFE];
	_ =	sdelay $0x1  }
0x8a: {  	s1 =	srdreg.scid  }
0x8b: {  	s0 =	sand.u32 $0x1, s1  }
0x8c: {  	s17 =	sshll.u32 s0, $0xA;
	s2 =	sadd.s32 s3, s2  }
0x8d: {  	s2 =	sadd.s32 s2, s17  }
0x8e: {  	[smem:$0x3FC1] =	sst s2  }
0x8f: {  	_ = 	snop  }
0x90: {  	s2 =	sld [smem:$0x3FD0];
	(tm) =	ssettm $0x1  }
0x91: {  	s18 =	sld [smem:$0x3FFB];
	_ =	sdelay $0x3  }
0x92: {  	_ =	strace s18  }
0x93: {  	s3 =	sld [smem:$0x3FFC];
	_ =	sdelay $0x3  }
0x94: {  	_ =	strace s3  }
0x95: {  	s3 =	sld [smem:$0x3FFD];
	_ =	sdelay $0x3  }
0x96: {  	_ =	strace s3  }
0x97: {  	_ =	strace $0x8FFFFFFF  }
0x98: {  	s19 =	sld [smem:$0x3FDB];
	_ =	sdelay $0x1  }
0x99: {  	s4 =	simm.s32 $_scs_section_size  }
0x9a: {  	s5 =	simm.s32 $_size__tile_overlayer_lowered;
	s6 =	simm.s32 $_tile_overlayer_lowered  }
0x9b: {  	s22 =	simm.s32 $0x1BFF;
	s21 =	sshll.u32 s6, $0x1;
	s3 =	sadd.s32 s4, s19  }
0x9c: {  	s7 =	simm.s32 $0x0;
	s20 =	sshll.u32 s5, $0x1;
	s5 =	sadd.s32 s21, s3  }
0x9d: {  	[timem:s7], [sflag:s22] =	dma.local [hbm:s5], s20  }
0x9e: {  	_ =	swait.ge [sflag:s22], s20  }
0x9f: {  	s4 =	ssub.s32 $0x0, s20;
	[sflag:s22] =	ssyncset.done $0x0  }
0xa0: {  	[sflag:s22] =	ssyncadd.s32 s4;
	_ =	sdelay $0x1  }
0xa1: {  	s23 =	simm.s32 $0x1B8B  }
0xa2: {  	_ =	swait.ge [sflag:s23], $0x1  }
0xa3: {  	[sflag:s23] =	ssyncset.done $0x0  }
0xa4: {  	s25 =	simm.s32 $0x1B8E;
	s24 =	sld [smem:$0x3FFE];
	[sflag:s23] =	ssyncadd.s32 $0xFFFFFFFF  }
0xa5: {  	s26 =	simm.s32 $execute0_lowered;
	[smem:$0x3FD2] =	sst s25  }
0xa6: {  	s5 =	sshll.u32 s26, $0x1;
	_ =	strace $0x80000046;
	[dreg:$0x1] =	wrdreg $0xFFFFFFFF  }
0xa7: {  	s28 =	simm.s32 $_size_execute0_lowered;
	s3 =	sadd.s32 s3, s5;
	[dreg:$0x0] =	wrdreg $0x0  }
0xa8: {  	s5 =	sshll.u32 s28, $0x1;
	[dreg:$0x2] =	wrdreg s3  }
0xa9: {  	[dreg:$0x3] =	wrdreg s5  }
0xaa: {  	[dreg:$0x4] =	wrdreg $0xC0  }
0xab: {  	_ =	task [dreg:s7], $0x5FFFF  }
0xac: {  	[dreg:$0x1] =	wrdreg $0xFFFFFFFF  }
0xad: {  	[dreg:$0x0] =	wrdreg $0x60  }
0xae: {  	[dreg:$0x2] =	wrdreg s2  }
0xaf: {  	[dreg:$0x3] =	wrdreg s24  }
0xb0: {  	[dreg:$0x4] =	wrdreg $0x9  }
0xb1: {  	_ =	task.clear_ibuf [dreg:s7], $0x5FFFF;
	_ =	strace $0x90000046  }
0xb2: {  	s29 =	simm.s32 $0x9;
	_ =	strace $0x80000048  }
0xb3: {  	_ =	swait.ge [sflag:s29], $0x1  }
0xb4: {  	[sflag:s29] =	ssyncadd.s32 $0xFFFFFFFF  }
0xb5: {  	_ =	strace $0x90000048  }
0xb6: {  	_ =	sfence  }
0xb7: {  	s30 =	sld [smem:$0x0];
	_ =	sdelay $0x2  }
0xb8: {  	s31 =	sshll.u32 s1, $0xD;
	s1 =	sshrl.u32 s1, $0x2  }
0xb9: {  	s3 =	sand.u32 $0x4000, s31;
	s1 =	sadd.s32 s1, s30  }
0xba: {  	s0 =	sor.u32 s3, s0;
	s1 =	sshll.u32 s1, $0x11  }
0xbb: {  	s0 =	sor.u32 s1, s0  }
0xbc: {  	s0 =	sadd.s32 $0x8F2B, s0  }
0xbd: {  	[sflag:s0] =	ssyncadd.remote.s32 $0x1  }
0xbe: {  	_ =	sfence.sel $0xFFFF  }
0xbf: {  	[dreg:$0x0] =	wrdreg $0xFFFFFFFF;
	(pc) =	sbr.abs _section_cstart, $3  }
0xc0: {  	[dreg:$0x1] =	wrdreg $0xFFFFFFFF  }
0xc1: {  	_ =	task.clear_ibuf [dreg:s7], $0x2FFFF;
	_ =	strace $0x9FFFFFFF  }
0xc2: {  	(tm) =	ssettm $0x7FFFFFFF  }
0xc3: {  	_ =	shalt  }
tec
execute0_lowered:
.L_overlay_start_1:
0x0: {  	(tag) =	ssettag $0x1  }
0x1: {  	s0 =	srdreg.scid;
	s1 =	rddreg [dreg:$0x0]  }
0x2: {  	s2 =	stileid.u32;
	s4 =	rddreg [dreg:$0x1];
	s0 =	sand.u32 $0x1, s0  }
0x3: {  	s24 =	simm.s32 $0x200;
	s3 =	sshll.u32 s2, $0x7;
	s5 =	sshll.u32 s0, $0x6  }
0x4: {  	s15 =	simm.s32 $0x1;
	s2 =	simm.s32 $0x0;
	s5 =	sor.u32 s5, s3  }
0x5: {  	s8 =	sadd.s32 $0xF9E00, s4;
	[smem:$0x7FF] =	sst s2;
	s6 =	smul.u32 $0x180, s5  }
0x6: {  	s0 =	ssub.s32 $0x2, s0;
	_ =	strace $0x80000047;
	s7 =	smul.u32 $0xC00, s5  }
0x7: {  	s3 =	sadd.s32 $0x2400, s4;
	s9 =	sshrl.u32 s0, $0x1;
	s1 =	sadd.s32 s1, s5  }
0x8: {  	[dreg:$0x3] =	wrdreg s1;
	s6 =	sadd.s32 s8, s6;
	s26 =	sshrl.u32 s7, $0x3  }
0x9: {  	[dreg:$0x7] =	wrdreg s6;
	s28 =	sadd.s32 $0x1800, s6;
	s29 =	sadd.s32 s8, s26  }
0xa: {  	v2 =	vlaneseq.u32;
	s0 =	ssub.s32 s0, s9;
	[dreg:$0x4] =	wrdreg s28;
	s30 =	sadd.s32 $0x3000, s29  }
0xb: {  	vm0 =	vmmov $0xffff;
	vm1 =	vmmov $0xff;
	v1 =	vshrl.u32 v2, $0x3;
	s5 =	sadd.s32 $0x2500, s4;
	s31 =	sadd.s32 $0x4800, s29;
	[dreg:$0x5] =	wrdreg s30  }
0xc: {  	v0 =	vand.u32 $0x7, v2;
	v2 =	vor.u32 $0x8, v2;
	v1 =	vmul.u32 $0x8, v1;
	s7 =	simm.s32 $0x2;
	s6 =	smax.u32 s0, $0x1;
	[dreg:$0x6] =	wrdreg s31  }
.LBB2_1:
0xd: {  	s16 =	rddreg [dreg:$0x3]  }
0xe: {  	[tilespmem:s2], [sflag:$0x2] =	stream.linear.gather [hbm4b:s16+s2], $0x200, $0x38;
	[tilespmem:$0xC200] =	vst v63  }
0xf: {  	_ =	swait.ge [sflag:s7], $0x200  }
0x10: {  	[sflag:s7] =	ssyncset.done $0x0  }
0x11: {  	[sflag:s7] =	ssyncadd.s32 $0xFFFFFE00  }
0x12: {  	v3 =	vld [tilespmem:$0x0];
	_ =	sdelay $0x4  }
0x13: {  	v4 =	vshrl.u32 v3, $0x3  }
0x14: {  	v4 =	vmul.u32 $0x18, v4  }
0x15: {  	v3 =	vand.u32 $0x7, v3  }
0x16: {  	v3 =	vor.u32 v3, v4  }
0x17: {  	v4 =	vperm.xlane v3, v0;
	_ =	sdelay $0x1  }
0x18: {  	v4 =	vadd.s32 v1, v4;
	_ =	sdelay $0x1  }
0x19: {  	v3 =	vperm.xlane v3, v2;
	_ =	sdelay $0x1  }
0x1a: {  	v3 =	vadd.s32 v1, v3  }
0x1b: {  	[tilespmem:s24], [sflag:$0x1] =	stream.indirect_vreg.gather [hbm4b:s3+s2], $0x80, v4, vm0, $0xb8;
	[tilespmem:$0xC200] =	vst v63  }
0x1c: {  	s0 =	simm.s32 $0xA00  }
0x1d: {  	[tilespmem:s0], [sflag:$0x1] =	stream.indirect_vreg.gather [hbm4b:s5+s2], $0x80, v4, vm1, $0xb8;
	[tilespmem:$0xC200] =	vst v63  }
0x1e: {  	s25 =	simm.s32 $0xE00  }
0x1f: {  	[tilespmem:s25], [sflag:$0x1] =	stream.indirect_vreg.gather [hbm4b:s3+s2], $0x80, v3, vm0, $0xb8;
	[tilespmem:$0xC200] =	vst v63  }
0x20: {  	s26 =	simm.s32 $0x1600  }
0x21: {  	[tilespmem:s26], [sflag:$0x1] =	stream.indirect_vreg.gather [hbm4b:s5+s2], $0x80, v3, vm1, $0xb8;
	[tilespmem:$0xC200] =	vst v63  }
0x22: {  	v3 =	vld [tilespmem:$0x10];
	_ =	sdelay $0x4  }
0x23: {  	v33 =	vshrl.u32 v3, $0x3  }
0x24: {  	v4 =	vmul.u32 $0x18, v33  }
0x25: {  	v3 =	vand.u32 $0x7, v3  }
0x26: {  	v3 =	vor.u32 v3, v4  }
0x27: {  	v4 =	vperm.xlane v3, v0;
	_ =	sdelay $0x1  }
0x28: {  	v4 =	vadd.s32 v1, v4;
	_ =	sdelay $0x1  }
0x29: {  	v3 =	vperm.xlane v3, v2;
	_ =	sdelay $0x1  }
0x2a: {  	s28 =	simm.s32 $0x1A00;
	v3 =	vadd.s32 v1, v3  }
0x2b: {  	[tilespmem:s28], [sflag:$0x1] =	stream.indirect_vreg.gather [hbm4b:s3+s2], $0x80, v4, vm0, $0xb8;
	[tilespmem:$0xC200] =	vst v63  }
0x2c: {  	s29 =	simm.s32 $0x2200  }
0x2d: {  	[tilespmem:s29], [sflag:$0x1] =	stream.indirect_vreg.gather [hbm4b:s5+s2], $0x80, v4, vm1, $0xb8;
	[tilespmem:$0xC200] =	vst v63  }
0x2e: {  	s30 =	simm.s32 $0x2600  }
0x2f: {  	[tilespmem:s30], [sflag:$0x1] =	stream.indirect_vreg.gather [hbm4b:s3+s2], $0x80, v3, vm0, $0xb8;
	[tilespmem:$0xC200] =	vst v63  }
0x30: {  	s31 =	simm.s32 $0x2E00  }
0x31: {  	[tilespmem:s31], [sflag:$0x1] =	stream.indirect_vreg.gather [hbm4b:s5+s2], $0x80, v3, vm1, $0xb8;
	[tilespmem:$0xC200] =	vst v63  }
0x32: {  	v3 =	vld [tilespmem:$0x20];
	_ =	sdelay $0x4  }
0x33: {  	v34 =	vshrl.u32 v3, $0x3  }
0x34: {  	v4 =	vmul.u32 $0x18, v34  }
0x35: {  	v3 =	vand.u32 $0x7, v3  }
0x36: {  	v3 =	vor.u32 v3, v4  }
0x37: {  	v4 =	vperm.xlane v3, v0;
	_ =	sdelay $0x1  }
0x38: {  	v4 =	vadd.s32 v1, v4;
	_ =	sdelay $0x1  }
0x39: {  	v3 =	vperm.xlane v3, v2;
	_ =	sdelay $0x1  }
0x3a: {  	s10 =	simm.s32 $0x3200;
	v3 =	vadd.s32 v1, v3  }
0x3b: {  	[tilespmem:s10], [sflag:$0x1] =	stream.indirect_vreg.gather [hbm4b:s3+s2], $0x80, v4, vm0, $0xb8;
	[tilespmem:$0xC200] =	vst v63  }
0x3c: {  	s13 =	simm.s32 $0x3A00  }
0x3d: {  	[tilespmem:s13], [sflag:$0x1] =	stream.indirect_vreg.gather [hbm4b:s5+s2], $0x80, v4, vm1, $0xb8;
	[tilespmem:$0xC200] =	vst v63  }
0x3e: {  	s14 =	simm.s32 $0x3E00  }
0x3f: {  	[tilespmem:s14], [sflag:$0x1] =	stream.indirect_vreg.gather [hbm4b:s3+s2], $0x80, v3, vm0, $0xb8;
	[tilespmem:$0xC200] =	vst v63  }
0x40: {  	s16 =	simm.s32 $0x4600  }
0x41: {  	[tilespmem:s16], [sflag:$0x1] =	stream.indirect_vreg.gather [hbm4b:s5+s2], $0x80, v3, vm1, $0xb8;
	[tilespmem:$0xC200] =	vst v63  }
0x42: {  	v3 =	vld [tilespmem:$0x30];
	_ =	sdelay $0x4  }
0x43: {  	v35 =	vshrl.u32 v3, $0x3  }
0x44: {  	v4 =	vmul.u32 $0x18, v35  }
0x45: {  	v3 =	vand.u32 $0x7, v3  }
0x46: {  	v3 =	vor.u32 v3, v4  }
0x47: {  	v4 =	vperm.xlane v3, v0;
	_ =	sdelay $0x1  }
0x48: {  	v4 =	vadd.s32 v1, v4;
	_ =	sdelay $0x1  }
0x49: {  	v3 =	vperm.xlane v3, v2;
	_ =	sdelay $0x1  }
0x4a: {  	s17 =	simm.s32 $0x4A00;
	v3 =	vadd.s32 v1, v3  }
0x4b: {  	[tilespmem:s17], [sflag:$0x1] =	stream.indirect_vreg.gather [hbm4b:s3+s2], $0x80, v4, vm0, $0xb8;
	[tilespmem:$0xC200] =	vst v63  }
0x4c: {  	s18 =	simm.s32 $0x5200  }
0x4d: {  	[tilespmem:s18], [sflag:$0x1] =	stream.indirect_vreg.gather [hbm4b:s5+s2], $0x80, v4, vm1, $0xb8;
	[tilespmem:$0xC200] =	vst v63  }
0x4e: {  	s19 =	simm.s32 $0x5600  }
0x4f: {  	[tilespmem:s19], [sflag:$0x1] =	stream.indirect_vreg.gather [hbm4b:s3+s2], $0x80, v3, vm0, $0xb8;
	[tilespmem:$0xC200] =	vst v63  }
0x50: {  	s20 =	simm.s32 $0x5E00  }
0x51: {  	[tilespmem:s20], [sflag:$0x1] =	stream.indirect_vreg.gather [hbm4b:s5+s2], $0x80, v3, vm1, $0xb8;
	[tilespmem:$0xC200] =	vst v63  }
0x52: {  	v3 =	vld [tilespmem:$0x40];
	_ =	sdelay $0x4  }
0x53: {  	v36 =	vshrl.u32 v3, $0x3  }
0x54: {  	v4 =	vmul.u32 $0x18, v36  }
0x55: {  	v3 =	vand.u32 $0x7, v3  }
0x56: {  	v3 =	vor.u32 v3, v4  }
0x57: {  	v4 =	vperm.xlane v3, v0;
	_ =	sdelay $0x1  }
0x58: {  	v4 =	vadd.s32 v1, v4;
	_ =	sdelay $0x1  }
0x59: {  	v3 =	vperm.xlane v3, v2;
	_ =	sdelay $0x1  }
0x5a: {  	s21 =	simm.s32 $0x6200;
	v3 =	vadd.s32 v1, v3  }
0x5b: {  	[tilespmem:s21], [sflag:$0x1] =	stream.indirect_vreg.gather [hbm4b:s3+s2], $0x80, v4, vm0, $0xb8;
	[tilespmem:$0xC200] =	vst v63  }
0x5c: {  	s22 =	simm.s32 $0x6A00  }
0x5d: {  	[tilespmem:s22], [sflag:$0x1] =	stream.indirect_vreg.gather [hbm4b:s5+s2], $0x80, v4, vm1, $0xb8;
	[tilespmem:$0xC200] =	vst v63  }
0x5e: {  	s23 =	simm.s32 $0x6E00  }
0x5f: {  	[tilespmem:s23], [sflag:$0x1] =	stream.indirect_vreg.gather [hbm4b:s3+s2], $0x80, v3, vm0, $0xb8;
	[tilespmem:$0xC200] =	vst v63  }
0x60: {  	s25 =	simm.s32 $0x7600  }
0x61: {  	[tilespmem:s25], [sflag:$0x1] =	stream.indirect_vreg.gather [hbm4b:s5+s2], $0x80, v3, vm1, $0xb8;
	[tilespmem:$0xC200] =	vst v63  }
0x62: {  	v3 =	vld [tilespmem:$0x50];
	_ =	sdelay $0x4  }
0x63: {  	v37 =	vshrl.u32 v3, $0x3  }
0x64: {  	v4 =	vmul.u32 $0x18, v37  }
0x65: {  	v3 =	vand.u32 $0x7, v3  }
0x66: {  	v3 =	vor.u32 v3, v4  }
0x67: {  	v4 =	vperm.xlane v3, v0;
	_ =	sdelay $0x1  }
0x68: {  	v4 =	vadd.s32 v1, v4;
	_ =	sdelay $0x1  }
0x69: {  	v3 =	vperm.xlane v3, v2;
	_ =	sdelay $0x1  }
0x6a: {  	s26 =	simm.s32 $0x7A00;
	v3 =	vadd.s32 v1, v3  }
0x6b: {  	[tilespmem:s26], [sflag:$0x1] =	stream.indirect_vreg.gather [hbm4b:s3+s2], $0x80, v4, vm0, $0xb8;
	[tilespmem:$0xC200] =	vst v63  }
0x6c: {  	s28 =	simm.s32 $0x8200  }
0x6d: {  	[tilespmem:s28], [sflag:$0x1] =	stream.indirect_vreg.gather [hbm4b:s5+s2], $0x80, v4, vm1, $0xb8;
	[tilespmem:$0xC200] =	vst v63  }
0x6e: {  	s29 =	simm.s32 $0x8600  }
0x6f: {  	[tilespmem:s29], [sflag:$0x1] =	stream.indirect_vreg.gather [hbm4b:s3+s2], $0x80, v3, vm0, $0xb8;
	[tilespmem:$0xC200] =	vst v63  }
0x70: {  	s30 =	simm.s32 $0x8E00  }
0x71: {  	[tilespmem:s30], [sflag:$0x1] =	stream.indirect_vreg.gather [hbm4b:s5+s2], $0x80, v3, vm1, $0xb8;
	[tilespmem:$0xC200] =	vst v63  }
0x72: {  	v3 =	vld [tilespmem:$0x60];
	_ =	sdelay $0x4  }
0x73: {  	v38 =	vshrl.u32 v3, $0x3  }
0x74: {  	v4 =	vmul.u32 $0x18, v38  }
0x75: {  	v3 =	vand.u32 $0x7, v3  }
0x76: {  	v3 =	vor.u32 v3, v4  }
0x77: {  	v4 =	vperm.xlane v3, v0;
	_ =	sdelay $0x1  }
0x78: {  	v4 =	vadd.s32 v1, v4;
	_ =	sdelay $0x1  }
0x79: {  	v3 =	vperm.xlane v3, v2;
	_ =	sdelay $0x1  }
0x7a: {  	s31 =	simm.s32 $0x9200;
	v3 =	vadd.s32 v1, v3  }
0x7b: {  	[tilespmem:s31], [sflag:$0x1] =	stream.indirect_vreg.gather [hbm4b:s3+s2], $0x80, v4, vm0, $0xb8;
	[tilespmem:$0xC200] =	vst v63  }
0x7c: {  	s0 =	simm.s32 $0x9A00  }
0x7d: {  	[tilespmem:s0], [sflag:$0x1] =	stream.indirect_vreg.gather [hbm4b:s5+s2], $0x80, v4, vm1, $0xb8;
	[tilespmem:$0xC200] =	vst v63  }
0x7e: {  	s13 =	simm.s32 $0x9E00  }
0x7f: {  	[tilespmem:s13], [sflag:$0x1] =	stream.indirect_vreg.gather [hbm4b:s3+s2], $0x80, v3, vm0, $0xb8;
	[tilespmem:$0xC200] =	vst v63  }
0x80: {  	s14 =	simm.s32 $0xA600  }
0x81: {  	[tilespmem:s14], [sflag:$0x1] =	stream.indirect_vreg.gather [hbm4b:s5+s2], $0x80, v3, vm1, $0xb8;
	[tilespmem:$0xC200] =	vst v63  }
0x82: {  	v3 =	vld [tilespmem:$0x70];
	_ =	sdelay $0x4  }
0x83: {  	v39 =	vshrl.u32 v3, $0x3  }
0x84: {  	v4 =	vmul.u32 $0x18, v39  }
0x85: {  	v3 =	vand.u32 $0x7, v3  }
0x86: {  	v3 =	vor.u32 v3, v4  }
0x87: {  	v4 =	vperm.xlane v3, v0;
	_ =	sdelay $0x1  }
0x88: {  	v4 =	vadd.s32 v1, v4;
	_ =	sdelay $0x1  }
0x89: {  	v3 =	vperm.xlane v3, v2;
	_ =	sdelay $0x1  }
0x8a: {  	s17 =	simm.s32 $0xAA00;
	v3 =	vadd.s32 v1, v3  }
0x8b: {  	[tilespmem:s17], [sflag:$0x1] =	stream.indirect_vreg.gather [hbm4b:s3+s2], $0x80, v4, vm0, $0xb8;
	[tilespmem:$0xC200] =	vst v63  }
0x8c: {  	s18 =	simm.s32 $0xB200  }
0x8d: {  	[tilespmem:s18], [sflag:$0x1] =	stream.indirect_vreg.gather [hbm4b:s5+s2], $0x80, v4, vm1, $0xb8;
	[tilespmem:$0xC200] =	vst v63  }
0x8e: {  	s19 =	simm.s32 $0xB600  }
0x8f: {  	[tilespmem:s19], [sflag:$0x1] =	stream.indirect_vreg.gather [hbm4b:s3+s2], $0x80, v3, vm0, $0xb8;
	[tilespmem:$0xC200] =	vst v63  }
0x90: {  	s20 =	simm.s32 $0xBE00  }
0x91: {  	[tilespmem:s20], [sflag:$0x1] =	stream.indirect_vreg.gather [hbm4b:s5+s2], $0x80, v3, vm1, $0xb8;
	[tilespmem:$0xC200] =	vst v63  }
0x92: {  	_ =	swait.ge [sflag:s15], $0xC000  }
0x93: {  	[sflag:s15] =	ssyncset.done $0x0  }
0x94: {  	s21 =	rddreg [dreg:$0x7];
	[sflag:s15] =	ssyncadd.s32 $0xFFFF4000  }
0x95: {  	[hbm4b:s21+s2] =	stream.linear.scatter [tilespmem:s24], [sflag:$0x2], $0xC000, $0x38;
	[tilespmem:$0xC200] =	vst v63  }
0x96: {  	_ =	swait.ge [sflag:s7], $0xC000  }
0x97: {  	[sflag:s7] =	ssyncset.done $0x0  }
0x98: {  	[sflag:s7] =	ssyncadd.s32 $0xFFFF4000  }
0x99: {  	v3 =	vld [tilespmem:$0x80];
	_ =	sdelay $0x4  }
0x9a: {  	v40 =	vshrl.u32 v3, $0x3  }
0x9b: {  	v4 =	vmul.u32 $0x18, v40  }
0x9c: {  	v3 =	vand.u32 $0x7, v3  }
0x9d: {  	v3 =	vor.u32 v3, v4  }
0x9e: {  	v4 =	vperm.xlane v3, v0;
	_ =	sdelay $0x1  }
0x9f: {  	v4 =	vadd.s32 v1, v4;
	_ =	sdelay $0x1  }
0xa0: {  	v3 =	vperm.xlane v3, v2;
	_ =	sdelay $0x1  }
0xa1: {  	v3 =	vadd.s32 v1, v3  }
0xa2: {  	[tilespmem:s24], [sflag:$0x1] =	stream.indirect_vreg.gather [hbm4b:s3+s2], $0x80, v4, vm0, $0xb8;
	[tilespmem:$0xC200] =	vst v63  }
0xa3: {  	s1 =	simm.s32 $0xA00  }
0xa4: {  	[tilespmem:s1], [sflag:$0x1] =	stream.indirect_vreg.gather [hbm4b:s5+s2], $0x80, v4, vm1, $0xb8;
	[tilespmem:$0xC200] =	vst v63  }
0xa5: {  	s4 =	simm.s32 $0xE00  }
0xa6: {  	[tilespmem:s4], [sflag:$0x1] =	stream.indirect_vreg.gather [hbm4b:s3+s2], $0x80, v3, vm0, $0xb8;
	[tilespmem:$0xC200] =	vst v63  }
0xa7: {  	s17 =	simm.s32 $0x1600  }
0xa8: {  	[tilespmem:s17], [sflag:$0x1] =	stream.indirect_vreg.gather [hbm4b:s5+s2], $0x80, v3, vm1, $0xb8;
	[tilespmem:$0xC200] =	vst v63  }
0xa9: {  	v3 =	vld [tilespmem:$0x90];
	_ =	sdelay $0x4  }
0xaa: {  	v41 =	vshrl.u32 v3, $0x3  }
0xab: {  	v4 =	vmul.u32 $0x18, v41  }
0xac: {  	v3 =	vand.u32 $0x7, v3  }
0xad: {  	v3 =	vor.u32 v3, v4  }
0xae: {  	v4 =	vperm.xlane v3, v0;
	_ =	sdelay $0x1  }
0xaf: {  	v4 =	vadd.s32 v1, v4;
	_ =	sdelay $0x1  }
0xb0: {  	v3 =	vperm.xlane v3, v2;
	_ =	sdelay $0x1  }
0xb1: {  	s8 =	simm.s32 $0x1A00;
	v3 =	vadd.s32 v1, v3  }
0xb2: {  	[tilespmem:s8], [sflag:$0x1] =	stream.indirect_vreg.gather [hbm4b:s3+s2], $0x80, v4, vm0, $0xb8;
	[tilespmem:$0xC200] =	vst v63  }
0xb3: {  	s9 =	simm.s32 $0x2200  }
0xb4: {  	[tilespmem:s9], [sflag:$0x1] =	stream.indirect_vreg.gather [hbm4b:s5+s2], $0x80, v4, vm1, $0xb8;
	[tilespmem:$0xC200] =	vst v63  }
0xb5: {  	s11 =	simm.s32 $0x2600  }
0xb6: {  	[tilespmem:s11], [sflag:$0x1] =	stream.indirect_vreg.gather [hbm4b:s3+s2], $0x80, v3, vm0, $0xb8;
	[tilespmem:$0xC200] =	vst v63  }
0xb7: {  	s12 =	simm.s32 $0x2E00  }
0xb8: {  	[tilespmem:s12], [sflag:$0x1] =	stream.indirect_vreg.gather [hbm4b:s5+s2], $0x80, v3, vm1, $0xb8;
	[tilespmem:$0xC200] =	vst v63  }
0xb9: {  	v3 =	vld [tilespmem:$0xA0];
	_ =	sdelay $0x4  }
0xba: {  	v42 =	vshrl.u32 v3, $0x3  }
0xbb: {  	v4 =	vmul.u32 $0x18, v42  }
0xbc: {  	v3 =	vand.u32 $0x7, v3  }
0xbd: {  	v3 =	vor.u32 v3, v4  }
0xbe: {  	v4 =	vperm.xlane v3, v0;
	_ =	sdelay $0x1  }
0xbf: {  	v4 =	vadd.s32 v1, v4;
	_ =	sdelay $0x1  }
0xc0: {  	v3 =	vperm.xlane v3, v2;
	_ =	sdelay $0x1  }
0xc1: {  	s12 =	simm.s32 $0x3200;
	v3 =	vadd.s32 v1, v3  }
0xc2: {  	[tilespmem:s12], [sflag:$0x1] =	stream.indirect_vreg.gather [hbm4b:s3+s2], $0x80, v4, vm0, $0xb8;
	[tilespmem:$0xC200] =	vst v63  }
0xc3: {  	s13 =	simm.s32 $0x3A00  }
0xc4: {  	[tilespmem:s13], [sflag:$0x1] =	stream.indirect_vreg.gather [hbm4b:s5+s2], $0x80, v4, vm1, $0xb8;
	[tilespmem:$0xC200] =	vst v63  }
0xc5: {  	s14 =	simm.s32 $0x3E00  }
0xc6: {  	[tilespmem:s14], [sflag:$0x1] =	stream.indirect_vreg.gather [hbm4b:s3+s2], $0x80, v3, vm0, $0xb8;
	[tilespmem:$0xC200] =	vst v63  }
0xc7: {  	s18 =	simm.s32 $0x4600  }
0xc8: {  	[tilespmem:s18], [sflag:$0x1] =	stream.indirect_vreg.gather [hbm4b:s5+s2], $0x80, v3, vm1, $0xb8;
	[tilespmem:$0xC200] =	vst v63  }
0xc9: {  	v3 =	vld [tilespmem:$0xB0];
	_ =	sdelay $0x4  }
0xca: {  	v43 =	vshrl.u32 v3, $0x3  }
0xcb: {  	v4 =	vmul.u32 $0x18, v43  }
0xcc: {  	v3 =	vand.u32 $0x7, v3  }
0xcd: {  	v3 =	vor.u32 v3, v4  }
0xce: {  	v4 =	vperm.xlane v3, v0;
	_ =	sdelay $0x1  }
0xcf: {  	v4 =	vadd.s32 v1, v4;
	_ =	sdelay $0x1  }
0xd0: {  	v3 =	vperm.xlane v3, v2;
	_ =	sdelay $0x1  }
0xd1: {  	s19 =	simm.s32 $0x4A00;
	v3 =	vadd.s32 v1, v3  }
0xd2: {  	[tilespmem:s19], [sflag:$0x1] =	stream.indirect_vreg.gather [hbm4b:s3+s2], $0x80, v4, vm0, $0xb8;
	[tilespmem:$0xC200] =	vst v63  }
0xd3: {  	s20 =	simm.s32 $0x5200  }
0xd4: {  	[tilespmem:s20], [sflag:$0x1] =	stream.indirect_vreg.gather [hbm4b:s5+s2], $0x80, v4, vm1, $0xb8;
	[tilespmem:$0xC200] =	vst v63  }
0xd5: {  	s21 =	simm.s32 $0x5600  }
0xd6: {  	[tilespmem:s21], [sflag:$0x1] =	stream.indirect_vreg.gather [hbm4b:s3+s2], $0x80, v3, vm0, $0xb8;
	[tilespmem:$0xC200] =	vst v63  }
0xd7: {  	s10 =	simm.s32 $0x5E00  }
0xd8: {  	[tilespmem:s10], [sflag:$0x1] =	stream.indirect_vreg.gather [hbm4b:s5+s2], $0x80, v3, vm1, $0xb8;
	[tilespmem:$0xC200] =	vst v63  }
0xd9: {  	v3 =	vld [tilespmem:$0xC0];
	_ =	sdelay $0x4  }
0xda: {  	v44 =	vshrl.u32 v3, $0x3  }
0xdb: {  	v4 =	vmul.u32 $0x18, v44  }
0xdc: {  	v3 =	vand.u32 $0x7, v3  }
0xdd: {  	v3 =	vor.u32 v3, v4  }
0xde: {  	v4 =	vperm.xlane v3, v0;
	_ =	sdelay $0x1  }
0xdf: {  	v4 =	vadd.s32 v1, v4;
	_ =	sdelay $0x1  }
0xe0: {  	v3 =	vperm.xlane v3, v2;
	_ =	sdelay $0x1  }
0xe1: {  	s0 =	simm.s32 $0x6200;
	v3 =	vadd.s32 v1, v3  }
0xe2: {  	[tilespmem:s0], [sflag:$0x1] =	stream.indirect_vreg.gather [hbm4b:s3+s2], $0x80, v4, vm0, $0xb8;
	[tilespmem:$0xC200] =	vst v63  }
0xe3: {  	s1 =	simm.s32 $0x6A00  }
0xe4: {  	[tilespmem:s1], [sflag:$0x1] =	stream.indirect_vreg.gather [hbm4b:s5+s2], $0x80, v4, vm1, $0xb8;
	[tilespmem:$0xC200] =	vst v63  }
0xe5: {  	s4 =	simm.s32 $0x6E00  }
0xe6: {  	[tilespmem:s4], [sflag:$0x1] =	stream.indirect_vreg.gather [hbm4b:s3+s2], $0x80, v3, vm0, $0xb8;
	[tilespmem:$0xC200] =	vst v63  }
0xe7: {  	s11 =	simm.s32 $0x7600  }
0xe8: {  	[tilespmem:s11], [sflag:$0x1] =	stream.indirect_vreg.gather [hbm4b:s5+s2], $0x80, v3, vm1, $0xb8;
	[tilespmem:$0xC200] =	vst v63  }
0xe9: {  	v3 =	vld [tilespmem:$0xD0];
	_ =	sdelay $0x4  }
0xea: {  	v45 =	vshrl.u32 v3, $0x3  }
0xeb: {  	v4 =	vmul.u32 $0x18, v45  }
0xec: {  	v3 =	vand.u32 $0x7, v3  }
0xed: {  	v3 =	vor.u32 v3, v4  }
0xee: {  	v4 =	vperm.xlane v3, v0;
	_ =	sdelay $0x1  }
0xef: {  	v4 =	vadd.s32 v1, v4;
	_ =	sdelay $0x1  }
0xf0: {  	v3 =	vperm.xlane v3, v2;
	_ =	sdelay $0x1  }
0xf1: {  	s8 =	simm.s32 $0x7A00;
	v3 =	vadd.s32 v1, v3  }
0xf2: {  	[tilespmem:s8], [sflag:$0x1] =	stream.indirect_vreg.gather [hbm4b:s3+s2], $0x80, v4, vm0, $0xb8;
	[tilespmem:$0xC200] =	vst v63  }
0xf3: {  	s9 =	simm.s32 $0x8200  }
0xf4: {  	[tilespmem:s9], [sflag:$0x1] =	stream.indirect_vreg.gather [hbm4b:s5+s2], $0x80, v4, vm1, $0xb8;
	[tilespmem:$0xC200] =	vst v63  }
0xf5: {  	s10 =	simm.s32 $0x8600  }
0xf6: {  	[tilespmem:s10], [sflag:$0x1] =	stream.indirect_vreg.gather [hbm4b:s3+s2], $0x80, v3, vm0, $0xb8;
	[tilespmem:$0xC200] =	vst v63  }
0xf7: {  	s23 =	simm.s32 $0x8E00  }
0xf8: {  	[tilespmem:s23], [sflag:$0x1] =	stream.indirect_vreg.gather [hbm4b:s5+s2], $0x80, v3, vm1, $0xb8;
	[tilespmem:$0xC200] =	vst v63  }
0xf9: {  	v3 =	vld [tilespmem:$0xE0];
	_ =	sdelay $0x4  }
0xfa: {  	v46 =	vshrl.u32 v3, $0x3  }
0xfb: {  	v4 =	vmul.u32 $0x18, v46  }
0xfc: {  	v3 =	vand.u32 $0x7, v3  }
0xfd: {  	v3 =	vor.u32 v3, v4  }
0xfe: {  	v4 =	vperm.xlane v3, v0;
	_ =	sdelay $0x1  }
0xff: {  	v4 =	vadd.s32 v1, v4;
	_ =	sdelay $0x1  }
0x100: {  	v3 =	vperm.xlane v3, v2;
	_ =	sdelay $0x1  }
0x101: {  	s29 =	simm.s32 $0x9200;
	v3 =	vadd.s32 v1, v3  }
0x102: {  	[tilespmem:s29], [sflag:$0x1] =	stream.indirect_vreg.gather [hbm4b:s3+s2], $0x80, v4, vm0, $0xb8;
	[tilespmem:$0xC200] =	vst v63  }
0x103: {  	s30 =	simm.s32 $0x9A00  }
0x104: {  	[tilespmem:s30], [sflag:$0x1] =	stream.indirect_vreg.gather [hbm4b:s5+s2], $0x80, v4, vm1, $0xb8;
	[tilespmem:$0xC200] =	vst v63  }
0x105: {  	s31 =	simm.s32 $0x9E00  }
0x106: {  	[tilespmem:s31], [sflag:$0x1] =	stream.indirect_vreg.gather [hbm4b:s3+s2], $0x80, v3, vm0, $0xb8;
	[tilespmem:$0xC200] =	vst v63  }
0x107: {  	s22 =	simm.s32 $0xA600  }
0x108: {  	[tilespmem:s22], [sflag:$0x1] =	stream.indirect_vreg.gather [hbm4b:s5+s2], $0x80, v3, vm1, $0xb8;
	[tilespmem:$0xC200] =	vst v63  }
0x109: {  	v3 =	vld [tilespmem:$0xF0];
	_ =	sdelay $0x4  }
0x10a: {  	v47 =	vshrl.u32 v3, $0x3  }
0x10b: {  	v4 =	vmul.u32 $0x18, v47  }
0x10c: {  	v3 =	vand.u32 $0x7, v3  }
0x10d: {  	v3 =	vor.u32 v3, v4  }
0x10e: {  	v4 =	vperm.xlane v3, v0;
	_ =	sdelay $0x1  }
0x10f: {  	v4 =	vadd.s32 v1, v4;
	_ =	sdelay $0x1  }
0x110: {  	v3 =	vperm.xlane v3, v2;
	_ =	sdelay $0x1  }
0x111: {  	s31 =	simm.s32 $0xAA00;
	v3 =	vadd.s32 v1, v3  }
0x112: {  	[tilespmem:s31], [sflag:$0x1] =	stream.indirect_vreg.gather [hbm4b:s3+s2], $0x80, v4, vm0, $0xb8;
	[tilespmem:$0xC200] =	vst v63  }
0x113: {  	s26 =	simm.s32 $0xB200  }
0x114: {  	[tilespmem:s26], [sflag:$0x1] =	stream.indirect_vreg.gather [hbm4b:s5+s2], $0x80, v4, vm1, $0xb8;
	[tilespmem:$0xC200] =	vst v63  }
0x115: {  	s28 =	simm.s32 $0xB600  }
0x116: {  	[tilespmem:s28], [sflag:$0x1] =	stream.indirect_vreg.gather [hbm4b:s3+s2], $0x80, v3, vm0, $0xb8;
	[tilespmem:$0xC200] =	vst v63  }
0x117: {  	s25 =	simm.s32 $0xBE00  }
0x118: {  	[tilespmem:s25], [sflag:$0x1] =	stream.indirect_vreg.gather [hbm4b:s5+s2], $0x80, v3, vm1, $0xb8;
	[tilespmem:$0xC200] =	vst v63  }
0x119: {  	_ =	swait.ge [sflag:s15], $0xC000  }
0x11a: {  	[sflag:s15] =	ssyncset.done $0x0  }
0x11b: {  	s22 =	rddreg [dreg:$0x4];
	[sflag:s15] =	ssyncadd.s32 $0xFFFF4000  }
0x11c: {  	[hbm4b:s22+s2] =	stream.linear.scatter [tilespmem:s24], [sflag:$0x2], $0xC000, $0x38;
	[tilespmem:$0xC200] =	vst v63  }
0x11d: {  	_ =	swait.ge [sflag:s7], $0xC000  }
0x11e: {  	[sflag:s7] =	ssyncset.done $0x0  }
0x11f: {  	[sflag:s7] =	ssyncadd.s32 $0xFFFF4000  }
0x120: {  	v3 =	vld [tilespmem:$0x100];
	_ =	sdelay $0x4  }
0x121: {  	v48 =	vshrl.u32 v3, $0x3  }
0x122: {  	v4 =	vmul.u32 $0x18, v48  }
0x123: {  	v3 =	vand.u32 $0x7, v3  }
0x124: {  	v3 =	vor.u32 v3, v4  }
0x125: {  	v4 =	vperm.xlane v3, v0;
	_ =	sdelay $0x1  }
0x126: {  	v4 =	vadd.s32 v1, v4;
	_ =	sdelay $0x1  }
0x127: {  	v3 =	vperm.xlane v3, v2;
	_ =	sdelay $0x1  }
0x128: {  	v3 =	vadd.s32 v1, v3  }
0x129: {  	[tilespmem:s24], [sflag:$0x1] =	stream.indirect_vreg.gather [hbm4b:s3+s2], $0x80, v4, vm0, $0xb8;
	[tilespmem:$0xC200] =	vst v63  }
0x12a: {  	s25 =	simm.s32 $0xA00  }
0x12b: {  	[tilespmem:s25], [sflag:$0x1] =	stream.indirect_vreg.gather [hbm4b:s5+s2], $0x80, v4, vm1, $0xb8;
	[tilespmem:$0xC200] =	vst v63  }
0x12c: {  	s26 =	simm.s32 $0xE00  }
0x12d: {  	[tilespmem:s26], [sflag:$0x1] =	stream.indirect_vreg.gather [hbm4b:s3+s2], $0x80, v3, vm0, $0xb8;
	[tilespmem:$0xC200] =	vst v63  }
0x12e: {  	_ = 	snop  }
0x12f: {  	[tilespmem:s17], [sflag:$0x1] =	stream.indirect_vreg.gather [hbm4b:s5+s2], $0x80, v3, vm1, $0xb8;
	[tilespmem:$0xC200] =	vst v63  }
0x130: {  	v3 =	vld [tilespmem:$0x110];
	_ =	sdelay $0x4  }
0x131: {  	v49 =	vshrl.u32 v3, $0x3  }
0x132: {  	v4 =	vmul.u32 $0x18, v49  }
0x133: {  	v3 =	vand.u32 $0x7, v3  }
0x134: {  	v3 =	vor.u32 v3, v4  }
0x135: {  	v4 =	vperm.xlane v3, v0;
	_ =	sdelay $0x1  }
0x136: {  	v4 =	vadd.s32 v1, v4;
	_ =	sdelay $0x1  }
0x137: {  	v3 =	vperm.xlane v3, v2;
	_ =	sdelay $0x1  }
0x138: {  	s28 =	simm.s32 $0x1A00;
	v3 =	vadd.s32 v1, v3  }
0x139: {  	[tilespmem:s28], [sflag:$0x1] =	stream.indirect_vreg.gather [hbm4b:s3+s2], $0x80, v4, vm0, $0xb8;
	[tilespmem:$0xC200] =	vst v63  }
0x13a: {  	s31 =	simm.s32 $0x2200  }
0x13b: {  	[tilespmem:s31], [sflag:$0x1] =	stream.indirect_vreg.gather [hbm4b:s5+s2], $0x80, v4, vm1, $0xb8;
	[tilespmem:$0xC200] =	vst v63  }
0x13c: {  	s26 =	simm.s32 $0x2600  }
0x13d: {  	[tilespmem:s26], [sflag:$0x1] =	stream.indirect_vreg.gather [hbm4b:s3+s2], $0x80, v3, vm0, $0xb8;
	[tilespmem:$0xC200] =	vst v63  }
0x13e: {  	s28 =	simm.s32 $0x2E00  }
0x13f: {  	[tilespmem:s28], [sflag:$0x1] =	stream.indirect_vreg.gather [hbm4b:s5+s2], $0x80, v3, vm1, $0xb8;
	[tilespmem:$0xC200] =	vst v63  }
0x140: {  	v3 =	vld [tilespmem:$0x120];
	_ =	sdelay $0x4  }
0x141: {  	v50 =	vshrl.u32 v3, $0x3  }
0x142: {  	v4 =	vmul.u32 $0x18, v50  }
0x143: {  	v3 =	vand.u32 $0x7, v3  }
0x144: {  	v3 =	vor.u32 v3, v4  }
0x145: {  	v4 =	vperm.xlane v3, v0;
	_ =	sdelay $0x1  }
0x146: {  	v4 =	vadd.s32 v1, v4;
	_ =	sdelay $0x1  }
0x147: {  	v3 =	vperm.xlane v3, v2;
	_ =	sdelay $0x1  }
0x148: {  	v3 =	vadd.s32 v1, v3  }
0x149: {  	[tilespmem:s12], [sflag:$0x1] =	stream.indirect_vreg.gather [hbm4b:s3+s2], $0x80, v4, vm0, $0xb8;
	[tilespmem:$0xC200] =	vst v63  }
0x14a: {  	_ = 	snop  }
0x14b: {  	[tilespmem:s13], [sflag:$0x1] =	stream.indirect_vreg.gather [hbm4b:s5+s2], $0x80, v4, vm1, $0xb8;
	[tilespmem:$0xC200] =	vst v63  }
0x14c: {  	_ = 	snop  }
0x14d: {  	[tilespmem:s14], [sflag:$0x1] =	stream.indirect_vreg.gather [hbm4b:s3+s2], $0x80, v3, vm0, $0xb8;
	[tilespmem:$0xC200] =	vst v63  }
0x14e: {  	_ = 	snop  }
0x14f: {  	[tilespmem:s18], [sflag:$0x1] =	stream.indirect_vreg.gather [hbm4b:s5+s2], $0x80, v3, vm1, $0xb8;
	[tilespmem:$0xC200] =	vst v63  }
0x150: {  	v3 =	vld [tilespmem:$0x130];
	_ =	sdelay $0x4  }
0x151: {  	v51 =	vshrl.u32 v3, $0x3  }
0x152: {  	v4 =	vmul.u32 $0x18, v51  }
0x153: {  	v3 =	vand.u32 $0x7, v3  }
0x154: {  	v3 =	vor.u32 v3, v4  }
0x155: {  	v4 =	vperm.xlane v3, v0;
	_ =	sdelay $0x1  }
0x156: {  	v4 =	vadd.s32 v1, v4;
	_ =	sdelay $0x1  }
0x157: {  	v3 =	vperm.xlane v3, v2;
	_ =	sdelay $0x1  }
0x158: {  	v3 =	vadd.s32 v1, v3  }
0x159: {  	[tilespmem:s19], [sflag:$0x1] =	stream.indirect_vreg.gather [hbm4b:s3+s2], $0x80, v4, vm0, $0xb8;
	[tilespmem:$0xC200] =	vst v63  }
0x15a: {  	_ = 	snop  }
0x15b: {  	[tilespmem:s20], [sflag:$0x1] =	stream.indirect_vreg.gather [hbm4b:s5+s2], $0x80, v4, vm1, $0xb8;
	[tilespmem:$0xC200] =	vst v63  }
0x15c: {  	_ = 	snop  }
0x15d: {  	[tilespmem:s21], [sflag:$0x1] =	stream.indirect_vreg.gather [hbm4b:s3+s2], $0x80, v3, vm0, $0xb8;
	[tilespmem:$0xC200] =	vst v63  }
0x15e: {  	s31 =	simm.s32 $0x5E00  }
0x15f: {  	[tilespmem:s31], [sflag:$0x1] =	stream.indirect_vreg.gather [hbm4b:s5+s2], $0x80, v3, vm1, $0xb8;
	[tilespmem:$0xC200] =	vst v63  }
0x160: {  	v3 =	vld [tilespmem:$0x140];
	_ =	sdelay $0x4  }
0x161: {  	v52 =	vshrl.u32 v3, $0x3  }
0x162: {  	v4 =	vmul.u32 $0x18, v52  }
0x163: {  	v3 =	vand.u32 $0x7, v3  }
0x164: {  	v3 =	vor.u32 v3, v4  }
0x165: {  	v4 =	vperm.xlane v3, v0;
	_ =	sdelay $0x1  }
0x166: {  	v4 =	vadd.s32 v1, v4;
	_ =	sdelay $0x1  }
0x167: {  	v3 =	vperm.xlane v3, v2;
	_ =	sdelay $0x1  }
0x168: {  	v3 =	vadd.s32 v1, v3  }
0x169: {  	[tilespmem:s0], [sflag:$0x1] =	stream.indirect_vreg.gather [hbm4b:s3+s2], $0x80, v4, vm0, $0xb8;
	[tilespmem:$0xC200] =	vst v63  }
0x16a: {  	_ = 	snop  }
0x16b: {  	[tilespmem:s1], [sflag:$0x1] =	stream.indirect_vreg.gather [hbm4b:s5+s2], $0x80, v4, vm1, $0xb8;
	[tilespmem:$0xC200] =	vst v63  }
0x16c: {  	_ = 	snop  }
0x16d: {  	[tilespmem:s4], [sflag:$0x1] =	stream.indirect_vreg.gather [hbm4b:s3+s2], $0x80, v3, vm0, $0xb8;
	[tilespmem:$0xC200] =	vst v63  }
0x16e: {  	_ = 	snop  }
0x16f: {  	[tilespmem:s11], [sflag:$0x1] =	stream.indirect_vreg.gather [hbm4b:s5+s2], $0x80, v3, vm1, $0xb8;
	[tilespmem:$0xC200] =	vst v63  }
0x170: {  	v3 =	vld [tilespmem:$0x150];
	_ =	sdelay $0x4  }
0x171: {  	v53 =	vshrl.u32 v3, $0x3  }
0x172: {  	v4 =	vmul.u32 $0x18, v53  }
0x173: {  	v3 =	vand.u32 $0x7, v3  }
0x174: {  	v3 =	vor.u32 v3, v4  }
0x175: {  	v4 =	vperm.xlane v3, v0;
	_ =	sdelay $0x1  }
0x176: {  	v4 =	vadd.s32 v1, v4;
	_ =	sdelay $0x1  }
0x177: {  	v3 =	vperm.xlane v3, v2;
	_ =	sdelay $0x1  }
0x178: {  	v3 =	vadd.s32 v1, v3  }
0x179: {  	[tilespmem:s8], [sflag:$0x1] =	stream.indirect_vreg.gather [hbm4b:s3+s2], $0x80, v4, vm0, $0xb8;
	[tilespmem:$0xC200] =	vst v63  }
0x17a: {  	_ = 	snop  }
0x17b: {  	[tilespmem:s9], [sflag:$0x1] =	stream.indirect_vreg.gather [hbm4b:s5+s2], $0x80, v4, vm1, $0xb8;
	[tilespmem:$0xC200] =	vst v63  }
0x17c: {  	_ = 	snop  }
0x17d: {  	[tilespmem:s10], [sflag:$0x1] =	stream.indirect_vreg.gather [hbm4b:s3+s2], $0x80, v3, vm0, $0xb8;
	[tilespmem:$0xC200] =	vst v63  }
0x17e: {  	s26 =	simm.s32 $0x8E00  }
0x17f: {  	[tilespmem:s26], [sflag:$0x1] =	stream.indirect_vreg.gather [hbm4b:s5+s2], $0x80, v3, vm1, $0xb8;
	[tilespmem:$0xC200] =	vst v63  }
0x180: {  	v3 =	vld [tilespmem:$0x160];
	_ =	sdelay $0x4  }
0x181: {  	v54 =	vshrl.u32 v3, $0x3  }
0x182: {  	v4 =	vmul.u32 $0x18, v54  }
0x183: {  	v3 =	vand.u32 $0x7, v3  }
0x184: {  	v3 =	vor.u32 v3, v4  }
0x185: {  	v4 =	vperm.xlane v3, v0;
	_ =	sdelay $0x1  }
0x186: {  	v4 =	vadd.s32 v1, v4;
	_ =	sdelay $0x1  }
0x187: {  	v3 =	vperm.xlane v3, v2;
	_ =	sdelay $0x1  }
0x188: {  	s28 =	simm.s32 $0x9200;
	v3 =	vadd.s32 v1, v3  }
0x189: {  	[tilespmem:s28], [sflag:$0x1] =	stream.indirect_vreg.gather [hbm4b:s3+s2], $0x80, v4, vm0, $0xb8;
	[tilespmem:$0xC200] =	vst v63  }
0x18a: {  	s31 =	simm.s32 $0x9A00  }
0x18b: {  	[tilespmem:s31], [sflag:$0x1] =	stream.indirect_vreg.gather [hbm4b:s5+s2], $0x80, v4, vm1, $0xb8;
	[tilespmem:$0xC200] =	vst v63  }
0x18c: {  	s26 =	simm.s32 $0x9E00  }
0x18d: {  	[tilespmem:s26], [sflag:$0x1] =	stream.indirect_vreg.gather [hbm4b:s3+s2], $0x80, v3, vm0, $0xb8;
	[tilespmem:$0xC200] =	vst v63  }
0x18e: {  	s26 =	simm.s32 $0xA600  }
0x18f: {  	[tilespmem:s26], [sflag:$0x1] =	stream.indirect_vreg.gather [hbm4b:s5+s2], $0x80, v3, vm1, $0xb8;
	[tilespmem:$0xC200] =	vst v63  }
0x190: {  	v3 =	vld [tilespmem:$0x170];
	_ =	sdelay $0x4  }
0x191: {  	v55 =	vshrl.u32 v3, $0x3  }
0x192: {  	v4 =	vmul.u32 $0x18, v55  }
0x193: {  	v3 =	vand.u32 $0x7, v3  }
0x194: {  	v3 =	vor.u32 v3, v4  }
0x195: {  	v4 =	vperm.xlane v3, v0;
	_ =	sdelay $0x1  }
0x196: {  	v4 =	vadd.s32 v1, v4;
	_ =	sdelay $0x1  }
0x197: {  	v3 =	vperm.xlane v3, v2;
	_ =	sdelay $0x1  }
0x198: {  	s29 =	simm.s32 $0xAA00;
	v3 =	vadd.s32 v1, v3  }
0x199: {  	[tilespmem:s29], [sflag:$0x1] =	stream.indirect_vreg.gather [hbm4b:s3+s2], $0x80, v4, vm0, $0xb8;
	[tilespmem:$0xC200] =	vst v63  }
0x19a: {  	s23 =	simm.s32 $0xB200  }
0x19b: {  	[tilespmem:s23], [sflag:$0x1] =	stream.indirect_vreg.gather [hbm4b:s5+s2], $0x80, v4, vm1, $0xb8;
	[tilespmem:$0xC200] =	vst v63  }
0x19c: {  	s30 =	simm.s32 $0xB600  }
0x19d: {  	[tilespmem:s30], [sflag:$0x1] =	stream.indirect_vreg.gather [hbm4b:s3+s2], $0x80, v3, vm0, $0xb8;
	[tilespmem:$0xC200] =	vst v63  }
0x19e: {  	s30 =	simm.s32 $0xBE00  }
0x19f: {  	[tilespmem:s30], [sflag:$0x1] =	stream.indirect_vreg.gather [hbm4b:s5+s2], $0x80, v3, vm1, $0xb8;
	[tilespmem:$0xC200] =	vst v63  }
0x1a0: {  	_ =	swait.ge [sflag:s15], $0xC000  }
0x1a1: {  	[sflag:s15] =	ssyncset.done $0x0  }
0x1a2: {  	s16 =	rddreg [dreg:$0x5];
	[sflag:s15] =	ssyncadd.s32 $0xFFFF4000  }
0x1a3: {  	[hbm4b:s16+s2] =	stream.linear.scatter [tilespmem:s24], [sflag:$0x2], $0xC000, $0x38;
	[tilespmem:$0xC200] =	vst v63  }
0x1a4: {  	_ =	swait.ge [sflag:s7], $0xC000  }
0x1a5: {  	[sflag:s7] =	ssyncset.done $0x0  }
0x1a6: {  	[sflag:s7] =	ssyncadd.s32 $0xFFFF4000  }
0x1a7: {  	v3 =	vld [tilespmem:$0x180];
	_ =	sdelay $0x4  }
0x1a8: {  	v56 =	vshrl.u32 v3, $0x3  }
0x1a9: {  	v4 =	vmul.u32 $0x18, v56  }
0x1aa: {  	v3 =	vand.u32 $0x7, v3  }
0x1ab: {  	v3 =	vor.u32 v3, v4  }
0x1ac: {  	v4 =	vperm.xlane v3, v0;
	_ =	sdelay $0x1  }
0x1ad: {  	v4 =	vadd.s32 v1, v4;
	_ =	sdelay $0x1  }
0x1ae: {  	v3 =	vperm.xlane v3, v2;
	_ =	sdelay $0x1  }
0x1af: {  	v3 =	vadd.s32 v1, v3  }
0x1b0: {  	[tilespmem:s24], [sflag:$0x1] =	stream.indirect_vreg.gather [hbm4b:s3+s2], $0x80, v4, vm0, $0xb8;
	[tilespmem:$0xC200] =	vst v63  }
0x1b1: {  	s25 =	simm.s32 $0xA00  }
0x1b2: {  	[tilespmem:s25], [sflag:$0x1] =	stream.indirect_vreg.gather [hbm4b:s5+s2], $0x80, v4, vm1, $0xb8;
	[tilespmem:$0xC200] =	vst v63  }
0x1b3: {  	s22 =	simm.s32 $0xE00  }
0x1b4: {  	[tilespmem:s22], [sflag:$0x1] =	stream.indirect_vreg.gather [hbm4b:s3+s2], $0x80, v3, vm0, $0xb8;
	[tilespmem:$0xC200] =	vst v63  }
0x1b5: {  	s17 =	simm.s32 $0x1600  }
0x1b6: {  	[tilespmem:s17], [sflag:$0x1] =	stream.indirect_vreg.gather [hbm4b:s5+s2], $0x80, v3, vm1, $0xb8;
	[tilespmem:$0xC200] =	vst v63  }
0x1b7: {  	v3 =	vld [tilespmem:$0x190];
	_ =	sdelay $0x4  }
0x1b8: {  	v57 =	vshrl.u32 v3, $0x3  }
0x1b9: {  	v4 =	vmul.u32 $0x18, v57  }
0x1ba: {  	v3 =	vand.u32 $0x7, v3  }
0x1bb: {  	v3 =	vor.u32 v3, v4  }
0x1bc: {  	v4 =	vperm.xlane v3, v0;
	_ =	sdelay $0x1  }
0x1bd: {  	v4 =	vadd.s32 v1, v4;
	_ =	sdelay $0x1  }
0x1be: {  	v3 =	vperm.xlane v3, v2;
	_ =	sdelay $0x1  }
0x1bf: {  	s17 =	simm.s32 $0x1A00;
	v3 =	vadd.s32 v1, v3  }
0x1c0: {  	[tilespmem:s17], [sflag:$0x1] =	stream.indirect_vreg.gather [hbm4b:s3+s2], $0x80, v4, vm0, $0xb8;
	[tilespmem:$0xC200] =	vst v63  }
0x1c1: {  	s22 =	simm.s32 $0x2200  }
0x1c2: {  	[tilespmem:s22], [sflag:$0x1] =	stream.indirect_vreg.gather [hbm4b:s5+s2], $0x80, v4, vm1, $0xb8;
	[tilespmem:$0xC200] =	vst v63  }
0x1c3: {  	s25 =	simm.s32 $0x2600  }
0x1c4: {  	[tilespmem:s25], [sflag:$0x1] =	stream.indirect_vreg.gather [hbm4b:s3+s2], $0x80, v3, vm0, $0xb8;
	[tilespmem:$0xC200] =	vst v63  }
0x1c5: {  	s17 =	simm.s32 $0x2E00  }
0x1c6: {  	[tilespmem:s17], [sflag:$0x1] =	stream.indirect_vreg.gather [hbm4b:s5+s2], $0x80, v3, vm1, $0xb8;
	[tilespmem:$0xC200] =	vst v63  }
0x1c7: {  	v3 =	vld [tilespmem:$0x1A0];
	_ =	sdelay $0x4  }
0x1c8: {  	v58 =	vshrl.u32 v3, $0x3  }
0x1c9: {  	v4 =	vmul.u32 $0x18, v58  }
0x1ca: {  	v3 =	vand.u32 $0x7, v3  }
0x1cb: {  	v3 =	vor.u32 v3, v4  }
0x1cc: {  	v4 =	vperm.xlane v3, v0;
	_ =	sdelay $0x1  }
0x1cd: {  	v4 =	vadd.s32 v1, v4;
	_ =	sdelay $0x1  }
0x1ce: {  	v3 =	vperm.xlane v3, v2;
	_ =	sdelay $0x1  }
0x1cf: {  	s12 =	simm.s32 $0x3200;
	v3 =	vadd.s32 v1, v3  }
0x1d0: {  	[tilespmem:s12], [sflag:$0x1] =	stream.indirect_vreg.gather [hbm4b:s3+s2], $0x80, v4, vm0, $0xb8;
	[tilespmem:$0xC200] =	vst v63  }
0x1d1: {  	s13 =	simm.s32 $0x3A00  }
0x1d2: {  	[tilespmem:s13], [sflag:$0x1] =	stream.indirect_vreg.gather [hbm4b:s5+s2], $0x80, v4, vm1, $0xb8;
	[tilespmem:$0xC200] =	vst v63  }
0x1d3: {  	s14 =	simm.s32 $0x3E00  }
0x1d4: {  	[tilespmem:s14], [sflag:$0x1] =	stream.indirect_vreg.gather [hbm4b:s3+s2], $0x80, v3, vm0, $0xb8;
	[tilespmem:$0xC200] =	vst v63  }
0x1d5: {  	s18 =	simm.s32 $0x4600  }
0x1d6: {  	[tilespmem:s18], [sflag:$0x1] =	stream.indirect_vreg.gather [hbm4b:s5+s2], $0x80, v3, vm1, $0xb8;
	[tilespmem:$0xC200] =	vst v63  }
0x1d7: {  	v3 =	vld [tilespmem:$0x1B0];
	_ =	sdelay $0x4  }
0x1d8: {  	v59 =	vshrl.u32 v3, $0x3  }
0x1d9: {  	v4 =	vmul.u32 $0x18, v59  }
0x1da: {  	v3 =	vand.u32 $0x7, v3  }
0x1db: {  	v3 =	vor.u32 v3, v4  }
0x1dc: {  	v4 =	vperm.xlane v3, v0;
	_ =	sdelay $0x1  }
0x1dd: {  	v4 =	vadd.s32 v1, v4;
	_ =	sdelay $0x1  }
0x1de: {  	v3 =	vperm.xlane v3, v2;
	_ =	sdelay $0x1  }
0x1df: {  	s19 =	simm.s32 $0x4A00;
	v3 =	vadd.s32 v1, v3  }
0x1e0: {  	[tilespmem:s19], [sflag:$0x1] =	stream.indirect_vreg.gather [hbm4b:s3+s2], $0x80, v4, vm0, $0xb8;
	[tilespmem:$0xC200] =	vst v63  }
0x1e1: {  	s20 =	simm.s32 $0x5200  }
0x1e2: {  	[tilespmem:s20], [sflag:$0x1] =	stream.indirect_vreg.gather [hbm4b:s5+s2], $0x80, v4, vm1, $0xb8;
	[tilespmem:$0xC200] =	vst v63  }
0x1e3: {  	s21 =	simm.s32 $0x5600  }
0x1e4: {  	[tilespmem:s21], [sflag:$0x1] =	stream.indirect_vreg.gather [hbm4b:s3+s2], $0x80, v3, vm0, $0xb8;
	[tilespmem:$0xC200] =	vst v63  }
0x1e5: {  	s21 =	simm.s32 $0x5E00  }
0x1e6: {  	[tilespmem:s21], [sflag:$0x1] =	stream.indirect_vreg.gather [hbm4b:s5+s2], $0x80, v3, vm1, $0xb8;
	[tilespmem:$0xC200] =	vst v63  }
0x1e7: {  	v3 =	vld [tilespmem:$0x1C0];
	_ =	sdelay $0x4  }
0x1e8: {  	v60 =	vshrl.u32 v3, $0x3  }
0x1e9: {  	v4 =	vmul.u32 $0x18, v60  }
0x1ea: {  	v3 =	vand.u32 $0x7, v3  }
0x1eb: {  	v3 =	vor.u32 v3, v4  }
0x1ec: {  	v4 =	vperm.xlane v3, v0;
	_ =	sdelay $0x1  }
0x1ed: {  	v4 =	vadd.s32 v1, v4;
	_ =	sdelay $0x1  }
0x1ee: {  	v3 =	vperm.xlane v3, v2;
	_ =	sdelay $0x1  }
0x1ef: {  	s0 =	simm.s32 $0x6200;
	v3 =	vadd.s32 v1, v3  }
0x1f0: {  	[tilespmem:s0], [sflag:$0x1] =	stream.indirect_vreg.gather [hbm4b:s3+s2], $0x80, v4, vm0, $0xb8;
	[tilespmem:$0xC200] =	vst v63  }
0x1f1: {  	s1 =	simm.s32 $0x6A00  }
0x1f2: {  	[tilespmem:s1], [sflag:$0x1] =	stream.indirect_vreg.gather [hbm4b:s5+s2], $0x80, v4, vm1, $0xb8;
	[tilespmem:$0xC200] =	vst v63  }
0x1f3: {  	s4 =	simm.s32 $0x6E00  }
0x1f4: {  	[tilespmem:s4], [sflag:$0x1] =	stream.indirect_vreg.gather [hbm4b:s3+s2], $0x80, v3, vm0, $0xb8;
	[tilespmem:$0xC200] =	vst v63  }
0x1f5: {  	s11 =	simm.s32 $0x7600  }
0x1f6: {  	[tilespmem:s11], [sflag:$0x1] =	stream.indirect_vreg.gather [hbm4b:s5+s2], $0x80, v3, vm1, $0xb8;
	[tilespmem:$0xC200] =	vst v63  }
0x1f7: {  	v3 =	vld [tilespmem:$0x1D0];
	_ =	sdelay $0x4  }
0x1f8: {  	v61 =	vshrl.u32 v3, $0x3  }
0x1f9: {  	v4 =	vmul.u32 $0x18, v61  }
0x1fa: {  	v3 =	vand.u32 $0x7, v3  }
0x1fb: {  	v3 =	vor.u32 v3, v4  }
0x1fc: {  	v4 =	vperm.xlane v3, v0;
	_ =	sdelay $0x1  }
0x1fd: {  	v4 =	vadd.s32 v1, v4;
	_ =	sdelay $0x1  }
0x1fe: {  	v3 =	vperm.xlane v3, v2;
	_ =	sdelay $0x1  }
0x1ff: {  	s8 =	simm.s32 $0x7A00;
	v3 =	vadd.s32 v1, v3  }
0x200: {  	[tilespmem:s8], [sflag:$0x1] =	stream.indirect_vreg.gather [hbm4b:s3+s2], $0x80, v4, vm0, $0xb8;
	[tilespmem:$0xC200] =	vst v63  }
0x201: {  	s9 =	simm.s32 $0x8200  }
0x202: {  	[tilespmem:s9], [sflag:$0x1] =	stream.indirect_vreg.gather [hbm4b:s5+s2], $0x80, v4, vm1, $0xb8;
	[tilespmem:$0xC200] =	vst v63  }
0x203: {  	s10 =	simm.s32 $0x8600  }
0x204: {  	[tilespmem:s10], [sflag:$0x1] =	stream.indirect_vreg.gather [hbm4b:s3+s2], $0x80, v3, vm0, $0xb8;
	[tilespmem:$0xC200] =	vst v63  }
0x205: {  	s22 =	simm.s32 $0x8E00  }
0x206: {  	[tilespmem:s22], [sflag:$0x1] =	stream.indirect_vreg.gather [hbm4b:s5+s2], $0x80, v3, vm1, $0xb8;
	[tilespmem:$0xC200] =	vst v63  }
0x207: {  	v3 =	vld [tilespmem:$0x1E0];
	_ =	sdelay $0x4  }
0x208: {  	v62 =	vshrl.u32 v3, $0x3  }
0x209: {  	v4 =	vmul.u32 $0x18, v62  }
0x20a: {  	v3 =	vand.u32 $0x7, v3  }
0x20b: {  	v3 =	vor.u32 v3, v4  }
0x20c: {  	v4 =	vperm.xlane v3, v0;
	_ =	sdelay $0x1  }
0x20d: {  	v4 =	vadd.s32 v1, v4;
	_ =	sdelay $0x1  }
0x20e: {  	v3 =	vperm.xlane v3, v2;
	_ =	sdelay $0x1  }
0x20f: {  	s28 =	simm.s32 $0x9200;
	v3 =	vadd.s32 v1, v3  }
0x210: {  	[tilespmem:s28], [sflag:$0x1] =	stream.indirect_vreg.gather [hbm4b:s3+s2], $0x80, v4, vm0, $0xb8;
	[tilespmem:$0xC200] =	vst v63  }
0x211: {  	s31 =	simm.s32 $0x9A00  }
0x212: {  	[tilespmem:s31], [sflag:$0x1] =	stream.indirect_vreg.gather [hbm4b:s5+s2], $0x80, v4, vm1, $0xb8;
	[tilespmem:$0xC200] =	vst v63  }
0x213: {  	s25 =	simm.s32 $0x9E00  }
0x214: {  	[tilespmem:s25], [sflag:$0x1] =	stream.indirect_vreg.gather [hbm4b:s3+s2], $0x80, v3, vm0, $0xb8;
	[tilespmem:$0xC200] =	vst v63  }
0x215: {  	s28 =	simm.s32 $0xA600  }
0x216: {  	[tilespmem:s28], [sflag:$0x1] =	stream.indirect_vreg.gather [hbm4b:s5+s2], $0x80, v3, vm1, $0xb8;
	[tilespmem:$0xC200] =	vst v63  }
0x217: {  	v3 =	vld [tilespmem:$0x1F0];
	_ =	sdelay $0x4  }
0x218: {  	v63 =	vshrl.u32 v3, $0x3  }
0x219: {  	v4 =	vmul.u32 $0x18, v63  }
0x21a: {  	v3 =	vand.u32 $0x7, v3  }
0x21b: {  	v3 =	vor.u32 v3, v4  }
0x21c: {  	v4 =	vperm.xlane v3, v0;
	_ =	sdelay $0x1  }
0x21d: {  	v4 =	vadd.s32 v1, v4;
	_ =	sdelay $0x1  }
0x21e: {  	v3 =	vperm.xlane v3, v2;
	_ =	sdelay $0x1  }
0x21f: {  	s26 =	simm.s32 $0xAA00;
	v3 =	vadd.s32 v1, v3  }
0x220: {  	[tilespmem:s26], [sflag:$0x1] =	stream.indirect_vreg.gather [hbm4b:s3+s2], $0x80, v4, vm0, $0xb8;
	[tilespmem:$0xC200] =	vst v63  }
0x221: {  	s23 =	simm.s32 $0xB200  }
0x222: {  	[tilespmem:s23], [sflag:$0x1] =	stream.indirect_vreg.gather [hbm4b:s5+s2], $0x80, v4, vm1, $0xb8;
	[tilespmem:$0xC200] =	vst v63  }
0x223: {  	s29 =	simm.s32 $0xB600  }
0x224: {  	[tilespmem:s29], [sflag:$0x1] =	stream.indirect_vreg.gather [hbm4b:s3+s2], $0x80, v3, vm0, $0xb8;
	[tilespmem:$0xC200] =	vst v63  }
0x225: {  	s30 =	simm.s32 $0xBE00  }
0x226: {  	[tilespmem:s30], [sflag:$0x1] =	stream.indirect_vreg.gather [hbm4b:s5+s2], $0x80, v3, vm1, $0xb8;
	[tilespmem:$0xC200] =	vst v63  }
0x227: {  	_ =	swait.ge [sflag:s15], $0xC000  }
0x228: {  	p0 =	sne.s32 s6, $0x1;
	[sflag:s15] =	ssyncset.done $0x0  }
.Ltmp0:
0x229: {  	s31 =	rddreg [dreg:$0x6];
	[sflag:s15] =	ssyncadd.s32 $0xFFFF4000;
	(pc) =	sbr.rel @p0 .LBB2_1-.Ltmp0, $4  }
0x22a: {  	[hbm4b:s31+s2] =	stream.linear.scatter [tilespmem:s24], [sflag:$0x2], $0xC000, $0x38;
	[tilespmem:$0xC200] =	vst v63  }
0x22b: {  	_ =	swait.ge [sflag:s7], $0xC000  }
0x22c: {  	[sflag:s7] =	ssyncset.done $0x0  }
0x22d: {  	s6 =	sadd.s32 $0xFFFFFFFF, s6;
	[sflag:s7] =	ssyncadd.s32 $0xFFFF4000  }
0x22e: {  	_ =	sfence.sel $0x180000  }
0x22f: {  	[bflag:$0x0] =	sbarrier.arrive $0xFFFF  }
0x230: {  	_ =	strace $0x90000047  }
0x231: {  	s0 =	stileid.u32;
	[bflag:$0x2] =	sbarrier.arrive $0xFFFF  }
0x232: {  	p0 =	sne.s32 s0, $0x0;
	s0 =	rddreg [dreg:$0x2]  }
0x233: {  	s0 =	sadd.s32 @!p0 $0x100000, s0  }
0x234: {  	[sflag:s0] =	ssyncadd.tile.s32 @!p0 $0x1;
	_ =	shalt  }
.Lfunc_end2:
_tile_overlayer_lowered:
.L_overlay_start_2:
0x235: {  	(tag) =	ssettag $0x2  }
0x236: {  	s0 =	rddreg [dreg:$0x0];
	s2 =	stileid.u32  }
0x237: {  	s1 =	rddreg [dreg:$0x1];
	p0 =	sne.s32 s2, $0x0  }
0x238: {  	s3 =	rddreg [dreg:$0x2];
	[bflag:$0x3] =	sbarrier.arrive $0xFFFF;
	s2 =	simm.s32 @!p0 $0x1C02  }
0x239: {  	[timem:s3], [sflag:s2] =	dma.local @!p0 [hbm:s0], s1  }
0x23a: {  	s0 =	simm.s32 @!p0 $0x2  }
0x23b: {  	_ =	swait.ge @!p0 [sflag:s0], s1  }
0x23c: {  	s1 =	ssub.s32 @!p0 $0x0, s1;
	[sflag:s0] =	ssyncset.done @!p0 $0x0  }
0x23d: {  	[sflag:s0] =	ssyncadd.s32 @!p0 s1  }
0x23e: {  	[bflag:$0x3] =	sbarrier.arrive $0xFFFF  }
0x23f: {  	_ =	shalt  }

// kernel: kernel.13.cloned.1.call-start
scs
__scs_entry_jumppad:
0x0: {  	(pc) =	sbr.rel $0x88, $3  }
0x1: {  	(tag) =	ssettag $0x0;
	lr =	simm.s32 $0x1  }
0x2: {  	[smem:$0x3F9A] =	sst lr;
	_ =	strace $0xD0000000  }
0x3: {  	_ = 	snop  }
0x4: {  	_ = 	snop  }
0x5: {  	_ = 	snop  }
0x6: {  	_ = 	snop  }
0x7: {  	_ = 	snop  }
__scs_overlays_trampoline_lowered:
0x8: {  	[smem:$0x3FA9] =	sst s0  }
0x9: {  	[smem:$0x3FAA] =	sst s1  }
0xa: {  	[smem:$0x3FAB] =	sst s2  }
0xb: {  	[smem:$0x3FAC] =	sst s3  }
0xc: {  	[smem:$0x3FAD] =	sst s4  }
0xd: {  	[smem:$0x3FAE] =	sst s5  }
0xe: {  	[smem:$0x3FAF] =	sst s6  }
0xf: {  	[smem:$0x3FB0] =	sst s7  }
0x10: {  	[smem:$0x3FB1] =	sst s8  }
0x11: {  	[smem:$0x3FB2] =	sst s9;
	s0 =	simm.s32 @!p0 $0x0  }
0x12: {  	s1 =	sld [smem:$0x3F98];
	s0 =	simm.s32 @p0 $0x1  }
0x13: {  	[smem:$0x3FB3] =	sst s0;
	s0 =	simm.s32 @!p1 $0x0  }
0x14: {  	s2 =	sld [smem:$0x3F97];
	s0 =	simm.s32 @p1 $0x1  }
0x15: {  	[smem:$0x3FB4] =	sst s0;
	s0 =	simm.s32 @!p2 $0x0  }
0x16: {  	s3 =	sld [smem:$0x3FDB];
	s0 =	simm.s32 @p2 $0x1  }
0x17: {  	s4 =	simm.s32 $0x1BF5;
	[smem:$0x3FB6] =	sst s0  }
0x18: {  	s0 =	sld [smem:$0x3F99];
	_ =	swait.ge [sflag:s4], $0x0  }
0x19: {  	s7 =	sld [smem:$0x3F9A]  }
0x1a: {  	s8 =	sadd.s32 $0xFFFFE003, lr  }
0x1b: {  	s9 =	sadd.s32 $0xFFFFFEF7, lr;
	s5 =	simm.s32 $0xFFFFFFFF;
	p2 =	slt.u32 s8, $0xFFFFF086  }
0x1c: {  	p1 =	slt.u32 s9, $0xF7A;
	s5 =	simm.s32 @!p2 $0x0  }
0x1d: {  	s5 =	simm.s32 @p1 $0x1;
	p0 =	seq.s32 s7, s2  }
0x1e: {  	s7 =	smul.u32 @!p0 $0xF7A, s2;
	p2 =	seq.s32 @!p0 s5, $0x0  }
0x1f: {  	s9 =	smul.u32 $0xF7A, s1;
	s8 =	simm.s32 @!p0 $0x1BF5;
	p2 =	por !p2, p0  }
0x20: {  	[sflag:s8] =	ssyncset.s32 @!p0 $0xFFFFF086;
	s6 =	sadd.s32 @!p0 s3, s7;
	s7 =	simm.s32 @!p0 $0x108  }
0x21: {  	s3 =	sadd.s32 s3, s9;
	s6 =	sadd.s32 @!p0 $0x88, s6;
	s7 =	simm.s32 @p2 $0x1082  }
0x22: {  	[simem:s7], [sflag:s8] =	dma.local @!p0 [hbm:s6], $0xF7A  }
0x23: {  	s9 =	sor.u32 $0xD0000000, s2;
	s6 =	simm.s32 $0x108;
	_ =	swait.ge @!p0 [sflag:s8], $0x0  }
0x24: {  	s3 =	sadd.s32 $0x88, s3;
	s6 =	simm.s32 @!p1 $0x1082;
	[sflag:s4] =	ssyncset.s32 $0xFFFFF086  }
0x25: {  	[simem:s6], [sflag:s4] =	dma.local [hbm:s3], $0xF7A  }
0x26: {  	[smem:$0x3F9A] =	sst s1;
	(tag) =	ssettag s2;
	_ =	strace s9  }
0x27: {  	s1 =	sld [smem:$0x3FAA]  }
0x28: {  	s2 =	sld [smem:$0x3FAB]  }
0x29: {  	s4 =	sld [smem:$0x3FAD]  }
0x2a: {  	p0 =	seq.s32 s5, $0x0;
	s5 =	sld [smem:$0x3FAE]  }
0x2b: {  	s6 =	sld [smem:$0x3FAF]  }
0x2c: {  	s7 =	sld [smem:$0x3FB0]  }
0x2d: {  	s3 =	simm.s32 $0x108;
	s8 =	sld [smem:$0x3FB1]  }
0x2e: {  	s3 =	simm.s32 @!p0 $0x1082;
	s9 =	sld [smem:$0x3FB2]  }
0x2f: {  	lr =	sadd.s32 s0, s3;
	s0 =	sld [smem:$0x3FA9]  }
0x30: {  	s3 =	sld [smem:$0x3FAC]  }
0x31: {  	[smem:$0x3FB5] =	sst s10  }
0x32: {  	s10 =	sld [smem:$0x3FB3];
	_ =	sdelay $0x3  }
0x33: {  	p0 =	seq.s32 s10, $0x1;
	s10 =	sld [smem:$0x3FB5];
	_ =	sdelay $0x3  }
0x34: {  	[smem:$0x3FB5] =	sst s10  }
0x35: {  	s10 =	sld [smem:$0x3FB4];
	_ =	sdelay $0x3  }
0x36: {  	p1 =	seq.s32 s10, $0x1;
	s10 =	sld [smem:$0x3FB5];
	_ =	sdelay $0x3  }
0x37: {  	[smem:$0x3FB5] =	sst s10  }
0x38: {  	s10 =	sld [smem:$0x3FB6]  }
0x39: {  	_ = 	snop;
	(pc) =	sbr.ind lr, $3  }
0x3a: {  	_ = 	snop  }
0x3b: {  	_ = 	snop  }
0x3c: {  	p2 =	seq.s32 s10, $0x1;
	s10 =	sld [smem:$0x3FB5]  }
0x3d: {  	_ =	shalt  }
0x3e: {  	_ =	shalt  }
0x3f: {  	_ =	shalt  }
0x40: {  	_ =	shalt  }
0x41: {  	_ =	shalt  }
0x42: {  	_ =	shalt  }
0x43: {  	_ =	shalt  }
0x44: {  	_ =	shalt  }
0x45: {  	_ =	shalt  }
0x46: {  	_ =	shalt  }
0x47: {  	_ =	shalt  }
0x48: {  	_ =	shalt  }
0x49: {  	_ =	shalt  }
0x4a: {  	_ =	shalt  }
0x4b: {  	_ =	shalt  }
0x4c: {  	_ =	shalt  }
0x4d: {  	_ =	shalt  }
0x4e: {  	_ =	shalt  }
0x4f: {  	_ =	shalt  }
0x50: {  	_ =	shalt  }
0x51: {  	_ =	shalt  }
0x52: {  	_ =	shalt  }
0x53: {  	_ =	shalt  }
0x54: {  	_ =	shalt  }
0x55: {  	_ =	shalt  }
0x56: {  	_ =	shalt  }
0x57: {  	_ =	shalt  }
0x58: {  	_ =	shalt  }
0x59: {  	_ =	shalt  }
0x5a: {  	_ =	shalt  }
0x5b: {  	_ =	shalt  }
0x5c: {  	_ =	shalt  }
0x5d: {  	_ =	shalt  }
0x5e: {  	_ =	shalt  }
0x5f: {  	_ =	shalt  }
0x60: {  	_ =	shalt  }
0x61: {  	_ =	shalt  }
0x62: {  	_ =	shalt  }
0x63: {  	_ =	shalt  }
0x64: {  	_ =	shalt  }
0x65: {  	_ =	shalt  }
0x66: {  	_ =	shalt  }
0x67: {  	_ =	shalt  }
0x68: {  	_ =	shalt  }
0x69: {  	_ =	shalt  }
0x6a: {  	_ =	shalt  }
0x6b: {  	_ =	shalt  }
0x6c: {  	_ =	shalt  }
0x6d: {  	_ =	shalt  }
0x6e: {  	_ =	shalt  }
0x6f: {  	_ =	shalt  }
0x70: {  	_ =	shalt  }
0x71: {  	_ =	shalt  }
0x72: {  	_ =	shalt  }
0x73: {  	_ =	shalt  }
0x74: {  	_ =	shalt  }
0x75: {  	_ =	shalt  }
0x76: {  	_ =	shalt  }
0x77: {  	_ =	shalt  }
0x78: {  	_ =	shalt  }
0x79: {  	_ =	shalt  }
0x7a: {  	_ =	shalt  }
0x7b: {  	_ =	shalt  }
0x7c: {  	_ =	shalt  }
0x7d: {  	_ =	shalt  }
0x7e: {  	_ =	shalt  }
0x7f: {  	_ =	shalt  }
0x80: {  	_ =	shalt  }
0x81: {  	_ =	shalt  }
0x82: {  	_ =	shalt  }
0x83: {  	_ =	shalt  }
0x84: {  	_ =	shalt  }
0x85: {  	_ =	shalt  }
0x86: {  	_ =	shalt  }
0x87: {  	_ =	shalt  }
.Lfunc_end0:
.L_simem_size_0:
called_computation.1_lowered:
.L_overlay_start_0:
0x88: {  	s2 =	sld [smem:$0x3FD9]  }
0x89: {  	s3 =	sld [smem:$0x3FFE];
	_ =	sdelay $0x1  }
0x8a: {  	s1 =	srdreg.scid  }
0x8b: {  	s0 =	sand.u32 $0x1, s1  }
0x8c: {  	s17 =	sshll.u32 s0, $0xA;
	s2 =	sadd.s32 s3, s2  }
0x8d: {  	s2 =	sadd.s32 s2, s17  }
0x8e: {  	[smem:$0x3FC1] =	sst s2  }
0x8f: {  	_ = 	snop  }
0x90: {  	(tm) =	ssettm $0x1  }
0x91: {  	s18 =	sld [smem:$0x3FFB];
	_ =	sdelay $0x3  }
0x92: {  	_ =	strace s18  }
0x93: {  	s2 =	sld [smem:$0x3FFC];
	_ =	sdelay $0x3  }
0x94: {  	_ =	strace s2  }
0x95: {  	s2 =	sld [smem:$0x3FFD];
	_ =	sdelay $0x3  }
0x96: {  	_ =	strace s2  }
0x97: {  	_ =	strace $0x8FFFFFFF  }
0x98: {  	s19 =	sld [smem:$0x3FDB];
	_ =	sdelay $0x1  }
0x99: {  	s20 =	simm.s32 $_scs_section_size  }
0x9a: {  	s4 =	simm.s32 $_size__tile_overlayer_lowered;
	s5 =	simm.s32 $_tile_overlayer_lowered  }
0x9b: {  	s6 =	simm.s32 $0x1BFF;
	s21 =	sshll.u32 s5, $0x1;
	s3 =	sadd.s32 s20, s19  }
0x9c: {  	s22 =	simm.s32 $0x0;
	s4 =	sshll.u32 s4, $0x1;
	s5 =	sadd.s32 s21, s3  }
0x9d: {  	[timem:s22], [sflag:s6] =	dma.local [hbm:s5], s4  }
0x9e: {  	_ =	swait.ge [sflag:s6], s4  }
0x9f: {  	s4 =	ssub.s32 $0x0, s4;
	[sflag:s6] =	ssyncset.done $0x0  }
0xa0: {  	[sflag:s6] =	ssyncadd.s32 s4;
	_ =	sdelay $0x1  }
0xa1: {  	s23 =	simm.s32 $0x1B8B  }
0xa2: {  	_ =	swait.ge [sflag:s23], $0x1  }
0xa3: {  	[sflag:s23] =	ssyncset.done $0x0  }
0xa4: {  	[sflag:s23] =	ssyncadd.s32 $0xFFFFFFFF  }
0xa5: {  	s4 =	sld [smem:$0x0]  }
0xa6: {  	s5 =	sand.u32 $0xFFFFFFFE, s1  }
0xa7: {  	p0 =	sne.s32 s1, s5  }
0xa8: {  	s5 =	sshll.u32 @p0 s5, $0xE  }
0xa9: {  	s5 =	sadd.s32 @p0 $0x11B8D, s5;
	s6 =	sshll.u32 @p0 s4, $0x11  }
0xaa: {  	s5 =	sor.u32 @p0 s6, s5  }
0xab: {  	[sflag:s5] =	ssyncadd.remote.s32 @p0 $0x1;
	_ =	sdelay $0x1  }
0xac: {  	s5 =	simm.s32 @p0 $0x1B8D  }
0xad: {  	_ =	swait.eq @p0 [sflag:s5], $0x1  }
0xae: {  	[sflag:s5] =	ssyncadd.s32 @p0 $0xFFFFFFFF  }
0xaf: {  	s6 =	sshll.u32 @!p0 s1, $0xE  }
0xb0: {  	s6 =	sor.u32 @!p0 $0x4000, s6;
	s5 =	simm.s32 @!p0 $0x1B8D  }
0xb1: {  	s4 =	sshll.u32 @!p0 s4, $0x11;
	s6 =	sadd.s32 @!p0 $0x11B8D, s6;
	_ =	swait.eq @!p0 [sflag:s5], $0x1  }
0xb2: {  	s4 =	sor.u32 @!p0 s4, s6;
	[sflag:s5] =	ssyncadd.s32 @!p0 $0xFFFFFFFF  }
0xb3: {  	s25 =	simm.s32 $0x1B8E;
	s24 =	sld [smem:$0x3FFE];
	[sflag:s4] =	ssyncadd.remote.s32 @!p0 $0x1  }
0xb4: {  	s26 =	simm.s32 $execute0_lowered;
	[smem:$0x3FD2] =	sst s25  }
0xb5: {  	s5 =	sshll.u32 s26, $0x1;
	_ =	strace $0x80000049;
	[dreg:$0x1] =	wrdreg $0xFFFFFFFF  }
0xb6: {  	s28 =	simm.s32 $_size_execute0_lowered;
	s3 =	sadd.s32 s3, s5;
	[dreg:$0x0] =	wrdreg $0x0  }
0xb7: {  	s5 =	sshll.u32 s28, $0x1;
	[dreg:$0x2] =	wrdreg s3  }
0xb8: {  	[dreg:$0x3] =	wrdreg s5  }
0xb9: {  	[dreg:$0x4] =	wrdreg $0xC0  }
0xba: {  	_ =	task [dreg:s22], $0x5FFFF  }
0xbb: {  	[dreg:$0x1] =	wrdreg $0xFFFFFFFF  }
0xbc: {  	[dreg:$0x0] =	wrdreg $0x60  }
0xbd: {  	[dreg:$0x2] =	wrdreg s24  }
0xbe: {  	[dreg:$0x3] =	wrdreg $0xA  }
0xbf: {  	_ =	task.clear_ibuf [dreg:s22], $0x4FFFF;
	_ =	strace $0x90000049  }
0xc0: {  	s29 =	simm.s32 $0xA;
	_ =	strace $0x8000004B  }
0xc1: {  	_ =	swait.ge [sflag:s29], $0x1  }
0xc2: {  	[sflag:s29] =	ssyncadd.s32 $0xFFFFFFFF  }
0xc3: {  	_ =	strace $0x9000004B  }
0xc4: {  	_ =	sfence  }
0xc5: {  	s30 =	sld [smem:$0x0];
	_ =	sdelay $0x2  }
0xc6: {  	s31 =	sshll.u32 s1, $0xD;
	s1 =	sshrl.u32 s1, $0x2  }
0xc7: {  	s4 =	sand.u32 $0x4000, s31;
	s1 =	sadd.s32 s1, s30  }
0xc8: {  	s0 =	sor.u32 s4, s0;
	s1 =	sshll.u32 s1, $0x11  }
0xc9: {  	s0 =	sor.u32 s1, s0  }
0xca: {  	s0 =	sadd.s32 $0x8F2B, s0  }
0xcb: {  	[sflag:s0] =	ssyncadd.remote.s32 $0x1  }
0xcc: {  	_ =	sfence.sel $0xFFFF  }
0xcd: {  	[dreg:$0x0] =	wrdreg $0xFFFFFFFF;
	(pc) =	sbr.abs _section_cstart, $3  }
0xce: {  	[dreg:$0x1] =	wrdreg $0xFFFFFFFF  }
0xcf: {  	_ =	task.clear_ibuf [dreg:s22], $0x2FFFF;
	_ =	strace $0x9FFFFFFF  }
0xd0: {  	(tm) =	ssettm $0x7FFFFFFF  }
0xd1: {  	_ =	shalt  }
tec
execute0_lowered:
.L_overlay_start_1:
0x0: {  	(tag) =	ssettag $0x1  }
0x1: {  	s0 =	rddreg [dreg:$0x0];
	s1 =	srdreg.scid  }
0x2: {  	s3 =	stileid.u32;
	s2 =	simm.s32 $0x0;
	s1 =	sand.u32 $0x1, s1  }
0x3: {  	s24 =	simm.s32 $0x200;
	s3 =	sshll.u32 s3, $0x7;
	s4 =	sshll.u32 s1, $0x6  }
0x4: {  	[smem:$0x7FF] =	sst s2;
	s7 =	sadd.s32 $0x1BB600, s0;
	s3 =	sor.u32 s4, s3  }
0x5: {  	s15 =	simm.s32 $0x1;
	_ =	strace $0x8000004A;
	s4 =	smul.u32 $0x180, s3  }
0x6: {  	s1 =	ssub.s32 $0x2, s1;
	s5 =	sadd.s32 s3, s0;
	s6 =	smul.u32 $0xC00, s3  }
0x7: {  	s8 =	sshrl.u32 s1, $0x1;
	s3 =	sadd.s32 $0x2400, s0;
	s5 =	sadd.s32 $0x1B9E00, s5  }
0x8: {  	s9 =	sadd.s32 s7, s4;
	s28 =	sshrl.u32 s6, $0x3;
	[dreg:$0x2] =	wrdreg s5  }
0x9: {  	[dreg:$0x6] =	wrdreg s9;
	s29 =	sadd.s32 $0x1800, s9;
	s4 =	sadd.s32 s7, s28  }
0xa: {  	v2 =	vlaneseq.u32;
	s1 =	ssub.s32 s1, s8;
	[dreg:$0x3] =	wrdreg s29;
	s30 =	sadd.s32 $0x3000, s4  }
0xb: {  	vm0 =	vmmov $0xffff;
	vm1 =	vmmov $0xff;
	v1 =	vshrl.u32 v2, $0x3;
	s5 =	sadd.s32 $0x2500, s0;
	s31 =	sadd.s32 $0x4800, s4;
	[dreg:$0x4] =	wrdreg s30  }
0xc: {  	v0 =	vand.u32 $0x7, v2;
	v2 =	vor.u32 $0x8, v2;
	v1 =	vmul.u32 $0x8, v1;
	s6 =	smax.u32 s1, $0x1;
	s7 =	simm.s32 $0x2;
	[dreg:$0x5] =	wrdreg s31  }
.LBB2_1:
0xd: {  	s16 =	rddreg [dreg:$0x2]  }
0xe: {  	[tilespmem:s2], [sflag:$0x2] =	stream.linear.gather [hbm4b:s16+s2], $0x200, $0x38;
	[tilespmem:$0xC200] =	vst v63  }
0xf: {  	_ =	swait.ge [sflag:s7], $0x200  }
0x10: {  	[sflag:s7] =	ssyncset.done $0x0  }
0x11: {  	[sflag:s7] =	ssyncadd.s32 $0xFFFFFE00  }
0x12: {  	v3 =	vld [tilespmem:$0x0];
	_ =	sdelay $0x4  }
0x13: {  	v4 =	vshrl.u32 v3, $0x3  }
0x14: {  	v4 =	vmul.u32 $0x18, v4  }
0x15: {  	v3 =	vand.u32 $0x7, v3  }
0x16: {  	v3 =	vor.u32 v3, v4  }
0x17: {  	v4 =	vperm.xlane v3, v0;
	_ =	sdelay $0x1  }
0x18: {  	v4 =	vadd.s32 v1, v4;
	_ =	sdelay $0x1  }
0x19: {  	v3 =	vperm.xlane v3, v2;
	_ =	sdelay $0x1  }
0x1a: {  	v3 =	vadd.s32 v1, v3  }
0x1b: {  	[tilespmem:s24], [sflag:$0x1] =	stream.indirect_vreg.gather [hbm4b:s3+s2], $0x80, v4, vm0, $0xb8;
	[tilespmem:$0xC200] =	vst v63  }
0x1c: {  	s0 =	simm.s32 $0xA00  }
0x1d: {  	[tilespmem:s0], [sflag:$0x1] =	stream.indirect_vreg.gather [hbm4b:s5+s2], $0x80, v4, vm1, $0xb8;
	[tilespmem:$0xC200] =	vst v63  }
0x1e: {  	s25 =	simm.s32 $0xE00  }
0x1f: {  	[tilespmem:s25], [sflag:$0x1] =	stream.indirect_vreg.gather [hbm4b:s3+s2], $0x80, v3, vm0, $0xb8;
	[tilespmem:$0xC200] =	vst v63  }
0x20: {  	s26 =	simm.s32 $0x1600  }
0x21: {  	[tilespmem:s26], [sflag:$0x1] =	stream.indirect_vreg.gather [hbm4b:s5+s2], $0x80, v3, vm1, $0xb8;
	[tilespmem:$0xC200] =	vst v63  }
0x22: {  	v3 =	vld [tilespmem:$0x10];
	_ =	sdelay $0x4  }
0x23: {  	v33 =	vshrl.u32 v3, $0x3  }
0x24: {  	v4 =	vmul.u32 $0x18, v33  }
0x25: {  	v3 =	vand.u32 $0x7, v3  }
0x26: {  	v3 =	vor.u32 v3, v4  }
0x27: {  	v4 =	vperm.xlane v3, v0;
	_ =	sdelay $0x1  }
0x28: {  	v4 =	vadd.s32 v1, v4;
	_ =	sdelay $0x1  }
0x29: {  	v3 =	vperm.xlane v3, v2;
	_ =	sdelay $0x1  }
0x2a: {  	s28 =	simm.s32 $0x1A00;
	v3 =	vadd.s32 v1, v3  }
0x2b: {  	[tilespmem:s28], [sflag:$0x1] =	stream.indirect_vreg.gather [hbm4b:s3+s2], $0x80, v4, vm0, $0xb8;
	[tilespmem:$0xC200] =	vst v63  }
0x2c: {  	s29 =	simm.s32 $0x2200  }
0x2d: {  	[tilespmem:s29], [sflag:$0x1] =	stream.indirect_vreg.gather [hbm4b:s5+s2], $0x80, v4, vm1, $0xb8;
	[tilespmem:$0xC200] =	vst v63  }
0x2e: {  	s30 =	simm.s32 $0x2600  }
0x2f: {  	[tilespmem:s30], [sflag:$0x1] =	stream.indirect_vreg.gather [hbm4b:s3+s2], $0x80, v3, vm0, $0xb8;
	[tilespmem:$0xC200] =	vst v63  }
0x30: {  	s31 =	simm.s32 $0x2E00  }
0x31: {  	[tilespmem:s31], [sflag:$0x1] =	stream.indirect_vreg.gather [hbm4b:s5+s2], $0x80, v3, vm1, $0xb8;
	[tilespmem:$0xC200] =	vst v63  }
0x32: {  	v3 =	vld [tilespmem:$0x20];
	_ =	sdelay $0x4  }
0x33: {  	v34 =	vshrl.u32 v3, $0x3  }
0x34: {  	v4 =	vmul.u32 $0x18, v34  }
0x35: {  	v3 =	vand.u32 $0x7, v3  }
0x36: {  	v3 =	vor.u32 v3, v4  }
0x37: {  	v4 =	vperm.xlane v3, v0;
	_ =	sdelay $0x1  }
0x38: {  	v4 =	vadd.s32 v1, v4;
	_ =	sdelay $0x1  }
0x39: {  	v3 =	vperm.xlane v3, v2;
	_ =	sdelay $0x1  }
0x3a: {  	s10 =	simm.s32 $0x3200;
	v3 =	vadd.s32 v1, v3  }
0x3b: {  	[tilespmem:s10], [sflag:$0x1] =	stream.indirect_vreg.gather [hbm4b:s3+s2], $0x80, v4, vm0, $0xb8;
	[tilespmem:$0xC200] =	vst v63  }
0x3c: {  	s13 =	simm.s32 $0x3A00  }
0x3d: {  	[tilespmem:s13], [sflag:$0x1] =	stream.indirect_vreg.gather [hbm4b:s5+s2], $0x80, v4, vm1, $0xb8;
	[tilespmem:$0xC200] =	vst v63  }
0x3e: {  	s14 =	simm.s32 $0x3E00  }
0x3f: {  	[tilespmem:s14], [sflag:$0x1] =	stream.indirect_vreg.gather [hbm4b:s3+s2], $0x80, v3, vm0, $0xb8;
	[tilespmem:$0xC200] =	vst v63  }
0x40: {  	s16 =	simm.s32 $0x4600  }
0x41: {  	[tilespmem:s16], [sflag:$0x1] =	stream.indirect_vreg.gather [hbm4b:s5+s2], $0x80, v3, vm1, $0xb8;
	[tilespmem:$0xC200] =	vst v63  }
0x42: {  	v3 =	vld [tilespmem:$0x30];
	_ =	sdelay $0x4  }
0x43: {  	v35 =	vshrl.u32 v3, $0x3  }
0x44: {  	v4 =	vmul.u32 $0x18, v35  }
0x45: {  	v3 =	vand.u32 $0x7, v3  }
0x46: {  	v3 =	vor.u32 v3, v4  }
0x47: {  	v4 =	vperm.xlane v3, v0;
	_ =	sdelay $0x1  }
0x48: {  	v4 =	vadd.s32 v1, v4;
	_ =	sdelay $0x1  }
0x49: {  	v3 =	vperm.xlane v3, v2;
	_ =	sdelay $0x1  }
0x4a: {  	s17 =	simm.s32 $0x4A00;
	v3 =	vadd.s32 v1, v3  }
0x4b: {  	[tilespmem:s17], [sflag:$0x1] =	stream.indirect_vreg.gather [hbm4b:s3+s2], $0x80, v4, vm0, $0xb8;
	[tilespmem:$0xC200] =	vst v63  }
0x4c: {  	s18 =	simm.s32 $0x5200  }
0x4d: {  	[tilespmem:s18], [sflag:$0x1] =	stream.indirect_vreg.gather [hbm4b:s5+s2], $0x80, v4, vm1, $0xb8;
	[tilespmem:$0xC200] =	vst v63  }
0x4e: {  	s19 =	simm.s32 $0x5600  }
0x4f: {  	[tilespmem:s19], [sflag:$0x1] =	stream.indirect_vreg.gather [hbm4b:s3+s2], $0x80, v3, vm0, $0xb8;
	[tilespmem:$0xC200] =	vst v63  }
0x50: {  	s20 =	simm.s32 $0x5E00  }
0x51: {  	[tilespmem:s20], [sflag:$0x1] =	stream.indirect_vreg.gather [hbm4b:s5+s2], $0x80, v3, vm1, $0xb8;
	[tilespmem:$0xC200] =	vst v63  }
0x52: {  	v3 =	vld [tilespmem:$0x40];
	_ =	sdelay $0x4  }
0x53: {  	v36 =	vshrl.u32 v3, $0x3  }
0x54: {  	v4 =	vmul.u32 $0x18, v36  }
0x55: {  	v3 =	vand.u32 $0x7, v3  }
0x56: {  	v3 =	vor.u32 v3, v4  }
0x57: {  	v4 =	vperm.xlane v3, v0;
	_ =	sdelay $0x1  }
0x58: {  	v4 =	vadd.s32 v1, v4;
	_ =	sdelay $0x1  }
0x59: {  	v3 =	vperm.xlane v3, v2;
	_ =	sdelay $0x1  }
0x5a: {  	s21 =	simm.s32 $0x6200;
	v3 =	vadd.s32 v1, v3  }
0x5b: {  	[tilespmem:s21], [sflag:$0x1] =	stream.indirect_vreg.gather [hbm4b:s3+s2], $0x80, v4, vm0, $0xb8;
	[tilespmem:$0xC200] =	vst v63  }
0x5c: {  	s22 =	simm.s32 $0x6A00  }
0x5d: {  	[tilespmem:s22], [sflag:$0x1] =	stream.indirect_vreg.gather [hbm4b:s5+s2], $0x80, v4, vm1, $0xb8;
	[tilespmem:$0xC200] =	vst v63  }
0x5e: {  	s23 =	simm.s32 $0x6E00  }
0x5f: {  	[tilespmem:s23], [sflag:$0x1] =	stream.indirect_vreg.gather [hbm4b:s3+s2], $0x80, v3, vm0, $0xb8;
	[tilespmem:$0xC200] =	vst v63  }
0x60: {  	s25 =	simm.s32 $0x7600  }
0x61: {  	[tilespmem:s25], [sflag:$0x1] =	stream.indirect_vreg.gather [hbm4b:s5+s2], $0x80, v3, vm1, $0xb8;
	[tilespmem:$0xC200] =	vst v63  }
0x62: {  	v3 =	vld [tilespmem:$0x50];
	_ =	sdelay $0x4  }
0x63: {  	v37 =	vshrl.u32 v3, $0x3  }
0x64: {  	v4 =	vmul.u32 $0x18, v37  }
0x65: {  	v3 =	vand.u32 $0x7, v3  }
0x66: {  	v3 =	vor.u32 v3, v4  }
0x67: {  	v4 =	vperm.xlane v3, v0;
	_ =	sdelay $0x1  }
0x68: {  	v4 =	vadd.s32 v1, v4;
	_ =	sdelay $0x1  }
0x69: {  	v3 =	vperm.xlane v3, v2;
	_ =	sdelay $0x1  }
0x6a: {  	s26 =	simm.s32 $0x7A00;
	v3 =	vadd.s32 v1, v3  }
0x6b: {  	[tilespmem:s26], [sflag:$0x1] =	stream.indirect_vreg.gather [hbm4b:s3+s2], $0x80, v4, vm0, $0xb8;
	[tilespmem:$0xC200] =	vst v63  }
0x6c: {  	s28 =	simm.s32 $0x8200  }
0x6d: {  	[tilespmem:s28], [sflag:$0x1] =	stream.indirect_vreg.gather [hbm4b:s5+s2], $0x80, v4, vm1, $0xb8;
	[tilespmem:$0xC200] =	vst v63  }
0x6e: {  	s29 =	simm.s32 $0x8600  }
0x6f: {  	[tilespmem:s29], [sflag:$0x1] =	stream.indirect_vreg.gather [hbm4b:s3+s2], $0x80, v3, vm0, $0xb8;
	[tilespmem:$0xC200] =	vst v63  }
0x70: {  	s30 =	simm.s32 $0x8E00  }
0x71: {  	[tilespmem:s30], [sflag:$0x1] =	stream.indirect_vreg.gather [hbm4b:s5+s2], $0x80, v3, vm1, $0xb8;
	[tilespmem:$0xC200] =	vst v63  }
0x72: {  	v3 =	vld [tilespmem:$0x60];
	_ =	sdelay $0x4  }
0x73: {  	v38 =	vshrl.u32 v3, $0x3  }
0x74: {  	v4 =	vmul.u32 $0x18, v38  }
0x75: {  	v3 =	vand.u32 $0x7, v3  }
0x76: {  	v3 =	vor.u32 v3, v4  }
0x77: {  	v4 =	vperm.xlane v3, v0;
	_ =	sdelay $0x1  }
0x78: {  	v4 =	vadd.s32 v1, v4;
	_ =	sdelay $0x1  }
0x79: {  	v3 =	vperm.xlane v3, v2;
	_ =	sdelay $0x1  }
0x7a: {  	s31 =	simm.s32 $0x9200;
	v3 =	vadd.s32 v1, v3  }
0x7b: {  	[tilespmem:s31], [sflag:$0x1] =	stream.indirect_vreg.gather [hbm4b:s3+s2], $0x80, v4, vm0, $0xb8;
	[tilespmem:$0xC200] =	vst v63  }
0x7c: {  	s0 =	simm.s32 $0x9A00  }
0x7d: {  	[tilespmem:s0], [sflag:$0x1] =	stream.indirect_vreg.gather [hbm4b:s5+s2], $0x80, v4, vm1, $0xb8;
	[tilespmem:$0xC200] =	vst v63  }
0x7e: {  	s13 =	simm.s32 $0x9E00  }
0x7f: {  	[tilespmem:s13], [sflag:$0x1] =	stream.indirect_vreg.gather [hbm4b:s3+s2], $0x80, v3, vm0, $0xb8;
	[tilespmem:$0xC200] =	vst v63  }
0x80: {  	s14 =	simm.s32 $0xA600  }
0x81: {  	[tilespmem:s14], [sflag:$0x1] =	stream.indirect_vreg.gather [hbm4b:s5+s2], $0x80, v3, vm1, $0xb8;
	[tilespmem:$0xC200] =	vst v63  }
0x82: {  	v3 =	vld [tilespmem:$0x70];
	_ =	sdelay $0x4  }
0x83: {  	v39 =	vshrl.u32 v3, $0x3  }
0x84: {  	v4 =	vmul.u32 $0x18, v39  }
0x85: {  	v3 =	vand.u32 $0x7, v3  }
0x86: {  	v3 =	vor.u32 v3, v4  }
0x87: {  	v4 =	vperm.xlane v3, v0;
	_ =	sdelay $0x1  }
0x88: {  	v4 =	vadd.s32 v1, v4;
	_ =	sdelay $0x1  }
0x89: {  	v3 =	vperm.xlane v3, v2;
	_ =	sdelay $0x1  }
0x8a: {  	s17 =	simm.s32 $0xAA00;
	v3 =	vadd.s32 v1, v3  }
0x8b: {  	[tilespmem:s17], [sflag:$0x1] =	stream.indirect_vreg.gather [hbm4b:s3+s2], $0x80, v4, vm0, $0xb8;
	[tilespmem:$0xC200] =	vst v63  }
0x8c: {  	s18 =	simm.s32 $0xB200  }
0x8d: {  	[tilespmem:s18], [sflag:$0x1] =	stream.indirect_vreg.gather [hbm4b:s5+s2], $0x80, v4, vm1, $0xb8;
	[tilespmem:$0xC200] =	vst v63  }
0x8e: {  	s19 =	simm.s32 $0xB600  }
0x8f: {  	[tilespmem:s19], [sflag:$0x1] =	stream.indirect_vreg.gather [hbm4b:s3+s2], $0x80, v3, vm0, $0xb8;
	[tilespmem:$0xC200] =	vst v63  }
0x90: {  	s20 =	simm.s32 $0xBE00  }
0x91: {  	[tilespmem:s20], [sflag:$0x1] =	stream.indirect_vreg.gather [hbm4b:s5+s2], $0x80, v3, vm1, $0xb8;
	[tilespmem:$0xC200] =	vst v63  }
0x92: {  	_ =	swait.ge [sflag:s15], $0xC000  }
0x93: {  	[sflag:s15] =	ssyncset.done $0x0  }
0x94: {  	s21 =	rddreg [dreg:$0x6];
	[sflag:s15] =	ssyncadd.s32 $0xFFFF4000  }
0x95: {  	[hbm4b:s21+s2] =	stream.linear.scatter [tilespmem:s24], [sflag:$0x2], $0xC000, $0x38;
	[tilespmem:$0xC200] =	vst v63  }
0x96: {  	_ =	swait.ge [sflag:s7], $0xC000  }
0x97: {  	[sflag:s7] =	ssyncset.done $0x0  }
0x98: {  	[sflag:s7] =	ssyncadd.s32 $0xFFFF4000  }
0x99: {  	v3 =	vld [tilespmem:$0x80];
	_ =	sdelay $0x4  }
0x9a: {  	v40 =	vshrl.u32 v3, $0x3  }
0x9b: {  	v4 =	vmul.u32 $0x18, v40  }
0x9c: {  	v3 =	vand.u32 $0x7, v3  }
0x9d: {  	v3 =	vor.u32 v3, v4  }
0x9e: {  	v4 =	vperm.xlane v3, v0;
	_ =	sdelay $0x1  }
0x9f: {  	v4 =	vadd.s32 v1, v4;
	_ =	sdelay $0x1  }
0xa0: {  	v3 =	vperm.xlane v3, v2;
	_ =	sdelay $0x1  }
0xa1: {  	v3 =	vadd.s32 v1, v3  }
0xa2: {  	[tilespmem:s24], [sflag:$0x1] =	stream.indirect_vreg.gather [hbm4b:s3+s2], $0x80, v4, vm0, $0xb8;
	[tilespmem:$0xC200] =	vst v63  }
0xa3: {  	s1 =	simm.s32 $0xA00  }
0xa4: {  	[tilespmem:s1], [sflag:$0x1] =	stream.indirect_vreg.gather [hbm4b:s5+s2], $0x80, v4, vm1, $0xb8;
	[tilespmem:$0xC200] =	vst v63  }
0xa5: {  	s4 =	simm.s32 $0xE00  }
0xa6: {  	[tilespmem:s4], [sflag:$0x1] =	stream.indirect_vreg.gather [hbm4b:s3+s2], $0x80, v3, vm0, $0xb8;
	[tilespmem:$0xC200] =	vst v63  }
0xa7: {  	s17 =	simm.s32 $0x1600  }
0xa8: {  	[tilespmem:s17], [sflag:$0x1] =	stream.indirect_vreg.gather [hbm4b:s5+s2], $0x80, v3, vm1, $0xb8;
	[tilespmem:$0xC200] =	vst v63  }
0xa9: {  	v3 =	vld [tilespmem:$0x90];
	_ =	sdelay $0x4  }
0xaa: {  	v41 =	vshrl.u32 v3, $0x3  }
0xab: {  	v4 =	vmul.u32 $0x18, v41  }
0xac: {  	v3 =	vand.u32 $0x7, v3  }
0xad: {  	v3 =	vor.u32 v3, v4  }
0xae: {  	v4 =	vperm.xlane v3, v0;
	_ =	sdelay $0x1  }
0xaf: {  	v4 =	vadd.s32 v1, v4;
	_ =	sdelay $0x1  }
0xb0: {  	v3 =	vperm.xlane v3, v2;
	_ =	sdelay $0x1  }
0xb1: {  	s8 =	simm.s32 $0x1A00;
	v3 =	vadd.s32 v1, v3  }
0xb2: {  	[tilespmem:s8], [sflag:$0x1] =	stream.indirect_vreg.gather [hbm4b:s3+s2], $0x80, v4, vm0, $0xb8;
	[tilespmem:$0xC200] =	vst v63  }
0xb3: {  	s9 =	simm.s32 $0x2200  }
0xb4: {  	[tilespmem:s9], [sflag:$0x1] =	stream.indirect_vreg.gather [hbm4b:s5+s2], $0x80, v4, vm1, $0xb8;
	[tilespmem:$0xC200] =	vst v63  }
0xb5: {  	s11 =	simm.s32 $0x2600  }
0xb6: {  	[tilespmem:s11], [sflag:$0x1] =	stream.indirect_vreg.gather [hbm4b:s3+s2], $0x80, v3, vm0, $0xb8;
	[tilespmem:$0xC200] =	vst v63  }
0xb7: {  	s12 =	simm.s32 $0x2E00  }
0xb8: {  	[tilespmem:s12], [sflag:$0x1] =	stream.indirect_vreg.gather [hbm4b:s5+s2], $0x80, v3, vm1, $0xb8;
	[tilespmem:$0xC200] =	vst v63  }
0xb9: {  	v3 =	vld [tilespmem:$0xA0];
	_ =	sdelay $0x4  }
0xba: {  	v42 =	vshrl.u32 v3, $0x3  }
0xbb: {  	v4 =	vmul.u32 $0x18, v42  }
0xbc: {  	v3 =	vand.u32 $0x7, v3  }
0xbd: {  	v3 =	vor.u32 v3, v4  }
0xbe: {  	v4 =	vperm.xlane v3, v0;
	_ =	sdelay $0x1  }
0xbf: {  	v4 =	vadd.s32 v1, v4;
	_ =	sdelay $0x1  }
0xc0: {  	v3 =	vperm.xlane v3, v2;
	_ =	sdelay $0x1  }
0xc1: {  	s12 =	simm.s32 $0x3200;
	v3 =	vadd.s32 v1, v3  }
0xc2: {  	[tilespmem:s12], [sflag:$0x1] =	stream.indirect_vreg.gather [hbm4b:s3+s2], $0x80, v4, vm0, $0xb8;
	[tilespmem:$0xC200] =	vst v63  }
0xc3: {  	s13 =	simm.s32 $0x3A00  }
0xc4: {  	[tilespmem:s13], [sflag:$0x1] =	stream.indirect_vreg.gather [hbm4b:s5+s2], $0x80, v4, vm1, $0xb8;
	[tilespmem:$0xC200] =	vst v63  }
0xc5: {  	s14 =	simm.s32 $0x3E00  }
0xc6: {  	[tilespmem:s14], [sflag:$0x1] =	stream.indirect_vreg.gather [hbm4b:s3+s2], $0x80, v3, vm0, $0xb8;
	[tilespmem:$0xC200] =	vst v63  }
0xc7: {  	s18 =	simm.s32 $0x4600  }
0xc8: {  	[tilespmem:s18], [sflag:$0x1] =	stream.indirect_vreg.gather [hbm4b:s5+s2], $0x80, v3, vm1, $0xb8;
	[tilespmem:$0xC200] =	vst v63  }
0xc9: {  	v3 =	vld [tilespmem:$0xB0];
	_ =	sdelay $0x4  }
0xca: {  	v43 =	vshrl.u32 v3, $0x3  }
0xcb: {  	v4 =	vmul.u32 $0x18, v43  }
0xcc: {  	v3 =	vand.u32 $0x7, v3  }
0xcd: {  	v3 =	vor.u32 v3, v4  }
0xce: {  	v4 =	vperm.xlane v3, v0;
	_ =	sdelay $0x1  }
0xcf: {  	v4 =	vadd.s32 v1, v4;
	_ =	sdelay $0x1  }
0xd0: {  	v3 =	vperm.xlane v3, v2;
	_ =	sdelay $0x1  }
0xd1: {  	s19 =	simm.s32 $0x4A00;
	v3 =	vadd.s32 v1, v3  }
0xd2: {  	[tilespmem:s19], [sflag:$0x1] =	stream.indirect_vreg.gather [hbm4b:s3+s2], $0x80, v4, vm0, $0xb8;
	[tilespmem:$0xC200] =	vst v63  }
0xd3: {  	s20 =	simm.s32 $0x5200  }
0xd4: {  	[tilespmem:s20], [sflag:$0x1] =	stream.indirect_vreg.gather [hbm4b:s5+s2], $0x80, v4, vm1, $0xb8;
	[tilespmem:$0xC200] =	vst v63  }
0xd5: {  	s21 =	simm.s32 $0x5600  }
0xd6: {  	[tilespmem:s21], [sflag:$0x1] =	stream.indirect_vreg.gather [hbm4b:s3+s2], $0x80, v3, vm0, $0xb8;
	[tilespmem:$0xC200] =	vst v63  }
0xd7: {  	s10 =	simm.s32 $0x5E00  }
0xd8: {  	[tilespmem:s10], [sflag:$0x1] =	stream.indirect_vreg.gather [hbm4b:s5+s2], $0x80, v3, vm1, $0xb8;
	[tilespmem:$0xC200] =	vst v63  }
0xd9: {  	v3 =	vld [tilespmem:$0xC0];
	_ =	sdelay $0x4  }
0xda: {  	v44 =	vshrl.u32 v3, $0x3  }
0xdb: {  	v4 =	vmul.u32 $0x18, v44  }
0xdc: {  	v3 =	vand.u32 $0x7, v3  }
0xdd: {  	v3 =	vor.u32 v3, v4  }
0xde: {  	v4 =	vperm.xlane v3, v0;
	_ =	sdelay $0x1  }
0xdf: {  	v4 =	vadd.s32 v1, v4;
	_ =	sdelay $0x1  }
0xe0: {  	v3 =	vperm.xlane v3, v2;
	_ =	sdelay $0x1  }
0xe1: {  	s0 =	simm.s32 $0x6200;
	v3 =	vadd.s32 v1, v3  }
0xe2: {  	[tilespmem:s0], [sflag:$0x1] =	stream.indirect_vreg.gather [hbm4b:s3+s2], $0x80, v4, vm0, $0xb8;
	[tilespmem:$0xC200] =	vst v63  }
0xe3: {  	s1 =	simm.s32 $0x6A00  }
0xe4: {  	[tilespmem:s1], [sflag:$0x1] =	stream.indirect_vreg.gather [hbm4b:s5+s2], $0x80, v4, vm1, $0xb8;
	[tilespmem:$0xC200] =	vst v63  }
0xe5: {  	s4 =	simm.s32 $0x6E00  }
0xe6: {  	[tilespmem:s4], [sflag:$0x1] =	stream.indirect_vreg.gather [hbm4b:s3+s2], $0x80, v3, vm0, $0xb8;
	[tilespmem:$0xC200] =	vst v63  }
0xe7: {  	s11 =	simm.s32 $0x7600  }
0xe8: {  	[tilespmem:s11], [sflag:$0x1] =	stream.indirect_vreg.gather [hbm4b:s5+s2], $0x80, v3, vm1, $0xb8;
	[tilespmem:$0xC200] =	vst v63  }
0xe9: {  	v3 =	vld [tilespmem:$0xD0];
	_ =	sdelay $0x4  }
0xea: {  	v45 =	vshrl.u32 v3, $0x3  }
0xeb: {  	v4 =	vmul.u32 $0x18, v45  }
0xec: {  	v3 =	vand.u32 $0x7, v3  }
0xed: {  	v3 =	vor.u32 v3, v4  }
0xee: {  	v4 =	vperm.xlane v3, v0;
	_ =	sdelay $0x1  }
0xef: {  	v4 =	vadd.s32 v1, v4;
	_ =	sdelay $0x1  }
0xf0: {  	v3 =	vperm.xlane v3, v2;
	_ =	sdelay $0x1  }
0xf1: {  	s8 =	simm.s32 $0x7A00;
	v3 =	vadd.s32 v1, v3  }
0xf2: {  	[tilespmem:s8], [sflag:$0x1] =	stream.indirect_vreg.gather [hbm4b:s3+s2], $0x80, v4, vm0, $0xb8;
	[tilespmem:$0xC200] =	vst v63  }
0xf3: {  	s9 =	simm.s32 $0x8200  }
0xf4: {  	[tilespmem:s9], [sflag:$0x1] =	stream.indirect_vreg.gather [hbm4b:s5+s2], $0x80, v4, vm1, $0xb8;
	[tilespmem:$0xC200] =	vst v63  }
0xf5: {  	s10 =	simm.s32 $0x8600  }
0xf6: {  	[tilespmem:s10], [sflag:$0x1] =	stream.indirect_vreg.gather [hbm4b:s3+s2], $0x80, v3, vm0, $0xb8;
	[tilespmem:$0xC200] =	vst v63  }
0xf7: {  	s23 =	simm.s32 $0x8E00  }
0xf8: {  	[tilespmem:s23], [sflag:$0x1] =	stream.indirect_vreg.gather [hbm4b:s5+s2], $0x80, v3, vm1, $0xb8;
	[tilespmem:$0xC200] =	vst v63  }
0xf9: {  	v3 =	vld [tilespmem:$0xE0];
	_ =	sdelay $0x4  }
0xfa: {  	v46 =	vshrl.u32 v3, $0x3  }
0xfb: {  	v4 =	vmul.u32 $0x18, v46  }
0xfc: {  	v3 =	vand.u32 $0x7, v3  }
0xfd: {  	v3 =	vor.u32 v3, v4  }
0xfe: {  	v4 =	vperm.xlane v3, v0;
	_ =	sdelay $0x1  }
0xff: {  	v4 =	vadd.s32 v1, v4;
	_ =	sdelay $0x1  }
0x100: {  	v3 =	vperm.xlane v3, v2;
	_ =	sdelay $0x1  }
0x101: {  	s29 =	simm.s32 $0x9200;
	v3 =	vadd.s32 v1, v3  }
0x102: {  	[tilespmem:s29], [sflag:$0x1] =	stream.indirect_vreg.gather [hbm4b:s3+s2], $0x80, v4, vm0, $0xb8;
	[tilespmem:$0xC200] =	vst v63  }
0x103: {  	s30 =	simm.s32 $0x9A00  }
0x104: {  	[tilespmem:s30], [sflag:$0x1] =	stream.indirect_vreg.gather [hbm4b:s5+s2], $0x80, v4, vm1, $0xb8;
	[tilespmem:$0xC200] =	vst v63  }
0x105: {  	s31 =	simm.s32 $0x9E00  }
0x106: {  	[tilespmem:s31], [sflag:$0x1] =	stream.indirect_vreg.gather [hbm4b:s3+s2], $0x80, v3, vm0, $0xb8;
	[tilespmem:$0xC200] =	vst v63  }
0x107: {  	s22 =	simm.s32 $0xA600  }
0x108: {  	[tilespmem:s22], [sflag:$0x1] =	stream.indirect_vreg.gather [hbm4b:s5+s2], $0x80, v3, vm1, $0xb8;
	[tilespmem:$0xC200] =	vst v63  }
0x109: {  	v3 =	vld [tilespmem:$0xF0];
	_ =	sdelay $0x4  }
0x10a: {  	v47 =	vshrl.u32 v3, $0x3  }
0x10b: {  	v4 =	vmul.u32 $0x18, v47  }
0x10c: {  	v3 =	vand.u32 $0x7, v3  }
0x10d: {  	v3 =	vor.u32 v3, v4  }
0x10e: {  	v4 =	vperm.xlane v3, v0;
	_ =	sdelay $0x1  }
0x10f: {  	v4 =	vadd.s32 v1, v4;
	_ =	sdelay $0x1  }
0x110: {  	v3 =	vperm.xlane v3, v2;
	_ =	sdelay $0x1  }
0x111: {  	s31 =	simm.s32 $0xAA00;
	v3 =	vadd.s32 v1, v3  }
0x112: {  	[tilespmem:s31], [sflag:$0x1] =	stream.indirect_vreg.gather [hbm4b:s3+s2], $0x80, v4, vm0, $0xb8;
	[tilespmem:$0xC200] =	vst v63  }
0x113: {  	s26 =	simm.s32 $0xB200  }
0x114: {  	[tilespmem:s26], [sflag:$0x1] =	stream.indirect_vreg.gather [hbm4b:s5+s2], $0x80, v4, vm1, $0xb8;
	[tilespmem:$0xC200] =	vst v63  }
0x115: {  	s28 =	simm.s32 $0xB600  }
0x116: {  	[tilespmem:s28], [sflag:$0x1] =	stream.indirect_vreg.gather [hbm4b:s3+s2], $0x80, v3, vm0, $0xb8;
	[tilespmem:$0xC200] =	vst v63  }
0x117: {  	s25 =	simm.s32 $0xBE00  }
0x118: {  	[tilespmem:s25], [sflag:$0x1] =	stream.indirect_vreg.gather [hbm4b:s5+s2], $0x80, v3, vm1, $0xb8;
	[tilespmem:$0xC200] =	vst v63  }
0x119: {  	_ =	swait.ge [sflag:s15], $0xC000  }
0x11a: {  	[sflag:s15] =	ssyncset.done $0x0  }
0x11b: {  	s22 =	rddreg [dreg:$0x3];
	[sflag:s15] =	ssyncadd.s32 $0xFFFF4000  }
0x11c: {  	[hbm4b:s22+s2] =	stream.linear.scatter [tilespmem:s24], [sflag:$0x2], $0xC000, $0x38;
	[tilespmem:$0xC200] =	vst v63  }
0x11d: {  	_ =	swait.ge [sflag:s7], $0xC000  }
0x11e: {  	[sflag:s7] =	ssyncset.done $0x0  }
0x11f: {  	[sflag:s7] =	ssyncadd.s32 $0xFFFF4000  }
0x120: {  	v3 =	vld [tilespmem:$0x100];
	_ =	sdelay $0x4  }
0x121: {  	v48 =	vshrl.u32 v3, $0x3  }
0x122: {  	v4 =	vmul.u32 $0x18, v48  }
0x123: {  	v3 =	vand.u32 $0x7, v3  }
0x124: {  	v3 =	vor.u32 v3, v4  }
0x125: {  	v4 =	vperm.xlane v3, v0;
	_ =	sdelay $0x1  }
0x126: {  	v4 =	vadd.s32 v1, v4;
	_ =	sdelay $0x1  }
0x127: {  	v3 =	vperm.xlane v3, v2;
	_ =	sdelay $0x1  }
0x128: {  	v3 =	vadd.s32 v1, v3  }
0x129: {  	[tilespmem:s24], [sflag:$0x1] =	stream.indirect_vreg.gather [hbm4b:s3+s2], $0x80, v4, vm0, $0xb8;
	[tilespmem:$0xC200] =	vst v63  }
0x12a: {  	s25 =	simm.s32 $0xA00  }
0x12b: {  	[tilespmem:s25], [sflag:$0x1] =	stream.indirect_vreg.gather [hbm4b:s5+s2], $0x80, v4, vm1, $0xb8;
	[tilespmem:$0xC200] =	vst v63  }
0x12c: {  	s26 =	simm.s32 $0xE00  }
0x12d: {  	[tilespmem:s26], [sflag:$0x1] =	stream.indirect_vreg.gather [hbm4b:s3+s2], $0x80, v3, vm0, $0xb8;
	[tilespmem:$0xC200] =	vst v63  }
0x12e: {  	_ = 	snop  }
0x12f: {  	[tilespmem:s17], [sflag:$0x1] =	stream.indirect_vreg.gather [hbm4b:s5+s2], $0x80, v3, vm1, $0xb8;
	[tilespmem:$0xC200] =	vst v63  }
0x130: {  	v3 =	vld [tilespmem:$0x110];
	_ =	sdelay $0x4  }
0x131: {  	v49 =	vshrl.u32 v3, $0x3  }
0x132: {  	v4 =	vmul.u32 $0x18, v49  }
0x133: {  	v3 =	vand.u32 $0x7, v3  }
0x134: {  	v3 =	vor.u32 v3, v4  }
0x135: {  	v4 =	vperm.xlane v3, v0;
	_ =	sdelay $0x1  }
0x136: {  	v4 =	vadd.s32 v1, v4;
	_ =	sdelay $0x1  }
0x137: {  	v3 =	vperm.xlane v3, v2;
	_ =	sdelay $0x1  }
0x138: {  	s28 =	simm.s32 $0x1A00;
	v3 =	vadd.s32 v1, v3  }
0x139: {  	[tilespmem:s28], [sflag:$0x1] =	stream.indirect_vreg.gather [hbm4b:s3+s2], $0x80, v4, vm0, $0xb8;
	[tilespmem:$0xC200] =	vst v63  }
0x13a: {  	s31 =	simm.s32 $0x2200  }
0x13b: {  	[tilespmem:s31], [sflag:$0x1] =	stream.indirect_vreg.gather [hbm4b:s5+s2], $0x80, v4, vm1, $0xb8;
	[tilespmem:$0xC200] =	vst v63  }
0x13c: {  	s26 =	simm.s32 $0x2600  }
0x13d: {  	[tilespmem:s26], [sflag:$0x1] =	stream.indirect_vreg.gather [hbm4b:s3+s2], $0x80, v3, vm0, $0xb8;
	[tilespmem:$0xC200] =	vst v63  }
0x13e: {  	s28 =	simm.s32 $0x2E00  }
0x13f: {  	[tilespmem:s28], [sflag:$0x1] =	stream.indirect_vreg.gather [hbm4b:s5+s2], $0x80, v3, vm1, $0xb8;
	[tilespmem:$0xC200] =	vst v63  }
0x140: {  	v3 =	vld [tilespmem:$0x120];
	_ =	sdelay $0x4  }
0x141: {  	v50 =	vshrl.u32 v3, $0x3  }
0x142: {  	v4 =	vmul.u32 $0x18, v50  }
0x143: {  	v3 =	vand.u32 $0x7, v3  }
0x144: {  	v3 =	vor.u32 v3, v4  }
0x145: {  	v4 =	vperm.xlane v3, v0;
	_ =	sdelay $0x1  }
0x146: {  	v4 =	vadd.s32 v1, v4;
	_ =	sdelay $0x1  }
0x147: {  	v3 =	vperm.xlane v3, v2;
	_ =	sdelay $0x1  }
0x148: {  	v3 =	vadd.s32 v1, v3  }
0x149: {  	[tilespmem:s12], [sflag:$0x1] =	stream.indirect_vreg.gather [hbm4b:s3+s2], $0x80, v4, vm0, $0xb8;
	[tilespmem:$0xC200] =	vst v63  }
0x14a: {  	_ = 	snop  }
0x14b: {  	[tilespmem:s13], [sflag:$0x1] =	stream.indirect_vreg.gather [hbm4b:s5+s2], $0x80, v4, vm1, $0xb8;
	[tilespmem:$0xC200] =	vst v63  }
0x14c: {  	_ = 	snop  }
0x14d: {  	[tilespmem:s14], [sflag:$0x1] =	stream.indirect_vreg.gather [hbm4b:s3+s2], $0x80, v3, vm0, $0xb8;
	[tilespmem:$0xC200] =	vst v63  }
0x14e: {  	_ = 	snop  }
0x14f: {  	[tilespmem:s18], [sflag:$0x1] =	stream.indirect_vreg.gather [hbm4b:s5+s2], $0x80, v3, vm1, $0xb8;
	[tilespmem:$0xC200] =	vst v63  }
0x150: {  	v3 =	vld [tilespmem:$0x130];
	_ =	sdelay $0x4  }
0x151: {  	v51 =	vshrl.u32 v3, $0x3  }
0x152: {  	v4 =	vmul.u32 $0x18, v51  }
0x153: {  	v3 =	vand.u32 $0x7, v3  }
0x154: {  	v3 =	vor.u32 v3, v4  }
0x155: {  	v4 =	vperm.xlane v3, v0;
	_ =	sdelay $0x1  }
0x156: {  	v4 =	vadd.s32 v1, v4;
	_ =	sdelay $0x1  }
0x157: {  	v3 =	vperm.xlane v3, v2;
	_ =	sdelay $0x1  }
0x158: {  	v3 =	vadd.s32 v1, v3  }
0x159: {  	[tilespmem:s19], [sflag:$0x1] =	stream.indirect_vreg.gather [hbm4b:s3+s2], $0x80, v4, vm0, $0xb8;
	[tilespmem:$0xC200] =	vst v63  }
0x15a: {  	_ = 	snop  }
0x15b: {  	[tilespmem:s20], [sflag:$0x1] =	stream.indirect_vreg.gather [hbm4b:s5+s2], $0x80, v4, vm1, $0xb8;
	[tilespmem:$0xC200] =	vst v63  }
0x15c: {  	_ = 	snop  }
0x15d: {  	[tilespmem:s21], [sflag:$0x1] =	stream.indirect_vreg.gather [hbm4b:s3+s2], $0x80, v3, vm0, $0xb8;
	[tilespmem:$0xC200] =	vst v63  }
0x15e: {  	s31 =	simm.s32 $0x5E00  }
0x15f: {  	[tilespmem:s31], [sflag:$0x1] =	stream.indirect_vreg.gather [hbm4b:s5+s2], $0x80, v3, vm1, $0xb8;
	[tilespmem:$0xC200] =	vst v63  }
0x160: {  	v3 =	vld [tilespmem:$0x140];
	_ =	sdelay $0x4  }
0x161: {  	v52 =	vshrl.u32 v3, $0x3  }
0x162: {  	v4 =	vmul.u32 $0x18, v52  }
0x163: {  	v3 =	vand.u32 $0x7, v3  }
0x164: {  	v3 =	vor.u32 v3, v4  }
0x165: {  	v4 =	vperm.xlane v3, v0;
	_ =	sdelay $0x1  }
0x166: {  	v4 =	vadd.s32 v1, v4;
	_ =	sdelay $0x1  }
0x167: {  	v3 =	vperm.xlane v3, v2;
	_ =	sdelay $0x1  }
0x168: {  	v3 =	vadd.s32 v1, v3  }
0x169: {  	[tilespmem:s0], [sflag:$0x1] =	stream.indirect_vreg.gather [hbm4b:s3+s2], $0x80, v4, vm0, $0xb8;
	[tilespmem:$0xC200] =	vst v63  }
0x16a: {  	_ = 	snop  }
0x16b: {  	[tilespmem:s1], [sflag:$0x1] =	stream.indirect_vreg.gather [hbm4b:s5+s2], $0x80, v4, vm1, $0xb8;
	[tilespmem:$0xC200] =	vst v63  }
0x16c: {  	_ = 	snop  }
0x16d: {  	[tilespmem:s4], [sflag:$0x1] =	stream.indirect_vreg.gather [hbm4b:s3+s2], $0x80, v3, vm0, $0xb8;
	[tilespmem:$0xC200] =	vst v63  }
0x16e: {  	_ = 	snop  }
0x16f: {  	[tilespmem:s11], [sflag:$0x1] =	stream.indirect_vreg.gather [hbm4b:s5+s2], $0x80, v3, vm1, $0xb8;
	[tilespmem:$0xC200] =	vst v63  }
0x170: {  	v3 =	vld [tilespmem:$0x150];
	_ =	sdelay $0x4  }
0x171: {  	v53 =	vshrl.u32 v3, $0x3  }
0x172: {  	v4 =	vmul.u32 $0x18, v53  }
0x173: {  	v3 =	vand.u32 $0x7, v3  }
0x174: {  	v3 =	vor.u32 v3, v4  }
0x175: {  	v4 =	vperm.xlane v3, v0;
	_ =	sdelay $0x1  }
0x176: {  	v4 =	vadd.s32 v1, v4;
	_ =	sdelay $0x1  }
0x177: {  	v3 =	vperm.xlane v3, v2;
	_ =	sdelay $0x1  }
0x178: {  	v3 =	vadd.s32 v1, v3  }
0x179: {  	[tilespmem:s8], [sflag:$0x1] =	stream.indirect_vreg.gather [hbm4b:s3+s2], $0x80, v4, vm0, $0xb8;
	[tilespmem:$0xC200] =	vst v63  }
0x17a: {  	_ = 	snop  }
0x17b: {  	[tilespmem:s9], [sflag:$0x1] =	stream.indirect_vreg.gather [hbm4b:s5+s2], $0x80, v4, vm1, $0xb8;
	[tilespmem:$0xC200] =	vst v63  }
0x17c: {  	_ = 	snop  }
0x17d: {  	[tilespmem:s10], [sflag:$0x1] =	stream.indirect_vreg.gather [hbm4b:s3+s2], $0x80, v3, vm0, $0xb8;
	[tilespmem:$0xC200] =	vst v63  }
0x17e: {  	s26 =	simm.s32 $0x8E00  }
0x17f: {  	[tilespmem:s26], [sflag:$0x1] =	stream.indirect_vreg.gather [hbm4b:s5+s2], $0x80, v3, vm1, $0xb8;
	[tilespmem:$0xC200] =	vst v63  }
0x180: {  	v3 =	vld [tilespmem:$0x160];
	_ =	sdelay $0x4  }
0x181: {  	v54 =	vshrl.u32 v3, $0x3  }
0x182: {  	v4 =	vmul.u32 $0x18, v54  }
0x183: {  	v3 =	vand.u32 $0x7, v3  }
0x184: {  	v3 =	vor.u32 v3, v4  }
0x185: {  	v4 =	vperm.xlane v3, v0;
	_ =	sdelay $0x1  }
0x186: {  	v4 =	vadd.s32 v1, v4;
	_ =	sdelay $0x1  }
0x187: {  	v3 =	vperm.xlane v3, v2;
	_ =	sdelay $0x1  }
0x188: {  	s28 =	simm.s32 $0x9200;
	v3 =	vadd.s32 v1, v3  }
0x189: {  	[tilespmem:s28], [sflag:$0x1] =	stream.indirect_vreg.gather [hbm4b:s3+s2], $0x80, v4, vm0, $0xb8;
	[tilespmem:$0xC200] =	vst v63  }
0x18a: {  	s31 =	simm.s32 $0x9A00  }
0x18b: {  	[tilespmem:s31], [sflag:$0x1] =	stream.indirect_vreg.gather [hbm4b:s5+s2], $0x80, v4, vm1, $0xb8;
	[tilespmem:$0xC200] =	vst v63  }
0x18c: {  	s26 =	simm.s32 $0x9E00  }
0x18d: {  	[tilespmem:s26], [sflag:$0x1] =	stream.indirect_vreg.gather [hbm4b:s3+s2], $0x80, v3, vm0, $0xb8;
	[tilespmem:$0xC200] =	vst v63  }
0x18e: {  	s26 =	simm.s32 $0xA600  }
0x18f: {  	[tilespmem:s26], [sflag:$0x1] =	stream.indirect_vreg.gather [hbm4b:s5+s2], $0x80, v3, vm1, $0xb8;
	[tilespmem:$0xC200] =	vst v63  }
0x190: {  	v3 =	vld [tilespmem:$0x170];
	_ =	sdelay $0x4  }
0x191: {  	v55 =	vshrl.u32 v3, $0x3  }
0x192: {  	v4 =	vmul.u32 $0x18, v55  }
0x193: {  	v3 =	vand.u32 $0x7, v3  }
0x194: {  	v3 =	vor.u32 v3, v4  }
0x195: {  	v4 =	vperm.xlane v3, v0;
	_ =	sdelay $0x1  }
0x196: {  	v4 =	vadd.s32 v1, v4;
	_ =	sdelay $0x1  }
0x197: {  	v3 =	vperm.xlane v3, v2;
	_ =	sdelay $0x1  }
0x198: {  	s29 =	simm.s32 $0xAA00;
	v3 =	vadd.s32 v1, v3  }
0x199: {  	[tilespmem:s29], [sflag:$0x1] =	stream.indirect_vreg.gather [hbm4b:s3+s2], $0x80, v4, vm0, $0xb8;
	[tilespmem:$0xC200] =	vst v63  }
0x19a: {  	s23 =	simm.s32 $0xB200  }
0x19b: {  	[tilespmem:s23], [sflag:$0x1] =	stream.indirect_vreg.gather [hbm4b:s5+s2], $0x80, v4, vm1, $0xb8;
	[tilespmem:$0xC200] =	vst v63  }
0x19c: {  	s30 =	simm.s32 $0xB600  }
0x19d: {  	[tilespmem:s30], [sflag:$0x1] =	stream.indirect_vreg.gather [hbm4b:s3+s2], $0x80, v3, vm0, $0xb8;
	[tilespmem:$0xC200] =	vst v63  }
0x19e: {  	s30 =	simm.s32 $0xBE00  }
0x19f: {  	[tilespmem:s30], [sflag:$0x1] =	stream.indirect_vreg.gather [hbm4b:s5+s2], $0x80, v3, vm1, $0xb8;
	[tilespmem:$0xC200] =	vst v63  }
0x1a0: {  	_ =	swait.ge [sflag:s15], $0xC000  }
0x1a1: {  	[sflag:s15] =	ssyncset.done $0x0  }
0x1a2: {  	s16 =	rddreg [dreg:$0x4];
	[sflag:s15] =	ssyncadd.s32 $0xFFFF4000  }
0x1a3: {  	[hbm4b:s16+s2] =	stream.linear.scatter [tilespmem:s24], [sflag:$0x2], $0xC000, $0x38;
	[tilespmem:$0xC200] =	vst v63  }
0x1a4: {  	_ =	swait.ge [sflag:s7], $0xC000  }
0x1a5: {  	[sflag:s7] =	ssyncset.done $0x0  }
0x1a6: {  	[sflag:s7] =	ssyncadd.s32 $0xFFFF4000  }
0x1a7: {  	v3 =	vld [tilespmem:$0x180];
	_ =	sdelay $0x4  }
0x1a8: {  	v56 =	vshrl.u32 v3, $0x3  }
0x1a9: {  	v4 =	vmul.u32 $0x18, v56  }
0x1aa: {  	v3 =	vand.u32 $0x7, v3  }
0x1ab: {  	v3 =	vor.u32 v3, v4  }
0x1ac: {  	v4 =	vperm.xlane v3, v0;
	_ =	sdelay $0x1  }
0x1ad: {  	v4 =	vadd.s32 v1, v4;
	_ =	sdelay $0x1  }
0x1ae: {  	v3 =	vperm.xlane v3, v2;
	_ =	sdelay $0x1  }
0x1af: {  	v3 =	vadd.s32 v1, v3  }
0x1b0: {  	[tilespmem:s24], [sflag:$0x1] =	stream.indirect_vreg.gather [hbm4b:s3+s2], $0x80, v4, vm0, $0xb8;
	[tilespmem:$0xC200] =	vst v63  }
0x1b1: {  	s25 =	simm.s32 $0xA00  }
0x1b2: {  	[tilespmem:s25], [sflag:$0x1] =	stream.indirect_vreg.gather [hbm4b:s5+s2], $0x80, v4, vm1, $0xb8;
	[tilespmem:$0xC200] =	vst v63  }
0x1b3: {  	s22 =	simm.s32 $0xE00  }
0x1b4: {  	[tilespmem:s22], [sflag:$0x1] =	stream.indirect_vreg.gather [hbm4b:s3+s2], $0x80, v3, vm0, $0xb8;
	[tilespmem:$0xC200] =	vst v63  }
0x1b5: {  	s17 =	simm.s32 $0x1600  }
0x1b6: {  	[tilespmem:s17], [sflag:$0x1] =	stream.indirect_vreg.gather [hbm4b:s5+s2], $0x80, v3, vm1, $0xb8;
	[tilespmem:$0xC200] =	vst v63  }
0x1b7: {  	v3 =	vld [tilespmem:$0x190];
	_ =	sdelay $0x4  }
0x1b8: {  	v57 =	vshrl.u32 v3, $0x3  }
0x1b9: {  	v4 =	vmul.u32 $0x18, v57  }
0x1ba: {  	v3 =	vand.u32 $0x7, v3  }
0x1bb: {  	v3 =	vor.u32 v3, v4  }
0x1bc: {  	v4 =	vperm.xlane v3, v0;
	_ =	sdelay $0x1  }
0x1bd: {  	v4 =	vadd.s32 v1, v4;
	_ =	sdelay $0x1  }
0x1be: {  	v3 =	vperm.xlane v3, v2;
	_ =	sdelay $0x1  }
0x1bf: {  	s17 =	simm.s32 $0x1A00;
	v3 =	vadd.s32 v1, v3  }
0x1c0: {  	[tilespmem:s17], [sflag:$0x1] =	stream.indirect_vreg.gather [hbm4b:s3+s2], $0x80, v4, vm0, $0xb8;
	[tilespmem:$0xC200] =	vst v63  }
0x1c1: {  	s22 =	simm.s32 $0x2200  }
0x1c2: {  	[tilespmem:s22], [sflag:$0x1] =	stream.indirect_vreg.gather [hbm4b:s5+s2], $0x80, v4, vm1, $0xb8;
	[tilespmem:$0xC200] =	vst v63  }
0x1c3: {  	s25 =	simm.s32 $0x2600  }
0x1c4: {  	[tilespmem:s25], [sflag:$0x1] =	stream.indirect_vreg.gather [hbm4b:s3+s2], $0x80, v3, vm0, $0xb8;
	[tilespmem:$0xC200] =	vst v63  }
0x1c5: {  	s17 =	simm.s32 $0x2E00  }
0x1c6: {  	[tilespmem:s17], [sflag:$0x1] =	stream.indirect_vreg.gather [hbm4b:s5+s2], $0x80, v3, vm1, $0xb8;
	[tilespmem:$0xC200] =	vst v63  }
0x1c7: {  	v3 =	vld [tilespmem:$0x1A0];
	_ =	sdelay $0x4  }
0x1c8: {  	v58 =	vshrl.u32 v3, $0x3  }
0x1c9: {  	v4 =	vmul.u32 $0x18, v58  }
0x1ca: {  	v3 =	vand.u32 $0x7, v3  }
0x1cb: {  	v3 =	vor.u32 v3, v4  }
0x1cc: {  	v4 =	vperm.xlane v3, v0;
	_ =	sdelay $0x1  }
0x1cd: {  	v4 =	vadd.s32 v1, v4;
	_ =	sdelay $0x1  }
0x1ce: {  	v3 =	vperm.xlane v3, v2;
	_ =	sdelay $0x1  }
0x1cf: {  	s12 =	simm.s32 $0x3200;
	v3 =	vadd.s32 v1, v3  }
0x1d0: {  	[tilespmem:s12], [sflag:$0x1] =	stream.indirect_vreg.gather [hbm4b:s3+s2], $0x80, v4, vm0, $0xb8;
	[tilespmem:$0xC200] =	vst v63  }
0x1d1: {  	s13 =	simm.s32 $0x3A00  }
0x1d2: {  	[tilespmem:s13], [sflag:$0x1] =	stream.indirect_vreg.gather [hbm4b:s5+s2], $0x80, v4, vm1, $0xb8;
	[tilespmem:$0xC200] =	vst v63  }
0x1d3: {  	s14 =	simm.s32 $0x3E00  }
0x1d4: {  	[tilespmem:s14], [sflag:$0x1] =	stream.indirect_vreg.gather [hbm4b:s3+s2], $0x80, v3, vm0, $0xb8;
	[tilespmem:$0xC200] =	vst v63  }
0x1d5: {  	s18 =	simm.s32 $0x4600  }
0x1d6: {  	[tilespmem:s18], [sflag:$0x1] =	stream.indirect_vreg.gather [hbm4b:s5+s2], $0x80, v3, vm1, $0xb8;
	[tilespmem:$0xC200] =	vst v63  }
0x1d7: {  	v3 =	vld [tilespmem:$0x1B0];
	_ =	sdelay $0x4  }
0x1d8: {  	v59 =	vshrl.u32 v3, $0x3  }
0x1d9: {  	v4 =	vmul.u32 $0x18, v59  }
0x1da: {  	v3 =	vand.u32 $0x7, v3  }
0x1db: {  	v3 =	vor.u32 v3, v4  }
0x1dc: {  	v4 =	vperm.xlane v3, v0;
	_ =	sdelay $0x1  }
0x1dd: {  	v4 =	vadd.s32 v1, v4;
	_ =	sdelay $0x1  }
0x1de: {  	v3 =	vperm.xlane v3, v2;
	_ =	sdelay $0x1  }
0x1df: {  	s19 =	simm.s32 $0x4A00;
	v3 =	vadd.s32 v1, v3  }
0x1e0: {  	[tilespmem:s19], [sflag:$0x1] =	stream.indirect_vreg.gather [hbm4b:s3+s2], $0x80, v4, vm0, $0xb8;
	[tilespmem:$0xC200] =	vst v63  }
0x1e1: {  	s20 =	simm.s32 $0x5200  }
0x1e2: {  	[tilespmem:s20], [sflag:$0x1] =	stream.indirect_vreg.gather [hbm4b:s5+s2], $0x80, v4, vm1, $0xb8;
	[tilespmem:$0xC200] =	vst v63  }
0x1e3: {  	s21 =	simm.s32 $0x5600  }
0x1e4: {  	[tilespmem:s21], [sflag:$0x1] =	stream.indirect_vreg.gather [hbm4b:s3+s2], $0x80, v3, vm0, $0xb8;
	[tilespmem:$0xC200] =	vst v63  }
0x1e5: {  	s21 =	simm.s32 $0x5E00  }
0x1e6: {  	[tilespmem:s21], [sflag:$0x1] =	stream.indirect_vreg.gather [hbm4b:s5+s2], $0x80, v3, vm1, $0xb8;
	[tilespmem:$0xC200] =	vst v63  }
0x1e7: {  	v3 =	vld [tilespmem:$0x1C0];
	_ =	sdelay $0x4  }
0x1e8: {  	v60 =	vshrl.u32 v3, $0x3  }
0x1e9: {  	v4 =	vmul.u32 $0x18, v60  }
0x1ea: {  	v3 =	vand.u32 $0x7, v3  }
0x1eb: {  	v3 =	vor.u32 v3, v4  }
0x1ec: {  	v4 =	vperm.xlane v3, v0;
	_ =	sdelay $0x1  }
0x1ed: {  	v4 =	vadd.s32 v1, v4;
	_ =	sdelay $0x1  }
0x1ee: {  	v3 =	vperm.xlane v3, v2;
	_ =	sdelay $0x1  }
0x1ef: {  	s0 =	simm.s32 $0x6200;
	v3 =	vadd.s32 v1, v3  }
0x1f0: {  	[tilespmem:s0], [sflag:$0x1] =	stream.indirect_vreg.gather [hbm4b:s3+s2], $0x80, v4, vm0, $0xb8;
	[tilespmem:$0xC200] =	vst v63  }
0x1f1: {  	s1 =	simm.s32 $0x6A00  }
0x1f2: {  	[tilespmem:s1], [sflag:$0x1] =	stream.indirect_vreg.gather [hbm4b:s5+s2], $0x80, v4, vm1, $0xb8;
	[tilespmem:$0xC200] =	vst v63  }
0x1f3: {  	s4 =	simm.s32 $0x6E00  }
0x1f4: {  	[tilespmem:s4], [sflag:$0x1] =	stream.indirect_vreg.gather [hbm4b:s3+s2], $0x80, v3, vm0, $0xb8;
	[tilespmem:$0xC200] =	vst v63  }
0x1f5: {  	s11 =	simm.s32 $0x7600  }
0x1f6: {  	[tilespmem:s11], [sflag:$0x1] =	stream.indirect_vreg.gather [hbm4b:s5+s2], $0x80, v3, vm1, $0xb8;
	[tilespmem:$0xC200] =	vst v63  }
0x1f7: {  	v3 =	vld [tilespmem:$0x1D0];
	_ =	sdelay $0x4  }
0x1f8: {  	v61 =	vshrl.u32 v3, $0x3  }
0x1f9: {  	v4 =	vmul.u32 $0x18, v61  }
0x1fa: {  	v3 =	vand.u32 $0x7, v3  }
0x1fb: {  	v3 =	vor.u32 v3, v4  }
0x1fc: {  	v4 =	vperm.xlane v3, v0;
	_ =	sdelay $0x1  }
0x1fd: {  	v4 =	vadd.s32 v1, v4;
	_ =	sdelay $0x1  }
0x1fe: {  	v3 =	vperm.xlane v3, v2;
	_ =	sdelay $0x1  }
0x1ff: {  	s8 =	simm.s32 $0x7A00;
	v3 =	vadd.s32 v1, v3  }
0x200: {  	[tilespmem:s8], [sflag:$0x1] =	stream.indirect_vreg.gather [hbm4b:s3+s2], $0x80, v4, vm0, $0xb8;
	[tilespmem:$0xC200] =	vst v63  }
0x201: {  	s9 =	simm.s32 $0x8200  }
0x202: {  	[tilespmem:s9], [sflag:$0x1] =	stream.indirect_vreg.gather [hbm4b:s5+s2], $0x80, v4, vm1, $0xb8;
	[tilespmem:$0xC200] =	vst v63  }
0x203: {  	s10 =	simm.s32 $0x8600  }
0x204: {  	[tilespmem:s10], [sflag:$0x1] =	stream.indirect_vreg.gather [hbm4b:s3+s2], $0x80, v3, vm0, $0xb8;
	[tilespmem:$0xC200] =	vst v63  }
0x205: {  	s22 =	simm.s32 $0x8E00  }
0x206: {  	[tilespmem:s22], [sflag:$0x1] =	stream.indirect_vreg.gather [hbm4b:s5+s2], $0x80, v3, vm1, $0xb8;
	[tilespmem:$0xC200] =	vst v63  }
0x207: {  	v3 =	vld [tilespmem:$0x1E0];
	_ =	sdelay $0x4  }
0x208: {  	v62 =	vshrl.u32 v3, $0x3  }
0x209: {  	v4 =	vmul.u32 $0x18, v62  }
0x20a: {  	v3 =	vand.u32 $0x7, v3  }
0x20b: {  	v3 =	vor.u32 v3, v4  }
0x20c: {  	v4 =	vperm.xlane v3, v0;
	_ =	sdelay $0x1  }
0x20d: {  	v4 =	vadd.s32 v1, v4;
	_ =	sdelay $0x1  }
0x20e: {  	v3 =	vperm.xlane v3, v2;
	_ =	sdelay $0x1  }
0x20f: {  	s28 =	simm.s32 $0x9200;
	v3 =	vadd.s32 v1, v3  }
0x210: {  	[tilespmem:s28], [sflag:$0x1] =	stream.indirect_vreg.gather [hbm4b:s3+s2], $0x80, v4, vm0, $0xb8;
	[tilespmem:$0xC200] =	vst v63  }
0x211: {  	s31 =	simm.s32 $0x9A00  }
0x212: {  	[tilespmem:s31], [sflag:$0x1] =	stream.indirect_vreg.gather [hbm4b:s5+s2], $0x80, v4, vm1, $0xb8;
	[tilespmem:$0xC200] =	vst v63  }
0x213: {  	s25 =	simm.s32 $0x9E00  }
0x214: {  	[tilespmem:s25], [sflag:$0x1] =	stream.indirect_vreg.gather [hbm4b:s3+s2], $0x80, v3, vm0, $0xb8;
	[tilespmem:$0xC200] =	vst v63  }
0x215: {  	s28 =	simm.s32 $0xA600  }
0x216: {  	[tilespmem:s28], [sflag:$0x1] =	stream.indirect_vreg.gather [hbm4b:s5+s2], $0x80, v3, vm1, $0xb8;
	[tilespmem:$0xC200] =	vst v63  }
0x217: {  	v3 =	vld [tilespmem:$0x1F0];
	_ =	sdelay $0x4  }
0x218: {  	v63 =	vshrl.u32 v3, $0x3  }
0x219: {  	v4 =	vmul.u32 $0x18, v63  }
0x21a: {  	v3 =	vand.u32 $0x7, v3  }
0x21b: {  	v3 =	vor.u32 v3, v4  }
0x21c: {  	v4 =	vperm.xlane v3, v0;
	_ =	sdelay $0x1  }
0x21d: {  	v4 =	vadd.s32 v1, v4;
	_ =	sdelay $0x1  }
0x21e: {  	v3 =	vperm.xlane v3, v2;
	_ =	sdelay $0x1  }
0x21f: {  	s26 =	simm.s32 $0xAA00;
	v3 =	vadd.s32 v1, v3  }
0x220: {  	[tilespmem:s26], [sflag:$0x1] =	stream.indirect_vreg.gather [hbm4b:s3+s2], $0x80, v4, vm0, $0xb8;
	[tilespmem:$0xC200] =	vst v63  }
0x221: {  	s23 =	simm.s32 $0xB200  }
0x222: {  	[tilespmem:s23], [sflag:$0x1] =	stream.indirect_vreg.gather [hbm4b:s5+s2], $0x80, v4, vm1, $0xb8;
	[tilespmem:$0xC200] =	vst v63  }
0x223: {  	s29 =	simm.s32 $0xB600  }
0x224: {  	[tilespmem:s29], [sflag:$0x1] =	stream.indirect_vreg.gather [hbm4b:s3+s2], $0x80, v3, vm0, $0xb8;
	[tilespmem:$0xC200] =	vst v63  }
0x225: {  	s30 =	simm.s32 $0xBE00  }
0x226: {  	[tilespmem:s30], [sflag:$0x1] =	stream.indirect_vreg.gather [hbm4b:s5+s2], $0x80, v3, vm1, $0xb8;
	[tilespmem:$0xC200] =	vst v63  }
0x227: {  	_ =	swait.ge [sflag:s15], $0xC000  }
0x228: {  	p0 =	sne.s32 s6, $0x1;
	[sflag:s15] =	ssyncset.done $0x0  }
.Ltmp0:
0x229: {  	s31 =	rddreg [dreg:$0x5];
	[sflag:s15] =	ssyncadd.s32 $0xFFFF4000;
	(pc) =	sbr.rel @p0 .LBB2_1-.Ltmp0, $4  }
0x22a: {  	[hbm4b:s31+s2] =	stream.linear.scatter [tilespmem:s24], [sflag:$0x2], $0xC000, $0x38;
	[tilespmem:$0xC200] =	vst v63  }
0x22b: {  	_ =	swait.ge [sflag:s7], $0xC000  }
0x22c: {  	[sflag:s7] =	ssyncset.done $0x0  }
0x22d: {  	s6 =	sadd.s32 $0xFFFFFFFF, s6;
	[sflag:s7] =	ssyncadd.s32 $0xFFFF4000  }
0x22e: {  	_ =	sfence.sel $0x180000  }
0x22f: {  	[bflag:$0x0] =	sbarrier.arrive $0xFFFF  }
0x230: {  	_ =	strace $0x9000004A  }
0x231: {  	s0 =	stileid.u32;
	[bflag:$0x2] =	sbarrier.arrive $0xFFFF  }
0x232: {  	p0 =	sne.s32 s0, $0x0;
	s0 =	rddreg [dreg:$0x1]  }
0x233: {  	s0 =	sadd.s32 @!p0 $0x100000, s0  }
0x234: {  	[sflag:s0] =	ssyncadd.tile.s32 @!p0 $0x1;
	_ =	shalt  }
.Lfunc_end2:
_tile_overlayer_lowered:
.L_overlay_start_2:
0x235: {  	(tag) =	ssettag $0x2  }
0x236: {  	s0 =	rddreg [dreg:$0x0];
	s2 =	stileid.u32  }
0x237: {  	s1 =	rddreg [dreg:$0x1];
	p0 =	sne.s32 s2, $0x0  }
0x238: {  	s3 =	rddreg [dreg:$0x2];
	[bflag:$0x3] =	sbarrier.arrive $0xFFFF;
	s2 =	simm.s32 @!p0 $0x1C02  }
0x239: {  	[timem:s3], [sflag:s2] =	dma.local @!p0 [hbm:s0], s1  }
0x23a: {  	s0 =	simm.s32 @!p0 $0x2  }
0x23b: {  	_ =	swait.ge @!p0 [sflag:s0], s1  }
0x23c: {  	s1 =	ssub.s32 @!p0 $0x0, s1;
	[sflag:s0] =	ssyncset.done @!p0 $0x0  }
0x23d: {  	[sflag:s0] =	ssyncadd.s32 @!p0 s1  }
0x23e: {  	[bflag:$0x3] =	sbarrier.arrive $0xFFFF  }
0x23f: {  	_ =	shalt  }

// kernel: kernel.16.cloned.1.call-start
scs
__scs_entry_jumppad:
0x0: {  	(pc) =	sbr.rel $0x88, $3  }
0x1: {  	(tag) =	ssettag $0x0;
	lr =	simm.s32 $0x1  }
0x2: {  	[smem:$0x3F9A] =	sst lr;
	_ =	strace $0xD0000000  }
0x3: {  	_ = 	snop  }
0x4: {  	_ = 	snop  }
0x5: {  	_ = 	snop  }
0x6: {  	_ = 	snop  }
0x7: {  	_ = 	snop  }
__scs_overlays_trampoline_lowered:
0x8: {  	[smem:$0x3FA9] =	sst s0  }
0x9: {  	[smem:$0x3FAA] =	sst s1  }
0xa: {  	[smem:$0x3FAB] =	sst s2  }
0xb: {  	[smem:$0x3FAC] =	sst s3  }
0xc: {  	[smem:$0x3FAD] =	sst s4  }
0xd: {  	[smem:$0x3FAE] =	sst s5  }
0xe: {  	[smem:$0x3FAF] =	sst s6  }
0xf: {  	[smem:$0x3FB0] =	sst s7  }
0x10: {  	[smem:$0x3FB1] =	sst s8  }
0x11: {  	[smem:$0x3FB2] =	sst s9;
	s0 =	simm.s32 @!p0 $0x0  }
0x12: {  	s1 =	sld [smem:$0x3F98];
	s0 =	simm.s32 @p0 $0x1  }
0x13: {  	[smem:$0x3FB3] =	sst s0;
	s0 =	simm.s32 @!p1 $0x0  }
0x14: {  	s2 =	sld [smem:$0x3F97];
	s0 =	simm.s32 @p1 $0x1  }
0x15: {  	[smem:$0x3FB4] =	sst s0;
	s0 =	simm.s32 @!p2 $0x0  }
0x16: {  	s3 =	sld [smem:$0x3FDB];
	s0 =	simm.s32 @p2 $0x1  }
0x17: {  	s4 =	simm.s32 $0x1BF5;
	[smem:$0x3FB6] =	sst s0  }
0x18: {  	s0 =	sld [smem:$0x3F99];
	_ =	swait.ge [sflag:s4], $0x0  }
0x19: {  	s7 =	sld [smem:$0x3F9A]  }
0x1a: {  	s8 =	sadd.s32 $0xFFFFE003, lr  }
0x1b: {  	s9 =	sadd.s32 $0xFFFFFEF7, lr;
	s5 =	simm.s32 $0xFFFFFFFF;
	p2 =	slt.u32 s8, $0xFFFFF086  }
0x1c: {  	p1 =	slt.u32 s9, $0xF7A;
	s5 =	simm.s32 @!p2 $0x0  }
0x1d: {  	s5 =	simm.s32 @p1 $0x1;
	p0 =	seq.s32 s7, s2  }
0x1e: {  	s7 =	smul.u32 @!p0 $0xF7A, s2;
	p2 =	seq.s32 @!p0 s5, $0x0  }
0x1f: {  	s9 =	smul.u32 $0xF7A, s1;
	s8 =	simm.s32 @!p0 $0x1BF5;
	p2 =	por !p2, p0  }
0x20: {  	[sflag:s8] =	ssyncset.s32 @!p0 $0xFFFFF086;
	s6 =	sadd.s32 @!p0 s3, s7;
	s7 =	simm.s32 @!p0 $0x108  }
0x21: {  	s3 =	sadd.s32 s3, s9;
	s6 =	sadd.s32 @!p0 $0x88, s6;
	s7 =	simm.s32 @p2 $0x1082  }
0x22: {  	[simem:s7], [sflag:s8] =	dma.local @!p0 [hbm:s6], $0xF7A  }
0x23: {  	s9 =	sor.u32 $0xD0000000, s2;
	s6 =	simm.s32 $0x108;
	_ =	swait.ge @!p0 [sflag:s8], $0x0  }
0x24: {  	s3 =	sadd.s32 $0x88, s3;
	s6 =	simm.s32 @!p1 $0x1082;
	[sflag:s4] =	ssyncset.s32 $0xFFFFF086  }
0x25: {  	[simem:s6], [sflag:s4] =	dma.local [hbm:s3], $0xF7A  }
0x26: {  	[smem:$0x3F9A] =	sst s1;
	(tag) =	ssettag s2;
	_ =	strace s9  }
0x27: {  	s1 =	sld [smem:$0x3FAA]  }
0x28: {  	s2 =	sld [smem:$0x3FAB]  }
0x29: {  	s4 =	sld [smem:$0x3FAD]  }
0x2a: {  	p0 =	seq.s32 s5, $0x0;
	s5 =	sld [smem:$0x3FAE]  }
0x2b: {  	s6 =	sld [smem:$0x3FAF]  }
0x2c: {  	s7 =	sld [smem:$0x3FB0]  }
0x2d: {  	s3 =	simm.s32 $0x108;
	s8 =	sld [smem:$0x3FB1]  }
0x2e: {  	s3 =	simm.s32 @!p0 $0x1082;
	s9 =	sld [smem:$0x3FB2]  }
0x2f: {  	lr =	sadd.s32 s0, s3;
	s0 =	sld [smem:$0x3FA9]  }
0x30: {  	s3 =	sld [smem:$0x3FAC]  }
0x31: {  	[smem:$0x3FB5] =	sst s10  }
0x32: {  	s10 =	sld [smem:$0x3FB3];
	_ =	sdelay $0x3  }
0x33: {  	p0 =	seq.s32 s10, $0x1;
	s10 =	sld [smem:$0x3FB5];
	_ =	sdelay $0x3  }
0x34: {  	[smem:$0x3FB5] =	sst s10  }
0x35: {  	s10 =	sld [smem:$0x3FB4];
	_ =	sdelay $0x3  }
0x36: {  	p1 =	seq.s32 s10, $0x1;
	s10 =	sld [smem:$0x3FB5];
	_ =	sdelay $0x3  }
0x37: {  	[smem:$0x3FB5] =	sst s10  }
0x38: {  	s10 =	sld [smem:$0x3FB6]  }
0x39: {  	_ = 	snop;
	(pc) =	sbr.ind lr, $3  }
0x3a: {  	_ = 	snop  }
0x3b: {  	_ = 	snop  }
0x3c: {  	p2 =	seq.s32 s10, $0x1;
	s10 =	sld [smem:$0x3FB5]  }
0x3d: {  	_ =	shalt  }
0x3e: {  	_ =	shalt  }
0x3f: {  	_ =	shalt  }
0x40: {  	_ =	shalt  }
0x41: {  	_ =	shalt  }
0x42: {  	_ =	shalt  }
0x43: {  	_ =	shalt  }
0x44: {  	_ =	shalt  }
0x45: {  	_ =	shalt  }
0x46: {  	_ =	shalt  }
0x47: {  	_ =	shalt  }
0x48: {  	_ =	shalt  }
0x49: {  	_ =	shalt  }
0x4a: {  	_ =	shalt  }
0x4b: {  	_ =	shalt  }
0x4c: {  	_ =	shalt  }
0x4d: {  	_ =	shalt  }
0x4e: {  	_ =	shalt  }
0x4f: {  	_ =	shalt  }
0x50: {  	_ =	shalt  }
0x51: {  	_ =	shalt  }
0x52: {  	_ =	shalt  }
0x53: {  	_ =	shalt  }
0x54: {  	_ =	shalt  }
0x55: {  	_ =	shalt  }
0x56: {  	_ =	shalt  }
0x57: {  	_ =	shalt  }
0x58: {  	_ =	shalt  }
0x59: {  	_ =	shalt  }
0x5a: {  	_ =	shalt  }
0x5b: {  	_ =	shalt  }
0x5c: {  	_ =	shalt  }
0x5d: {  	_ =	shalt  }
0x5e: {  	_ =	shalt  }
0x5f: {  	_ =	shalt  }
0x60: {  	_ =	shalt  }
0x61: {  	_ =	shalt  }
0x62: {  	_ =	shalt  }
0x63: {  	_ =	shalt  }
0x64: {  	_ =	shalt  }
0x65: {  	_ =	shalt  }
0x66: {  	_ =	shalt  }
0x67: {  	_ =	shalt  }
0x68: {  	_ =	shalt  }
0x69: {  	_ =	shalt  }
0x6a: {  	_ =	shalt  }
0x6b: {  	_ =	shalt  }
0x6c: {  	_ =	shalt  }
0x6d: {  	_ =	shalt  }
0x6e: {  	_ =	shalt  }
0x6f: {  	_ =	shalt  }
0x70: {  	_ =	shalt  }
0x71: {  	_ =	shalt  }
0x72: {  	_ =	shalt  }
0x73: {  	_ =	shalt  }
0x74: {  	_ =	shalt  }
0x75: {  	_ =	shalt  }
0x76: {  	_ =	shalt  }
0x77: {  	_ =	shalt  }
0x78: {  	_ =	shalt  }
0x79: {  	_ =	shalt  }
0x7a: {  	_ =	shalt  }
0x7b: {  	_ =	shalt  }
0x7c: {  	_ =	shalt  }
0x7d: {  	_ =	shalt  }
0x7e: {  	_ =	shalt  }
0x7f: {  	_ =	shalt  }
0x80: {  	_ =	shalt  }
0x81: {  	_ =	shalt  }
0x82: {  	_ =	shalt  }
0x83: {  	_ =	shalt  }
0x84: {  	_ =	shalt  }
0x85: {  	_ =	shalt  }
0x86: {  	_ =	shalt  }
0x87: {  	_ =	shalt  }
.Lfunc_end0:
.L_simem_size_0:
called_computation.2_lowered:
.L_overlay_start_0:
0x88: {  	s2 =	sld [smem:$0x3FD9]  }
0x89: {  	s3 =	sld [smem:$0x3FFE];
	_ =	sdelay $0x1  }
0x8a: {  	s1 =	srdreg.scid  }
0x8b: {  	s0 =	sand.u32 $0x1, s1  }
0x8c: {  	s17 =	sshll.u32 s0, $0xA;
	s2 =	sadd.s32 s3, s2  }
0x8d: {  	s2 =	sadd.s32 s2, s17  }
0x8e: {  	[smem:$0x3FC1] =	sst s2  }
0x8f: {  	_ = 	snop  }
0x90: {  	(tm) =	ssettm $0x1  }
0x91: {  	s18 =	sld [smem:$0x3FFB];
	_ =	sdelay $0x3  }
0x92: {  	_ =	strace s18  }
0x93: {  	s2 =	sld [smem:$0x3FFC];
	_ =	sdelay $0x3  }
0x94: {  	_ =	strace s2  }
0x95: {  	s2 =	sld [smem:$0x3FFD];
	_ =	sdelay $0x3  }
0x96: {  	_ =	strace s2  }
0x97: {  	_ =	strace $0x8FFFFFFF  }
0x98: {  	s19 =	sld [smem:$0x3FDB];
	_ =	sdelay $0x1  }
0x99: {  	s20 =	simm.s32 $_scs_section_size  }
0x9a: {  	s4 =	simm.s32 $_size__tile_overlayer_lowered;
	s5 =	simm.s32 $_tile_overlayer_lowered  }
0x9b: {  	s6 =	simm.s32 $0x1BFF;
	s21 =	sshll.u32 s5, $0x1;
	s3 =	sadd.s32 s20, s19  }
0x9c: {  	s22 =	simm.s32 $0x0;
	s4 =	sshll.u32 s4, $0x1;
	s5 =	sadd.s32 s21, s3  }
0x9d: {  	[timem:s22], [sflag:s6] =	dma.local [hbm:s5], s4  }
0x9e: {  	_ =	swait.ge [sflag:s6], s4  }
0x9f: {  	s4 =	ssub.s32 $0x0, s4;
	[sflag:s6] =	ssyncset.done $0x0  }
0xa0: {  	[sflag:s6] =	ssyncadd.s32 s4;
	_ =	sdelay $0x1  }
0xa1: {  	s23 =	simm.s32 $0x1B8B  }
0xa2: {  	_ =	swait.ge [sflag:s23], $0x1  }
0xa3: {  	[sflag:s23] =	ssyncset.done $0x0  }
0xa4: {  	[sflag:s23] =	ssyncadd.s32 $0xFFFFFFFF  }
0xa5: {  	s4 =	sld [smem:$0x0]  }
0xa6: {  	s5 =	sand.u32 $0xFFFFFFFE, s1  }
0xa7: {  	p0 =	sne.s32 s1, s5  }
0xa8: {  	s5 =	sshll.u32 @p0 s5, $0xE  }
0xa9: {  	s5 =	sadd.s32 @p0 $0x11B8D, s5;
	s6 =	sshll.u32 @p0 s4, $0x11  }
0xaa: {  	s5 =	sor.u32 @p0 s6, s5  }
0xab: {  	[sflag:s5] =	ssyncadd.remote.s32 @p0 $0x1;
	_ =	sdelay $0x1  }
0xac: {  	s5 =	simm.s32 @p0 $0x1B8D  }
0xad: {  	_ =	swait.eq @p0 [sflag:s5], $0x1  }
0xae: {  	[sflag:s5] =	ssyncadd.s32 @p0 $0xFFFFFFFF  }
0xaf: {  	s6 =	sshll.u32 @!p0 s1, $0xE  }
0xb0: {  	s6 =	sor.u32 @!p0 $0x4000, s6;
	s5 =	simm.s32 @!p0 $0x1B8D  }
0xb1: {  	s4 =	sshll.u32 @!p0 s4, $0x11;
	s6 =	sadd.s32 @!p0 $0x11B8D, s6;
	_ =	swait.eq @!p0 [sflag:s5], $0x1  }
0xb2: {  	s4 =	sor.u32 @!p0 s4, s6;
	[sflag:s5] =	ssyncadd.s32 @!p0 $0xFFFFFFFF  }
0xb3: {  	s25 =	simm.s32 $0x1B8E;
	s24 =	sld [smem:$0x3FFE];
	[sflag:s4] =	ssyncadd.remote.s32 @!p0 $0x1  }
0xb4: {  	s26 =	simm.s32 $execute0_lowered;
	[smem:$0x3FD2] =	sst s25  }
0xb5: {  	s5 =	sshll.u32 s26, $0x1;
	_ =	strace $0x8000004C;
	[dreg:$0x1] =	wrdreg $0xFFFFFFFF  }
0xb6: {  	s28 =	simm.s32 $_size_execute0_lowered;
	s3 =	sadd.s32 s3, s5;
	[dreg:$0x0] =	wrdreg $0x0  }
0xb7: {  	s5 =	sshll.u32 s28, $0x1;
	[dreg:$0x2] =	wrdreg s3  }
0xb8: {  	[dreg:$0x3] =	wrdreg s5  }
0xb9: {  	[dreg:$0x4] =	wrdreg $0xC0  }
0xba: {  	_ =	task [dreg:s22], $0x5FFFF  }
0xbb: {  	[dreg:$0x1] =	wrdreg $0xFFFFFFFF  }
0xbc: {  	[dreg:$0x0] =	wrdreg $0x60  }
0xbd: {  	[dreg:$0x2] =	wrdreg s24  }
0xbe: {  	[dreg:$0x3] =	wrdreg $0xB  }
0xbf: {  	_ =	task.clear_ibuf [dreg:s22], $0x4FFFF;
	_ =	strace $0x9000004C  }
0xc0: {  	s29 =	simm.s32 $0xB;
	_ =	strace $0x8000004E  }
0xc1: {  	_ =	swait.ge [sflag:s29], $0x1  }
0xc2: {  	[sflag:s29] =	ssyncadd.s32 $0xFFFFFFFF  }
0xc3: {  	_ =	strace $0x9000004E  }
0xc4: {  	_ =	sfence  }
0xc5: {  	s30 =	sld [smem:$0x0];
	_ =	sdelay $0x2  }
0xc6: {  	s31 =	sshll.u32 s1, $0xD;
	s1 =	sshrl.u32 s1, $0x2  }
0xc7: {  	s4 =	sand.u32 $0x4000, s31;
	s1 =	sadd.s32 s1, s30  }
0xc8: {  	s0 =	sor.u32 s4, s0;
	s1 =	sshll.u32 s1, $0x11  }
0xc9: {  	s0 =	sor.u32 s1, s0  }
0xca: {  	s0 =	sadd.s32 $0x8F2B, s0  }
0xcb: {  	[sflag:s0] =	ssyncadd.remote.s32 $0x1  }
0xcc: {  	_ =	sfence.sel $0xFFFF  }
0xcd: {  	[dreg:$0x0] =	wrdreg $0xFFFFFFFF;
	(pc) =	sbr.abs _section_cstart, $3  }
0xce: {  	[dreg:$0x1] =	wrdreg $0xFFFFFFFF  }
0xcf: {  	_ =	task.clear_ibuf [dreg:s22], $0x2FFFF;
	_ =	strace $0x9FFFFFFF  }
0xd0: {  	(tm) =	ssettm $0x7FFFFFFF  }
0xd1: {  	_ =	shalt  }
tec
execute0_lowered:
.L_overlay_start_1:
0x0: {  	(tag) =	ssettag $0x1  }
0x1: {  	s0 =	rddreg [dreg:$0x0];
	s1 =	srdreg.scid  }
0x2: {  	s3 =	stileid.u32;
	s2 =	simm.s32 $0x0;
	s1 =	sand.u32 $0x1, s1  }
0x3: {  	s24 =	simm.s32 $0x200;
	s3 =	sshll.u32 s3, $0x7;
	s4 =	sshll.u32 s1, $0x6  }
0x4: {  	[smem:$0x7FF] =	sst s2;
	s7 =	sadd.s32 $0x27B600, s0;
	s3 =	sor.u32 s4, s3  }
0x5: {  	s15 =	simm.s32 $0x1;
	_ =	strace $0x8000004D;
	s4 =	smul.u32 $0x180, s3  }
0x6: {  	s1 =	ssub.s32 $0x2, s1;
	s5 =	sadd.s32 s3, s0;
	s6 =	smul.u32 $0xC00, s3  }
0x7: {  	s8 =	sshrl.u32 s1, $0x1;
	s3 =	sadd.s32 $0x2400, s0;
	s5 =	sadd.s32 $0x1BA600, s5  }
0x8: {  	s9 =	sadd.s32 s7, s4;
	s28 =	sshrl.u32 s6, $0x3;
	[dreg:$0x2] =	wrdreg s5  }
0x9: {  	[dreg:$0x6] =	wrdreg s9;
	s29 =	sadd.s32 $0x1800, s9;
	s4 =	sadd.s32 s7, s28  }
0xa: {  	v2 =	vlaneseq.u32;
	s1 =	ssub.s32 s1, s8;
	[dreg:$0x3] =	wrdreg s29;
	s30 =	sadd.s32 $0x3000, s4  }
0xb: {  	vm0 =	vmmov $0xffff;
	vm1 =	vmmov $0xff;
	v1 =	vshrl.u32 v2, $0x3;
	s5 =	sadd.s32 $0x2500, s0;
	s31 =	sadd.s32 $0x4800, s4;
	[dreg:$0x4] =	wrdreg s30  }
0xc: {  	v0 =	vand.u32 $0x7, v2;
	v2 =	vor.u32 $0x8, v2;
	v1 =	vmul.u32 $0x8, v1;
	s6 =	smax.u32 s1, $0x1;
	s7 =	simm.s32 $0x2;
	[dreg:$0x5] =	wrdreg s31  }
.LBB2_1:
0xd: {  	s16 =	rddreg [dreg:$0x2]  }
0xe: {  	[tilespmem:s2], [sflag:$0x2] =	stream.linear.gather [hbm4b:s16+s2], $0x200, $0x38;
	[tilespmem:$0xC200] =	vst v63  }
0xf: {  	_ =	swait.ge [sflag:s7], $0x200  }
0x10: {  	[sflag:s7] =	ssyncset.done $0x0  }
0x11: {  	[sflag:s7] =	ssyncadd.s32 $0xFFFFFE00  }
0x12: {  	v3 =	vld [tilespmem:$0x0];
	_ =	sdelay $0x4  }
0x13: {  	v4 =	vshrl.u32 v3, $0x3  }
0x14: {  	v4 =	vmul.u32 $0x18, v4  }
0x15: {  	v3 =	vand.u32 $0x7, v3  }
0x16: {  	v3 =	vor.u32 v3, v4  }
0x17: {  	v4 =	vperm.xlane v3, v0;
	_ =	sdelay $0x1  }
0x18: {  	v4 =	vadd.s32 v1, v4;
	_ =	sdelay $0x1  }
0x19: {  	v3 =	vperm.xlane v3, v2;
	_ =	sdelay $0x1  }
0x1a: {  	v3 =	vadd.s32 v1, v3  }
0x1b: {  	[tilespmem:s24], [sflag:$0x1] =	stream.indirect_vreg.gather [hbm4b:s3+s2], $0x80, v4, vm0, $0xb8;
	[tilespmem:$0xC200] =	vst v63  }
0x1c: {  	s0 =	simm.s32 $0xA00  }
0x1d: {  	[tilespmem:s0], [sflag:$0x1] =	stream.indirect_vreg.gather [hbm4b:s5+s2], $0x80, v4, vm1, $0xb8;
	[tilespmem:$0xC200] =	vst v63  }
0x1e: {  	s25 =	simm.s32 $0xE00  }
0x1f: {  	[tilespmem:s25], [sflag:$0x1] =	stream.indirect_vreg.gather [hbm4b:s3+s2], $0x80, v3, vm0, $0xb8;
	[tilespmem:$0xC200] =	vst v63  }
0x20: {  	s26 =	simm.s32 $0x1600  }
0x21: {  	[tilespmem:s26], [sflag:$0x1] =	stream.indirect_vreg.gather [hbm4b:s5+s2], $0x80, v3, vm1, $0xb8;
	[tilespmem:$0xC200] =	vst v63  }
0x22: {  	v3 =	vld [tilespmem:$0x10];
	_ =	sdelay $0x4  }
0x23: {  	v33 =	vshrl.u32 v3, $0x3  }
0x24: {  	v4 =	vmul.u32 $0x18, v33  }
0x25: {  	v3 =	vand.u32 $0x7, v3  }
0x26: {  	v3 =	vor.u32 v3, v4  }
0x27: {  	v4 =	vperm.xlane v3, v0;
	_ =	sdelay $0x1  }
0x28: {  	v4 =	vadd.s32 v1, v4;
	_ =	sdelay $0x1  }
0x29: {  	v3 =	vperm.xlane v3, v2;
	_ =	sdelay $0x1  }
0x2a: {  	s28 =	simm.s32 $0x1A00;
	v3 =	vadd.s32 v1, v3  }
0x2b: {  	[tilespmem:s28], [sflag:$0x1] =	stream.indirect_vreg.gather [hbm4b:s3+s2], $0x80, v4, vm0, $0xb8;
	[tilespmem:$0xC200] =	vst v63  }
0x2c: {  	s29 =	simm.s32 $0x2200  }
0x2d: {  	[tilespmem:s29], [sflag:$0x1] =	stream.indirect_vreg.gather [hbm4b:s5+s2], $0x80, v4, vm1, $0xb8;
	[tilespmem:$0xC200] =	vst v63  }
0x2e: {  	s30 =	simm.s32 $0x2600  }
0x2f: {  	[tilespmem:s30], [sflag:$0x1] =	stream.indirect_vreg.gather [hbm4b:s3+s2], $0x80, v3, vm0, $0xb8;
	[tilespmem:$0xC200] =	vst v63  }
0x30: {  	s31 =	simm.s32 $0x2E00  }
0x31: {  	[tilespmem:s31], [sflag:$0x1] =	stream.indirect_vreg.gather [hbm4b:s5+s2], $0x80, v3, vm1, $0xb8;
	[tilespmem:$0xC200] =	vst v63  }
0x32: {  	v3 =	vld [tilespmem:$0x20];
	_ =	sdelay $0x4  }
0x33: {  	v34 =	vshrl.u32 v3, $0x3  }
0x34: {  	v4 =	vmul.u32 $0x18, v34  }
0x35: {  	v3 =	vand.u32 $0x7, v3  }
0x36: {  	v3 =	vor.u32 v3, v4  }
0x37: {  	v4 =	vperm.xlane v3, v0;
	_ =	sdelay $0x1  }
0x38: {  	v4 =	vadd.s32 v1, v4;
	_ =	sdelay $0x1  }
0x39: {  	v3 =	vperm.xlane v3, v2;
	_ =	sdelay $0x1  }
0x3a: {  	s10 =	simm.s32 $0x3200;
	v3 =	vadd.s32 v1, v3  }
0x3b: {  	[tilespmem:s10], [sflag:$0x1] =	stream.indirect_vreg.gather [hbm4b:s3+s2], $0x80, v4, vm0, $0xb8;
	[tilespmem:$0xC200] =	vst v63  }
0x3c: {  	s13 =	simm.s32 $0x3A00  }
0x3d: {  	[tilespmem:s13], [sflag:$0x1] =	stream.indirect_vreg.gather [hbm4b:s5+s2], $0x80, v4, vm1, $0xb8;
	[tilespmem:$0xC200] =	vst v63  }
0x3e: {  	s14 =	simm.s32 $0x3E00  }
0x3f: {  	[tilespmem:s14], [sflag:$0x1] =	stream.indirect_vreg.gather [hbm4b:s3+s2], $0x80, v3, vm0, $0xb8;
	[tilespmem:$0xC200] =	vst v63  }
0x40: {  	s16 =	simm.s32 $0x4600  }
0x41: {  	[tilespmem:s16], [sflag:$0x1] =	stream.indirect_vreg.gather [hbm4b:s5+s2], $0x80, v3, vm1, $0xb8;
	[tilespmem:$0xC200] =	vst v63  }
0x42: {  	v3 =	vld [tilespmem:$0x30];
	_ =	sdelay $0x4  }
0x43: {  	v35 =	vshrl.u32 v3, $0x3  }
0x44: {  	v4 =	vmul.u32 $0x18, v35  }
0x45: {  	v3 =	vand.u32 $0x7, v3  }
0x46: {  	v3 =	vor.u32 v3, v4  }
0x47: {  	v4 =	vperm.xlane v3, v0;
	_ =	sdelay $0x1  }
0x48: {  	v4 =	vadd.s32 v1, v4;
	_ =	sdelay $0x1  }
0x49: {  	v3 =	vperm.xlane v3, v2;
	_ =	sdelay $0x1  }
0x4a: {  	s17 =	simm.s32 $0x4A00;
	v3 =	vadd.s32 v1, v3  }
0x4b: {  	[tilespmem:s17], [sflag:$0x1] =	stream.indirect_vreg.gather [hbm4b:s3+s2], $0x80, v4, vm0, $0xb8;
	[tilespmem:$0xC200] =	vst v63  }
0x4c: {  	s18 =	simm.s32 $0x5200  }
0x4d: {  	[tilespmem:s18], [sflag:$0x1] =	stream.indirect_vreg.gather [hbm4b:s5+s2], $0x80, v4, vm1, $0xb8;
	[tilespmem:$0xC200] =	vst v63  }
0x4e: {  	s19 =	simm.s32 $0x5600  }
0x4f: {  	[tilespmem:s19], [sflag:$0x1] =	stream.indirect_vreg.gather [hbm4b:s3+s2], $0x80, v3, vm0, $0xb8;
	[tilespmem:$0xC200] =	vst v63  }
0x50: {  	s20 =	simm.s32 $0x5E00  }
0x51: {  	[tilespmem:s20], [sflag:$0x1] =	stream.indirect_vreg.gather [hbm4b:s5+s2], $0x80, v3, vm1, $0xb8;
	[tilespmem:$0xC200] =	vst v63  }
0x52: {  	v3 =	vld [tilespmem:$0x40];
	_ =	sdelay $0x4  }
0x53: {  	v36 =	vshrl.u32 v3, $0x3  }
0x54: {  	v4 =	vmul.u32 $0x18, v36  }
0x55: {  	v3 =	vand.u32 $0x7, v3  }
0x56: {  	v3 =	vor.u32 v3, v4  }
0x57: {  	v4 =	vperm.xlane v3, v0;
	_ =	sdelay $0x1  }
0x58: {  	v4 =	vadd.s32 v1, v4;
	_ =	sdelay $0x1  }
0x59: {  	v3 =	vperm.xlane v3, v2;
	_ =	sdelay $0x1  }
0x5a: {  	s21 =	simm.s32 $0x6200;
	v3 =	vadd.s32 v1, v3  }
0x5b: {  	[tilespmem:s21], [sflag:$0x1] =	stream.indirect_vreg.gather [hbm4b:s3+s2], $0x80, v4, vm0, $0xb8;
	[tilespmem:$0xC200] =	vst v63  }
0x5c: {  	s22 =	simm.s32 $0x6A00  }
0x5d: {  	[tilespmem:s22], [sflag:$0x1] =	stream.indirect_vreg.gather [hbm4b:s5+s2], $0x80, v4, vm1, $0xb8;
	[tilespmem:$0xC200] =	vst v63  }
0x5e: {  	s23 =	simm.s32 $0x6E00  }
0x5f: {  	[tilespmem:s23], [sflag:$0x1] =	stream.indirect_vreg.gather [hbm4b:s3+s2], $0x80, v3, vm0, $0xb8;
	[tilespmem:$0xC200] =	vst v63  }
0x60: {  	s25 =	simm.s32 $0x7600  }
0x61: {  	[tilespmem:s25], [sflag:$0x1] =	stream.indirect_vreg.gather [hbm4b:s5+s2], $0x80, v3, vm1, $0xb8;
	[tilespmem:$0xC200] =	vst v63  }
0x62: {  	v3 =	vld [tilespmem:$0x50];
	_ =	sdelay $0x4  }
0x63: {  	v37 =	vshrl.u32 v3, $0x3  }
0x64: {  	v4 =	vmul.u32 $0x18, v37  }
0x65: {  	v3 =	vand.u32 $0x7, v3  }
0x66: {  	v3 =	vor.u32 v3, v4  }
0x67: {  	v4 =	vperm.xlane v3, v0;
	_ =	sdelay $0x1  }
0x68: {  	v4 =	vadd.s32 v1, v4;
	_ =	sdelay $0x1  }
0x69: {  	v3 =	vperm.xlane v3, v2;
	_ =	sdelay $0x1  }
0x6a: {  	s26 =	simm.s32 $0x7A00;
	v3 =	vadd.s32 v1, v3  }
0x6b: {  	[tilespmem:s26], [sflag:$0x1] =	stream.indirect_vreg.gather [hbm4b:s3+s2], $0x80, v4, vm0, $0xb8;
	[tilespmem:$0xC200] =	vst v63  }
0x6c: {  	s28 =	simm.s32 $0x8200  }
0x6d: {  	[tilespmem:s28], [sflag:$0x1] =	stream.indirect_vreg.gather [hbm4b:s5+s2], $0x80, v4, vm1, $0xb8;
	[tilespmem:$0xC200] =	vst v63  }
0x6e: {  	s29 =	simm.s32 $0x8600  }
0x6f: {  	[tilespmem:s29], [sflag:$0x1] =	stream.indirect_vreg.gather [hbm4b:s3+s2], $0x80, v3, vm0, $0xb8;
	[tilespmem:$0xC200] =	vst v63  }
0x70: {  	s30 =	simm.s32 $0x8E00  }
0x71: {  	[tilespmem:s30], [sflag:$0x1] =	stream.indirect_vreg.gather [hbm4b:s5+s2], $0x80, v3, vm1, $0xb8;
	[tilespmem:$0xC200] =	vst v63  }
0x72: {  	v3 =	vld [tilespmem:$0x60];
	_ =	sdelay $0x4  }
0x73: {  	v38 =	vshrl.u32 v3, $0x3  }
0x74: {  	v4 =	vmul.u32 $0x18, v38  }
0x75: {  	v3 =	vand.u32 $0x7, v3  }
0x76: {  	v3 =	vor.u32 v3, v4  }
0x77: {  	v4 =	vperm.xlane v3, v0;
	_ =	sdelay $0x1  }
0x78: {  	v4 =	vadd.s32 v1, v4;
	_ =	sdelay $0x1  }
0x79: {  	v3 =	vperm.xlane v3, v2;
	_ =	sdelay $0x1  }
0x7a: {  	s31 =	simm.s32 $0x9200;
	v3 =	vadd.s32 v1, v3  }
0x7b: {  	[tilespmem:s31], [sflag:$0x1] =	stream.indirect_vreg.gather [hbm4b:s3+s2], $0x80, v4, vm0, $0xb8;
	[tilespmem:$0xC200] =	vst v63  }
0x7c: {  	s0 =	simm.s32 $0x9A00  }
0x7d: {  	[tilespmem:s0], [sflag:$0x1] =	stream.indirect_vreg.gather [hbm4b:s5+s2], $0x80, v4, vm1, $0xb8;
	[tilespmem:$0xC200] =	vst v63  }
0x7e: {  	s13 =	simm.s32 $0x9E00  }
0x7f: {  	[tilespmem:s13], [sflag:$0x1] =	stream.indirect_vreg.gather [hbm4b:s3+s2], $0x80, v3, vm0, $0xb8;
	[tilespmem:$0xC200] =	vst v63  }
0x80: {  	s14 =	simm.s32 $0xA600  }
0x81: {  	[tilespmem:s14], [sflag:$0x1] =	stream.indirect_vreg.gather [hbm4b:s5+s2], $0x80, v3, vm1, $0xb8;
	[tilespmem:$0xC200] =	vst v63  }
0x82: {  	v3 =	vld [tilespmem:$0x70];
	_ =	sdelay $0x4  }
0x83: {  	v39 =	vshrl.u32 v3, $0x3  }
0x84: {  	v4 =	vmul.u32 $0x18, v39  }
0x85: {  	v3 =	vand.u32 $0x7, v3  }
0x86: {  	v3 =	vor.u32 v3, v4  }
0x87: {  	v4 =	vperm.xlane v3, v0;
	_ =	sdelay $0x1  }
0x88: {  	v4 =	vadd.s32 v1, v4;
	_ =	sdelay $0x1  }
0x89: {  	v3 =	vperm.xlane v3, v2;
	_ =	sdelay $0x1  }
0x8a: {  	s17 =	simm.s32 $0xAA00;
	v3 =	vadd.s32 v1, v3  }
0x8b: {  	[tilespmem:s17], [sflag:$0x1] =	stream.indirect_vreg.gather [hbm4b:s3+s2], $0x80, v4, vm0, $0xb8;
	[tilespmem:$0xC200] =	vst v63  }
0x8c: {  	s18 =	simm.s32 $0xB200  }
0x8d: {  	[tilespmem:s18], [sflag:$0x1] =	stream.indirect_vreg.gather [hbm4b:s5+s2], $0x80, v4, vm1, $0xb8;
	[tilespmem:$0xC200] =	vst v63  }
0x8e: {  	s19 =	simm.s32 $0xB600  }
0x8f: {  	[tilespmem:s19], [sflag:$0x1] =	stream.indirect_vreg.gather [hbm4b:s3+s2], $0x80, v3, vm0, $0xb8;
	[tilespmem:$0xC200] =	vst v63  }
0x90: {  	s20 =	simm.s32 $0xBE00  }
0x91: {  	[tilespmem:s20], [sflag:$0x1] =	stream.indirect_vreg.gather [hbm4b:s5+s2], $0x80, v3, vm1, $0xb8;
	[tilespmem:$0xC200] =	vst v63  }
0x92: {  	_ =	swait.ge [sflag:s15], $0xC000  }
0x93: {  	[sflag:s15] =	ssyncset.done $0x0  }
0x94: {  	s21 =	rddreg [dreg:$0x6];
	[sflag:s15] =	ssyncadd.s32 $0xFFFF4000  }
0x95: {  	[hbm4b:s21+s2] =	stream.linear.scatter [tilespmem:s24], [sflag:$0x2], $0xC000, $0x38;
	[tilespmem:$0xC200] =	vst v63  }
0x96: {  	_ =	swait.ge [sflag:s7], $0xC000  }
0x97: {  	[sflag:s7] =	ssyncset.done $0x0  }
0x98: {  	[sflag:s7] =	ssyncadd.s32 $0xFFFF4000  }
0x99: {  	v3 =	vld [tilespmem:$0x80];
	_ =	sdelay $0x4  }
0x9a: {  	v40 =	vshrl.u32 v3, $0x3  }
0x9b: {  	v4 =	vmul.u32 $0x18, v40  }
0x9c: {  	v3 =	vand.u32 $0x7, v3  }
0x9d: {  	v3 =	vor.u32 v3, v4  }
0x9e: {  	v4 =	vperm.xlane v3, v0;
	_ =	sdelay $0x1  }
0x9f: {  	v4 =	vadd.s32 v1, v4;
	_ =	sdelay $0x1  }
0xa0: {  	v3 =	vperm.xlane v3, v2;
	_ =	sdelay $0x1  }
0xa1: {  	v3 =	vadd.s32 v1, v3  }
0xa2: {  	[tilespmem:s24], [sflag:$0x1] =	stream.indirect_vreg.gather [hbm4b:s3+s2], $0x80, v4, vm0, $0xb8;
	[tilespmem:$0xC200] =	vst v63  }
0xa3: {  	s1 =	simm.s32 $0xA00  }
0xa4: {  	[tilespmem:s1], [sflag:$0x1] =	stream.indirect_vreg.gather [hbm4b:s5+s2], $0x80, v4, vm1, $0xb8;
	[tilespmem:$0xC200] =	vst v63  }
0xa5: {  	s4 =	simm.s32 $0xE00  }
0xa6: {  	[tilespmem:s4], [sflag:$0x1] =	stream.indirect_vreg.gather [hbm4b:s3+s2], $0x80, v3, vm0, $0xb8;
	[tilespmem:$0xC200] =	vst v63  }
0xa7: {  	s17 =	simm.s32 $0x1600  }
0xa8: {  	[tilespmem:s17], [sflag:$0x1] =	stream.indirect_vreg.gather [hbm4b:s5+s2], $0x80, v3, vm1, $0xb8;
	[tilespmem:$0xC200] =	vst v63  }
0xa9: {  	v3 =	vld [tilespmem:$0x90];
	_ =	sdelay $0x4  }
0xaa: {  	v41 =	vshrl.u32 v3, $0x3  }
0xab: {  	v4 =	vmul.u32 $0x18, v41  }
0xac: {  	v3 =	vand.u32 $0x7, v3  }
0xad: {  	v3 =	vor.u32 v3, v4  }
0xae: {  	v4 =	vperm.xlane v3, v0;
	_ =	sdelay $0x1  }
0xaf: {  	v4 =	vadd.s32 v1, v4;
	_ =	sdelay $0x1  }
0xb0: {  	v3 =	vperm.xlane v3, v2;
	_ =	sdelay $0x1  }
0xb1: {  	s8 =	simm.s32 $0x1A00;
	v3 =	vadd.s32 v1, v3  }
0xb2: {  	[tilespmem:s8], [sflag:$0x1] =	stream.indirect_vreg.gather [hbm4b:s3+s2], $0x80, v4, vm0, $0xb8;
	[tilespmem:$0xC200] =	vst v63  }
0xb3: {  	s9 =	simm.s32 $0x2200  }
0xb4: {  	[tilespmem:s9], [sflag:$0x1] =	stream.indirect_vreg.gather [hbm4b:s5+s2], $0x80, v4, vm1, $0xb8;
	[tilespmem:$0xC200] =	vst v63  }
0xb5: {  	s11 =	simm.s32 $0x2600  }
0xb6: {  	[tilespmem:s11], [sflag:$0x1] =	stream.indirect_vreg.gather [hbm4b:s3+s2], $0x80, v3, vm0, $0xb8;
	[tilespmem:$0xC200] =	vst v63  }
0xb7: {  	s12 =	simm.s32 $0x2E00  }
0xb8: {  	[tilespmem:s12], [sflag:$0x1] =	stream.indirect_vreg.gather [hbm4b:s5+s2], $0x80, v3, vm1, $0xb8;
	[tilespmem:$0xC200] =	vst v63  }
0xb9: {  	v3 =	vld [tilespmem:$0xA0];
	_ =	sdelay $0x4  }
0xba: {  	v42 =	vshrl.u32 v3, $0x3  }
0xbb: {  	v4 =	vmul.u32 $0x18, v42  }
0xbc: {  	v3 =	vand.u32 $0x7, v3  }
0xbd: {  	v3 =	vor.u32 v3, v4  }
0xbe: {  	v4 =	vperm.xlane v3, v0;
	_ =	sdelay $0x1  }
0xbf: {  	v4 =	vadd.s32 v1, v4;
	_ =	sdelay $0x1  }
0xc0: {  	v3 =	vperm.xlane v3, v2;
	_ =	sdelay $0x1  }
0xc1: {  	s12 =	simm.s32 $0x3200;
	v3 =	vadd.s32 v1, v3  }
0xc2: {  	[tilespmem:s12], [sflag:$0x1] =	stream.indirect_vreg.gather [hbm4b:s3+s2], $0x80, v4, vm0, $0xb8;
	[tilespmem:$0xC200] =	vst v63  }
0xc3: {  	s13 =	simm.s32 $0x3A00  }
0xc4: {  	[tilespmem:s13], [sflag:$0x1] =	stream.indirect_vreg.gather [hbm4b:s5+s2], $0x80, v4, vm1, $0xb8;
	[tilespmem:$0xC200] =	vst v63  }
0xc5: {  	s14 =	simm.s32 $0x3E00  }
0xc6: {  	[tilespmem:s14], [sflag:$0x1] =	stream.indirect_vreg.gather [hbm4b:s3+s2], $0x80, v3, vm0, $0xb8;
	[tilespmem:$0xC200] =	vst v63  }
0xc7: {  	s18 =	simm.s32 $0x4600  }
0xc8: {  	[tilespmem:s18], [sflag:$0x1] =	stream.indirect_vreg.gather [hbm4b:s5+s2], $0x80, v3, vm1, $0xb8;
	[tilespmem:$0xC200] =	vst v63  }
0xc9: {  	v3 =	vld [tilespmem:$0xB0];
	_ =	sdelay $0x4  }
0xca: {  	v43 =	vshrl.u32 v3, $0x3  }
0xcb: {  	v4 =	vmul.u32 $0x18, v43  }
0xcc: {  	v3 =	vand.u32 $0x7, v3  }
0xcd: {  	v3 =	vor.u32 v3, v4  }
0xce: {  	v4 =	vperm.xlane v3, v0;
	_ =	sdelay $0x1  }
0xcf: {  	v4 =	vadd.s32 v1, v4;
	_ =	sdelay $0x1  }
0xd0: {  	v3 =	vperm.xlane v3, v2;
	_ =	sdelay $0x1  }
0xd1: {  	s19 =	simm.s32 $0x4A00;
	v3 =	vadd.s32 v1, v3  }
0xd2: {  	[tilespmem:s19], [sflag:$0x1] =	stream.indirect_vreg.gather [hbm4b:s3+s2], $0x80, v4, vm0, $0xb8;
	[tilespmem:$0xC200] =	vst v63  }
0xd3: {  	s20 =	simm.s32 $0x5200  }
0xd4: {  	[tilespmem:s20], [sflag:$0x1] =	stream.indirect_vreg.gather [hbm4b:s5+s2], $0x80, v4, vm1, $0xb8;
	[tilespmem:$0xC200] =	vst v63  }
0xd5: {  	s21 =	simm.s32 $0x5600  }
0xd6: {  	[tilespmem:s21], [sflag:$0x1] =	stream.indirect_vreg.gather [hbm4b:s3+s2], $0x80, v3, vm0, $0xb8;
	[tilespmem:$0xC200] =	vst v63  }
0xd7: {  	s10 =	simm.s32 $0x5E00  }
0xd8: {  	[tilespmem:s10], [sflag:$0x1] =	stream.indirect_vreg.gather [hbm4b:s5+s2], $0x80, v3, vm1, $0xb8;
	[tilespmem:$0xC200] =	vst v63  }
0xd9: {  	v3 =	vld [tilespmem:$0xC0];
	_ =	sdelay $0x4  }
0xda: {  	v44 =	vshrl.u32 v3, $0x3  }
0xdb: {  	v4 =	vmul.u32 $0x18, v44  }
0xdc: {  	v3 =	vand.u32 $0x7, v3  }
0xdd: {  	v3 =	vor.u32 v3, v4  }
0xde: {  	v4 =	vperm.xlane v3, v0;
	_ =	sdelay $0x1  }
0xdf: {  	v4 =	vadd.s32 v1, v4;
	_ =	sdelay $0x1  }
0xe0: {  	v3 =	vperm.xlane v3, v2;
	_ =	sdelay $0x1  }
0xe1: {  	s0 =	simm.s32 $0x6200;
	v3 =	vadd.s32 v1, v3  }
0xe2: {  	[tilespmem:s0], [sflag:$0x1] =	stream.indirect_vreg.gather [hbm4b:s3+s2], $0x80, v4, vm0, $0xb8;
	[tilespmem:$0xC200] =	vst v63  }
0xe3: {  	s1 =	simm.s32 $0x6A00  }
0xe4: {  	[tilespmem:s1], [sflag:$0x1] =	stream.indirect_vreg.gather [hbm4b:s5+s2], $0x80, v4, vm1, $0xb8;
	[tilespmem:$0xC200] =	vst v63  }
0xe5: {  	s4 =	simm.s32 $0x6E00  }
0xe6: {  	[tilespmem:s4], [sflag:$0x1] =	stream.indirect_vreg.gather [hbm4b:s3+s2], $0x80, v3, vm0, $0xb8;
	[tilespmem:$0xC200] =	vst v63  }
0xe7: {  	s11 =	simm.s32 $0x7600  }
0xe8: {  	[tilespmem:s11], [sflag:$0x1] =	stream.indirect_vreg.gather [hbm4b:s5+s2], $0x80, v3, vm1, $0xb8;
	[tilespmem:$0xC200] =	vst v63  }
0xe9: {  	v3 =	vld [tilespmem:$0xD0];
	_ =	sdelay $0x4  }
0xea: {  	v45 =	vshrl.u32 v3, $0x3  }
0xeb: {  	v4 =	vmul.u32 $0x18, v45  }
0xec: {  	v3 =	vand.u32 $0x7, v3  }
0xed: {  	v3 =	vor.u32 v3, v4  }
0xee: {  	v4 =	vperm.xlane v3, v0;
	_ =	sdelay $0x1  }
0xef: {  	v4 =	vadd.s32 v1, v4;
	_ =	sdelay $0x1  }
0xf0: {  	v3 =	vperm.xlane v3, v2;
	_ =	sdelay $0x1  }
0xf1: {  	s8 =	simm.s32 $0x7A00;
	v3 =	vadd.s32 v1, v3  }
0xf2: {  	[tilespmem:s8], [sflag:$0x1] =	stream.indirect_vreg.gather [hbm4b:s3+s2], $0x80, v4, vm0, $0xb8;
	[tilespmem:$0xC200] =	vst v63  }
0xf3: {  	s9 =	simm.s32 $0x8200  }
0xf4: {  	[tilespmem:s9], [sflag:$0x1] =	stream.indirect_vreg.gather [hbm4b:s5+s2], $0x80, v4, vm1, $0xb8;
	[tilespmem:$0xC200] =	vst v63  }
0xf5: {  	s10 =	simm.s32 $0x8600  }
0xf6: {  	[tilespmem:s10], [sflag:$0x1] =	stream.indirect_vreg.gather [hbm4b:s3+s2], $0x80, v3, vm0, $0xb8;
	[tilespmem:$0xC200] =	vst v63  }
0xf7: {  	s23 =	simm.s32 $0x8E00  }
0xf8: {  	[tilespmem:s23], [sflag:$0x1] =	stream.indirect_vreg.gather [hbm4b:s5+s2], $0x80, v3, vm1, $0xb8;
	[tilespmem:$0xC200] =	vst v63  }
0xf9: {  	v3 =	vld [tilespmem:$0xE0];
	_ =	sdelay $0x4  }
0xfa: {  	v46 =	vshrl.u32 v3, $0x3  }
0xfb: {  	v4 =	vmul.u32 $0x18, v46  }
0xfc: {  	v3 =	vand.u32 $0x7, v3  }
0xfd: {  	v3 =	vor.u32 v3, v4  }
0xfe: {  	v4 =	vperm.xlane v3, v0;
	_ =	sdelay $0x1  }
0xff: {  	v4 =	vadd.s32 v1, v4;
	_ =	sdelay $0x1  }
0x100: {  	v3 =	vperm.xlane v3, v2;
	_ =	sdelay $0x1  }
0x101: {  	s29 =	simm.s32 $0x9200;
	v3 =	vadd.s32 v1, v3  }
0x102: {  	[tilespmem:s29], [sflag:$0x1] =	stream.indirect_vreg.gather [hbm4b:s3+s2], $0x80, v4, vm0, $0xb8;
	[tilespmem:$0xC200] =	vst v63  }
0x103: {  	s30 =	simm.s32 $0x9A00  }
0x104: {  	[tilespmem:s30], [sflag:$0x1] =	stream.indirect_vreg.gather [hbm4b:s5+s2], $0x80, v4, vm1, $0xb8;
	[tilespmem:$0xC200] =	vst v63  }
0x105: {  	s31 =	simm.s32 $0x9E00  }
0x106: {  	[tilespmem:s31], [sflag:$0x1] =	stream.indirect_vreg.gather [hbm4b:s3+s2], $0x80, v3, vm0, $0xb8;
	[tilespmem:$0xC200] =	vst v63  }
0x107: {  	s22 =	simm.s32 $0xA600  }
0x108: {  	[tilespmem:s22], [sflag:$0x1] =	stream.indirect_vreg.gather [hbm4b:s5+s2], $0x80, v3, vm1, $0xb8;
	[tilespmem:$0xC200] =	vst v63  }
0x109: {  	v3 =	vld [tilespmem:$0xF0];
	_ =	sdelay $0x4  }
0x10a: {  	v47 =	vshrl.u32 v3, $0x3  }
0x10b: {  	v4 =	vmul.u32 $0x18, v47  }
0x10c: {  	v3 =	vand.u32 $0x7, v3  }
0x10d: {  	v3 =	vor.u32 v3, v4  }
0x10e: {  	v4 =	vperm.xlane v3, v0;
	_ =	sdelay $0x1  }
0x10f: {  	v4 =	vadd.s32 v1, v4;
	_ =	sdelay $0x1  }
0x110: {  	v3 =	vperm.xlane v3, v2;
	_ =	sdelay $0x1  }
0x111: {  	s31 =	simm.s32 $0xAA00;
	v3 =	vadd.s32 v1, v3  }
0x112: {  	[tilespmem:s31], [sflag:$0x1] =	stream.indirect_vreg.gather [hbm4b:s3+s2], $0x80, v4, vm0, $0xb8;
	[tilespmem:$0xC200] =	vst v63  }
0x113: {  	s26 =	simm.s32 $0xB200  }
0x114: {  	[tilespmem:s26], [sflag:$0x1] =	stream.indirect_vreg.gather [hbm4b:s5+s2], $0x80, v4, vm1, $0xb8;
	[tilespmem:$0xC200] =	vst v63  }
0x115: {  	s28 =	simm.s32 $0xB600  }
0x116: {  	[tilespmem:s28], [sflag:$0x1] =	stream.indirect_vreg.gather [hbm4b:s3+s2], $0x80, v3, vm0, $0xb8;
	[tilespmem:$0xC200] =	vst v63  }
0x117: {  	s25 =	simm.s32 $0xBE00  }
0x118: {  	[tilespmem:s25], [sflag:$0x1] =	stream.indirect_vreg.gather [hbm4b:s5+s2], $0x80, v3, vm1, $0xb8;
	[tilespmem:$0xC200] =	vst v63  }
0x119: {  	_ =	swait.ge [sflag:s15], $0xC000  }
0x11a: {  	[sflag:s15] =	ssyncset.done $0x0  }
0x11b: {  	s22 =	rddreg [dreg:$0x3];
	[sflag:s15] =	ssyncadd.s32 $0xFFFF4000  }
0x11c: {  	[hbm4b:s22+s2] =	stream.linear.scatter [tilespmem:s24], [sflag:$0x2], $0xC000, $0x38;
	[tilespmem:$0xC200] =	vst v63  }
0x11d: {  	_ =	swait.ge [sflag:s7], $0xC000  }
0x11e: {  	[sflag:s7] =	ssyncset.done $0x0  }
0x11f: {  	[sflag:s7] =	ssyncadd.s32 $0xFFFF4000  }
0x120: {  	v3 =	vld [tilespmem:$0x100];
	_ =	sdelay $0x4  }
0x121: {  	v48 =	vshrl.u32 v3, $0x3  }
0x122: {  	v4 =	vmul.u32 $0x18, v48  }
0x123: {  	v3 =	vand.u32 $0x7, v3  }
0x124: {  	v3 =	vor.u32 v3, v4  }
0x125: {  	v4 =	vperm.xlane v3, v0;
	_ =	sdelay $0x1  }
0x126: {  	v4 =	vadd.s32 v1, v4;
	_ =	sdelay $0x1  }
0x127: {  	v3 =	vperm.xlane v3, v2;
	_ =	sdelay $0x1  }
0x128: {  	v3 =	vadd.s32 v1, v3  }
0x129: {  	[tilespmem:s24], [sflag:$0x1] =	stream.indirect_vreg.gather [hbm4b:s3+s2], $0x80, v4, vm0, $0xb8;
	[tilespmem:$0xC200] =	vst v63  }
0x12a: {  	s25 =	simm.s32 $0xA00  }
0x12b: {  	[tilespmem:s25], [sflag:$0x1] =	stream.indirect_vreg.gather [hbm4b:s5+s2], $0x80, v4, vm1, $0xb8;
	[tilespmem:$0xC200] =	vst v63  }
0x12c: {  	s26 =	simm.s32 $0xE00  }
0x12d: {  	[tilespmem:s26], [sflag:$0x1] =	stream.indirect_vreg.gather [hbm4b:s3+s2], $0x80, v3, vm0, $0xb8;
	[tilespmem:$0xC200] =	vst v63  }
0x12e: {  	_ = 	snop  }
0x12f: {  	[tilespmem:s17], [sflag:$0x1] =	stream.indirect_vreg.gather [hbm4b:s5+s2], $0x80, v3, vm1, $0xb8;
	[tilespmem:$0xC200] =	vst v63  }
0x130: {  	v3 =	vld [tilespmem:$0x110];
	_ =	sdelay $0x4  }
0x131: {  	v49 =	vshrl.u32 v3, $0x3  }
0x132: {  	v4 =	vmul.u32 $0x18, v49  }
0x133: {  	v3 =	vand.u32 $0x7, v3  }
0x134: {  	v3 =	vor.u32 v3, v4  }
0x135: {  	v4 =	vperm.xlane v3, v0;
	_ =	sdelay $0x1  }
0x136: {  	v4 =	vadd.s32 v1, v4;
	_ =	sdelay $0x1  }
0x137: {  	v3 =	vperm.xlane v3, v2;
	_ =	sdelay $0x1  }
0x138: {  	s28 =	simm.s32 $0x1A00;
	v3 =	vadd.s32 v1, v3  }
0x139: {  	[tilespmem:s28], [sflag:$0x1] =	stream.indirect_vreg.gather [hbm4b:s3+s2], $0x80, v4, vm0, $0xb8;
	[tilespmem:$0xC200] =	vst v63  }
0x13a: {  	s31 =	simm.s32 $0x2200  }
0x13b: {  	[tilespmem:s31], [sflag:$0x1] =	stream.indirect_vreg.gather [hbm4b:s5+s2], $0x80, v4, vm1, $0xb8;
	[tilespmem:$0xC200] =	vst v63  }
0x13c: {  	s26 =	simm.s32 $0x2600  }
0x13d: {  	[tilespmem:s26], [sflag:$0x1] =	stream.indirect_vreg.gather [hbm4b:s3+s2], $0x80, v3, vm0, $0xb8;
	[tilespmem:$0xC200] =	vst v63  }
0x13e: {  	s28 =	simm.s32 $0x2E00  }
0x13f: {  	[tilespmem:s28], [sflag:$0x1] =	stream.indirect_vreg.gather [hbm4b:s5+s2], $0x80, v3, vm1, $0xb8;
	[tilespmem:$0xC200] =	vst v63  }
0x140: {  	v3 =	vld [tilespmem:$0x120];
	_ =	sdelay $0x4  }
0x141: {  	v50 =	vshrl.u32 v3, $0x3  }
0x142: {  	v4 =	vmul.u32 $0x18, v50  }
0x143: {  	v3 =	vand.u32 $0x7, v3  }
0x144: {  	v3 =	vor.u32 v3, v4  }
0x145: {  	v4 =	vperm.xlane v3, v0;
	_ =	sdelay $0x1  }
0x146: {  	v4 =	vadd.s32 v1, v4;
	_ =	sdelay $0x1  }
0x147: {  	v3 =	vperm.xlane v3, v2;
	_ =	sdelay $0x1  }
0x148: {  	v3 =	vadd.s32 v1, v3  }
0x149: {  	[tilespmem:s12], [sflag:$0x1] =	stream.indirect_vreg.gather [hbm4b:s3+s2], $0x80, v4, vm0, $0xb8;
	[tilespmem:$0xC200] =	vst v63  }
0x14a: {  	_ = 	snop  }
0x14b: {  	[tilespmem:s13], [sflag:$0x1] =	stream.indirect_vreg.gather [hbm4b:s5+s2], $0x80, v4, vm1, $0xb8;
	[tilespmem:$0xC200] =	vst v63  }
0x14c: {  	_ = 	snop  }
0x14d: {  	[tilespmem:s14], [sflag:$0x1] =	stream.indirect_vreg.gather [hbm4b:s3+s2], $0x80, v3, vm0, $0xb8;
	[tilespmem:$0xC200] =	vst v63  }
0x14e: {  	_ = 	snop  }
0x14f: {  	[tilespmem:s18], [sflag:$0x1] =	stream.indirect_vreg.gather [hbm4b:s5+s2], $0x80, v3, vm1, $0xb8;
	[tilespmem:$0xC200] =	vst v63  }
0x150: {  	v3 =	vld [tilespmem:$0x130];
	_ =	sdelay $0x4  }
0x151: {  	v51 =	vshrl.u32 v3, $0x3  }
0x152: {  	v4 =	vmul.u32 $0x18, v51  }
0x153: {  	v3 =	vand.u32 $0x7, v3  }
0x154: {  	v3 =	vor.u32 v3, v4  }
0x155: {  	v4 =	vperm.xlane v3, v0;
	_ =	sdelay $0x1  }
0x156: {  	v4 =	vadd.s32 v1, v4;
	_ =	sdelay $0x1  }
0x157: {  	v3 =	vperm.xlane v3, v2;
	_ =	sdelay $0x1  }
0x158: {  	v3 =	vadd.s32 v1, v3  }
0x159: {  	[tilespmem:s19], [sflag:$0x1] =	stream.indirect_vreg.gather [hbm4b:s3+s2], $0x80, v4, vm0, $0xb8;
	[tilespmem:$0xC200] =	vst v63  }
0x15a: {  	_ = 	snop  }
0x15b: {  	[tilespmem:s20], [sflag:$0x1] =	stream.indirect_vreg.gather [hbm4b:s5+s2], $0x80, v4, vm1, $0xb8;
	[tilespmem:$0xC200] =	vst v63  }
0x15c: {  	_ = 	snop  }
0x15d: {  	[tilespmem:s21], [sflag:$0x1] =	stream.indirect_vreg.gather [hbm4b:s3+s2], $0x80, v3, vm0, $0xb8;
	[tilespmem:$0xC200] =	vst v63  }
0x15e: {  	s31 =	simm.s32 $0x5E00  }
0x15f: {  	[tilespmem:s31], [sflag:$0x1] =	stream.indirect_vreg.gather [hbm4b:s5+s2], $0x80, v3, vm1, $0xb8;
	[tilespmem:$0xC200] =	vst v63  }
0x160: {  	v3 =	vld [tilespmem:$0x140];
	_ =	sdelay $0x4  }
0x161: {  	v52 =	vshrl.u32 v3, $0x3  }
0x162: {  	v4 =	vmul.u32 $0x18, v52  }
0x163: {  	v3 =	vand.u32 $0x7, v3  }
0x164: {  	v3 =	vor.u32 v3, v4  }
0x165: {  	v4 =	vperm.xlane v3, v0;
	_ =	sdelay $0x1  }
0x166: {  	v4 =	vadd.s32 v1, v4;
	_ =	sdelay $0x1  }
0x167: {  	v3 =	vperm.xlane v3, v2;
	_ =	sdelay $0x1  }
0x168: {  	v3 =	vadd.s32 v1, v3  }
0x169: {  	[tilespmem:s0], [sflag:$0x1] =	stream.indirect_vreg.gather [hbm4b:s3+s2], $0x80, v4, vm0, $0xb8;
	[tilespmem:$0xC200] =	vst v63  }
0x16a: {  	_ = 	snop  }
0x16b: {  	[tilespmem:s1], [sflag:$0x1] =	stream.indirect_vreg.gather [hbm4b:s5+s2], $0x80, v4, vm1, $0xb8;
	[tilespmem:$0xC200] =	vst v63  }
0x16c: {  	_ = 	snop  }
0x16d: {  	[tilespmem:s4], [sflag:$0x1] =	stream.indirect_vreg.gather [hbm4b:s3+s2], $0x80, v3, vm0, $0xb8;
	[tilespmem:$0xC200] =	vst v63  }
0x16e: {  	_ = 	snop  }
0x16f: {  	[tilespmem:s11], [sflag:$0x1] =	stream.indirect_vreg.gather [hbm4b:s5+s2], $0x80, v3, vm1, $0xb8;
	[tilespmem:$0xC200] =	vst v63  }
0x170: {  	v3 =	vld [tilespmem:$0x150];
	_ =	sdelay $0x4  }
0x171: {  	v53 =	vshrl.u32 v3, $0x3  }
0x172: {  	v4 =	vmul.u32 $0x18, v53  }
0x173: {  	v3 =	vand.u32 $0x7, v3  }
0x174: {  	v3 =	vor.u32 v3, v4  }
0x175: {  	v4 =	vperm.xlane v3, v0;
	_ =	sdelay $0x1  }
0x176: {  	v4 =	vadd.s32 v1, v4;
	_ =	sdelay $0x1  }
0x177: {  	v3 =	vperm.xlane v3, v2;
	_ =	sdelay $0x1  }
0x178: {  	v3 =	vadd.s32 v1, v3  }
0x179: {  	[tilespmem:s8], [sflag:$0x1] =	stream.indirect_vreg.gather [hbm4b:s3+s2], $0x80, v4, vm0, $0xb8;
	[tilespmem:$0xC200] =	vst v63  }
0x17a: {  	_ = 	snop  }
0x17b: {  	[tilespmem:s9], [sflag:$0x1] =	stream.indirect_vreg.gather [hbm4b:s5+s2], $0x80, v4, vm1, $0xb8;
	[tilespmem:$0xC200] =	vst v63  }
0x17c: {  	_ = 	snop  }
0x17d: {  	[tilespmem:s10], [sflag:$0x1] =	stream.indirect_vreg.gather [hbm4b:s3+s2], $0x80, v3, vm0, $0xb8;
	[tilespmem:$0xC200] =	vst v63  }
0x17e: {  	s26 =	simm.s32 $0x8E00  }
0x17f: {  	[tilespmem:s26], [sflag:$0x1] =	stream.indirect_vreg.gather [hbm4b:s5+s2], $0x80, v3, vm1, $0xb8;
	[tilespmem:$0xC200] =	vst v63  }
0x180: {  	v3 =	vld [tilespmem:$0x160];
	_ =	sdelay $0x4  }
0x181: {  	v54 =	vshrl.u32 v3, $0x3  }
0x182: {  	v4 =	vmul.u32 $0x18, v54  }
0x183: {  	v3 =	vand.u32 $0x7, v3  }
0x184: {  	v3 =	vor.u32 v3, v4  }
0x185: {  	v4 =	vperm.xlane v3, v0;
	_ =	sdelay $0x1  }
0x186: {  	v4 =	vadd.s32 v1, v4;
	_ =	sdelay $0x1  }
0x187: {  	v3 =	vperm.xlane v3, v2;
	_ =	sdelay $0x1  }
0x188: {  	s28 =	simm.s32 $0x9200;
	v3 =	vadd.s32 v1, v3  }
0x189: {  	[tilespmem:s28], [sflag:$0x1] =	stream.indirect_vreg.gather [hbm4b:s3+s2], $0x80, v4, vm0, $0xb8;
	[tilespmem:$0xC200] =	vst v63  }
0x18a: {  	s31 =	simm.s32 $0x9A00  }
0x18b: {  	[tilespmem:s31], [sflag:$0x1] =	stream.indirect_vreg.gather [hbm4b:s5+s2], $0x80, v4, vm1, $0xb8;
	[tilespmem:$0xC200] =	vst v63  }
0x18c: {  	s26 =	simm.s32 $0x9E00  }
0x18d: {  	[tilespmem:s26], [sflag:$0x1] =	stream.indirect_vreg.gather [hbm4b:s3+s2], $0x80, v3, vm0, $0xb8;
	[tilespmem:$0xC200] =	vst v63  }
0x18e: {  	s26 =	simm.s32 $0xA600  }
0x18f: {  	[tilespmem:s26], [sflag:$0x1] =	stream.indirect_vreg.gather [hbm4b:s5+s2], $0x80, v3, vm1, $0xb8;
	[tilespmem:$0xC200] =	vst v63  }
0x190: {  	v3 =	vld [tilespmem:$0x170];
	_ =	sdelay $0x4  }
0x191: {  	v55 =	vshrl.u32 v3, $0x3  }
0x192: {  	v4 =	vmul.u32 $0x18, v55  }
0x193: {  	v3 =	vand.u32 $0x7, v3  }
0x194: {  	v3 =	vor.u32 v3, v4  }
0x195: {  	v4 =	vperm.xlane v3, v0;
	_ =	sdelay $0x1  }
0x196: {  	v4 =	vadd.s32 v1, v4;
	_ =	sdelay $0x1  }
0x197: {  	v3 =	vperm.xlane v3, v2;
	_ =	sdelay $0x1  }
0x198: {  	s29 =	simm.s32 $0xAA00;
	v3 =	vadd.s32 v1, v3  }
0x199: {  	[tilespmem:s29], [sflag:$0x1] =	stream.indirect_vreg.gather [hbm4b:s3+s2], $0x80, v4, vm0, $0xb8;
	[tilespmem:$0xC200] =	vst v63  }
0x19a: {  	s23 =	simm.s32 $0xB200  }
0x19b: {  	[tilespmem:s23], [sflag:$0x1] =	stream.indirect_vreg.gather [hbm4b:s5+s2], $0x80, v4, vm1, $0xb8;
	[tilespmem:$0xC200] =	vst v63  }
0x19c: {  	s30 =	simm.s32 $0xB600  }
0x19d: {  	[tilespmem:s30], [sflag:$0x1] =	stream.indirect_vreg.gather [hbm4b:s3+s2], $0x80, v3, vm0, $0xb8;
	[tilespmem:$0xC200] =	vst v63  }
0x19e: {  	s30 =	simm.s32 $0xBE00  }
0x19f: {  	[tilespmem:s30], [sflag:$0x1] =	stream.indirect_vreg.gather [hbm4b:s5+s2], $0x80, v3, vm1, $0xb8;
	[tilespmem:$0xC200] =	vst v63  }
0x1a0: {  	_ =	swait.ge [sflag:s15], $0xC000  }
0x1a1: {  	[sflag:s15] =	ssyncset.done $0x0  }
0x1a2: {  	s16 =	rddreg [dreg:$0x4];
	[sflag:s15] =	ssyncadd.s32 $0xFFFF4000  }
0x1a3: {  	[hbm4b:s16+s2] =	stream.linear.scatter [tilespmem:s24], [sflag:$0x2], $0xC000, $0x38;
	[tilespmem:$0xC200] =	vst v63  }
0x1a4: {  	_ =	swait.ge [sflag:s7], $0xC000  }
0x1a5: {  	[sflag:s7] =	ssyncset.done $0x0  }
0x1a6: {  	[sflag:s7] =	ssyncadd.s32 $0xFFFF4000  }
0x1a7: {  	v3 =	vld [tilespmem:$0x180];
	_ =	sdelay $0x4  }
0x1a8: {  	v56 =	vshrl.u32 v3, $0x3  }
0x1a9: {  	v4 =	vmul.u32 $0x18, v56  }
0x1aa: {  	v3 =	vand.u32 $0x7, v3  }
0x1ab: {  	v3 =	vor.u32 v3, v4  }
0x1ac: {  	v4 =	vperm.xlane v3, v0;
	_ =	sdelay $0x1  }
0x1ad: {  	v4 =	vadd.s32 v1, v4;
	_ =	sdelay $0x1  }
0x1ae: {  	v3 =	vperm.xlane v3, v2;
	_ =	sdelay $0x1  }
0x1af: {  	v3 =	vadd.s32 v1, v3  }
0x1b0: {  	[tilespmem:s24], [sflag:$0x1] =	stream.indirect_vreg.gather [hbm4b:s3+s2], $0x80, v4, vm0, $0xb8;
	[tilespmem:$0xC200] =	vst v63  }
0x1b1: {  	s25 =	simm.s32 $0xA00  }
0x1b2: {  	[tilespmem:s25], [sflag:$0x1] =	stream.indirect_vreg.gather [hbm4b:s5+s2], $0x80, v4, vm1, $0xb8;
	[tilespmem:$0xC200] =	vst v63  }
0x1b3: {  	s22 =	simm.s32 $0xE00  }
0x1b4: {  	[tilespmem:s22], [sflag:$0x1] =	stream.indirect_vreg.gather [hbm4b:s3+s2], $0x80, v3, vm0, $0xb8;
	[tilespmem:$0xC200] =	vst v63  }
0x1b5: {  	s17 =	simm.s32 $0x1600  }
0x1b6: {  	[tilespmem:s17], [sflag:$0x1] =	stream.indirect_vreg.gather [hbm4b:s5+s2], $0x80, v3, vm1, $0xb8;
	[tilespmem:$0xC200] =	vst v63  }
0x1b7: {  	v3 =	vld [tilespmem:$0x190];
	_ =	sdelay $0x4  }
0x1b8: {  	v57 =	vshrl.u32 v3, $0x3  }
0x1b9: {  	v4 =	vmul.u32 $0x18, v57  }
0x1ba: {  	v3 =	vand.u32 $0x7, v3  }
0x1bb: {  	v3 =	vor.u32 v3, v4  }
0x1bc: {  	v4 =	vperm.xlane v3, v0;
	_ =	sdelay $0x1  }
0x1bd: {  	v4 =	vadd.s32 v1, v4;
	_ =	sdelay $0x1  }
0x1be: {  	v3 =	vperm.xlane v3, v2;
	_ =	sdelay $0x1  }
0x1bf: {  	s17 =	simm.s32 $0x1A00;
	v3 =	vadd.s32 v1, v3  }
0x1c0: {  	[tilespmem:s17], [sflag:$0x1] =	stream.indirect_vreg.gather [hbm4b:s3+s2], $0x80, v4, vm0, $0xb8;
	[tilespmem:$0xC200] =	vst v63  }
0x1c1: {  	s22 =	simm.s32 $0x2200  }
0x1c2: {  	[tilespmem:s22], [sflag:$0x1] =	stream.indirect_vreg.gather [hbm4b:s5+s2], $0x80, v4, vm1, $0xb8;
	[tilespmem:$0xC200] =	vst v63  }
0x1c3: {  	s25 =	simm.s32 $0x2600  }
0x1c4: {  	[tilespmem:s25], [sflag:$0x1] =	stream.indirect_vreg.gather [hbm4b:s3+s2], $0x80, v3, vm0, $0xb8;
	[tilespmem:$0xC200] =	vst v63  }
0x1c5: {  	s17 =	simm.s32 $0x2E00  }
0x1c6: {  	[tilespmem:s17], [sflag:$0x1] =	stream.indirect_vreg.gather [hbm4b:s5+s2], $0x80, v3, vm1, $0xb8;
	[tilespmem:$0xC200] =	vst v63  }
0x1c7: {  	v3 =	vld [tilespmem:$0x1A0];
	_ =	sdelay $0x4  }
0x1c8: {  	v58 =	vshrl.u32 v3, $0x3  }
0x1c9: {  	v4 =	vmul.u32 $0x18, v58  }
0x1ca: {  	v3 =	vand.u32 $0x7, v3  }
0x1cb: {  	v3 =	vor.u32 v3, v4  }
0x1cc: {  	v4 =	vperm.xlane v3, v0;
	_ =	sdelay $0x1  }
0x1cd: {  	v4 =	vadd.s32 v1, v4;
	_ =	sdelay $0x1  }
0x1ce: {  	v3 =	vperm.xlane v3, v2;
	_ =	sdelay $0x1  }
0x1cf: {  	s12 =	simm.s32 $0x3200;
	v3 =	vadd.s32 v1, v3  }
0x1d0: {  	[tilespmem:s12], [sflag:$0x1] =	stream.indirect_vreg.gather [hbm4b:s3+s2], $0x80, v4, vm0, $0xb8;
	[tilespmem:$0xC200] =	vst v63  }
0x1d1: {  	s13 =	simm.s32 $0x3A00  }
0x1d2: {  	[tilespmem:s13], [sflag:$0x1] =	stream.indirect_vreg.gather [hbm4b:s5+s2], $0x80, v4, vm1, $0xb8;
	[tilespmem:$0xC200] =	vst v63  }
0x1d3: {  	s14 =	simm.s32 $0x3E00  }
0x1d4: {  	[tilespmem:s14], [sflag:$0x1] =	stream.indirect_vreg.gather [hbm4b:s3+s2], $0x80, v3, vm0, $0xb8;
	[tilespmem:$0xC200] =	vst v63  }
0x1d5: {  	s18 =	simm.s32 $0x4600  }
0x1d6: {  	[tilespmem:s18], [sflag:$0x1] =	stream.indirect_vreg.gather [hbm4b:s5+s2], $0x80, v3, vm1, $0xb8;
	[tilespmem:$0xC200] =	vst v63  }
0x1d7: {  	v3 =	vld [tilespmem:$0x1B0];
	_ =	sdelay $0x4  }
0x1d8: {  	v59 =	vshrl.u32 v3, $0x3  }
0x1d9: {  	v4 =	vmul.u32 $0x18, v59  }
0x1da: {  	v3 =	vand.u32 $0x7, v3  }
0x1db: {  	v3 =	vor.u32 v3, v4  }
0x1dc: {  	v4 =	vperm.xlane v3, v0;
	_ =	sdelay $0x1  }
0x1dd: {  	v4 =	vadd.s32 v1, v4;
	_ =	sdelay $0x1  }
0x1de: {  	v3 =	vperm.xlane v3, v2;
	_ =	sdelay $0x1  }
0x1df: {  	s19 =	simm.s32 $0x4A00;
	v3 =	vadd.s32 v1, v3  }
0x1e0: {  	[tilespmem:s19], [sflag:$0x1] =	stream.indirect_vreg.gather [hbm4b:s3+s2], $0x80, v4, vm0, $0xb8;
	[tilespmem:$0xC200] =	vst v63  }
0x1e1: {  	s20 =	simm.s32 $0x5200  }
0x1e2: {  	[tilespmem:s20], [sflag:$0x1] =	stream.indirect_vreg.gather [hbm4b:s5+s2], $0x80, v4, vm1, $0xb8;
	[tilespmem:$0xC200] =	vst v63  }
0x1e3: {  	s21 =	simm.s32 $0x5600  }
0x1e4: {  	[tilespmem:s21], [sflag:$0x1] =	stream.indirect_vreg.gather [hbm4b:s3+s2], $0x80, v3, vm0, $0xb8;
	[tilespmem:$0xC200] =	vst v63  }
0x1e5: {  	s21 =	simm.s32 $0x5E00  }
0x1e6: {  	[tilespmem:s21], [sflag:$0x1] =	stream.indirect_vreg.gather [hbm4b:s5+s2], $0x80, v3, vm1, $0xb8;
	[tilespmem:$0xC200] =	vst v63  }
0x1e7: {  	v3 =	vld [tilespmem:$0x1C0];
	_ =	sdelay $0x4  }
0x1e8: {  	v60 =	vshrl.u32 v3, $0x3  }
0x1e9: {  	v4 =	vmul.u32 $0x18, v60  }
0x1ea: {  	v3 =	vand.u32 $0x7, v3  }
0x1eb: {  	v3 =	vor.u32 v3, v4  }
0x1ec: {  	v4 =	vperm.xlane v3, v0;
	_ =	sdelay $0x1  }
0x1ed: {  	v4 =	vadd.s32 v1, v4;
	_ =	sdelay $0x1  }
0x1ee: {  	v3 =	vperm.xlane v3, v2;
	_ =	sdelay $0x1  }
0x1ef: {  	s0 =	simm.s32 $0x6200;
	v3 =	vadd.s32 v1, v3  }
0x1f0: {  	[tilespmem:s0], [sflag:$0x1] =	stream.indirect_vreg.gather [hbm4b:s3+s2], $0x80, v4, vm0, $0xb8;
	[tilespmem:$0xC200] =	vst v63  }
0x1f1: {  	s1 =	simm.s32 $0x6A00  }
0x1f2: {  	[tilespmem:s1], [sflag:$0x1] =	stream.indirect_vreg.gather [hbm4b:s5+s2], $0x80, v4, vm1, $0xb8;
	[tilespmem:$0xC200] =	vst v63  }
0x1f3: {  	s4 =	simm.s32 $0x6E00  }
0x1f4: {  	[tilespmem:s4], [sflag:$0x1] =	stream.indirect_vreg.gather [hbm4b:s3+s2], $0x80, v3, vm0, $0xb8;
	[tilespmem:$0xC200] =	vst v63  }
0x1f5: {  	s11 =	simm.s32 $0x7600  }
0x1f6: {  	[tilespmem:s11], [sflag:$0x1] =	stream.indirect_vreg.gather [hbm4b:s5+s2], $0x80, v3, vm1, $0xb8;
	[tilespmem:$0xC200] =	vst v63  }
0x1f7: {  	v3 =	vld [tilespmem:$0x1D0];
	_ =	sdelay $0x4  }
0x1f8: {  	v61 =	vshrl.u32 v3, $0x3  }
0x1f9: {  	v4 =	vmul.u32 $0x18, v61  }
0x1fa: {  	v3 =	vand.u32 $0x7, v3  }
0x1fb: {  	v3 =	vor.u32 v3, v4  }
0x1fc: {  	v4 =	vperm.xlane v3, v0;
	_ =	sdelay $0x1  }
0x1fd: {  	v4 =	vadd.s32 v1, v4;
	_ =	sdelay $0x1  }
0x1fe: {  	v3 =	vperm.xlane v3, v2;
	_ =	sdelay $0x1  }
0x1ff: {  	s8 =	simm.s32 $0x7A00;
	v3 =	vadd.s32 v1, v3  }
0x200: {  	[tilespmem:s8], [sflag:$0x1] =	stream.indirect_vreg.gather [hbm4b:s3+s2], $0x80, v4, vm0, $0xb8;
	[tilespmem:$0xC200] =	vst v63  }
0x201: {  	s9 =	simm.s32 $0x8200  }
0x202: {  	[tilespmem:s9], [sflag:$0x1] =	stream.indirect_vreg.gather [hbm4b:s5+s2], $0x80, v4, vm1, $0xb8;
	[tilespmem:$0xC200] =	vst v63  }
0x203: {  	s10 =	simm.s32 $0x8600  }
0x204: {  	[tilespmem:s10], [sflag:$0x1] =	stream.indirect_vreg.gather [hbm4b:s3+s2], $0x80, v3, vm0, $0xb8;
	[tilespmem:$0xC200] =	vst v63  }
0x205: {  	s22 =	simm.s32 $0x8E00  }
0x206: {  	[tilespmem:s22], [sflag:$0x1] =	stream.indirect_vreg.gather [hbm4b:s5+s2], $0x80, v3, vm1, $0xb8;
	[tilespmem:$0xC200] =	vst v63  }
0x207: {  	v3 =	vld [tilespmem:$0x1E0];
	_ =	sdelay $0x4  }
0x208: {  	v62 =	vshrl.u32 v3, $0x3  }
0x209: {  	v4 =	vmul.u32 $0x18, v62  }
0x20a: {  	v3 =	vand.u32 $0x7, v3  }
0x20b: {  	v3 =	vor.u32 v3, v4  }
0x20c: {  	v4 =	vperm.xlane v3, v0;
	_ =	sdelay $0x1  }
0x20d: {  	v4 =	vadd.s32 v1, v4;
	_ =	sdelay $0x1  }
0x20e: {  	v3 =	vperm.xlane v3, v2;
	_ =	sdelay $0x1  }
0x20f: {  	s28 =	simm.s32 $0x9200;
	v3 =	vadd.s32 v1, v3  }
0x210: {  	[tilespmem:s28], [sflag:$0x1] =	stream.indirect_vreg.gather [hbm4b:s3+s2], $0x80, v4, vm0, $0xb8;
	[tilespmem:$0xC200] =	vst v63  }
0x211: {  	s31 =	simm.s32 $0x9A00  }
0x212: {  	[tilespmem:s31], [sflag:$0x1] =	stream.indirect_vreg.gather [hbm4b:s5+s2], $0x80, v4, vm1, $0xb8;
	[tilespmem:$0xC200] =	vst v63  }
0x213: {  	s25 =	simm.s32 $0x9E00  }
0x214: {  	[tilespmem:s25], [sflag:$0x1] =	stream.indirect_vreg.gather [hbm4b:s3+s2], $0x80, v3, vm0, $0xb8;
	[tilespmem:$0xC200] =	vst v63  }
0x215: {  	s28 =	simm.s32 $0xA600  }
0x216: {  	[tilespmem:s28], [sflag:$0x1] =	stream.indirect_vreg.gather [hbm4b:s5+s2], $0x80, v3, vm1, $0xb8;
	[tilespmem:$0xC200] =	vst v63  }
0x217: {  	v3 =	vld [tilespmem:$0x1F0];
	_ =	sdelay $0x4  }
0x218: {  	v63 =	vshrl.u32 v3, $0x3  }
0x219: {  	v4 =	vmul.u32 $0x18, v63  }
0x21a: {  	v3 =	vand.u32 $0x7, v3  }
0x21b: {  	v3 =	vor.u32 v3, v4  }
0x21c: {  	v4 =	vperm.xlane v3, v0;
	_ =	sdelay $0x1  }
0x21d: {  	v4 =	vadd.s32 v1, v4;
	_ =	sdelay $0x1  }
0x21e: {  	v3 =	vperm.xlane v3, v2;
	_ =	sdelay $0x1  }
0x21f: {  	s26 =	simm.s32 $0xAA00;
	v3 =	vadd.s32 v1, v3  }
0x220: {  	[tilespmem:s26], [sflag:$0x1] =	stream.indirect_vreg.gather [hbm4b:s3+s2], $0x80, v4, vm0, $0xb8;
	[tilespmem:$0xC200] =	vst v63  }
0x221: {  	s23 =	simm.s32 $0xB200  }
0x222: {  	[tilespmem:s23], [sflag:$0x1] =	stream.indirect_vreg.gather [hbm4b:s5+s2], $0x80, v4, vm1, $0xb8;
	[tilespmem:$0xC200] =	vst v63  }
0x223: {  	s29 =	simm.s32 $0xB600  }
0x224: {  	[tilespmem:s29], [sflag:$0x1] =	stream.indirect_vreg.gather [hbm4b:s3+s2], $0x80, v3, vm0, $0xb8;
	[tilespmem:$0xC200] =	vst v63  }
0x225: {  	s30 =	simm.s32 $0xBE00  }
0x226: {  	[tilespmem:s30], [sflag:$0x1] =	stream.indirect_vreg.gather [hbm4b:s5+s2], $0x80, v3, vm1, $0xb8;
	[tilespmem:$0xC200] =	vst v63  }
0x227: {  	_ =	swait.ge [sflag:s15], $0xC000  }
0x228: {  	p0 =	sne.s32 s6, $0x1;
	[sflag:s15] =	ssyncset.done $0x0  }
.Ltmp0:
0x229: {  	s31 =	rddreg [dreg:$0x5];
	[sflag:s15] =	ssyncadd.s32 $0xFFFF4000;
	(pc) =	sbr.rel @p0 .LBB2_1-.Ltmp0, $4  }
0x22a: {  	[hbm4b:s31+s2] =	stream.linear.scatter [tilespmem:s24], [sflag:$0x2], $0xC000, $0x38;
	[tilespmem:$0xC200] =	vst v63  }
0x22b: {  	_ =	swait.ge [sflag:s7], $0xC000  }
0x22c: {  	[sflag:s7] =	ssyncset.done $0x0  }
0x22d: {  	s6 =	sadd.s32 $0xFFFFFFFF, s6;
	[sflag:s7] =	ssyncadd.s32 $0xFFFF4000  }
0x22e: {  	_ =	sfence.sel $0x180000  }
0x22f: {  	[bflag:$0x0] =	sbarrier.arrive $0xFFFF  }
0x230: {  	_ =	strace $0x9000004D  }
0x231: {  	s0 =	stileid.u32;
	[bflag:$0x2] =	sbarrier.arrive $0xFFFF  }
0x232: {  	p0 =	sne.s32 s0, $0x0;
	s0 =	rddreg [dreg:$0x1]  }
0x233: {  	s0 =	sadd.s32 @!p0 $0x100000, s0  }
0x234: {  	[sflag:s0] =	ssyncadd.tile.s32 @!p0 $0x1;
	_ =	shalt  }
.Lfunc_end2:
_tile_overlayer_lowered:
.L_overlay_start_2:
0x235: {  	(tag) =	ssettag $0x2  }
0x236: {  	s0 =	rddreg [dreg:$0x0];
	s2 =	stileid.u32  }
0x237: {  	s1 =	rddreg [dreg:$0x1];
	p0 =	sne.s32 s2, $0x0  }
0x238: {  	s3 =	rddreg [dreg:$0x2];
	[bflag:$0x3] =	sbarrier.arrive $0xFFFF;
	s2 =	simm.s32 @!p0 $0x1C02  }
0x239: {  	[timem:s3], [sflag:s2] =	dma.local @!p0 [hbm:s0], s1  }
0x23a: {  	s0 =	simm.s32 @!p0 $0x2  }
0x23b: {  	_ =	swait.ge @!p0 [sflag:s0], s1  }
0x23c: {  	s1 =	ssub.s32 @!p0 $0x0, s1;
	[sflag:s0] =	ssyncset.done @!p0 $0x0  }
0x23d: {  	[sflag:s0] =	ssyncadd.s32 @!p0 s1  }
0x23e: {  	[bflag:$0x3] =	sbarrier.arrive $0xFFFF  }
0x23f: {  	_ =	shalt  }

// kernel: kernel.19.cloned.1.call-start
scs
__scs_entry_jumppad:
0x0: {  	(pc) =	sbr.rel $0x88, $3  }
0x1: {  	(tag) =	ssettag $0x0;
	lr =	simm.s32 $0x1  }
0x2: {  	[smem:$0x3F9A] =	sst lr;
	_ =	strace $0xD0000000  }
0x3: {  	_ = 	snop  }
0x4: {  	_ = 	snop  }
0x5: {  	_ = 	snop  }
0x6: {  	_ = 	snop  }
0x7: {  	_ = 	snop  }
__scs_overlays_trampoline_lowered:
0x8: {  	[smem:$0x3FA9] =	sst s0  }
0x9: {  	[smem:$0x3FAA] =	sst s1  }
0xa: {  	[smem:$0x3FAB] =	sst s2  }
0xb: {  	[smem:$0x3FAC] =	sst s3  }
0xc: {  	[smem:$0x3FAD] =	sst s4  }
0xd: {  	[smem:$0x3FAE] =	sst s5  }
0xe: {  	[smem:$0x3FAF] =	sst s6  }
0xf: {  	[smem:$0x3FB0] =	sst s7  }
0x10: {  	[smem:$0x3FB1] =	sst s8  }
0x11: {  	[smem:$0x3FB2] =	sst s9;
	s0 =	simm.s32 @!p0 $0x0  }
0x12: {  	s1 =	sld [smem:$0x3F98];
	s0 =	simm.s32 @p0 $0x1  }
0x13: {  	[smem:$0x3FB3] =	sst s0;
	s0 =	simm.s32 @!p1 $0x0  }
0x14: {  	s2 =	sld [smem:$0x3F97];
	s0 =	simm.s32 @p1 $0x1  }
0x15: {  	[smem:$0x3FB4] =	sst s0;
	s0 =	simm.s32 @!p2 $0x0  }
0x16: {  	s3 =	sld [smem:$0x3FDB];
	s0 =	simm.s32 @p2 $0x1  }
0x17: {  	s4 =	simm.s32 $0x1BF5;
	[smem:$0x3FB6] =	sst s0  }
0x18: {  	s0 =	sld [smem:$0x3F99];
	_ =	swait.ge [sflag:s4], $0x0  }
0x19: {  	s7 =	sld [smem:$0x3F9A]  }
0x1a: {  	s8 =	sadd.s32 $0xFFFFE003, lr  }
0x1b: {  	s9 =	sadd.s32 $0xFFFFFEF7, lr;
	s5 =	simm.s32 $0xFFFFFFFF;
	p2 =	slt.u32 s8, $0xFFFFF086  }
0x1c: {  	p1 =	slt.u32 s9, $0xF7A;
	s5 =	simm.s32 @!p2 $0x0  }
0x1d: {  	s5 =	simm.s32 @p1 $0x1;
	p0 =	seq.s32 s7, s2  }
0x1e: {  	s7 =	smul.u32 @!p0 $0xF7A, s2;
	p2 =	seq.s32 @!p0 s5, $0x0  }
0x1f: {  	s9 =	smul.u32 $0xF7A, s1;
	s8 =	simm.s32 @!p0 $0x1BF5;
	p2 =	por !p2, p0  }
0x20: {  	[sflag:s8] =	ssyncset.s32 @!p0 $0xFFFFF086;
	s6 =	sadd.s32 @!p0 s3, s7;
	s7 =	simm.s32 @!p0 $0x108  }
0x21: {  	s3 =	sadd.s32 s3, s9;
	s6 =	sadd.s32 @!p0 $0x88, s6;
	s7 =	simm.s32 @p2 $0x1082  }
0x22: {  	[simem:s7], [sflag:s8] =	dma.local @!p0 [hbm:s6], $0xF7A  }
0x23: {  	s9 =	sor.u32 $0xD0000000, s2;
	s6 =	simm.s32 $0x108;
	_ =	swait.ge @!p0 [sflag:s8], $0x0  }
0x24: {  	s3 =	sadd.s32 $0x88, s3;
	s6 =	simm.s32 @!p1 $0x1082;
	[sflag:s4] =	ssyncset.s32 $0xFFFFF086  }
0x25: {  	[simem:s6], [sflag:s4] =	dma.local [hbm:s3], $0xF7A  }
0x26: {  	[smem:$0x3F9A] =	sst s1;
	(tag) =	ssettag s2;
	_ =	strace s9  }
0x27: {  	s1 =	sld [smem:$0x3FAA]  }
0x28: {  	s2 =	sld [smem:$0x3FAB]  }
0x29: {  	s4 =	sld [smem:$0x3FAD]  }
0x2a: {  	p0 =	seq.s32 s5, $0x0;
	s5 =	sld [smem:$0x3FAE]  }
0x2b: {  	s6 =	sld [smem:$0x3FAF]  }
0x2c: {  	s7 =	sld [smem:$0x3FB0]  }
0x2d: {  	s3 =	simm.s32 $0x108;
	s8 =	sld [smem:$0x3FB1]  }
0x2e: {  	s3 =	simm.s32 @!p0 $0x1082;
	s9 =	sld [smem:$0x3FB2]  }
0x2f: {  	lr =	sadd.s32 s0, s3;
	s0 =	sld [smem:$0x3FA9]  }
0x30: {  	s3 =	sld [smem:$0x3FAC]  }
0x31: {  	[smem:$0x3FB5] =	sst s10  }
0x32: {  	s10 =	sld [smem:$0x3FB3];
	_ =	sdelay $0x3  }
0x33: {  	p0 =	seq.s32 s10, $0x1;
	s10 =	sld [smem:$0x3FB5];
	_ =	sdelay $0x3  }
0x34: {  	[smem:$0x3FB5] =	sst s10  }
0x35: {  	s10 =	sld [smem:$0x3FB4];
	_ =	sdelay $0x3  }
0x36: {  	p1 =	seq.s32 s10, $0x1;
	s10 =	sld [smem:$0x3FB5];
	_ =	sdelay $0x3  }
0x37: {  	[smem:$0x3FB5] =	sst s10  }
0x38: {  	s10 =	sld [smem:$0x3FB6]  }
0x39: {  	_ = 	snop;
	(pc) =	sbr.ind lr, $3  }
0x3a: {  	_ = 	snop  }
0x3b: {  	_ = 	snop  }
0x3c: {  	p2 =	seq.s32 s10, $0x1;
	s10 =	sld [smem:$0x3FB5]  }
0x3d: {  	_ =	shalt  }
0x3e: {  	_ =	shalt  }
0x3f: {  	_ =	shalt  }
0x40: {  	_ =	shalt  }
0x41: {  	_ =	shalt  }
0x42: {  	_ =	shalt  }
0x43: {  	_ =	shalt  }
0x44: {  	_ =	shalt  }
0x45: {  	_ =	shalt  }
0x46: {  	_ =	shalt  }
0x47: {  	_ =	shalt  }
0x48: {  	_ =	shalt  }
0x49: {  	_ =	shalt  }
0x4a: {  	_ =	shalt  }
0x4b: {  	_ =	shalt  }
0x4c: {  	_ =	shalt  }
0x4d: {  	_ =	shalt  }
0x4e: {  	_ =	shalt  }
0x4f: {  	_ =	shalt  }
0x50: {  	_ =	shalt  }
0x51: {  	_ =	shalt  }
0x52: {  	_ =	shalt  }
0x53: {  	_ =	shalt  }
0x54: {  	_ =	shalt  }
0x55: {  	_ =	shalt  }
0x56: {  	_ =	shalt  }
0x57: {  	_ =	shalt  }
0x58: {  	_ =	shalt  }
0x59: {  	_ =	shalt  }
0x5a: {  	_ =	shalt  }
0x5b: {  	_ =	shalt  }
0x5c: {  	_ =	shalt  }
0x5d: {  	_ =	shalt  }
0x5e: {  	_ =	shalt  }
0x5f: {  	_ =	shalt  }
0x60: {  	_ =	shalt  }
0x61: {  	_ =	shalt  }
0x62: {  	_ =	shalt  }
0x63: {  	_ =	shalt  }
0x64: {  	_ =	shalt  }
0x65: {  	_ =	shalt  }
0x66: {  	_ =	shalt  }
0x67: {  	_ =	shalt  }
0x68: {  	_ =	shalt  }
0x69: {  	_ =	shalt  }
0x6a: {  	_ =	shalt  }
0x6b: {  	_ =	shalt  }
0x6c: {  	_ =	shalt  }
0x6d: {  	_ =	shalt  }
0x6e: {  	_ =	shalt  }
0x6f: {  	_ =	shalt  }
0x70: {  	_ =	shalt  }
0x71: {  	_ =	shalt  }
0x72: {  	_ =	shalt  }
0x73: {  	_ =	shalt  }
0x74: {  	_ =	shalt  }
0x75: {  	_ =	shalt  }
0x76: {  	_ =	shalt  }
0x77: {  	_ =	shalt  }
0x78: {  	_ =	shalt  }
0x79: {  	_ =	shalt  }
0x7a: {  	_ =	shalt  }
0x7b: {  	_ =	shalt  }
0x7c: {  	_ =	shalt  }
0x7d: {  	_ =	shalt  }
0x7e: {  	_ =	shalt  }
0x7f: {  	_ =	shalt  }
0x80: {  	_ =	shalt  }
0x81: {  	_ =	shalt  }
0x82: {  	_ =	shalt  }
0x83: {  	_ =	shalt  }
0x84: {  	_ =	shalt  }
0x85: {  	_ =	shalt  }
0x86: {  	_ =	shalt  }
0x87: {  	_ =	shalt  }
.Lfunc_end0:
.L_simem_size_0:
called_computation.3_lowered:
.L_overlay_start_0:
0x88: {  	s2 =	sld [smem:$0x3FD9]  }
0x89: {  	s3 =	sld [smem:$0x3FFE];
	_ =	sdelay $0x1  }
0x8a: {  	s1 =	srdreg.scid  }
0x8b: {  	s0 =	sand.u32 $0x1, s1  }
0x8c: {  	s17 =	sshll.u32 s0, $0xA;
	s2 =	sadd.s32 s3, s2  }
0x8d: {  	s2 =	sadd.s32 s2, s17  }
0x8e: {  	[smem:$0x3FC1] =	sst s2  }
0x8f: {  	_ = 	snop  }
0x90: {  	(tm) =	ssettm $0x1  }
0x91: {  	s18 =	sld [smem:$0x3FFB];
	_ =	sdelay $0x3  }
0x92: {  	_ =	strace s18  }
0x93: {  	s2 =	sld [smem:$0x3FFC];
	_ =	sdelay $0x3  }
0x94: {  	_ =	strace s2  }
0x95: {  	s2 =	sld [smem:$0x3FFD];
	_ =	sdelay $0x3  }
0x96: {  	_ =	strace s2  }
0x97: {  	_ =	strace $0x8FFFFFFF  }
0x98: {  	s19 =	sld [smem:$0x3FDB];
	_ =	sdelay $0x1  }
0x99: {  	s20 =	simm.s32 $_scs_section_size  }
0x9a: {  	s4 =	simm.s32 $_size__tile_overlayer_lowered;
	s5 =	simm.s32 $_tile_overlayer_lowered  }
0x9b: {  	s6 =	simm.s32 $0x1BFF;
	s21 =	sshll.u32 s5, $0x1;
	s3 =	sadd.s32 s20, s19  }
0x9c: {  	s22 =	simm.s32 $0x0;
	s4 =	sshll.u32 s4, $0x1;
	s5 =	sadd.s32 s21, s3  }
0x9d: {  	[timem:s22], [sflag:s6] =	dma.local [hbm:s5], s4  }
0x9e: {  	_ =	swait.ge [sflag:s6], s4  }
0x9f: {  	s4 =	ssub.s32 $0x0, s4;
	[sflag:s6] =	ssyncset.done $0x0  }
0xa0: {  	[sflag:s6] =	ssyncadd.s32 s4;
	_ =	sdelay $0x1  }
0xa1: {  	s23 =	simm.s32 $0x1B8B  }
0xa2: {  	_ =	swait.ge [sflag:s23], $0x1  }
0xa3: {  	[sflag:s23] =	ssyncset.done $0x0  }
0xa4: {  	[sflag:s23] =	ssyncadd.s32 $0xFFFFFFFF  }
0xa5: {  	s4 =	sld [smem:$0x0]  }
0xa6: {  	s5 =	sand.u32 $0xFFFFFFFE, s1  }
0xa7: {  	p0 =	sne.s32 s1, s5  }
0xa8: {  	s5 =	sshll.u32 @p0 s5, $0xE  }
0xa9: {  	s5 =	sadd.s32 @p0 $0x11B8D, s5;
	s6 =	sshll.u32 @p0 s4, $0x11  }
0xaa: {  	s5 =	sor.u32 @p0 s6, s5  }
0xab: {  	[sflag:s5] =	ssyncadd.remote.s32 @p0 $0x1;
	_ =	sdelay $0x1  }
0xac: {  	s5 =	simm.s32 @p0 $0x1B8D  }
0xad: {  	_ =	swait.eq @p0 [sflag:s5], $0x1  }
0xae: {  	[sflag:s5] =	ssyncadd.s32 @p0 $0xFFFFFFFF  }
0xaf: {  	s6 =	sshll.u32 @!p0 s1, $0xE  }
0xb0: {  	s6 =	sor.u32 @!p0 $0x4000, s6;
	s5 =	simm.s32 @!p0 $0x1B8D  }
0xb1: {  	s4 =	sshll.u32 @!p0 s4, $0x11;
	s6 =	sadd.s32 @!p0 $0x11B8D, s6;
	_ =	swait.eq @!p0 [sflag:s5], $0x1  }
0xb2: {  	s4 =	sor.u32 @!p0 s4, s6;
	[sflag:s5] =	ssyncadd.s32 @!p0 $0xFFFFFFFF  }
0xb3: {  	s25 =	simm.s32 $0x1B8E;
	s24 =	sld [smem:$0x3FFE];
	[sflag:s4] =	ssyncadd.remote.s32 @!p0 $0x1  }
0xb4: {  	s26 =	simm.s32 $execute0_lowered;
	[smem:$0x3FD2] =	sst s25  }
0xb5: {  	s5 =	sshll.u32 s26, $0x1;
	_ =	strace $0x8000004F;
	[dreg:$0x1] =	wrdreg $0xFFFFFFFF  }
0xb6: {  	s28 =	simm.s32 $_size_execute0_lowered;
	s3 =	sadd.s32 s3, s5;
	[dreg:$0x0] =	wrdreg $0x0  }
0xb7: {  	s5 =	sshll.u32 s28, $0x1;
	[dreg:$0x2] =	wrdreg s3  }
0xb8: {  	[dreg:$0x3] =	wrdreg s5  }
0xb9: {  	[dreg:$0x4] =	wrdreg $0xC0  }
0xba: {  	_ =	task [dreg:s22], $0x5FFFF  }
0xbb: {  	[dreg:$0x1] =	wrdreg $0xFFFFFFFF  }
0xbc: {  	[dreg:$0x0] =	wrdreg $0x60  }
0xbd: {  	[dreg:$0x2] =	wrdreg s24  }
0xbe: {  	[dreg:$0x3] =	wrdreg $0xC  }
0xbf: {  	_ =	task.clear_ibuf [dreg:s22], $0x4FFFF;
	_ =	strace $0x9000004F  }
0xc0: {  	s29 =	simm.s32 $0xC;
	_ =	strace $0x80000051  }
0xc1: {  	_ =	swait.ge [sflag:s29], $0x1  }
0xc2: {  	[sflag:s29] =	ssyncadd.s32 $0xFFFFFFFF  }
0xc3: {  	_ =	strace $0x90000051  }
0xc4: {  	_ =	sfence  }
0xc5: {  	s30 =	sld [smem:$0x0];
	_ =	sdelay $0x2  }
0xc6: {  	s31 =	sshll.u32 s1, $0xD;
	s1 =	sshrl.u32 s1, $0x2  }
0xc7: {  	s4 =	sand.u32 $0x4000, s31;
	s1 =	sadd.s32 s1, s30  }
0xc8: {  	s0 =	sor.u32 s4, s0;
	s1 =	sshll.u32 s1, $0x11  }
0xc9: {  	s0 =	sor.u32 s1, s0  }
0xca: {  	s0 =	sadd.s32 $0x8F2B, s0  }
0xcb: {  	[sflag:s0] =	ssyncadd.remote.s32 $0x1  }
0xcc: {  	_ =	sfence.sel $0xFFFF  }
0xcd: {  	[dreg:$0x0] =	wrdreg $0xFFFFFFFF;
	(pc) =	sbr.abs _section_cstart, $3  }
0xce: {  	[dreg:$0x1] =	wrdreg $0xFFFFFFFF  }
0xcf: {  	_ =	task.clear_ibuf [dreg:s22], $0x2FFFF;
	_ =	strace $0x9FFFFFFF  }
0xd0: {  	(tm) =	ssettm $0x7FFFFFFF  }
0xd1: {  	_ =	shalt  }
tec
execute0_lowered:
.L_overlay_start_1:
0x0: {  	(tag) =	ssettag $0x1  }
0x1: {  	s0 =	rddreg [dreg:$0x0];
	s1 =	srdreg.scid  }
0x2: {  	s3 =	stileid.u32;
	s2 =	simm.s32 $0x0;
	s1 =	sand.u32 $0x1, s1  }
0x3: {  	s24 =	simm.s32 $0x200;
	s3 =	sshll.u32 s3, $0x7;
	s4 =	sshll.u32 s1, $0x6  }
0x4: {  	[smem:$0x7FF] =	sst s2;
	s7 =	sadd.s32 $0x33B600, s0;
	s3 =	sor.u32 s4, s3  }
0x5: {  	s15 =	simm.s32 $0x1;
	_ =	strace $0x80000050;
	s4 =	smul.u32 $0x180, s3  }
0x6: {  	s1 =	ssub.s32 $0x2, s1;
	s5 =	sadd.s32 s3, s0;
	s6 =	smul.u32 $0xC00, s3  }
0x7: {  	s8 =	sshrl.u32 s1, $0x1;
	s3 =	sadd.s32 $0x2400, s0;
	s5 =	sadd.s32 $0x1BAE00, s5  }
0x8: {  	s9 =	sadd.s32 s7, s4;
	s28 =	sshrl.u32 s6, $0x3;
	[dreg:$0x2] =	wrdreg s5  }
0x9: {  	[dreg:$0x6] =	wrdreg s9;
	s29 =	sadd.s32 $0x1800, s9;
	s4 =	sadd.s32 s7, s28  }
0xa: {  	v2 =	vlaneseq.u32;
	s1 =	ssub.s32 s1, s8;
	[dreg:$0x3] =	wrdreg s29;
	s30 =	sadd.s32 $0x3000, s4  }
0xb: {  	vm0 =	vmmov $0xffff;
	vm1 =	vmmov $0xff;
	v1 =	vshrl.u32 v2, $0x3;
	s5 =	sadd.s32 $0x2500, s0;
	s31 =	sadd.s32 $0x4800, s4;
	[dreg:$0x4] =	wrdreg s30  }
0xc: {  	v0 =	vand.u32 $0x7, v2;
	v2 =	vor.u32 $0x8, v2;
	v1 =	vmul.u32 $0x8, v1;
	s6 =	smax.u32 s1, $0x1;
	s7 =	simm.s32 $0x2;
	[dreg:$0x5] =	wrdreg s31  }
.LBB2_1:
0xd: {  	s16 =	rddreg [dreg:$0x2]  }
0xe: {  	[tilespmem:s2], [sflag:$0x2] =	stream.linear.gather [hbm4b:s16+s2], $0x200, $0x38;
	[tilespmem:$0xC200] =	vst v63  }
0xf: {  	_ =	swait.ge [sflag:s7], $0x200  }
0x10: {  	[sflag:s7] =	ssyncset.done $0x0  }
0x11: {  	[sflag:s7] =	ssyncadd.s32 $0xFFFFFE00  }
0x12: {  	v3 =	vld [tilespmem:$0x0];
	_ =	sdelay $0x4  }
0x13: {  	v4 =	vshrl.u32 v3, $0x3  }
0x14: {  	v4 =	vmul.u32 $0x18, v4  }
0x15: {  	v3 =	vand.u32 $0x7, v3  }
0x16: {  	v3 =	vor.u32 v3, v4  }
0x17: {  	v4 =	vperm.xlane v3, v0;
	_ =	sdelay $0x1  }
0x18: {  	v4 =	vadd.s32 v1, v4;
	_ =	sdelay $0x1  }
0x19: {  	v3 =	vperm.xlane v3, v2;
	_ =	sdelay $0x1  }
0x1a: {  	v3 =	vadd.s32 v1, v3  }
0x1b: {  	[tilespmem:s24], [sflag:$0x1] =	stream.indirect_vreg.gather [hbm4b:s3+s2], $0x80, v4, vm0, $0xb8;
	[tilespmem:$0xC200] =	vst v63  }
0x1c: {  	s0 =	simm.s32 $0xA00  }
0x1d: {  	[tilespmem:s0], [sflag:$0x1] =	stream.indirect_vreg.gather [hbm4b:s5+s2], $0x80, v4, vm1, $0xb8;
	[tilespmem:$0xC200] =	vst v63  }
0x1e: {  	s25 =	simm.s32 $0xE00  }
0x1f: {  	[tilespmem:s25], [sflag:$0x1] =	stream.indirect_vreg.gather [hbm4b:s3+s2], $0x80, v3, vm0, $0xb8;
	[tilespmem:$0xC200] =	vst v63  }
0x20: {  	s26 =	simm.s32 $0x1600  }
0x21: {  	[tilespmem:s26], [sflag:$0x1] =	stream.indirect_vreg.gather [hbm4b:s5+s2], $0x80, v3, vm1, $0xb8;
	[tilespmem:$0xC200] =	vst v63  }
0x22: {  	v3 =	vld [tilespmem:$0x10];
	_ =	sdelay $0x4  }
0x23: {  	v33 =	vshrl.u32 v3, $0x3  }
0x24: {  	v4 =	vmul.u32 $0x18, v33  }
0x25: {  	v3 =	vand.u32 $0x7, v3  }
0x26: {  	v3 =	vor.u32 v3, v4  }
0x27: {  	v4 =	vperm.xlane v3, v0;
	_ =	sdelay $0x1  }
0x28: {  	v4 =	vadd.s32 v1, v4;
	_ =	sdelay $0x1  }
0x29: {  	v3 =	vperm.xlane v3, v2;
	_ =	sdelay $0x1  }
0x2a: {  	s28 =	simm.s32 $0x1A00;
	v3 =	vadd.s32 v1, v3  }
0x2b: {  	[tilespmem:s28], [sflag:$0x1] =	stream.indirect_vreg.gather [hbm4b:s3+s2], $0x80, v4, vm0, $0xb8;
	[tilespmem:$0xC200] =	vst v63  }
0x2c: {  	s29 =	simm.s32 $0x2200  }
0x2d: {  	[tilespmem:s29], [sflag:$0x1] =	stream.indirect_vreg.gather [hbm4b:s5+s2], $0x80, v4, vm1, $0xb8;
	[tilespmem:$0xC200] =	vst v63  }
0x2e: {  	s30 =	simm.s32 $0x2600  }
0x2f: {  	[tilespmem:s30], [sflag:$0x1] =	stream.indirect_vreg.gather [hbm4b:s3+s2], $0x80, v3, vm0, $0xb8;
	[tilespmem:$0xC200] =	vst v63  }
0x30: {  	s31 =	simm.s32 $0x2E00  }
0x31: {  	[tilespmem:s31], [sflag:$0x1] =	stream.indirect_vreg.gather [hbm4b:s5+s2], $0x80, v3, vm1, $0xb8;
	[tilespmem:$0xC200] =	vst v63  }
0x32: {  	v3 =	vld [tilespmem:$0x20];
	_ =	sdelay $0x4  }
0x33: {  	v34 =	vshrl.u32 v3, $0x3  }
0x34: {  	v4 =	vmul.u32 $0x18, v34  }
0x35: {  	v3 =	vand.u32 $0x7, v3  }
0x36: {  	v3 =	vor.u32 v3, v4  }
0x37: {  	v4 =	vperm.xlane v3, v0;
	_ =	sdelay $0x1  }
0x38: {  	v4 =	vadd.s32 v1, v4;
	_ =	sdelay $0x1  }
0x39: {  	v3 =	vperm.xlane v3, v2;
	_ =	sdelay $0x1  }
0x3a: {  	s10 =	simm.s32 $0x3200;
	v3 =	vadd.s32 v1, v3  }
0x3b: {  	[tilespmem:s10], [sflag:$0x1] =	stream.indirect_vreg.gather [hbm4b:s3+s2], $0x80, v4, vm0, $0xb8;
	[tilespmem:$0xC200] =	vst v63  }
0x3c: {  	s13 =	simm.s32 $0x3A00  }
0x3d: {  	[tilespmem:s13], [sflag:$0x1] =	stream.indirect_vreg.gather [hbm4b:s5+s2], $0x80, v4, vm1, $0xb8;
	[tilespmem:$0xC200] =	vst v63  }
0x3e: {  	s14 =	simm.s32 $0x3E00  }
0x3f: {  	[tilespmem:s14], [sflag:$0x1] =	stream.indirect_vreg.gather [hbm4b:s3+s2], $0x80, v3, vm0, $0xb8;
	[tilespmem:$0xC200] =	vst v63  }
0x40: {  	s16 =	simm.s32 $0x4600  }
0x41: {  	[tilespmem:s16], [sflag:$0x1] =	stream.indirect_vreg.gather [hbm4b:s5+s2], $0x80, v3, vm1, $0xb8;
	[tilespmem:$0xC200] =	vst v63  }
0x42: {  	v3 =	vld [tilespmem:$0x30];
	_ =	sdelay $0x4  }
0x43: {  	v35 =	vshrl.u32 v3, $0x3  }
0x44: {  	v4 =	vmul.u32 $0x18, v35  }
0x45: {  	v3 =	vand.u32 $0x7, v3  }
0x46: {  	v3 =	vor.u32 v3, v4  }
0x47: {  	v4 =	vperm.xlane v3, v0;
	_ =	sdelay $0x1  }
0x48: {  	v4 =	vadd.s32 v1, v4;
	_ =	sdelay $0x1  }
0x49: {  	v3 =	vperm.xlane v3, v2;
	_ =	sdelay $0x1  }
0x4a: {  	s17 =	simm.s32 $0x4A00;
	v3 =	vadd.s32 v1, v3  }
0x4b: {  	[tilespmem:s17], [sflag:$0x1] =	stream.indirect_vreg.gather [hbm4b:s3+s2], $0x80, v4, vm0, $0xb8;
	[tilespmem:$0xC200] =	vst v63  }
0x4c: {  	s18 =	simm.s32 $0x5200  }
0x4d: {  	[tilespmem:s18], [sflag:$0x1] =	stream.indirect_vreg.gather [hbm4b:s5+s2], $0x80, v4, vm1, $0xb8;
	[tilespmem:$0xC200] =	vst v63  }
0x4e: {  	s19 =	simm.s32 $0x5600  }
0x4f: {  	[tilespmem:s19], [sflag:$0x1] =	stream.indirect_vreg.gather [hbm4b:s3+s2], $0x80, v3, vm0, $0xb8;
	[tilespmem:$0xC200] =	vst v63  }
0x50: {  	s20 =	simm.s32 $0x5E00  }
0x51: {  	[tilespmem:s20], [sflag:$0x1] =	stream.indirect_vreg.gather [hbm4b:s5+s2], $0x80, v3, vm1, $0xb8;
	[tilespmem:$0xC200] =	vst v63  }
0x52: {  	v3 =	vld [tilespmem:$0x40];
	_ =	sdelay $0x4  }
0x53: {  	v36 =	vshrl.u32 v3, $0x3  }
0x54: {  	v4 =	vmul.u32 $0x18, v36  }
0x55: {  	v3 =	vand.u32 $0x7, v3  }
0x56: {  	v3 =	vor.u32 v3, v4  }
0x57: {  	v4 =	vperm.xlane v3, v0;
	_ =	sdelay $0x1  }
0x58: {  	v4 =	vadd.s32 v1, v4;
	_ =	sdelay $0x1  }
0x59: {  	v3 =	vperm.xlane v3, v2;
	_ =	sdelay $0x1  }
0x5a: {  	s21 =	simm.s32 $0x6200;
	v3 =	vadd.s32 v1, v3  }
0x5b: {  	[tilespmem:s21], [sflag:$0x1] =	stream.indirect_vreg.gather [hbm4b:s3+s2], $0x80, v4, vm0, $0xb8;
	[tilespmem:$0xC200] =	vst v63  }
0x5c: {  	s22 =	simm.s32 $0x6A00  }
0x5d: {  	[tilespmem:s22], [sflag:$0x1] =	stream.indirect_vreg.gather [hbm4b:s5+s2], $0x80, v4, vm1, $0xb8;
	[tilespmem:$0xC200] =	vst v63  }
0x5e: {  	s23 =	simm.s32 $0x6E00  }
0x5f: {  	[tilespmem:s23], [sflag:$0x1] =	stream.indirect_vreg.gather [hbm4b:s3+s2], $0x80, v3, vm0, $0xb8;
	[tilespmem:$0xC200] =	vst v63  }
0x60: {  	s25 =	simm.s32 $0x7600  }
0x61: {  	[tilespmem:s25], [sflag:$0x1] =	stream.indirect_vreg.gather [hbm4b:s5+s2], $0x80, v3, vm1, $0xb8;
	[tilespmem:$0xC200] =	vst v63  }
0x62: {  	v3 =	vld [tilespmem:$0x50];
	_ =	sdelay $0x4  }
0x63: {  	v37 =	vshrl.u32 v3, $0x3  }
0x64: {  	v4 =	vmul.u32 $0x18, v37  }
0x65: {  	v3 =	vand.u32 $0x7, v3  }
0x66: {  	v3 =	vor.u32 v3, v4  }
0x67: {  	v4 =	vperm.xlane v3, v0;
	_ =	sdelay $0x1  }
0x68: {  	v4 =	vadd.s32 v1, v4;
	_ =	sdelay $0x1  }
0x69: {  	v3 =	vperm.xlane v3, v2;
	_ =	sdelay $0x1  }
0x6a: {  	s26 =	simm.s32 $0x7A00;
	v3 =	vadd.s32 v1, v3  }
0x6b: {  	[tilespmem:s26], [sflag:$0x1] =	stream.indirect_vreg.gather [hbm4b:s3+s2], $0x80, v4, vm0, $0xb8;
	[tilespmem:$0xC200] =	vst v63  }
0x6c: {  	s28 =	simm.s32 $0x8200  }
0x6d: {  	[tilespmem:s28], [sflag:$0x1] =	stream.indirect_vreg.gather [hbm4b:s5+s2], $0x80, v4, vm1, $0xb8;
	[tilespmem:$0xC200] =	vst v63  }
0x6e: {  	s29 =	simm.s32 $0x8600  }
0x6f: {  	[tilespmem:s29], [sflag:$0x1] =	stream.indirect_vreg.gather [hbm4b:s3+s2], $0x80, v3, vm0, $0xb8;
	[tilespmem:$0xC200] =	vst v63  }
0x70: {  	s30 =	simm.s32 $0x8E00  }
0x71: {  	[tilespmem:s30], [sflag:$0x1] =	stream.indirect_vreg.gather [hbm4b:s5+s2], $0x80, v3, vm1, $0xb8;
	[tilespmem:$0xC200] =	vst v63  }
0x72: {  	v3 =	vld [tilespmem:$0x60];
	_ =	sdelay $0x4  }
0x73: {  	v38 =	vshrl.u32 v3, $0x3  }
0x74: {  	v4 =	vmul.u32 $0x18, v38  }
0x75: {  	v3 =	vand.u32 $0x7, v3  }
0x76: {  	v3 =	vor.u32 v3, v4  }
0x77: {  	v4 =	vperm.xlane v3, v0;
	_ =	sdelay $0x1  }
0x78: {  	v4 =	vadd.s32 v1, v4;
	_ =	sdelay $0x1  }
0x79: {  	v3 =	vperm.xlane v3, v2;
	_ =	sdelay $0x1  }
0x7a: {  	s31 =	simm.s32 $0x9200;
	v3 =	vadd.s32 v1, v3  }
0x7b: {  	[tilespmem:s31], [sflag:$0x1] =	stream.indirect_vreg.gather [hbm4b:s3+s2], $0x80, v4, vm0, $0xb8;
	[tilespmem:$0xC200] =	vst v63  }
0x7c: {  	s0 =	simm.s32 $0x9A00  }
0x7d: {  	[tilespmem:s0], [sflag:$0x1] =	stream.indirect_vreg.gather [hbm4b:s5+s2], $0x80, v4, vm1, $0xb8;
	[tilespmem:$0xC200] =	vst v63  }
0x7e: {  	s13 =	simm.s32 $0x9E00  }
0x7f: {  	[tilespmem:s13], [sflag:$0x1] =	stream.indirect_vreg.gather [hbm4b:s3+s2], $0x80, v3, vm0, $0xb8;
	[tilespmem:$0xC200] =	vst v63  }
0x80: {  	s14 =	simm.s32 $0xA600  }
0x81: {  	[tilespmem:s14], [sflag:$0x1] =	stream.indirect_vreg.gather [hbm4b:s5+s2], $0x80, v3, vm1, $0xb8;
	[tilespmem:$0xC200] =	vst v63  }
0x82: {  	v3 =	vld [tilespmem:$0x70];
	_ =	sdelay $0x4  }
0x83: {  	v39 =	vshrl.u32 v3, $0x3  }
0x84: {  	v4 =	vmul.u32 $0x18, v39  }
0x85: {  	v3 =	vand.u32 $0x7, v3  }
0x86: {  	v3 =	vor.u32 v3, v4  }
0x87: {  	v4 =	vperm.xlane v3, v0;
	_ =	sdelay $0x1  }
0x88: {  	v4 =	vadd.s32 v1, v4;
	_ =	sdelay $0x1  }
0x89: {  	v3 =	vperm.xlane v3, v2;
	_ =	sdelay $0x1  }
0x8a: {  	s17 =	simm.s32 $0xAA00;
	v3 =	vadd.s32 v1, v3  }
0x8b: {  	[tilespmem:s17], [sflag:$0x1] =	stream.indirect_vreg.gather [hbm4b:s3+s2], $0x80, v4, vm0, $0xb8;
	[tilespmem:$0xC200] =	vst v63  }
0x8c: {  	s18 =	simm.s32 $0xB200  }
0x8d: {  	[tilespmem:s18], [sflag:$0x1] =	stream.indirect_vreg.gather [hbm4b:s5+s2], $0x80, v4, vm1, $0xb8;
	[tilespmem:$0xC200] =	vst v63  }
0x8e: {  	s19 =	simm.s32 $0xB600  }
0x8f: {  	[tilespmem:s19], [sflag:$0x1] =	stream.indirect_vreg.gather [hbm4b:s3+s2], $0x80, v3, vm0, $0xb8;
	[tilespmem:$0xC200] =	vst v63  }
0x90: {  	s20 =	simm.s32 $0xBE00  }
0x91: {  	[tilespmem:s20], [sflag:$0x1] =	stream.indirect_vreg.gather [hbm4b:s5+s2], $0x80, v3, vm1, $0xb8;
	[tilespmem:$0xC200] =	vst v63  }
0x92: {  	_ =	swait.ge [sflag:s15], $0xC000  }
0x93: {  	[sflag:s15] =	ssyncset.done $0x0  }
0x94: {  	s21 =	rddreg [dreg:$0x6];
	[sflag:s15] =	ssyncadd.s32 $0xFFFF4000  }
0x95: {  	[hbm4b:s21+s2] =	stream.linear.scatter [tilespmem:s24], [sflag:$0x2], $0xC000, $0x38;
	[tilespmem:$0xC200] =	vst v63  }
0x96: {  	_ =	swait.ge [sflag:s7], $0xC000  }
0x97: {  	[sflag:s7] =	ssyncset.done $0x0  }
0x98: {  	[sflag:s7] =	ssyncadd.s32 $0xFFFF4000  }
0x99: {  	v3 =	vld [tilespmem:$0x80];
	_ =	sdelay $0x4  }
0x9a: {  	v40 =	vshrl.u32 v3, $0x3  }
0x9b: {  	v4 =	vmul.u32 $0x18, v40  }
0x9c: {  	v3 =	vand.u32 $0x7, v3  }
0x9d: {  	v3 =	vor.u32 v3, v4  }
0x9e: {  	v4 =	vperm.xlane v3, v0;
	_ =	sdelay $0x1  }
0x9f: {  	v4 =	vadd.s32 v1, v4;
	_ =	sdelay $0x1  }
0xa0: {  	v3 =	vperm.xlane v3, v2;
	_ =	sdelay $0x1  }
0xa1: {  	v3 =	vadd.s32 v1, v3  }
0xa2: {  	[tilespmem:s24], [sflag:$0x1] =	stream.indirect_vreg.gather [hbm4b:s3+s2], $0x80, v4, vm0, $0xb8;
	[tilespmem:$0xC200] =	vst v63  }
0xa3: {  	s1 =	simm.s32 $0xA00  }
0xa4: {  	[tilespmem:s1], [sflag:$0x1] =	stream.indirect_vreg.gather [hbm4b:s5+s2], $0x80, v4, vm1, $0xb8;
	[tilespmem:$0xC200] =	vst v63  }
0xa5: {  	s4 =	simm.s32 $0xE00  }
0xa6: {  	[tilespmem:s4], [sflag:$0x1] =	stream.indirect_vreg.gather [hbm4b:s3+s2], $0x80, v3, vm0, $0xb8;
	[tilespmem:$0xC200] =	vst v63  }
0xa7: {  	s17 =	simm.s32 $0x1600  }
0xa8: {  	[tilespmem:s17], [sflag:$0x1] =	stream.indirect_vreg.gather [hbm4b:s5+s2], $0x80, v3, vm1, $0xb8;
	[tilespmem:$0xC200] =	vst v63  }
0xa9: {  	v3 =	vld [tilespmem:$0x90];
	_ =	sdelay $0x4  }
0xaa: {  	v41 =	vshrl.u32 v3, $0x3  }
0xab: {  	v4 =	vmul.u32 $0x18, v41  }
0xac: {  	v3 =	vand.u32 $0x7, v3  }
0xad: {  	v3 =	vor.u32 v3, v4  }
0xae: {  	v4 =	vperm.xlane v3, v0;
	_ =	sdelay $0x1  }
0xaf: {  	v4 =	vadd.s32 v1, v4;
	_ =	sdelay $0x1  }
0xb0: {  	v3 =	vperm.xlane v3, v2;
	_ =	sdelay $0x1  }
0xb1: {  	s8 =	simm.s32 $0x1A00;
	v3 =	vadd.s32 v1, v3  }
0xb2: {  	[tilespmem:s8], [sflag:$0x1] =	stream.indirect_vreg.gather [hbm4b:s3+s2], $0x80, v4, vm0, $0xb8;
	[tilespmem:$0xC200] =	vst v63  }
0xb3: {  	s9 =	simm.s32 $0x2200  }
0xb4: {  	[tilespmem:s9], [sflag:$0x1] =	stream.indirect_vreg.gather [hbm4b:s5+s2], $0x80, v4, vm1, $0xb8;
	[tilespmem:$0xC200] =	vst v63  }
0xb5: {  	s11 =	simm.s32 $0x2600  }
0xb6: {  	[tilespmem:s11], [sflag:$0x1] =	stream.indirect_vreg.gather [hbm4b:s3+s2], $0x80, v3, vm0, $0xb8;
	[tilespmem:$0xC200] =	vst v63  }
0xb7: {  	s12 =	simm.s32 $0x2E00  }
0xb8: {  	[tilespmem:s12], [sflag:$0x1] =	stream.indirect_vreg.gather [hbm4b:s5+s2], $0x80, v3, vm1, $0xb8;
	[tilespmem:$0xC200] =	vst v63  }
0xb9: {  	v3 =	vld [tilespmem:$0xA0];
	_ =	sdelay $0x4  }
0xba: {  	v42 =	vshrl.u32 v3, $0x3  }
0xbb: {  	v4 =	vmul.u32 $0x18, v42  }
0xbc: {  	v3 =	vand.u32 $0x7, v3  }
0xbd: {  	v3 =	vor.u32 v3, v4  }
0xbe: {  	v4 =	vperm.xlane v3, v0;
	_ =	sdelay $0x1  }
0xbf: {  	v4 =	vadd.s32 v1, v4;
	_ =	sdelay $0x1  }
0xc0: {  	v3 =	vperm.xlane v3, v2;
	_ =	sdelay $0x1  }
0xc1: {  	s12 =	simm.s32 $0x3200;
	v3 =	vadd.s32 v1, v3  }
0xc2: {  	[tilespmem:s12], [sflag:$0x1] =	stream.indirect_vreg.gather [hbm4b:s3+s2], $0x80, v4, vm0, $0xb8;
	[tilespmem:$0xC200] =	vst v63  }
0xc3: {  	s13 =	simm.s32 $0x3A00  }
0xc4: {  	[tilespmem:s13], [sflag:$0x1] =	stream.indirect_vreg.gather [hbm4b:s5+s2], $0x80, v4, vm1, $0xb8;
	[tilespmem:$0xC200] =	vst v63  }
0xc5: {  	s14 =	simm.s32 $0x3E00  }
0xc6: {  	[tilespmem:s14], [sflag:$0x1] =	stream.indirect_vreg.gather [hbm4b:s3+s2], $0x80, v3, vm0, $0xb8;
	[tilespmem:$0xC200] =	vst v63  }
0xc7: {  	s18 =	simm.s32 $0x4600  }
0xc8: {  	[tilespmem:s18], [sflag:$0x1] =	stream.indirect_vreg.gather [hbm4b:s5+s2], $0x80, v3, vm1, $0xb8;
	[tilespmem:$0xC200] =	vst v63  }
0xc9: {  	v3 =	vld [tilespmem:$0xB0];
	_ =	sdelay $0x4  }
0xca: {  	v43 =	vshrl.u32 v3, $0x3  }
0xcb: {  	v4 =	vmul.u32 $0x18, v43  }
0xcc: {  	v3 =	vand.u32 $0x7, v3  }
0xcd: {  	v3 =	vor.u32 v3, v4  }
0xce: {  	v4 =	vperm.xlane v3, v0;
	_ =	sdelay $0x1  }
0xcf: {  	v4 =	vadd.s32 v1, v4;
	_ =	sdelay $0x1  }
0xd0: {  	v3 =	vperm.xlane v3, v2;
	_ =	sdelay $0x1  }
0xd1: {  	s19 =	simm.s32 $0x4A00;
	v3 =	vadd.s32 v1, v3  }
0xd2: {  	[tilespmem:s19], [sflag:$0x1] =	stream.indirect_vreg.gather [hbm4b:s3+s2], $0x80, v4, vm0, $0xb8;
	[tilespmem:$0xC200] =	vst v63  }
0xd3: {  	s20 =	simm.s32 $0x5200  }
0xd4: {  	[tilespmem:s20], [sflag:$0x1] =	stream.indirect_vreg.gather [hbm4b:s5+s2], $0x80, v4, vm1, $0xb8;
	[tilespmem:$0xC200] =	vst v63  }
0xd5: {  	s21 =	simm.s32 $0x5600  }
0xd6: {  	[tilespmem:s21], [sflag:$0x1] =	stream.indirect_vreg.gather [hbm4b:s3+s2], $0x80, v3, vm0, $0xb8;
	[tilespmem:$0xC200] =	vst v63  }
0xd7: {  	s10 =	simm.s32 $0x5E00  }
0xd8: {  	[tilespmem:s10], [sflag:$0x1] =	stream.indirect_vreg.gather [hbm4b:s5+s2], $0x80, v3, vm1, $0xb8;
	[tilespmem:$0xC200] =	vst v63  }
0xd9: {  	v3 =	vld [tilespmem:$0xC0];
	_ =	sdelay $0x4  }
0xda: {  	v44 =	vshrl.u32 v3, $0x3  }
0xdb: {  	v4 =	vmul.u32 $0x18, v44  }
0xdc: {  	v3 =	vand.u32 $0x7, v3  }
0xdd: {  	v3 =	vor.u32 v3, v4  }
0xde: {  	v4 =	vperm.xlane v3, v0;
	_ =	sdelay $0x1  }
0xdf: {  	v4 =	vadd.s32 v1, v4;
	_ =	sdelay $0x1  }
0xe0: {  	v3 =	vperm.xlane v3, v2;
	_ =	sdelay $0x1  }
0xe1: {  	s0 =	simm.s32 $0x6200;
	v3 =	vadd.s32 v1, v3  }
0xe2: {  	[tilespmem:s0], [sflag:$0x1] =	stream.indirect_vreg.gather [hbm4b:s3+s2], $0x80, v4, vm0, $0xb8;
	[tilespmem:$0xC200] =	vst v63  }
0xe3: {  	s1 =	simm.s32 $0x6A00  }
0xe4: {  	[tilespmem:s1], [sflag:$0x1] =	stream.indirect_vreg.gather [hbm4b:s5+s2], $0x80, v4, vm1, $0xb8;
	[tilespmem:$0xC200] =	vst v63  }
0xe5: {  	s4 =	simm.s32 $0x6E00  }
0xe6: {  	[tilespmem:s4], [sflag:$0x1] =	stream.indirect_vreg.gather [hbm4b:s3+s2], $0x80, v3, vm0, $0xb8;
	[tilespmem:$0xC200] =	vst v63  }
0xe7: {  	s11 =	simm.s32 $0x7600  }
0xe8: {  	[tilespmem:s11], [sflag:$0x1] =	stream.indirect_vreg.gather [hbm4b:s5+s2], $0x80, v3, vm1, $0xb8;
	[tilespmem:$0xC200] =	vst v63  }
0xe9: {  	v3 =	vld [tilespmem:$0xD0];
	_ =	sdelay $0x4  }
0xea: {  	v45 =	vshrl.u32 v3, $0x3  }
0xeb: {  	v4 =	vmul.u32 $0x18, v45  }
0xec: {  	v3 =	vand.u32 $0x7, v3  }
0xed: {  	v3 =	vor.u32 v3, v4  }
0xee: {  	v4 =	vperm.xlane v3, v0;
	_ =	sdelay $0x1  }
0xef: {  	v4 =	vadd.s32 v1, v4;
	_ =	sdelay $0x1  }
0xf0: {  	v3 =	vperm.xlane v3, v2;
	_ =	sdelay $0x1  }
0xf1: {  	s8 =	simm.s32 $0x7A00;
	v3 =	vadd.s32 v1, v3  }
0xf2: {  	[tilespmem:s8], [sflag:$0x1] =	stream.indirect_vreg.gather [hbm4b:s3+s2], $0x80, v4, vm0, $0xb8;
	[tilespmem:$0xC200] =	vst v63  }
0xf3: {  	s9 =	simm.s32 $0x8200  }
0xf4: {  	[tilespmem:s9], [sflag:$0x1] =	stream.indirect_vreg.gather [hbm4b:s5+s2], $0x80, v4, vm1, $0xb8;
	[tilespmem:$0xC200] =	vst v63  }
0xf5: {  	s10 =	simm.s32 $0x8600  }
0xf6: {  	[tilespmem:s10], [sflag:$0x1] =	stream.indirect_vreg.gather [hbm4b:s3+s2], $0x80, v3, vm0, $0xb8;
	[tilespmem:$0xC200] =	vst v63  }
0xf7: {  	s23 =	simm.s32 $0x8E00  }
0xf8: {  	[tilespmem:s23], [sflag:$0x1] =	stream.indirect_vreg.gather [hbm4b:s5+s2], $0x80, v3, vm1, $0xb8;
	[tilespmem:$0xC200] =	vst v63  }
0xf9: {  	v3 =	vld [tilespmem:$0xE0];
	_ =	sdelay $0x4  }
0xfa: {  	v46 =	vshrl.u32 v3, $0x3  }
0xfb: {  	v4 =	vmul.u32 $0x18, v46  }
0xfc: {  	v3 =	vand.u32 $0x7, v3  }
0xfd: {  	v3 =	vor.u32 v3, v4  }
0xfe: {  	v4 =	vperm.xlane v3, v0;
	_ =	sdelay $0x1  }
0xff: {  	v4 =	vadd.s32 v1, v4;
	_ =	sdelay $0x1  }
0x100: {  	v3 =	vperm.xlane v3, v2;
	_ =	sdelay $0x1  }
0x101: {  	s29 =	simm.s32 $0x9200;
	v3 =	vadd.s32 v1, v3  }
0x102: {  	[tilespmem:s29], [sflag:$0x1] =	stream.indirect_vreg.gather [hbm4b:s3+s2], $0x80, v4, vm0, $0xb8;
	[tilespmem:$0xC200] =	vst v63  }
0x103: {  	s30 =	simm.s32 $0x9A00  }
0x104: {  	[tilespmem:s30], [sflag:$0x1] =	stream.indirect_vreg.gather [hbm4b:s5+s2], $0x80, v4, vm1, $0xb8;
	[tilespmem:$0xC200] =	vst v63  }
0x105: {  	s31 =	simm.s32 $0x9E00  }
0x106: {  	[tilespmem:s31], [sflag:$0x1] =	stream.indirect_vreg.gather [hbm4b:s3+s2], $0x80, v3, vm0, $0xb8;
	[tilespmem:$0xC200] =	vst v63  }
0x107: {  	s22 =	simm.s32 $0xA600  }
0x108: {  	[tilespmem:s22], [sflag:$0x1] =	stream.indirect_vreg.gather [hbm4b:s5+s2], $0x80, v3, vm1, $0xb8;
	[tilespmem:$0xC200] =	vst v63  }
0x109: {  	v3 =	vld [tilespmem:$0xF0];
	_ =	sdelay $0x4  }
0x10a: {  	v47 =	vshrl.u32 v3, $0x3  }
0x10b: {  	v4 =	vmul.u32 $0x18, v47  }
0x10c: {  	v3 =	vand.u32 $0x7, v3  }
0x10d: {  	v3 =	vor.u32 v3, v4  }
0x10e: {  	v4 =	vperm.xlane v3, v0;
	_ =	sdelay $0x1  }
0x10f: {  	v4 =	vadd.s32 v1, v4;
	_ =	sdelay $0x1  }
0x110: {  	v3 =	vperm.xlane v3, v2;
	_ =	sdelay $0x1  }
0x111: {  	s31 =	simm.s32 $0xAA00;
	v3 =	vadd.s32 v1, v3  }
0x112: {  	[tilespmem:s31], [sflag:$0x1] =	stream.indirect_vreg.gather [hbm4b:s3+s2], $0x80, v4, vm0, $0xb8;
	[tilespmem:$0xC200] =	vst v63  }
0x113: {  	s26 =	simm.s32 $0xB200  }
0x114: {  	[tilespmem:s26], [sflag:$0x1] =	stream.indirect_vreg.gather [hbm4b:s5+s2], $0x80, v4, vm1, $0xb8;
	[tilespmem:$0xC200] =	vst v63  }
0x115: {  	s28 =	simm.s32 $0xB600  }
0x116: {  	[tilespmem:s28], [sflag:$0x1] =	stream.indirect_vreg.gather [hbm4b:s3+s2], $0x80, v3, vm0, $0xb8;
	[tilespmem:$0xC200] =	vst v63  }
0x117: {  	s25 =	simm.s32 $0xBE00  }
0x118: {  	[tilespmem:s25], [sflag:$0x1] =	stream.indirect_vreg.gather [hbm4b:s5+s2], $0x80, v3, vm1, $0xb8;
	[tilespmem:$0xC200] =	vst v63  }
0x119: {  	_ =	swait.ge [sflag:s15], $0xC000  }
0x11a: {  	[sflag:s15] =	ssyncset.done $0x0  }
0x11b: {  	s22 =	rddreg [dreg:$0x3];
	[sflag:s15] =	ssyncadd.s32 $0xFFFF4000  }
0x11c: {  	[hbm4b:s22+s2] =	stream.linear.scatter [tilespmem:s24], [sflag:$0x2], $0xC000, $0x38;
	[tilespmem:$0xC200] =	vst v63  }
0x11d: {  	_ =	swait.ge [sflag:s7], $0xC000  }
0x11e: {  	[sflag:s7] =	ssyncset.done $0x0  }
0x11f: {  	[sflag:s7] =	ssyncadd.s32 $0xFFFF4000  }
0x120: {  	v3 =	vld [tilespmem:$0x100];
	_ =	sdelay $0x4  }
0x121: {  	v48 =	vshrl.u32 v3, $0x3  }
0x122: {  	v4 =	vmul.u32 $0x18, v48  }
0x123: {  	v3 =	vand.u32 $0x7, v3  }
0x124: {  	v3 =	vor.u32 v3, v4  }
0x125: {  	v4 =	vperm.xlane v3, v0;
	_ =	sdelay $0x1  }
0x126: {  	v4 =	vadd.s32 v1, v4;
	_ =	sdelay $0x1  }
0x127: {  	v3 =	vperm.xlane v3, v2;
	_ =	sdelay $0x1  }
0x128: {  	v3 =	vadd.s32 v1, v3  }
0x129: {  	[tilespmem:s24], [sflag:$0x1] =	stream.indirect_vreg.gather [hbm4b:s3+s2], $0x80, v4, vm0, $0xb8;
	[tilespmem:$0xC200] =	vst v63  }
0x12a: {  	s25 =	simm.s32 $0xA00  }
0x12b: {  	[tilespmem:s25], [sflag:$0x1] =	stream.indirect_vreg.gather [hbm4b:s5+s2], $0x80, v4, vm1, $0xb8;
	[tilespmem:$0xC200] =	vst v63  }
0x12c: {  	s26 =	simm.s32 $0xE00  }
0x12d: {  	[tilespmem:s26], [sflag:$0x1] =	stream.indirect_vreg.gather [hbm4b:s3+s2], $0x80, v3, vm0, $0xb8;
	[tilespmem:$0xC200] =	vst v63  }
0x12e: {  	_ = 	snop  }
0x12f: {  	[tilespmem:s17], [sflag:$0x1] =	stream.indirect_vreg.gather [hbm4b:s5+s2], $0x80, v3, vm1, $0xb8;
	[tilespmem:$0xC200] =	vst v63  }
0x130: {  	v3 =	vld [tilespmem:$0x110];
	_ =	sdelay $0x4  }
0x131: {  	v49 =	vshrl.u32 v3, $0x3  }
0x132: {  	v4 =	vmul.u32 $0x18, v49  }
0x133: {  	v3 =	vand.u32 $0x7, v3  }
0x134: {  	v3 =	vor.u32 v3, v4  }
0x135: {  	v4 =	vperm.xlane v3, v0;
	_ =	sdelay $0x1  }
0x136: {  	v4 =	vadd.s32 v1, v4;
	_ =	sdelay $0x1  }
0x137: {  	v3 =	vperm.xlane v3, v2;
	_ =	sdelay $0x1  }
0x138: {  	s28 =	simm.s32 $0x1A00;
	v3 =	vadd.s32 v1, v3  }
0x139: {  	[tilespmem:s28], [sflag:$0x1] =	stream.indirect_vreg.gather [hbm4b:s3+s2], $0x80, v4, vm0, $0xb8;
	[tilespmem:$0xC200] =	vst v63  }
0x13a: {  	s31 =	simm.s32 $0x2200  }
0x13b: {  	[tilespmem:s31], [sflag:$0x1] =	stream.indirect_vreg.gather [hbm4b:s5+s2], $0x80, v4, vm1, $0xb8;
	[tilespmem:$0xC200] =	vst v63  }
0x13c: {  	s26 =	simm.s32 $0x2600  }
0x13d: {  	[tilespmem:s26], [sflag:$0x1] =	stream.indirect_vreg.gather [hbm4b:s3+s2], $0x80, v3, vm0, $0xb8;
	[tilespmem:$0xC200] =	vst v63  }
0x13e: {  	s28 =	simm.s32 $0x2E00  }
0x13f: {  	[tilespmem:s28], [sflag:$0x1] =	stream.indirect_vreg.gather [hbm4b:s5+s2], $0x80, v3, vm1, $0xb8;
	[tilespmem:$0xC200] =	vst v63  }
0x140: {  	v3 =	vld [tilespmem:$0x120];
	_ =	sdelay $0x4  }
0x141: {  	v50 =	vshrl.u32 v3, $0x3  }
0x142: {  	v4 =	vmul.u32 $0x18, v50  }
0x143: {  	v3 =	vand.u32 $0x7, v3  }
0x144: {  	v3 =	vor.u32 v3, v4  }
0x145: {  	v4 =	vperm.xlane v3, v0;
	_ =	sdelay $0x1  }
0x146: {  	v4 =	vadd.s32 v1, v4;
	_ =	sdelay $0x1  }
0x147: {  	v3 =	vperm.xlane v3, v2;
	_ =	sdelay $0x1  }
0x148: {  	v3 =	vadd.s32 v1, v3  }
0x149: {  	[tilespmem:s12], [sflag:$0x1] =	stream.indirect_vreg.gather [hbm4b:s3+s2], $0x80, v4, vm0, $0xb8;
	[tilespmem:$0xC200] =	vst v63  }
0x14a: {  	_ = 	snop  }
0x14b: {  	[tilespmem:s13], [sflag:$0x1] =	stream.indirect_vreg.gather [hbm4b:s5+s2], $0x80, v4, vm1, $0xb8;
	[tilespmem:$0xC200] =	vst v63  }
0x14c: {  	_ = 	snop  }
0x14d: {  	[tilespmem:s14], [sflag:$0x1] =	stream.indirect_vreg.gather [hbm4b:s3+s2], $0x80, v3, vm0, $0xb8;
	[tilespmem:$0xC200] =	vst v63  }
0x14e: {  	_ = 	snop  }
0x14f: {  	[tilespmem:s18], [sflag:$0x1] =	stream.indirect_vreg.gather [hbm4b:s5+s2], $0x80, v3, vm1, $0xb8;
	[tilespmem:$0xC200] =	vst v63  }
0x150: {  	v3 =	vld [tilespmem:$0x130];
	_ =	sdelay $0x4  }
0x151: {  	v51 =	vshrl.u32 v3, $0x3  }
0x152: {  	v4 =	vmul.u32 $0x18, v51  }
0x153: {  	v3 =	vand.u32 $0x7, v3  }
0x154: {  	v3 =	vor.u32 v3, v4  }
0x155: {  	v4 =	vperm.xlane v3, v0;
	_ =	sdelay $0x1  }
0x156: {  	v4 =	vadd.s32 v1, v4;
	_ =	sdelay $0x1  }
0x157: {  	v3 =	vperm.xlane v3, v2;
	_ =	sdelay $0x1  }
0x158: {  	v3 =	vadd.s32 v1, v3  }
0x159: {  	[tilespmem:s19], [sflag:$0x1] =	stream.indirect_vreg.gather [hbm4b:s3+s2], $0x80, v4, vm0, $0xb8;
	[tilespmem:$0xC200] =	vst v63  }
0x15a: {  	_ = 	snop  }
0x15b: {  	[tilespmem:s20], [sflag:$0x1] =	stream.indirect_vreg.gather [hbm4b:s5+s2], $0x80, v4, vm1, $0xb8;
	[tilespmem:$0xC200] =	vst v63  }
0x15c: {  	_ = 	snop  }
0x15d: {  	[tilespmem:s21], [sflag:$0x1] =	stream.indirect_vreg.gather [hbm4b:s3+s2], $0x80, v3, vm0, $0xb8;
	[tilespmem:$0xC200] =	vst v63  }
0x15e: {  	s31 =	simm.s32 $0x5E00  }
0x15f: {  	[tilespmem:s31], [sflag:$0x1] =	stream.indirect_vreg.gather [hbm4b:s5+s2], $0x80, v3, vm1, $0xb8;
	[tilespmem:$0xC200] =	vst v63  }
0x160: {  	v3 =	vld [tilespmem:$0x140];
	_ =	sdelay $0x4  }
0x161: {  	v52 =	vshrl.u32 v3, $0x3  }
0x162: {  	v4 =	vmul.u32 $0x18, v52  }
0x163: {  	v3 =	vand.u32 $0x7, v3  }
0x164: {  	v3 =	vor.u32 v3, v4  }
0x165: {  	v4 =	vperm.xlane v3, v0;
	_ =	sdelay $0x1  }
0x166: {  	v4 =	vadd.s32 v1, v4;
	_ =	sdelay $0x1  }
0x167: {  	v3 =	vperm.xlane v3, v2;
	_ =	sdelay $0x1  }
0x168: {  	v3 =	vadd.s32 v1, v3  }
0x169: {  	[tilespmem:s0], [sflag:$0x1] =	stream.indirect_vreg.gather [hbm4b:s3+s2], $0x80, v4, vm0, $0xb8;
	[tilespmem:$0xC200] =	vst v63  }
0x16a: {  	_ = 	snop  }
0x16b: {  	[tilespmem:s1], [sflag:$0x1] =	stream.indirect_vreg.gather [hbm4b:s5+s2], $0x80, v4, vm1, $0xb8;
	[tilespmem:$0xC200] =	vst v63  }
0x16c: {  	_ = 	snop  }
0x16d: {  	[tilespmem:s4], [sflag:$0x1] =	stream.indirect_vreg.gather [hbm4b:s3+s2], $0x80, v3, vm0, $0xb8;
	[tilespmem:$0xC200] =	vst v63  }
0x16e: {  	_ = 	snop  }
0x16f: {  	[tilespmem:s11], [sflag:$0x1] =	stream.indirect_vreg.gather [hbm4b:s5+s2], $0x80, v3, vm1, $0xb8;
	[tilespmem:$0xC200] =	vst v63  }
0x170: {  	v3 =	vld [tilespmem:$0x150];
	_ =	sdelay $0x4  }
0x171: {  	v53 =	vshrl.u32 v3, $0x3  }
0x172: {  	v4 =	vmul.u32 $0x18, v53  }
0x173: {  	v3 =	vand.u32 $0x7, v3  }
0x174: {  	v3 =	vor.u32 v3, v4  }
0x175: {  	v4 =	vperm.xlane v3, v0;
	_ =	sdelay $0x1  }
0x176: {  	v4 =	vadd.s32 v1, v4;
	_ =	sdelay $0x1  }
0x177: {  	v3 =	vperm.xlane v3, v2;
	_ =	sdelay $0x1  }
0x178: {  	v3 =	vadd.s32 v1, v3  }
0x179: {  	[tilespmem:s8], [sflag:$0x1] =	stream.indirect_vreg.gather [hbm4b:s3+s2], $0x80, v4, vm0, $0xb8;
	[tilespmem:$0xC200] =	vst v63  }
0x17a: {  	_ = 	snop  }
0x17b: {  	[tilespmem:s9], [sflag:$0x1] =	stream.indirect_vreg.gather [hbm4b:s5+s2], $0x80, v4, vm1, $0xb8;
	[tilespmem:$0xC200] =	vst v63  }
0x17c: {  	_ = 	snop  }
0x17d: {  	[tilespmem:s10], [sflag:$0x1] =	stream.indirect_vreg.gather [hbm4b:s3+s2], $0x80, v3, vm0, $0xb8;
	[tilespmem:$0xC200] =	vst v63  }
0x17e: {  	s26 =	simm.s32 $0x8E00  }
0x17f: {  	[tilespmem:s26], [sflag:$0x1] =	stream.indirect_vreg.gather [hbm4b:s5+s2], $0x80, v3, vm1, $0xb8;
	[tilespmem:$0xC200] =	vst v63  }
0x180: {  	v3 =	vld [tilespmem:$0x160];
	_ =	sdelay $0x4  }
0x181: {  	v54 =	vshrl.u32 v3, $0x3  }
0x182: {  	v4 =	vmul.u32 $0x18, v54  }
0x183: {  	v3 =	vand.u32 $0x7, v3  }
0x184: {  	v3 =	vor.u32 v3, v4  }
0x185: {  	v4 =	vperm.xlane v3, v0;
	_ =	sdelay $0x1  }
0x186: {  	v4 =	vadd.s32 v1, v4;
	_ =	sdelay $0x1  }
0x187: {  	v3 =	vperm.xlane v3, v2;
	_ =	sdelay $0x1  }
0x188: {  	s28 =	simm.s32 $0x9200;
	v3 =	vadd.s32 v1, v3  }
0x189: {  	[tilespmem:s28], [sflag:$0x1] =	stream.indirect_vreg.gather [hbm4b:s3+s2], $0x80, v4, vm0, $0xb8;
	[tilespmem:$0xC200] =	vst v63  }
0x18a: {  	s31 =	simm.s32 $0x9A00  }
0x18b: {  	[tilespmem:s31], [sflag:$0x1] =	stream.indirect_vreg.gather [hbm4b:s5+s2], $0x80, v4, vm1, $0xb8;
	[tilespmem:$0xC200] =	vst v63  }
0x18c: {  	s26 =	simm.s32 $0x9E00  }
0x18d: {  	[tilespmem:s26], [sflag:$0x1] =	stream.indirect_vreg.gather [hbm4b:s3+s2], $0x80, v3, vm0, $0xb8;
	[tilespmem:$0xC200] =	vst v63  }
0x18e: {  	s26 =	simm.s32 $0xA600  }
0x18f: {  	[tilespmem:s26], [sflag:$0x1] =	stream.indirect_vreg.gather [hbm4b:s5+s2], $0x80, v3, vm1, $0xb8;
	[tilespmem:$0xC200] =	vst v63  }
0x190: {  	v3 =	vld [tilespmem:$0x170];
	_ =	sdelay $0x4  }
0x191: {  	v55 =	vshrl.u32 v3, $0x3  }
0x192: {  	v4 =	vmul.u32 $0x18, v55  }
0x193: {  	v3 =	vand.u32 $0x7, v3  }
0x194: {  	v3 =	vor.u32 v3, v4  }
0x195: {  	v4 =	vperm.xlane v3, v0;
	_ =	sdelay $0x1  }
0x196: {  	v4 =	vadd.s32 v1, v4;
	_ =	sdelay $0x1  }
0x197: {  	v3 =	vperm.xlane v3, v2;
	_ =	sdelay $0x1  }
0x198: {  	s29 =	simm.s32 $0xAA00;
	v3 =	vadd.s32 v1, v3  }
0x199: {  	[tilespmem:s29], [sflag:$0x1] =	stream.indirect_vreg.gather [hbm4b:s3+s2], $0x80, v4, vm0, $0xb8;
	[tilespmem:$0xC200] =	vst v63  }
0x19a: {  	s23 =	simm.s32 $0xB200  }
0x19b: {  	[tilespmem:s23], [sflag:$0x1] =	stream.indirect_vreg.gather [hbm4b:s5+s2], $0x80, v4, vm1, $0xb8;
	[tilespmem:$0xC200] =	vst v63  }
0x19c: {  	s30 =	simm.s32 $0xB600  }
0x19d: {  	[tilespmem:s30], [sflag:$0x1] =	stream.indirect_vreg.gather [hbm4b:s3+s2], $0x80, v3, vm0, $0xb8;
	[tilespmem:$0xC200] =	vst v63  }
0x19e: {  	s30 =	simm.s32 $0xBE00  }
0x19f: {  	[tilespmem:s30], [sflag:$0x1] =	stream.indirect_vreg.gather [hbm4b:s5+s2], $0x80, v3, vm1, $0xb8;
	[tilespmem:$0xC200] =	vst v63  }
0x1a0: {  	_ =	swait.ge [sflag:s15], $0xC000  }
0x1a1: {  	[sflag:s15] =	ssyncset.done $0x0  }
0x1a2: {  	s16 =	rddreg [dreg:$0x4];
	[sflag:s15] =	ssyncadd.s32 $0xFFFF4000  }
0x1a3: {  	[hbm4b:s16+s2] =	stream.linear.scatter [tilespmem:s24], [sflag:$0x2], $0xC000, $0x38;
	[tilespmem:$0xC200] =	vst v63  }
0x1a4: {  	_ =	swait.ge [sflag:s7], $0xC000  }
0x1a5: {  	[sflag:s7] =	ssyncset.done $0x0  }
0x1a6: {  	[sflag:s7] =	ssyncadd.s32 $0xFFFF4000  }
0x1a7: {  	v3 =	vld [tilespmem:$0x180];
	_ =	sdelay $0x4  }
0x1a8: {  	v56 =	vshrl.u32 v3, $0x3  }
0x1a9: {  	v4 =	vmul.u32 $0x18, v56  }
0x1aa: {  	v3 =	vand.u32 $0x7, v3  }
0x1ab: {  	v3 =	vor.u32 v3, v4  }
0x1ac: {  	v4 =	vperm.xlane v3, v0;
	_ =	sdelay $0x1  }
0x1ad: {  	v4 =	vadd.s32 v1, v4;
	_ =	sdelay $0x1  }
0x1ae: {  	v3 =	vperm.xlane v3, v2;
	_ =	sdelay $0x1  }
0x1af: {  	v3 =	vadd.s32 v1, v3  }
0x1b0: {  	[tilespmem:s24], [sflag:$0x1] =	stream.indirect_vreg.gather [hbm4b:s3+s2], $0x80, v4, vm0, $0xb8;
	[tilespmem:$0xC200] =	vst v63  }
0x1b1: {  	s25 =	simm.s32 $0xA00  }
0x1b2: {  	[tilespmem:s25], [sflag:$0x1] =	stream.indirect_vreg.gather [hbm4b:s5+s2], $0x80, v4, vm1, $0xb8;
	[tilespmem:$0xC200] =	vst v63  }
0x1b3: {  	s22 =	simm.s32 $0xE00  }
0x1b4: {  	[tilespmem:s22], [sflag:$0x1] =	stream.indirect_vreg.gather [hbm4b:s3+s2], $0x80, v3, vm0, $0xb8;
	[tilespmem:$0xC200] =	vst v63  }
0x1b5: {  	s17 =	simm.s32 $0x1600  }
0x1b6: {  	[tilespmem:s17], [sflag:$0x1] =	stream.indirect_vreg.gather [hbm4b:s5+s2], $0x80, v3, vm1, $0xb8;
	[tilespmem:$0xC200] =	vst v63  }
0x1b7: {  	v3 =	vld [tilespmem:$0x190];
	_ =	sdelay $0x4  }
0x1b8: {  	v57 =	vshrl.u32 v3, $0x3  }
0x1b9: {  	v4 =	vmul.u32 $0x18, v57  }
0x1ba: {  	v3 =	vand.u32 $0x7, v3  }
0x1bb: {  	v3 =	vor.u32 v3, v4  }
0x1bc: {  	v4 =	vperm.xlane v3, v0;
	_ =	sdelay $0x1  }
0x1bd: {  	v4 =	vadd.s32 v1, v4;
	_ =	sdelay $0x1  }
0x1be: {  	v3 =	vperm.xlane v3, v2;
	_ =	sdelay $0x1  }
0x1bf: {  	s17 =	simm.s32 $0x1A00;
	v3 =	vadd.s32 v1, v3  }
0x1c0: {  	[tilespmem:s17], [sflag:$0x1] =	stream.indirect_vreg.gather [hbm4b:s3+s2], $0x80, v4, vm0, $0xb8;
	[tilespmem:$0xC200] =	vst v63  }
0x1c1: {  	s22 =	simm.s32 $0x2200  }
0x1c2: {  	[tilespmem:s22], [sflag:$0x1] =	stream.indirect_vreg.gather [hbm4b:s5+s2], $0x80, v4, vm1, $0xb8;
	[tilespmem:$0xC200] =	vst v63  }
0x1c3: {  	s25 =	simm.s32 $0x2600  }
0x1c4: {  	[tilespmem:s25], [sflag:$0x1] =	stream.indirect_vreg.gather [hbm4b:s3+s2], $0x80, v3, vm0, $0xb8;
	[tilespmem:$0xC200] =	vst v63  }
0x1c5: {  	s17 =	simm.s32 $0x2E00  }
0x1c6: {  	[tilespmem:s17], [sflag:$0x1] =	stream.indirect_vreg.gather [hbm4b:s5+s2], $0x80, v3, vm1, $0xb8;
	[tilespmem:$0xC200] =	vst v63  }
0x1c7: {  	v3 =	vld [tilespmem:$0x1A0];
	_ =	sdelay $0x4  }
0x1c8: {  	v58 =	vshrl.u32 v3, $0x3  }
0x1c9: {  	v4 =	vmul.u32 $0x18, v58  }
0x1ca: {  	v3 =	vand.u32 $0x7, v3  }
0x1cb: {  	v3 =	vor.u32 v3, v4  }
0x1cc: {  	v4 =	vperm.xlane v3, v0;
	_ =	sdelay $0x1  }
0x1cd: {  	v4 =	vadd.s32 v1, v4;
	_ =	sdelay $0x1  }
0x1ce: {  	v3 =	vperm.xlane v3, v2;
	_ =	sdelay $0x1  }
0x1cf: {  	s12 =	simm.s32 $0x3200;
	v3 =	vadd.s32 v1, v3  }
0x1d0: {  	[tilespmem:s12], [sflag:$0x1] =	stream.indirect_vreg.gather [hbm4b:s3+s2], $0x80, v4, vm0, $0xb8;
	[tilespmem:$0xC200] =	vst v63  }
0x1d1: {  	s13 =	simm.s32 $0x3A00  }
0x1d2: {  	[tilespmem:s13], [sflag:$0x1] =	stream.indirect_vreg.gather [hbm4b:s5+s2], $0x80, v4, vm1, $0xb8;
	[tilespmem:$0xC200] =	vst v63  }
0x1d3: {  	s14 =	simm.s32 $0x3E00  }
0x1d4: {  	[tilespmem:s14], [sflag:$0x1] =	stream.indirect_vreg.gather [hbm4b:s3+s2], $0x80, v3, vm0, $0xb8;
	[tilespmem:$0xC200] =	vst v63  }
0x1d5: {  	s18 =	simm.s32 $0x4600  }
0x1d6: {  	[tilespmem:s18], [sflag:$0x1] =	stream.indirect_vreg.gather [hbm4b:s5+s2], $0x80, v3, vm1, $0xb8;
	[tilespmem:$0xC200] =	vst v63  }
0x1d7: {  	v3 =	vld [tilespmem:$0x1B0];
	_ =	sdelay $0x4  }
0x1d8: {  	v59 =	vshrl.u32 v3, $0x3  }
0x1d9: {  	v4 =	vmul.u32 $0x18, v59  }
0x1da: {  	v3 =	vand.u32 $0x7, v3  }
0x1db: {  	v3 =	vor.u32 v3, v4  }
0x1dc: {  	v4 =	vperm.xlane v3, v0;
	_ =	sdelay $0x1  }
0x1dd: {  	v4 =	vadd.s32 v1, v4;
	_ =	sdelay $0x1  }
0x1de: {  	v3 =	vperm.xlane v3, v2;
	_ =	sdelay $0x1  }
0x1df: {  	s19 =	simm.s32 $0x4A00;
	v3 =	vadd.s32 v1, v3  }
0x1e0: {  	[tilespmem:s19], [sflag:$0x1] =	stream.indirect_vreg.gather [hbm4b:s3+s2], $0x80, v4, vm0, $0xb8;
	[tilespmem:$0xC200] =	vst v63  }
0x1e1: {  	s20 =	simm.s32 $0x5200  }
0x1e2: {  	[tilespmem:s20], [sflag:$0x1] =	stream.indirect_vreg.gather [hbm4b:s5+s2], $0x80, v4, vm1, $0xb8;
	[tilespmem:$0xC200] =	vst v63  }
0x1e3: {  	s21 =	simm.s32 $0x5600  }
0x1e4: {  	[tilespmem:s21], [sflag:$0x1] =	stream.indirect_vreg.gather [hbm4b:s3+s2], $0x80, v3, vm0, $0xb8;
	[tilespmem:$0xC200] =	vst v63  }
0x1e5: {  	s21 =	simm.s32 $0x5E00  }
0x1e6: {  	[tilespmem:s21], [sflag:$0x1] =	stream.indirect_vreg.gather [hbm4b:s5+s2], $0x80, v3, vm1, $0xb8;
	[tilespmem:$0xC200] =	vst v63  }
0x1e7: {  	v3 =	vld [tilespmem:$0x1C0];
	_ =	sdelay $0x4  }
0x1e8: {  	v60 =	vshrl.u32 v3, $0x3  }
0x1e9: {  	v4 =	vmul.u32 $0x18, v60  }
0x1ea: {  	v3 =	vand.u32 $0x7, v3  }
0x1eb: {  	v3 =	vor.u32 v3, v4  }
0x1ec: {  	v4 =	vperm.xlane v3, v0;
	_ =	sdelay $0x1  }
0x1ed: {  	v4 =	vadd.s32 v1, v4;
	_ =	sdelay $0x1  }
0x1ee: {  	v3 =	vperm.xlane v3, v2;
	_ =	sdelay $0x1  }
0x1ef: {  	s0 =	simm.s32 $0x6200;
	v3 =	vadd.s32 v1, v3  }
0x1f0: {  	[tilespmem:s0], [sflag:$0x1] =	stream.indirect_vreg.gather [hbm4b:s3+s2], $0x80, v4, vm0, $0xb8;
	[tilespmem:$0xC200] =	vst v63  }
0x1f1: {  	s1 =	simm.s32 $0x6A00  }
0x1f2: {  	[tilespmem:s1], [sflag:$0x1] =	stream.indirect_vreg.gather [hbm4b:s5+s2], $0x80, v4, vm1, $0xb8;
	[tilespmem:$0xC200] =	vst v63  }
0x1f3: {  	s4 =	simm.s32 $0x6E00  }
0x1f4: {  	[tilespmem:s4], [sflag:$0x1] =	stream.indirect_vreg.gather [hbm4b:s3+s2], $0x80, v3, vm0, $0xb8;
	[tilespmem:$0xC200] =	vst v63  }
0x1f5: {  	s11 =	simm.s32 $0x7600  }
0x1f6: {  	[tilespmem:s11], [sflag:$0x1] =	stream.indirect_vreg.gather [hbm4b:s5+s2], $0x80, v3, vm1, $0xb8;
	[tilespmem:$0xC200] =	vst v63  }
0x1f7: {  	v3 =	vld [tilespmem:$0x1D0];
	_ =	sdelay $0x4  }
0x1f8: {  	v61 =	vshrl.u32 v3, $0x3  }
0x1f9: {  	v4 =	vmul.u32 $0x18, v61  }
0x1fa: {  	v3 =	vand.u32 $0x7, v3  }
0x1fb: {  	v3 =	vor.u32 v3, v4  }
0x1fc: {  	v4 =	vperm.xlane v3, v0;
	_ =	sdelay $0x1  }
0x1fd: {  	v4 =	vadd.s32 v1, v4;
	_ =	sdelay $0x1  }
0x1fe: {  	v3 =	vperm.xlane v3, v2;
	_ =	sdelay $0x1  }
0x1ff: {  	s8 =	simm.s32 $0x7A00;
	v3 =	vadd.s32 v1, v3  }
0x200: {  	[tilespmem:s8], [sflag:$0x1] =	stream.indirect_vreg.gather [hbm4b:s3+s2], $0x80, v4, vm0, $0xb8;
	[tilespmem:$0xC200] =	vst v63  }
0x201: {  	s9 =	simm.s32 $0x8200  }
0x202: {  	[tilespmem:s9], [sflag:$0x1] =	stream.indirect_vreg.gather [hbm4b:s5+s2], $0x80, v4, vm1, $0xb8;
	[tilespmem:$0xC200] =	vst v63  }
0x203: {  	s10 =	simm.s32 $0x8600  }
0x204: {  	[tilespmem:s10], [sflag:$0x1] =	stream.indirect_vreg.gather [hbm4b:s3+s2], $0x80, v3, vm0, $0xb8;
	[tilespmem:$0xC200] =	vst v63  }
0x205: {  	s22 =	simm.s32 $0x8E00  }
0x206: {  	[tilespmem:s22], [sflag:$0x1] =	stream.indirect_vreg.gather [hbm4b:s5+s2], $0x80, v3, vm1, $0xb8;
	[tilespmem:$0xC200] =	vst v63  }
0x207: {  	v3 =	vld [tilespmem:$0x1E0];
	_ =	sdelay $0x4  }
0x208: {  	v62 =	vshrl.u32 v3, $0x3  }
0x209: {  	v4 =	vmul.u32 $0x18, v62  }
0x20a: {  	v3 =	vand.u32 $0x7, v3  }
0x20b: {  	v3 =	vor.u32 v3, v4  }
0x20c: {  	v4 =	vperm.xlane v3, v0;
	_ =	sdelay $0x1  }
0x20d: {  	v4 =	vadd.s32 v1, v4;
	_ =	sdelay $0x1  }
0x20e: {  	v3 =	vperm.xlane v3, v2;
	_ =	sdelay $0x1  }
0x20f: {  	s28 =	simm.s32 $0x9200;
	v3 =	vadd.s32 v1, v3  }
0x210: {  	[tilespmem:s28], [sflag:$0x1] =	stream.indirect_vreg.gather [hbm4b:s3+s2], $0x80, v4, vm0, $0xb8;
	[tilespmem:$0xC200] =	vst v63  }
0x211: {  	s31 =	simm.s32 $0x9A00  }
0x212: {  	[tilespmem:s31], [sflag:$0x1] =	stream.indirect_vreg.gather [hbm4b:s5+s2], $0x80, v4, vm1, $0xb8;
	[tilespmem:$0xC200] =	vst v63  }
0x213: {  	s25 =	simm.s32 $0x9E00  }
0x214: {  	[tilespmem:s25], [sflag:$0x1] =	stream.indirect_vreg.gather [hbm4b:s3+s2], $0x80, v3, vm0, $0xb8;
	[tilespmem:$0xC200] =	vst v63  }
0x215: {  	s28 =	simm.s32 $0xA600  }
0x216: {  	[tilespmem:s28], [sflag:$0x1] =	stream.indirect_vreg.gather [hbm4b:s5+s2], $0x80, v3, vm1, $0xb8;
	[tilespmem:$0xC200] =	vst v63  }
0x217: {  	v3 =	vld [tilespmem:$0x1F0];
	_ =	sdelay $0x4  }
0x218: {  	v63 =	vshrl.u32 v3, $0x3  }
0x219: {  	v4 =	vmul.u32 $0x18, v63  }
0x21a: {  	v3 =	vand.u32 $0x7, v3  }
0x21b: {  	v3 =	vor.u32 v3, v4  }
0x21c: {  	v4 =	vperm.xlane v3, v0;
	_ =	sdelay $0x1  }
0x21d: {  	v4 =	vadd.s32 v1, v4;
	_ =	sdelay $0x1  }
0x21e: {  	v3 =	vperm.xlane v3, v2;
	_ =	sdelay $0x1  }
0x21f: {  	s26 =	simm.s32 $0xAA00;
	v3 =	vadd.s32 v1, v3  }
0x220: {  	[tilespmem:s26], [sflag:$0x1] =	stream.indirect_vreg.gather [hbm4b:s3+s2], $0x80, v4, vm0, $0xb8;
	[tilespmem:$0xC200] =	vst v63  }
0x221: {  	s23 =	simm.s32 $0xB200  }
0x222: {  	[tilespmem:s23], [sflag:$0x1] =	stream.indirect_vreg.gather [hbm4b:s5+s2], $0x80, v4, vm1, $0xb8;
	[tilespmem:$0xC200] =	vst v63  }
0x223: {  	s29 =	simm.s32 $0xB600  }
0x224: {  	[tilespmem:s29], [sflag:$0x1] =	stream.indirect_vreg.gather [hbm4b:s3+s2], $0x80, v3, vm0, $0xb8;
	[tilespmem:$0xC200] =	vst v63  }
0x225: {  	s30 =	simm.s32 $0xBE00  }
0x226: {  	[tilespmem:s30], [sflag:$0x1] =	stream.indirect_vreg.gather [hbm4b:s5+s2], $0x80, v3, vm1, $0xb8;
	[tilespmem:$0xC200] =	vst v63  }
0x227: {  	_ =	swait.ge [sflag:s15], $0xC000  }
0x228: {  	p0 =	sne.s32 s6, $0x1;
	[sflag:s15] =	ssyncset.done $0x0  }
.Ltmp0:
0x229: {  	s31 =	rddreg [dreg:$0x5];
	[sflag:s15] =	ssyncadd.s32 $0xFFFF4000;
	(pc) =	sbr.rel @p0 .LBB2_1-.Ltmp0, $4  }
0x22a: {  	[hbm4b:s31+s2] =	stream.linear.scatter [tilespmem:s24], [sflag:$0x2], $0xC000, $0x38;
	[tilespmem:$0xC200] =	vst v63  }
0x22b: {  	_ =	swait.ge [sflag:s7], $0xC000  }
0x22c: {  	[sflag:s7] =	ssyncset.done $0x0  }
0x22d: {  	s6 =	sadd.s32 $0xFFFFFFFF, s6;
	[sflag:s7] =	ssyncadd.s32 $0xFFFF4000  }
0x22e: {  	_ =	sfence.sel $0x180000  }
0x22f: {  	[bflag:$0x0] =	sbarrier.arrive $0xFFFF  }
0x230: {  	_ =	strace $0x90000050  }
0x231: {  	s0 =	stileid.u32;
	[bflag:$0x2] =	sbarrier.arrive $0xFFFF  }
0x232: {  	p0 =	sne.s32 s0, $0x0;
	s0 =	rddreg [dreg:$0x1]  }
0x233: {  	s0 =	sadd.s32 @!p0 $0x100000, s0  }
0x234: {  	[sflag:s0] =	ssyncadd.tile.s32 @!p0 $0x1;
	_ =	shalt  }
.Lfunc_end2:
_tile_overlayer_lowered:
.L_overlay_start_2:
0x235: {  	(tag) =	ssettag $0x2  }
0x236: {  	s0 =	rddreg [dreg:$0x0];
	s2 =	stileid.u32  }
0x237: {  	s1 =	rddreg [dreg:$0x1];
	p0 =	sne.s32 s2, $0x0  }
0x238: {  	s3 =	rddreg [dreg:$0x2];
	[bflag:$0x3] =	sbarrier.arrive $0xFFFF;
	s2 =	simm.s32 @!p0 $0x1C02  }
0x239: {  	[timem:s3], [sflag:s2] =	dma.local @!p0 [hbm:s0], s1  }
0x23a: {  	s0 =	simm.s32 @!p0 $0x2  }
0x23b: {  	_ =	swait.ge @!p0 [sflag:s0], s1  }
0x23c: {  	s1 =	ssub.s32 @!p0 $0x0, s1;
	[sflag:s0] =	ssyncset.done @!p0 $0x0  }
0x23d: {  	[sflag:s0] =	ssyncadd.s32 @!p0 s1  }
0x23e: {  	[bflag:$0x3] =	sbarrier.arrive $0xFFFF  }
0x23f: {  	_ =	shalt  }

</sc_bundles>
